<compile_context>
chip_gen: v7x
topology: tpu7x:2x2x1
jax: 0.10.2.dev20260603
libtpu: 0.0.44.dev20260713+nightly
codegen_flags: <defaults>
</compile_context>

<pallas_src>
import functools

import jax
import jax.numpy as jnp
from jax import lax
from jax.experimental import pallas as pl
from jax.experimental.pallas import tpu as pltpu
from jax.experimental.pallas import tpu_sc as plsc

NC = 2
NS = 16
NW = NC * NS
L = 16
PW = 128
NBUF = 8
HALF = 256


def _make_sc_gather(V, D, B):
    bpw = B // NW

    mesh = plsc.VectorSubcoreMesh(core_axis_name="c", subcore_axis_name="s")

    @functools.partial(
        pl.kernel,
        mesh=mesh,
        compiler_params=pltpu.CompilerParams(needs_layout_passes=False),
        out_type=jax.ShapeDtypeStruct((D, B), jnp.float32),
        scratch_types=[
            pltpu.VMEM((bpw // PW, PW), jnp.int32),
            pltpu.VMEM((NBUF, D, PW), jnp.float32),
            pltpu.VMEM((D, HALF), jnp.float32),
            pltpu.VMEM((D, HALF), jnp.float32),
            [pltpu.SemaphoreType.DMA] * NBUF,
        ],
    )
    def gather_k(y_hbm, embT_hbm, zT_hbm, g_hbm, idx_v, panels_v, rows_v,
                 z_v, sems):
        wid = lax.axis_index("s") * NC + lax.axis_index("c")
        base = wid * bpw
        pltpu.sync_copy(y_hbm.at[wid], idx_v)

        lanes = lax.iota(jnp.int32, L)
        perms = [lax.bitwise_xor(lanes, jnp.int32(k)) for k in (8, 4, 2, 1)]

        def scalar_idx(r):
            g = lax.shift_right_logical(r, 4)
            vec = idx_v[lax.shift_right_logical(g, 3),
                        pl.ds(pl.multiple_of((g & 7) * L, L), L)]
            j = jnp.full((L,), r & (L - 1), jnp.int32)
            return vec.at[j].get(mode="promise_in_bounds")[0]

        def fire(r, buf, sem):
            i = scalar_idx(r)
            start = pl.multiple_of(i & ~jnp.int32(PW - 1), PW)
            pltpu.async_copy(
                embT_hbm.at[:, pl.ds(start, PW)], panels_v.at[buf], sem
            )

        def drain(buf, sem):
            pltpu.make_async_copy(
                embT_hbm.at[:, pl.ds(0, PW)], panels_v.at[buf], sem
            ).wait()

        def extract(r, buf):
            i = scalar_idx(r)
            col = jnp.full((L,), i & (PW - 1), jnp.int32)
            rl = jnp.full((L,), r & (HALF - 1), jnp.int32)
            zq = []
            for k in range(D // L):
                zq.append(plsc.load_gather(z_v, [lanes + (L * k), rl]))
            s_vec = zq[0] * zq[0]
            for k in range(1, D // L):
                s_vec = s_vec + zq[k] * zq[k]
            for perm in perms:
                s_vec = s_vec + s_vec.at[perm].get(mode="promise_in_bounds")
            iv = lax.bitcast_convert_type(s_vec, jnp.int32)
            iv = jnp.int32(0x5F3759DF) - lax.shift_right_logical(iv, 1)
            yv = lax.bitcast_convert_type(iv, jnp.float32)
            half_s = s_vec * 0.5
            for _ in range(3):
                yv = yv * (1.5 - half_s * yv * yv)
            for k in range(D // L):
                row_idx = lanes + (L * k)
                q = plsc.load_gather(panels_v.at[buf], [row_idx, col])
                plsc.store_scatter(rows_v, [row_idx, rl], q + zq[k] * yv)

        for h in range(bpw // HALF):
            r_lo = h * HALF
            r_hi = r_lo + HALF
            pltpu.sync_copy(
                zT_hbm.at[:, pl.ds(pl.multiple_of(base + r_lo, HALF), HALF)],
                z_v,
            )
            for p in range(NBUF - 1):
                fire(jnp.int32(r_lo + p), p, sems[p])

            def quad_body(rq, carry):
                r0 = r_lo + rq * NBUF
                for p in range(NBUF):
                    r = r0 + p
                    nb = (p + NBUF - 1) % NBUF

                    @pl.when(r + NBUF - 1 < r_hi)
                    def _():
                        fire(r + NBUF - 1, nb, sems[nb])

                    drain(p, sems[p])
                    extract(r, p)
                return carry

            lax.fori_loop(0, HALF // NBUF, quad_body, 0)
            pltpu.sync_copy(
                rows_v,
                g_hbm.at[:, pl.ds(pl.multiple_of(base + r_lo, HALF), HALF)],
            )

    return gather_k


def kernel(z, y, embedding):
    B, D = z.shape
    V = embedding.shape[0]
    bpw = B // NW
    y3 = y.astype(jnp.int32).reshape(NW, bpw // PW, PW)
    outT = _make_sc_gather(V, D, B)(y3, embedding.T, z.T)
    return outT.T

# --- scband reference (transcript-rebuilt; emitter-appended) ---
"""Pipeline reference for scband-latent-embedding-add-15702400434487 (READ-ONLY COPY).

The authoritative reference and input builder live on the scoring server;
editing this copy changes nothing except your own understanding.
"""

import jax, jax.numpy as jnp
import numpy as np

NLABELS = 1000000
EMBED_DIM = 64
BATCH = 16384

def setup_inputs(seed: int = 0) -> dict:
    key = jax.random.key(seed)
    k1, k2, k3 = jax.random.split(key, 3)
    z = jax.random.normal(k1, (BATCH, EMBED_DIM), dtype=jnp.float32)
    y = jax.random.randint(k2, (BATCH,), 0, NLABELS, dtype=jnp.int64 if jax.config.jax_enable_x64 else jnp.int32)
    embedding = jax.random.normal(k3, (NLABELS, EMBED_DIM), dtype=jnp.float32) * 0.02
    return {"z": z, "y": y, "embedding": embedding}

def reference(z, y, embedding):
    # yembed = self.embedding(y)
    yembed = jnp.take(embedding, y, axis=0)
    # z = z / torch.norm(z, p=2, dim=1, keepdim=True)
    znorm = jnp.linalg.norm(z, ord=2, axis=1, keepdims=True)
    z = z / znorm
    yz = z + yembed
    return yz

if __name__ == "__main__":
    import jax
    _d = setup_inputs()
    print(jax.jit(kernel)(*tuple(_d.values())))

</pallas_src>

<mosaic_0001>
#map = affine_map<(d0, d1) -> (0, 0, 0)>
#map1 = affine_map<(d0, d1) -> (0, 0)>
module attributes {stable_mosaic.version = 14 : i64} {
  func.func @gather_k(%arg0: i32, %arg1: i32, %arg2: memref<32x4x128xi32, #tpu.memory_space<hbm>>, %arg3: memref<64x1000000xf32, #tpu.memory_space<hbm>>, %arg4: memref<64x16384xf32, #tpu.memory_space<hbm>>, %arg5: memref<64x16384xf32, #tpu.memory_space<hbm>>, %arg6: memref<4x128xi32, #tpu.memory_space<vmem>>, %arg7: memref<8x64x128xf32, #tpu.memory_space<vmem>>, %arg8: memref<64x256xf32, #tpu.memory_space<vmem>>, %arg9: memref<64x256xf32, #tpu.memory_space<vmem>>, %arg10: memref<!tpu.dma_semaphore, #tpu.memory_space<semaphore_mem>>, %arg11: memref<!tpu.dma_semaphore, #tpu.memory_space<semaphore_mem>>, %arg12: memref<!tpu.dma_semaphore, #tpu.memory_space<semaphore_mem>>, %arg13: memref<!tpu.dma_semaphore, #tpu.memory_space<semaphore_mem>>, %arg14: memref<!tpu.dma_semaphore, #tpu.memory_space<semaphore_mem>>, %arg15: memref<!tpu.dma_semaphore, #tpu.memory_space<semaphore_mem>>, %arg16: memref<!tpu.dma_semaphore, #tpu.memory_space<semaphore_mem>>, %arg17: memref<!tpu.dma_semaphore, #tpu.memory_space<semaphore_mem>>) attributes {dimension_semantics = [#tpu.dimension_semantics<core_parallel>, #tpu.dimension_semantics<subcore_parallel>], iteration_bounds = array<i64: 2, 16>, scalar_prefetch = 0 : i64, scratch_operands = 12 : i64, tpu.core_type = #tpu.core_type<sc_vector_subcore>, window_params = [{transform_indices = #map}, {transform_indices = #map1}, {transform_indices = #map1}, {transform_indices = #map1}]} {
    %mul3A = arith.constant 2 : i32
    %mul3A_0 = arith.muli %arg1, %mul3A : i32
    %add3A = arith.addi %mul3A_0, %arg0 : i32
    %mul3A_1 = arith.constant 512 : i32
    %mul3A_2 = arith.muli %add3A, %mul3A_1 : i32
    "tpu.region"() ({
      %run_scoped3A = tpu.sem_alloc : memref<!tpu.dma_semaphore, #tpu.memory_space<semaphore_mem>>
      %dma_start3A_683 = arith.constant 0 : i32
      %dma_start3A_684 = arith.constant 0 : i32
      %dma_start3A_685 = tpu.memref_slice %arg2[%add3A, %dma_start3A_683, %dma_start3A_684] : memref<32x4x128xi32, #tpu.memory_space<hbm>> -> memref<1x4x128xi32, #tpu.memory_space<hbm>>
      %dma_start3A_686 = tpu.memref_squeeze %dma_start3A_685 : memref<1x4x128xi32, #tpu.memory_space<hbm>> -> memref<4x128xi32, #tpu.memory_space<hbm>>
      %dma_start3A_687 = arith.constant 0 : i32
      %dma_start3A_688 = arith.constant 0 : i32
      %dma_start3A_689 = tpu.memref_slice %arg2[%add3A, %dma_start3A_687, %dma_start3A_688] : memref<32x4x128xi32, #tpu.memory_space<hbm>> -> memref<1x4x128xi32, #tpu.memory_space<hbm>>
      %dma_start3A_690 = tpu.memref_squeeze %dma_start3A_689 : memref<1x4x128xi32, #tpu.memory_space<hbm>> -> memref<4x128xi32, #tpu.memory_space<hbm>>
      tpu.enqueue_dma source(%dma_start3A_690 : memref<4x128xi32, #tpu.memory_space<hbm>>) target(%arg6 : memref<4x128xi32, #tpu.memory_space<vmem>>) target_semaphore(%run_scoped3A : memref<!tpu.dma_semaphore, #tpu.memory_space<semaphore_mem>>)
      %dma_wait3A = arith.constant 0 : i32
      %dma_wait3A_691 = arith.constant 0 : i32
      %dma_wait3A_692 = tpu.memref_slice %arg2[%add3A, %dma_wait3A, %dma_wait3A_691] : memref<32x4x128xi32, #tpu.memory_space<hbm>> -> memref<1x4x128xi32, #tpu.memory_space<hbm>>
      %dma_wait3A_693 = tpu.memref_squeeze %dma_wait3A_692 : memref<1x4x128xi32, #tpu.memory_space<hbm>> -> memref<4x128xi32, #tpu.memory_space<hbm>>
      %dma_wait3A_694 = arith.constant 0 : i32
      %dma_wait3A_695 = arith.constant 0 : i32
      %dma_wait3A_696 = tpu.memref_slice %arg2[%add3A, %dma_wait3A_694, %dma_wait3A_695] : memref<32x4x128xi32, #tpu.memory_space<hbm>> -> memref<1x4x128xi32, #tpu.memory_space<hbm>>
      %dma_wait3A_697 = tpu.memref_squeeze %dma_wait3A_696 : memref<1x4x128xi32, #tpu.memory_space<hbm>> -> memref<4x128xi32, #tpu.memory_space<hbm>>
      tpu.wait_dma2 semaphore(%run_scoped3A : memref<!tpu.dma_semaphore, #tpu.memory_space<semaphore_mem>>) src(%dma_wait3A_697 : memref<4x128xi32, #tpu.memory_space<hbm>>) dst(%arg6 : memref<4x128xi32, #tpu.memory_space<vmem>>)
      tpu.yield
    }) : () -> ()
    %iota3A = tpu.iota {dimensions = array<i32: 0>} : vector<16xi32>
    %xor3A = arith.constant 8 : i32
    %xor3A_3 = vector.broadcast %xor3A : i32 to vector<16xi32>
    %xor3A_4 = arith.xori %iota3A, %xor3A_3 : vector<16xi32>
    %xor3A_5 = arith.constant 4 : i32
    %xor3A_6 = vector.broadcast %xor3A_5 : i32 to vector<16xi32>
    %xor3A_7 = arith.xori %iota3A, %xor3A_6 : vector<16xi32>
    %xor3A_8 = arith.constant 2 : i32
    %xor3A_9 = vector.broadcast %xor3A_8 : i32 to vector<16xi32>
    %xor3A_10 = arith.xori %iota3A, %xor3A_9 : vector<16xi32>
    %xor3A_11 = arith.constant 1 : i32
    %xor3A_12 = vector.broadcast %xor3A_11 : i32 to vector<16xi32>
    %xor3A_13 = arith.xori %iota3A, %xor3A_12 : vector<16xi32>
    %add3A_14 = arith.constant 0 : i32
    %add3A_15 = arith.addi %mul3A_2, %add3A_14 : i32
    %multiple_of3A = tpu.assume_multiple %add3A_15, 256 : i32
    "tpu.region"() ({
      %run_scoped3A = tpu.sem_alloc : memref<!tpu.dma_semaphore, #tpu.memory_space<semaphore_mem>>
      %dma_start3A_683 = arith.constant 0 : i32
      %dma_start3A_684 = tpu.memref_slice %arg4[%dma_start3A_683, %multiple_of3A] : memref<64x16384xf32, #tpu.memory_space<hbm>> -> memref<64x256xf32, #tpu.memory_space<hbm>>
      %dma_start3A_685 = arith.constant 0 : i32
      %dma_start3A_686 = tpu.memref_slice %arg4[%dma_start3A_685, %multiple_of3A] : memref<64x16384xf32, #tpu.memory_space<hbm>> -> memref<64x256xf32, #tpu.memory_space<hbm>>
      tpu.enqueue_dma source(%dma_start3A_686 : memref<64x256xf32, #tpu.memory_space<hbm>>) target(%arg9 : memref<64x256xf32, #tpu.memory_space<vmem>>) target_semaphore(%run_scoped3A : memref<!tpu.dma_semaphore, #tpu.memory_space<semaphore_mem>>)
      %dma_wait3A = arith.constant 0 : i32
      %dma_wait3A_687 = tpu.memref_slice %arg4[%dma_wait3A, %multiple_of3A] : memref<64x16384xf32, #tpu.memory_space<hbm>> -> memref<64x256xf32, #tpu.memory_space<hbm>>
      %dma_wait3A_688 = arith.constant 0 : i32
      %dma_wait3A_689 = tpu.memref_slice %arg4[%dma_wait3A_688, %multiple_of3A] : memref<64x16384xf32, #tpu.memory_space<hbm>> -> memref<64x256xf32, #tpu.memory_space<hbm>>
      tpu.wait_dma2 semaphore(%run_scoped3A : memref<!tpu.dma_semaphore, #tpu.memory_space<semaphore_mem>>) src(%dma_wait3A_689 : memref<64x256xf32, #tpu.memory_space<hbm>>) dst(%arg9 : memref<64x256xf32, #tpu.memory_space<vmem>>)
      tpu.yield
    }) : () -> ()
    %shift_right_logical3A = arith.constant 0 : i32
    %shift_right_logical3A_16 = arith.constant 4 : i32
    %shift_right_logical3A_17 = arith.shrui %shift_right_logical3A, %shift_right_logical3A_16 : i32
    %shift_right_logical3A_18 = arith.constant 3 : i32
    %shift_right_logical3A_19 = arith.shrui %shift_right_logical3A_17, %shift_right_logical3A_18 : i32
    %and3A = arith.constant 7 : i32
    %and3A_20 = arith.andi %shift_right_logical3A_17, %and3A : i32
    %mul3A_21 = arith.constant 16 : i32
    %mul3A_22 = arith.muli %and3A_20, %mul3A_21 : i32
    %multiple_of3A_23 = tpu.assume_multiple %mul3A_22, 16 : i32
    %get3A = arith.index_cast %shift_right_logical3A_19 : i32 to index
    %get3A_24 = arith.index_cast %multiple_of3A_23 : i32 to index
    %get3A_25 = tpu.vector_load %arg6[%get3A, %get3A_24] {strides = array<i32>} : memref<4x128xi32, #tpu.memory_space<vmem>>, vector<16xi32>,
    %and3A_26 = arith.constant 0 : i32
    %and3A_27 = arith.constant 15 : i32
    %and3A_28 = arith.andi %and3A_26, %and3A_27 : i32
    %broadcast_in_dim3A = vector.broadcast %and3A_28 : i32 to vector<16xi32>
    %lt3A = arith.constant 0 : i32
    %lt3A_29 = vector.broadcast %lt3A : i32 to vector<16xi32>
    %lt3A_30 = arith.cmpi slt, %broadcast_in_dim3A, %lt3A_29 : vector<16xi32>
    %add3A_31 = arith.constant 16 : i32
    %add3A_32 = vector.broadcast %add3A_31 : i32 to vector<16xi32>
    %add3A_33 = arith.addi %broadcast_in_dim3A, %add3A_32 : vector<16xi32>
    %select_n3A = arith.select %lt3A_30, %add3A_33, %broadcast_in_dim3A : vector<16xi1>, vector<16xi32>
    %broadcast_in_dim3A_34 = vector.shape_cast %select_n3A : vector<16xi32> to vector<16x1xi32>
    %gather3A = vector.shape_cast %broadcast_in_dim3A_34 : vector<16x1xi32> to vector<16xi32>
    %gather3A_35 = tpu.dynamic_gather %get3A_25[%gather3A] in [0] : vector<16xi32>, vector<16xi32> -> vector<16xi32>
    %slice3A = vector.extract_strided_slice %gather3A_35 {offsets = [0], sizes = [1], strides = [1]} : vector<16xi32> to vector<1xi32>
    %squeeze3A = vector.extract %slice3A[0] : i32 from vector<1xi32>
    %not3A = arith.constant 127 : i32
    %not3A_36 = arith.constant -1 : i32
    %not3A_37 = arith.xori %not3A, %not3A_36 : i32
    %and3A_38 = arith.andi %squeeze3A, %not3A_37 : i32
    %multiple_of3A_39 = tpu.assume_multiple %and3A_38, 128 : i32
    %dma_start3A = arith.constant 0 : i32
    %dma_start3A_40 = arith.constant 0 : i32
    %dma_start3A_41 = arith.constant 0 : i32
    %dma_start3A_42 = tpu.memref_slice %arg7[%dma_start3A, %dma_start3A_40, %dma_start3A_41] : memref<8x64x128xf32, #tpu.memory_space<vmem>> -> memref<1x64x128xf32, #tpu.memory_space<vmem>>
    %dma_start3A_43 = tpu.memref_squeeze %dma_start3A_42 : memref<1x64x128xf32, #tpu.memory_space<vmem>> -> memref<64x128xf32, #tpu.memory_space<vmem>>
    %dma_start3A_44 = arith.constant 0 : i32
    %dma_start3A_45 = tpu.memref_slice %arg3[%dma_start3A_44, %multiple_of3A_39] : memref<64x1000000xf32, #tpu.memory_space<hbm>> -> memref<64x128xf32, #tpu.memory_space<hbm>>
    %dma_start3A_46 = arith.constant 0 : i32
    %dma_start3A_47 = arith.constant 0 : i32
    %dma_start3A_48 = tpu.memref_slice %arg7[%dma_start3A, %dma_start3A_46, %dma_start3A_47] : memref<8x64x128xf32, #tpu.memory_space<vmem>> -> memref<1x64x128xf32, #tpu.memory_space<vmem>>
    %dma_start3A_49 = tpu.memref_squeeze %dma_start3A_48 : memref<1x64x128xf32, #tpu.memory_space<vmem>> -> memref<64x128xf32, #tpu.memory_space<vmem>>
    %dma_start3A_50 = arith.constant 0 : i32
    %dma_start3A_51 = tpu.memref_slice %arg3[%dma_start3A_50, %multiple_of3A_39] : memref<64x1000000xf32, #tpu.memory_space<hbm>> -> memref<64x128xf32, #tpu.memory_space<hbm>>
    tpu.enqueue_dma source(%dma_start3A_51 : memref<64x128xf32, #tpu.memory_space<hbm>>) target(%dma_start3A_49 : memref<64x128xf32, #tpu.memory_space<vmem>>) target_semaphore(%arg10 : memref<!tpu.dma_semaphore, #tpu.memory_space<semaphore_mem>>)
    %shift_right_logical3A_52 = arith.constant 1 : i32
    %shift_right_logical3A_53 = arith.constant 4 : i32
    %shift_right_logical3A_54 = arith.shrui %shift_right_logical3A_52, %shift_right_logical3A_53 : i32
    %shift_right_logical3A_55 = arith.constant 3 : i32
    %shift_right_logical3A_56 = arith.shrui %shift_right_logical3A_54, %shift_right_logical3A_55 : i32
    %and3A_57 = arith.constant 7 : i32
    %and3A_58 = arith.andi %shift_right_logical3A_54, %and3A_57 : i32
    %mul3A_59 = arith.constant 16 : i32
    %mul3A_60 = arith.muli %and3A_58, %mul3A_59 : i32
    %multiple_of3A_61 = tpu.assume_multiple %mul3A_60, 16 : i32
    %get3A_62 = arith.index_cast %shift_right_logical3A_56 : i32 to index
    %get3A_63 = arith.index_cast %multiple_of3A_61 : i32 to index
    %get3A_64 = tpu.vector_load %arg6[%get3A_62, %get3A_63] {strides = array<i32>} : memref<4x128xi32, #tpu.memory_space<vmem>>, vector<16xi32>,
    %and3A_65 = arith.constant 1 : i32
    %and3A_66 = arith.constant 15 : i32
    %and3A_67 = arith.andi %and3A_65, %and3A_66 : i32
    %broadcast_in_dim3A_68 = vector.broadcast %and3A_67 : i32 to vector<16xi32>
    %lt3A_69 = arith.constant 0 : i32
    %lt3A_70 = vector.broadcast %lt3A_69 : i32 to vector<16xi32>
    %lt3A_71 = arith.cmpi slt, %broadcast_in_dim3A_68, %lt3A_70 : vector<16xi32>
    %add3A_72 = arith.constant 16 : i32
    %add3A_73 = vector.broadcast %add3A_72 : i32 to vector<16xi32>
    %add3A_74 = arith.addi %broadcast_in_dim3A_68, %add3A_73 : vector<16xi32>
    %select_n3A_75 = arith.select %lt3A_71, %add3A_74, %broadcast_in_dim3A_68 : vector<16xi1>, vector<16xi32>
    %broadcast_in_dim3A_76 = vector.shape_cast %select_n3A_75 : vector<16xi32> to vector<16x1xi32>
    %gather3A_77 = vector.shape_cast %broadcast_in_dim3A_76 : vector<16x1xi32> to vector<16xi32>
    %gather3A_78 = tpu.dynamic_gather %get3A_64[%gather3A_77] in [0] : vector<16xi32>, vector<16xi32> -> vector<16xi32>
    %slice3A_79 = vector.extract_strided_slice %gather3A_78 {offsets = [0], sizes = [1], strides = [1]} : vector<16xi32> to vector<1xi32>
    %squeeze3A_80 = vector.extract %slice3A_79[0] : i32 from vector<1xi32>
    %not3A_81 = arith.constant 127 : i32
    %not3A_82 = arith.constant -1 : i32
    %not3A_83 = arith.xori %not3A_81, %not3A_82 : i32
    %and3A_84 = arith.andi %squeeze3A_80, %not3A_83 : i32
    %multiple_of3A_85 = tpu.assume_multiple %and3A_84, 128 : i32
    %dma_start3A_86 = arith.constant 1 : i32
    %dma_start3A_87 = arith.constant 0 : i32
    %dma_start3A_88 = arith.constant 0 : i32
    %dma_start3A_89 = tpu.memref_slice %arg7[%dma_start3A_86, %dma_start3A_87, %dma_start3A_88] : memref<8x64x128xf32, #tpu.memory_space<vmem>> -> memref<1x64x128xf32, #tpu.memory_space<vmem>>
    %dma_start3A_90 = tpu.memref_squeeze %dma_start3A_89 : memref<1x64x128xf32, #tpu.memory_space<vmem>> -> memref<64x128xf32, #tpu.memory_space<vmem>>
    %dma_start3A_91 = arith.constant 0 : i32
    %dma_start3A_92 = tpu.memref_slice %arg3[%dma_start3A_91, %multiple_of3A_85] : memref<64x1000000xf32, #tpu.memory_space<hbm>> -> memref<64x128xf32, #tpu.memory_space<hbm>>
    %dma_start3A_93 = arith.constant 0 : i32
    %dma_start3A_94 = arith.constant 0 : i32
    %dma_start3A_95 = tpu.memref_slice %arg7[%dma_start3A_86, %dma_start3A_93, %dma_start3A_94] : memref<8x64x128xf32, #tpu.memory_space<vmem>> -> memref<1x64x128xf32, #tpu.memory_space<vmem>>
    %dma_start3A_96 = tpu.memref_squeeze %dma_start3A_95 : memref<1x64x128xf32, #tpu.memory_space<vmem>> -> memref<64x128xf32, #tpu.memory_space<vmem>>
    %dma_start3A_97 = arith.constant 0 : i32
    %dma_start3A_98 = tpu.memref_slice %arg3[%dma_start3A_97, %multiple_of3A_85] : memref<64x1000000xf32, #tpu.memory_space<hbm>> -> memref<64x128xf32, #tpu.memory_space<hbm>>
    tpu.enqueue_dma source(%dma_start3A_98 : memref<64x128xf32, #tpu.memory_space<hbm>>) target(%dma_start3A_96 : memref<64x128xf32, #tpu.memory_space<vmem>>) target_semaphore(%arg11 : memref<!tpu.dma_semaphore, #tpu.memory_space<semaphore_mem>>)
    %shift_right_logical3A_99 = arith.constant 2 : i32
    %shift_right_logical3A_100 = arith.constant 4 : i32
    %shift_right_logical3A_101 = arith.shrui %shift_right_logical3A_99, %shift_right_logical3A_100 : i32
    %shift_right_logical3A_102 = arith.constant 3 : i32
    %shift_right_logical3A_103 = arith.shrui %shift_right_logical3A_101, %shift_right_logical3A_102 : i32
    %and3A_104 = arith.constant 7 : i32
    %and3A_105 = arith.andi %shift_right_logical3A_101, %and3A_104 : i32
    %mul3A_106 = arith.constant 16 : i32
    %mul3A_107 = arith.muli %and3A_105, %mul3A_106 : i32
    %multiple_of3A_108 = tpu.assume_multiple %mul3A_107, 16 : i32
    %get3A_109 = arith.index_cast %shift_right_logical3A_103 : i32 to index
    %get3A_110 = arith.index_cast %multiple_of3A_108 : i32 to index
    %get3A_111 = tpu.vector_load %arg6[%get3A_109, %get3A_110] {strides = array<i32>} : memref<4x128xi32, #tpu.memory_space<vmem>>, vector<16xi32>,
    %and3A_112 = arith.constant 2 : i32
    %and3A_113 = arith.constant 15 : i32
    %and3A_114 = arith.andi %and3A_112, %and3A_113 : i32
    %broadcast_in_dim3A_115 = vector.broadcast %and3A_114 : i32 to vector<16xi32>
    %lt3A_116 = arith.constant 0 : i32
    %lt3A_117 = vector.broadcast %lt3A_116 : i32 to vector<16xi32>
    %lt3A_118 = arith.cmpi slt, %broadcast_in_dim3A_115, %lt3A_117 : vector<16xi32>
    %add3A_119 = arith.constant 16 : i32
    %add3A_120 = vector.broadcast %add3A_119 : i32 to vector<16xi32>
    %add3A_121 = arith.addi %broadcast_in_dim3A_115, %add3A_120 : vector<16xi32>
    %select_n3A_122 = arith.select %lt3A_118, %add3A_121, %broadcast_in_dim3A_115 : vector<16xi1>, vector<16xi32>
    %broadcast_in_dim3A_123 = vector.shape_cast %select_n3A_122 : vector<16xi32> to vector<16x1xi32>
    %gather3A_124 = vector.shape_cast %broadcast_in_dim3A_123 : vector<16x1xi32> to vector<16xi32>
    %gather3A_125 = tpu.dynamic_gather %get3A_111[%gather3A_124] in [0] : vector<16xi32>, vector<16xi32> -> vector<16xi32>
    %slice3A_126 = vector.extract_strided_slice %gather3A_125 {offsets = [0], sizes = [1], strides = [1]} : vector<16xi32> to vector<1xi32>
    %squeeze3A_127 = vector.extract %slice3A_126[0] : i32 from vector<1xi32>
    %not3A_128 = arith.constant 127 : i32
    %not3A_129 = arith.constant -1 : i32
    %not3A_130 = arith.xori %not3A_128, %not3A_129 : i32
    %and3A_131 = arith.andi %squeeze3A_127, %not3A_130 : i32
    %multiple_of3A_132 = tpu.assume_multiple %and3A_131, 128 : i32
    %dma_start3A_133 = arith.constant 2 : i32
    %dma_start3A_134 = arith.constant 0 : i32
    %dma_start3A_135 = arith.constant 0 : i32
    %dma_start3A_136 = tpu.memref_slice %arg7[%dma_start3A_133, %dma_start3A_134, %dma_start3A_135] : memref<8x64x128xf32, #tpu.memory_space<vmem>> -> memref<1x64x128xf32, #tpu.memory_space<vmem>>
    %dma_start3A_137 = tpu.memref_squeeze %dma_start3A_136 : memref<1x64x128xf32, #tpu.memory_space<vmem>> -> memref<64x128xf32, #tpu.memory_space<vmem>>
    %dma_start3A_138 = arith.constant 0 : i32
    %dma_start3A_139 = tpu.memref_slice %arg3[%dma_start3A_138, %multiple_of3A_132] : memref<64x1000000xf32, #tpu.memory_space<hbm>> -> memref<64x128xf32, #tpu.memory_space<hbm>>
    %dma_start3A_140 = arith.constant 0 : i32
    %dma_start3A_141 = arith.constant 0 : i32
    %dma_start3A_142 = tpu.memref_slice %arg7[%dma_start3A_133, %dma_start3A_140, %dma_start3A_141] : memref<8x64x128xf32, #tpu.memory_space<vmem>> -> memref<1x64x128xf32, #tpu.memory_space<vmem>>
    %dma_start3A_143 = tpu.memref_squeeze %dma_start3A_142 : memref<1x64x128xf32, #tpu.memory_space<vmem>> -> memref<64x128xf32, #tpu.memory_space<vmem>>
    %dma_start3A_144 = arith.constant 0 : i32
    %dma_start3A_145 = tpu.memref_slice %arg3[%dma_start3A_144, %multiple_of3A_132] : memref<64x1000000xf32, #tpu.memory_space<hbm>> -> memref<64x128xf32, #tpu.memory_space<hbm>>
    tpu.enqueue_dma source(%dma_start3A_145 : memref<64x128xf32, #tpu.memory_space<hbm>>) target(%dma_start3A_143 : memref<64x128xf32, #tpu.memory_space<vmem>>) target_semaphore(%arg12 : memref<!tpu.dma_semaphore, #tpu.memory_space<semaphore_mem>>)
    %shift_right_logical3A_146 = arith.constant 3 : i32
    %shift_right_logical3A_147 = arith.constant 4 : i32
    %shift_right_logical3A_148 = arith.shrui %shift_right_logical3A_146, %shift_right_logical3A_147 : i32
    %shift_right_logical3A_149 = arith.constant 3 : i32
    %shift_right_logical3A_150 = arith.shrui %shift_right_logical3A_148, %shift_right_logical3A_149 : i32
    %and3A_151 = arith.constant 7 : i32
    %and3A_152 = arith.andi %shift_right_logical3A_148, %and3A_151 : i32
    %mul3A_153 = arith.constant 16 : i32
    %mul3A_154 = arith.muli %and3A_152, %mul3A_153 : i32
    %multiple_of3A_155 = tpu.assume_multiple %mul3A_154, 16 : i32
    %get3A_156 = arith.index_cast %shift_right_logical3A_150 : i32 to index
    %get3A_157 = arith.index_cast %multiple_of3A_155 : i32 to index
    %get3A_158 = tpu.vector_load %arg6[%get3A_156, %get3A_157] {strides = array<i32>} : memref<4x128xi32, #tpu.memory_space<vmem>>, vector<16xi32>,
    %and3A_159 = arith.constant 3 : i32
    %and3A_160 = arith.constant 15 : i32
    %and3A_161 = arith.andi %and3A_159, %and3A_160 : i32
    %broadcast_in_dim3A_162 = vector.broadcast %and3A_161 : i32 to vector<16xi32>
    %lt3A_163 = arith.constant 0 : i32
    %lt3A_164 = vector.broadcast %lt3A_163 : i32 to vector<16xi32>
    %lt3A_165 = arith.cmpi slt, %broadcast_in_dim3A_162, %lt3A_164 : vector<16xi32>
    %add3A_166 = arith.constant 16 : i32
    %add3A_167 = vector.broadcast %add3A_166 : i32 to vector<16xi32>
    %add3A_168 = arith.addi %broadcast_in_dim3A_162, %add3A_167 : vector<16xi32>
    %select_n3A_169 = arith.select %lt3A_165, %add3A_168, %broadcast_in_dim3A_162 : vector<16xi1>, vector<16xi32>
    %broadcast_in_dim3A_170 = vector.shape_cast %select_n3A_169 : vector<16xi32> to vector<16x1xi32>
    %gather3A_171 = vector.shape_cast %broadcast_in_dim3A_170 : vector<16x1xi32> to vector<16xi32>
    %gather3A_172 = tpu.dynamic_gather %get3A_158[%gather3A_171] in [0] : vector<16xi32>, vector<16xi32> -> vector<16xi32>
    %slice3A_173 = vector.extract_strided_slice %gather3A_172 {offsets = [0], sizes = [1], strides = [1]} : vector<16xi32> to vector<1xi32>
    %squeeze3A_174 = vector.extract %slice3A_173[0] : i32 from vector<1xi32>
    %not3A_175 = arith.constant 127 : i32
    %not3A_176 = arith.constant -1 : i32
    %not3A_177 = arith.xori %not3A_175, %not3A_176 : i32
    %and3A_178 = arith.andi %squeeze3A_174, %not3A_177 : i32
    %multiple_of3A_179 = tpu.assume_multiple %and3A_178, 128 : i32
    %dma_start3A_180 = arith.constant 3 : i32
    %dma_start3A_181 = arith.constant 0 : i32
    %dma_start3A_182 = arith.constant 0 : i32
    %dma_start3A_183 = tpu.memref_slice %arg7[%dma_start3A_180, %dma_start3A_181, %dma_start3A_182] : memref<8x64x128xf32, #tpu.memory_space<vmem>> -> memref<1x64x128xf32, #tpu.memory_space<vmem>>
    %dma_start3A_184 = tpu.memref_squeeze %dma_start3A_183 : memref<1x64x128xf32, #tpu.memory_space<vmem>> -> memref<64x128xf32, #tpu.memory_space<vmem>>
    %dma_start3A_185 = arith.constant 0 : i32
    %dma_start3A_186 = tpu.memref_slice %arg3[%dma_start3A_185, %multiple_of3A_179] : memref<64x1000000xf32, #tpu.memory_space<hbm>> -> memref<64x128xf32, #tpu.memory_space<hbm>>
    %dma_start3A_187 = arith.constant 0 : i32
    %dma_start3A_188 = arith.constant 0 : i32
    %dma_start3A_189 = tpu.memref_slice %arg7[%dma_start3A_180, %dma_start3A_187, %dma_start3A_188] : memref<8x64x128xf32, #tpu.memory_space<vmem>> -> memref<1x64x128xf32, #tpu.memory_space<vmem>>
    %dma_start3A_190 = tpu.memref_squeeze %dma_start3A_189 : memref<1x64x128xf32, #tpu.memory_space<vmem>> -> memref<64x128xf32, #tpu.memory_space<vmem>>
    %dma_start3A_191 = arith.constant 0 : i32
    %dma_start3A_192 = tpu.memref_slice %arg3[%dma_start3A_191, %multiple_of3A_179] : memref<64x1000000xf32, #tpu.memory_space<hbm>> -> memref<64x128xf32, #tpu.memory_space<hbm>>
    tpu.enqueue_dma source(%dma_start3A_192 : memref<64x128xf32, #tpu.memory_space<hbm>>) target(%dma_start3A_190 : memref<64x128xf32, #tpu.memory_space<vmem>>) target_semaphore(%arg13 : memref<!tpu.dma_semaphore, #tpu.memory_space<semaphore_mem>>)
    %shift_right_logical3A_193 = arith.constant 4 : i32
    %shift_right_logical3A_194 = arith.constant 4 : i32
    %shift_right_logical3A_195 = arith.shrui %shift_right_logical3A_193, %shift_right_logical3A_194 : i32
    %shift_right_logical3A_196 = arith.constant 3 : i32
    %shift_right_logical3A_197 = arith.shrui %shift_right_logical3A_195, %shift_right_logical3A_196 : i32
    %and3A_198 = arith.constant 7 : i32
    %and3A_199 = arith.andi %shift_right_logical3A_195, %and3A_198 : i32
    %mul3A_200 = arith.constant 16 : i32
    %mul3A_201 = arith.muli %and3A_199, %mul3A_200 : i32
    %multiple_of3A_202 = tpu.assume_multiple %mul3A_201, 16 : i32
    %get3A_203 = arith.index_cast %shift_right_logical3A_197 : i32 to index
    %get3A_204 = arith.index_cast %multiple_of3A_202 : i32 to index
    %get3A_205 = tpu.vector_load %arg6[%get3A_203, %get3A_204] {strides = array<i32>} : memref<4x128xi32, #tpu.memory_space<vmem>>, vector<16xi32>,
    %and3A_206 = arith.constant 4 : i32
    %and3A_207 = arith.constant 15 : i32
    %and3A_208 = arith.andi %and3A_206, %and3A_207 : i32
    %broadcast_in_dim3A_209 = vector.broadcast %and3A_208 : i32 to vector<16xi32>
    %lt3A_210 = arith.constant 0 : i32
    %lt3A_211 = vector.broadcast %lt3A_210 : i32 to vector<16xi32>
    %lt3A_212 = arith.cmpi slt, %broadcast_in_dim3A_209, %lt3A_211 : vector<16xi32>
    %add3A_213 = arith.constant 16 : i32
    %add3A_214 = vector.broadcast %add3A_213 : i32 to vector<16xi32>
    %add3A_215 = arith.addi %broadcast_in_dim3A_209, %add3A_214 : vector<16xi32>
    %select_n3A_216 = arith.select %lt3A_212, %add3A_215, %broadcast_in_dim3A_209 : vector<16xi1>, vector<16xi32>
    %broadcast_in_dim3A_217 = vector.shape_cast %select_n3A_216 : vector<16xi32> to vector<16x1xi32>
    %gather3A_218 = vector.shape_cast %broadcast_in_dim3A_217 : vector<16x1xi32> to vector<16xi32>
    %gather3A_219 = tpu.dynamic_gather %get3A_205[%gather3A_218] in [0] : vector<16xi32>, vector<16xi32> -> vector<16xi32>
    %slice3A_220 = vector.extract_strided_slice %gather3A_219 {offsets = [0], sizes = [1], strides = [1]} : vector<16xi32> to vector<1xi32>
    %squeeze3A_221 = vector.extract %slice3A_220[0] : i32 from vector<1xi32>
    %not3A_222 = arith.constant 127 : i32
    %not3A_223 = arith.constant -1 : i32
    %not3A_224 = arith.xori %not3A_222, %not3A_223 : i32
    %and3A_225 = arith.andi %squeeze3A_221, %not3A_224 : i32
    %multiple_of3A_226 = tpu.assume_multiple %and3A_225, 128 : i32
    %dma_start3A_227 = arith.constant 4 : i32
    %dma_start3A_228 = arith.constant 0 : i32
    %dma_start3A_229 = arith.constant 0 : i32
    %dma_start3A_230 = tpu.memref_slice %arg7[%dma_start3A_227, %dma_start3A_228, %dma_start3A_229] : memref<8x64x128xf32, #tpu.memory_space<vmem>> -> memref<1x64x128xf32, #tpu.memory_space<vmem>>
    %dma_start3A_231 = tpu.memref_squeeze %dma_start3A_230 : memref<1x64x128xf32, #tpu.memory_space<vmem>> -> memref<64x128xf32, #tpu.memory_space<vmem>>
    %dma_start3A_232 = arith.constant 0 : i32
    %dma_start3A_233 = tpu.memref_slice %arg3[%dma_start3A_232, %multiple_of3A_226] : memref<64x1000000xf32, #tpu.memory_space<hbm>> -> memref<64x128xf32, #tpu.memory_space<hbm>>
    %dma_start3A_234 = arith.constant 0 : i32
    %dma_start3A_235 = arith.constant 0 : i32
    %dma_start3A_236 = tpu.memref_slice %arg7[%dma_start3A_227, %dma_start3A_234, %dma_start3A_235] : memref<8x64x128xf32, #tpu.memory_space<vmem>> -> memref<1x64x128xf32, #tpu.memory_space<vmem>>
    %dma_start3A_237 = tpu.memref_squeeze %dma_start3A_236 : memref<1x64x128xf32, #tpu.memory_space<vmem>> -> memref<64x128xf32, #tpu.memory_space<vmem>>
    %dma_start3A_238 = arith.constant 0 : i32
    %dma_start3A_239 = tpu.memref_slice %arg3[%dma_start3A_238, %multiple_of3A_226] : memref<64x1000000xf32, #tpu.memory_space<hbm>> -> memref<64x128xf32, #tpu.memory_space<hbm>>
    tpu.enqueue_dma source(%dma_start3A_239 : memref<64x128xf32, #tpu.memory_space<hbm>>) target(%dma_start3A_237 : memref<64x128xf32, #tpu.memory_space<vmem>>) target_semaphore(%arg14 : memref<!tpu.dma_semaphore, #tpu.memory_space<semaphore_mem>>)
    %shift_right_logical3A_240 = arith.constant 5 : i32
    %shift_right_logical3A_241 = arith.constant 4 : i32
    %shift_right_logical3A_242 = arith.shrui %shift_right_logical3A_240, %shift_right_logical3A_241 : i32
    %shift_right_logical3A_243 = arith.constant 3 : i32
    %shift_right_logical3A_244 = arith.shrui %shift_right_logical3A_242, %shift_right_logical3A_243 : i32
    %and3A_245 = arith.constant 7 : i32
    %and3A_246 = arith.andi %shift_right_logical3A_242, %and3A_245 : i32
    %mul3A_247 = arith.constant 16 : i32
    %mul3A_248 = arith.muli %and3A_246, %mul3A_247 : i32
    %multiple_of3A_249 = tpu.assume_multiple %mul3A_248, 16 : i32
    %get3A_250 = arith.index_cast %shift_right_logical3A_244 : i32 to index
    %get3A_251 = arith.index_cast %multiple_of3A_249 : i32 to index
    %get3A_252 = tpu.vector_load %arg6[%get3A_250, %get3A_251] {strides = array<i32>} : memref<4x128xi32, #tpu.memory_space<vmem>>, vector<16xi32>,
    %and3A_253 = arith.constant 5 : i32
    %and3A_254 = arith.constant 15 : i32
    %and3A_255 = arith.andi %and3A_253, %and3A_254 : i32
    %broadcast_in_dim3A_256 = vector.broadcast %and3A_255 : i32 to vector<16xi32>
    %lt3A_257 = arith.constant 0 : i32
    %lt3A_258 = vector.broadcast %lt3A_257 : i32 to vector<16xi32>
    %lt3A_259 = arith.cmpi slt, %broadcast_in_dim3A_256, %lt3A_258 : vector<16xi32>
    %add3A_260 = arith.constant 16 : i32
    %add3A_261 = vector.broadcast %add3A_260 : i32 to vector<16xi32>
    %add3A_262 = arith.addi %broadcast_in_dim3A_256, %add3A_261 : vector<16xi32>
    %select_n3A_263 = arith.select %lt3A_259, %add3A_262, %broadcast_in_dim3A_256 : vector<16xi1>, vector<16xi32>
    %broadcast_in_dim3A_264 = vector.shape_cast %select_n3A_263 : vector<16xi32> to vector<16x1xi32>
    %gather3A_265 = vector.shape_cast %broadcast_in_dim3A_264 : vector<16x1xi32> to vector<16xi32>
    %gather3A_266 = tpu.dynamic_gather %get3A_252[%gather3A_265] in [0] : vector<16xi32>, vector<16xi32> -> vector<16xi32>
    %slice3A_267 = vector.extract_strided_slice %gather3A_266 {offsets = [0], sizes = [1], strides = [1]} : vector<16xi32> to vector<1xi32>
    %squeeze3A_268 = vector.extract %slice3A_267[0] : i32 from vector<1xi32>
    %not3A_269 = arith.constant 127 : i32
    %not3A_270 = arith.constant -1 : i32
    %not3A_271 = arith.xori %not3A_269, %not3A_270 : i32
    %and3A_272 = arith.andi %squeeze3A_268, %not3A_271 : i32
    %multiple_of3A_273 = tpu.assume_multiple %and3A_272, 128 : i32
    %dma_start3A_274 = arith.constant 5 : i32
    %dma_start3A_275 = arith.constant 0 : i32
    %dma_start3A_276 = arith.constant 0 : i32
    %dma_start3A_277 = tpu.memref_slice %arg7[%dma_start3A_274, %dma_start3A_275, %dma_start3A_276] : memref<8x64x128xf32, #tpu.memory_space<vmem>> -> memref<1x64x128xf32, #tpu.memory_space<vmem>>
    %dma_start3A_278 = tpu.memref_squeeze %dma_start3A_277 : memref<1x64x128xf32, #tpu.memory_space<vmem>> -> memref<64x128xf32, #tpu.memory_space<vmem>>
    %dma_start3A_279 = arith.constant 0 : i32
    %dma_start3A_280 = tpu.memref_slice %arg3[%dma_start3A_279, %multiple_of3A_273] : memref<64x1000000xf32, #tpu.memory_space<hbm>> -> memref<64x128xf32, #tpu.memory_space<hbm>>
    %dma_start3A_281 = arith.constant 0 : i32
    %dma_start3A_282 = arith.constant 0 : i32
    %dma_start3A_283 = tpu.memref_slice %arg7[%dma_start3A_274, %dma_start3A_281, %dma_start3A_282] : memref<8x64x128xf32, #tpu.memory_space<vmem>> -> memref<1x64x128xf32, #tpu.memory_space<vmem>>
    %dma_start3A_284 = tpu.memref_squeeze %dma_start3A_283 : memref<1x64x128xf32, #tpu.memory_space<vmem>> -> memref<64x128xf32, #tpu.memory_space<vmem>>
    %dma_start3A_285 = arith.constant 0 : i32
    %dma_start3A_286 = tpu.memref_slice %arg3[%dma_start3A_285, %multiple_of3A_273] : memref<64x1000000xf32, #tpu.memory_space<hbm>> -> memref<64x128xf32, #tpu.memory_space<hbm>>
    tpu.enqueue_dma source(%dma_start3A_286 : memref<64x128xf32, #tpu.memory_space<hbm>>) target(%dma_start3A_284 : memref<64x128xf32, #tpu.memory_space<vmem>>) target_semaphore(%arg15 : memref<!tpu.dma_semaphore, #tpu.memory_space<semaphore_mem>>)
    %shift_right_logical3A_287 = arith.constant 6 : i32
    %shift_right_logical3A_288 = arith.constant 4 : i32
    %shift_right_logical3A_289 = arith.shrui %shift_right_logical3A_287, %shift_right_logical3A_288 : i32
    %shift_right_logical3A_290 = arith.constant 3 : i32
    %shift_right_logical3A_291 = arith.shrui %shift_right_logical3A_289, %shift_right_logical3A_290 : i32
    %and3A_292 = arith.constant 7 : i32
    %and3A_293 = arith.andi %shift_right_logical3A_289, %and3A_292 : i32
    %mul3A_294 = arith.constant 16 : i32
    %mul3A_295 = arith.muli %and3A_293, %mul3A_294 : i32
    %multiple_of3A_296 = tpu.assume_multiple %mul3A_295, 16 : i32
    %get3A_297 = arith.index_cast %shift_right_logical3A_291 : i32 to index
    %get3A_298 = arith.index_cast %multiple_of3A_296 : i32 to index
    %get3A_299 = tpu.vector_load %arg6[%get3A_297, %get3A_298] {strides = array<i32>} : memref<4x128xi32, #tpu.memory_space<vmem>>, vector<16xi32>,
    %and3A_300 = arith.constant 6 : i32
    %and3A_301 = arith.constant 15 : i32
    %and3A_302 = arith.andi %and3A_300, %and3A_301 : i32
    %broadcast_in_dim3A_303 = vector.broadcast %and3A_302 : i32 to vector<16xi32>
    %lt3A_304 = arith.constant 0 : i32
    %lt3A_305 = vector.broadcast %lt3A_304 : i32 to vector<16xi32>
    %lt3A_306 = arith.cmpi slt, %broadcast_in_dim3A_303, %lt3A_305 : vector<16xi32>
    %add3A_307 = arith.constant 16 : i32
    %add3A_308 = vector.broadcast %add3A_307 : i32 to vector<16xi32>
    %add3A_309 = arith.addi %broadcast_in_dim3A_303, %add3A_308 : vector<16xi32>
    %select_n3A_310 = arith.select %lt3A_306, %add3A_309, %broadcast_in_dim3A_303 : vector<16xi1>, vector<16xi32>
    %broadcast_in_dim3A_311 = vector.shape_cast %select_n3A_310 : vector<16xi32> to vector<16x1xi32>
    %gather3A_312 = vector.shape_cast %broadcast_in_dim3A_311 : vector<16x1xi32> to vector<16xi32>
    %gather3A_313 = tpu.dynamic_gather %get3A_299[%gather3A_312] in [0] : vector<16xi32>, vector<16xi32> -> vector<16xi32>
    %slice3A_314 = vector.extract_strided_slice %gather3A_313 {offsets = [0], sizes = [1], strides = [1]} : vector<16xi32> to vector<1xi32>
    %squeeze3A_315 = vector.extract %slice3A_314[0] : i32 from vector<1xi32>
    %not3A_316 = arith.constant 127 : i32
    %not3A_317 = arith.constant -1 : i32
    %not3A_318 = arith.xori %not3A_316, %not3A_317 : i32
    %and3A_319 = arith.andi %squeeze3A_315, %not3A_318 : i32
    %multiple_of3A_320 = tpu.assume_multiple %and3A_319, 128 : i32
    %dma_start3A_321 = arith.constant 6 : i32
    %dma_start3A_322 = arith.constant 0 : i32
    %dma_start3A_323 = arith.constant 0 : i32
    %dma_start3A_324 = tpu.memref_slice %arg7[%dma_start3A_321, %dma_start3A_322, %dma_start3A_323] : memref<8x64x128xf32, #tpu.memory_space<vmem>> -> memref<1x64x128xf32, #tpu.memory_space<vmem>>
    %dma_start3A_325 = tpu.memref_squeeze %dma_start3A_324 : memref<1x64x128xf32, #tpu.memory_space<vmem>> -> memref<64x128xf32, #tpu.memory_space<vmem>>
    %dma_start3A_326 = arith.constant 0 : i32
    %dma_start3A_327 = tpu.memref_slice %arg3[%dma_start3A_326, %multiple_of3A_320] : memref<64x1000000xf32, #tpu.memory_space<hbm>> -> memref<64x128xf32, #tpu.memory_space<hbm>>
    %dma_start3A_328 = arith.constant 0 : i32
    %dma_start3A_329 = arith.constant 0 : i32
    %dma_start3A_330 = tpu.memref_slice %arg7[%dma_start3A_321, %dma_start3A_328, %dma_start3A_329] : memref<8x64x128xf32, #tpu.memory_space<vmem>> -> memref<1x64x128xf32, #tpu.memory_space<vmem>>
    %dma_start3A_331 = tpu.memref_squeeze %dma_start3A_330 : memref<1x64x128xf32, #tpu.memory_space<vmem>> -> memref<64x128xf32, #tpu.memory_space<vmem>>
    %dma_start3A_332 = arith.constant 0 : i32
    %dma_start3A_333 = tpu.memref_slice %arg3[%dma_start3A_332, %multiple_of3A_320] : memref<64x1000000xf32, #tpu.memory_space<hbm>> -> memref<64x128xf32, #tpu.memory_space<hbm>>
    tpu.enqueue_dma source(%dma_start3A_333 : memref<64x128xf32, #tpu.memory_space<hbm>>) target(%dma_start3A_331 : memref<64x128xf32, #tpu.memory_space<vmem>>) target_semaphore(%arg16 : memref<!tpu.dma_semaphore, #tpu.memory_space<semaphore_mem>>)
    %scan3A = arith.constant 0 : i32
    %scan3A_334 = arith.constant 0 : i32
    %scan3A_335 = arith.constant 32 : i32
    %scan3A_336 = arith.addi %scan3A_334, %scan3A_335 : i32
    %scan3A_337 = arith.constant 1 : i32
    scf.for %scan3A_683 = %scan3A_334 to %scan3A_336 step %scan3A_337  : i32 {
      %mul3A_684 = arith.constant 8 : i32
      %mul3A_685 = arith.muli %scan3A_683, %mul3A_684 : i32
      %add3A_686 = arith.constant 0 : i32
      %add3A_687 = arith.addi %add3A_686, %mul3A_685 : i32
      %add3A_688 = arith.constant 0 : i32
      %add3A_689 = arith.addi %add3A_687, %add3A_688 : i32
      %add3A_690 = arith.constant 8 : i32
      %add3A_691 = arith.addi %add3A_689, %add3A_690 : i32
      %sub3A = arith.constant 1 : i32
      %sub3A_692 = arith.subi %add3A_691, %sub3A : i32
      %lt3A_693 = arith.constant 256 : i32
      %lt3A_694 = arith.cmpi slt, %sub3A_692, %lt3A_693 : i32
      %convert_element_type3A = arith.extui %lt3A_694 : i1 to i32
      %cond3A = arith.constant 0 : i32
      %cond3A_695 = arith.cmpi ne, %convert_element_type3A, %cond3A : i32
      scf.if %cond3A_695 {
        %add3A_2275 = arith.constant 8 : i32
        %add3A_2276 = arith.addi %add3A_689, %add3A_2275 : i32
        %sub3A_2277 = arith.constant 1 : i32
        %sub3A_2278 = arith.subi %add3A_2276, %sub3A_2277 : i32
        %shift_right_logical3A_2279 = arith.constant 4 : i32
        %shift_right_logical3A_2280 = arith.shrui %sub3A_2278, %shift_right_logical3A_2279 : i32
        %shift_right_logical3A_2281 = arith.constant 3 : i32
        %shift_right_logical3A_2282 = arith.shrui %shift_right_logical3A_2280, %shift_right_logical3A_2281 : i32
        %and3A_2283 = arith.constant 7 : i32
        %and3A_2284 = arith.andi %shift_right_logical3A_2280, %and3A_2283 : i32
        %mul3A_2285 = arith.constant 16 : i32
        %mul3A_2286 = arith.muli %and3A_2284, %mul3A_2285 : i32
        %multiple_of3A_2287 = tpu.assume_multiple %mul3A_2286, 16 : i32
        %get3A_2288 = arith.index_cast %shift_right_logical3A_2282 : i32 to index
        %get3A_2289 = arith.index_cast %multiple_of3A_2287 : i32 to index
        %get3A_2290 = tpu.vector_load %arg6[%get3A_2288, %get3A_2289] {strides = array<i32>} : memref<4x128xi32, #tpu.memory_space<vmem>>, vector<16xi32>,
        %and3A_2291 = arith.constant 15 : i32
        %and3A_2292 = arith.andi %sub3A_2278, %and3A_2291 : i32
        %broadcast_in_dim3A_2293 = vector.broadcast %and3A_2292 : i32 to vector<16xi32>
        %lt3A_2294 = arith.constant 0 : i32
        %lt3A_2295 = vector.broadcast %lt3A_2294 : i32 to vector<16xi32>
        %lt3A_2296 = arith.cmpi slt, %broadcast_in_dim3A_2293, %lt3A_2295 : vector<16xi32>
        %add3A_2297 = arith.constant 16 : i32
        %add3A_2298 = vector.broadcast %add3A_2297 : i32 to vector<16xi32>
        %add3A_2299 = arith.addi %broadcast_in_dim3A_2293, %add3A_2298 : vector<16xi32>
        %select_n3A_2300 = arith.select %lt3A_2296, %add3A_2299, %broadcast_in_dim3A_2293 : vector<16xi1>, vector<16xi32>
        %broadcast_in_dim3A_2301 = vector.shape_cast %select_n3A_2300 : vector<16xi32> to vector<16x1xi32>
        %gather3A_2302 = vector.shape_cast %broadcast_in_dim3A_2301 : vector<16x1xi32> to vector<16xi32>
        %gather3A_2303 = tpu.dynamic_gather %get3A_2290[%gather3A_2302] in [0] : vector<16xi32>, vector<16xi32> -> vector<16xi32>
        %slice3A_2304 = vector.extract_strided_slice %gather3A_2303 {offsets = [0], sizes = [1], strides = [1]} : vector<16xi32> to vector<1xi32>
        %squeeze3A_2305 = vector.extract %slice3A_2304[0] : i32 from vector<1xi32>
        %not3A_2306 = arith.constant 127 : i32
        %not3A_2307 = arith.constant -1 : i32
        %not3A_2308 = arith.xori %not3A_2306, %not3A_2307 : i32
        %and3A_2309 = arith.andi %squeeze3A_2305, %not3A_2308 : i32
        %multiple_of3A_2310 = tpu.assume_multiple %and3A_2309, 128 : i32
        %dma_start3A_2311 = arith.constant 7 : i32
        %dma_start3A_2312 = arith.constant 0 : i32
        %dma_start3A_2313 = arith.constant 0 : i32
        %dma_start3A_2314 = tpu.memref_slice %arg7[%dma_start3A_2311, %dma_start3A_2312, %dma_start3A_2313] : memref<8x64x128xf32, #tpu.memory_space<vmem>> -> memref<1x64x128xf32, #tpu.memory_space<vmem>>
        %dma_start3A_2315 = tpu.memref_squeeze %dma_start3A_2314 : memref<1x64x128xf32, #tpu.memory_space<vmem>> -> memref<64x128xf32, #tpu.memory_space<vmem>>
        %dma_start3A_2316 = arith.constant 0 : i32
        %dma_start3A_2317 = tpu.memref_slice %arg3[%dma_start3A_2316, %multiple_of3A_2310] : memref<64x1000000xf32, #tpu.memory_space<hbm>> -> memref<64x128xf32, #tpu.memory_space<hbm>>
        %dma_start3A_2318 = arith.constant 0 : i32
        %dma_start3A_2319 = arith.constant 0 : i32
        %dma_start3A_2320 = tpu.memref_slice %arg7[%dma_start3A_2311, %dma_start3A_2318, %dma_start3A_2319] : memref<8x64x128xf32, #tpu.memory_space<vmem>> -> memref<1x64x128xf32, #tpu.memory_space<vmem>>
        %dma_start3A_2321 = tpu.memref_squeeze %dma_start3A_2320 : memref<1x64x128xf32, #tpu.memory_space<vmem>> -> memref<64x128xf32, #tpu.memory_space<vmem>>
        %dma_start3A_2322 = arith.constant 0 : i32
        %dma_start3A_2323 = tpu.memref_slice %arg3[%dma_start3A_2322, %multiple_of3A_2310] : memref<64x1000000xf32, #tpu.memory_space<hbm>> -> memref<64x128xf32, #tpu.memory_space<hbm>>
        tpu.enqueue_dma source(%dma_start3A_2323 : memref<64x128xf32, #tpu.memory_space<hbm>>) target(%dma_start3A_2321 : memref<64x128xf32, #tpu.memory_space<vmem>>) target_semaphore(%arg17 : memref<!tpu.dma_semaphore, #tpu.memory_space<semaphore_mem>>)
      } else {
      }
      %dma_wait3A = arith.constant 0 : i32
      %dma_wait3A_696 = arith.constant 0 : i32
      %dma_wait3A_697 = arith.constant 0 : i32
      %dma_wait3A_698 = tpu.memref_slice %arg7[%dma_wait3A, %dma_wait3A_696, %dma_wait3A_697] : memref<8x64x128xf32, #tpu.memory_space<vmem>> -> memref<1x64x128xf32, #tpu.memory_space<vmem>>
      %dma_wait3A_699 = tpu.memref_squeeze %dma_wait3A_698 : memref<1x64x128xf32, #tpu.memory_space<vmem>> -> memref<64x128xf32, #tpu.memory_space<vmem>>
      %dma_wait3A_700 = arith.constant 0 : i32
      %dma_wait3A_701 = arith.constant 0 : i32
      %dma_wait3A_702 = tpu.memref_slice %arg3[%dma_wait3A_700, %dma_wait3A_701] : memref<64x1000000xf32, #tpu.memory_space<hbm>> -> memref<64x128xf32, #tpu.memory_space<hbm>>
      %dma_wait3A_703 = arith.constant 0 : i32
      %dma_wait3A_704 = arith.constant 0 : i32
      %dma_wait3A_705 = tpu.memref_slice %arg7[%dma_wait3A, %dma_wait3A_703, %dma_wait3A_704] : memref<8x64x128xf32, #tpu.memory_space<vmem>> -> memref<1x64x128xf32, #tpu.memory_space<vmem>>
      %dma_wait3A_706 = tpu.memref_squeeze %dma_wait3A_705 : memref<1x64x128xf32, #tpu.memory_space<vmem>> -> memref<64x128xf32, #tpu.memory_space<vmem>>
      %dma_wait3A_707 = arith.constant 0 : i32
      %dma_wait3A_708 = arith.constant 0 : i32
      %dma_wait3A_709 = tpu.memref_slice %arg3[%dma_wait3A_707, %dma_wait3A_708] : memref<64x1000000xf32, #tpu.memory_space<hbm>> -> memref<64x128xf32, #tpu.memory_space<hbm>>
      tpu.wait_dma2 semaphore(%arg10 : memref<!tpu.dma_semaphore, #tpu.memory_space<semaphore_mem>>) src(%dma_wait3A_709 : memref<64x128xf32, #tpu.memory_space<hbm>>) dst(%dma_wait3A_706 : memref<64x128xf32, #tpu.memory_space<vmem>>)
      %shift_right_logical3A_710 = arith.constant 4 : i32
      %shift_right_logical3A_711 = arith.shrui %add3A_689, %shift_right_logical3A_710 : i32
      %shift_right_logical3A_712 = arith.constant 3 : i32
      %shift_right_logical3A_713 = arith.shrui %shift_right_logical3A_711, %shift_right_logical3A_712 : i32
      %and3A_714 = arith.constant 7 : i32
      %and3A_715 = arith.andi %shift_right_logical3A_711, %and3A_714 : i32
      %mul3A_716 = arith.constant 16 : i32
      %mul3A_717 = arith.muli %and3A_715, %mul3A_716 : i32
      %multiple_of3A_718 = tpu.assume_multiple %mul3A_717, 16 : i32
      %get3A_719 = arith.index_cast %shift_right_logical3A_713 : i32 to index
      %get3A_720 = arith.index_cast %multiple_of3A_718 : i32 to index
      %get3A_721 = tpu.vector_load %arg6[%get3A_719, %get3A_720] {strides = array<i32>} : memref<4x128xi32, #tpu.memory_space<vmem>>, vector<16xi32>,
      %and3A_722 = arith.constant 15 : i32
      %and3A_723 = arith.andi %add3A_689, %and3A_722 : i32
      %broadcast_in_dim3A_724 = vector.broadcast %and3A_723 : i32 to vector<16xi32>
      %lt3A_725 = arith.constant 0 : i32
      %lt3A_726 = vector.broadcast %lt3A_725 : i32 to vector<16xi32>
      %lt3A_727 = arith.cmpi slt, %broadcast_in_dim3A_724, %lt3A_726 : vector<16xi32>
      %add3A_728 = arith.constant 16 : i32
      %add3A_729 = vector.broadcast %add3A_728 : i32 to vector<16xi32>
      %add3A_730 = arith.addi %broadcast_in_dim3A_724, %add3A_729 : vector<16xi32>
      %select_n3A_731 = arith.select %lt3A_727, %add3A_730, %broadcast_in_dim3A_724 : vector<16xi1>, vector<16xi32>
      %broadcast_in_dim3A_732 = vector.shape_cast %select_n3A_731 : vector<16xi32> to vector<16x1xi32>
      %gather3A_733 = vector.shape_cast %broadcast_in_dim3A_732 : vector<16x1xi32> to vector<16xi32>
      %gather3A_734 = tpu.dynamic_gather %get3A_721[%gather3A_733] in [0] : vector<16xi32>, vector<16xi32> -> vector<16xi32>
      %slice3A_735 = vector.extract_strided_slice %gather3A_734 {offsets = [0], sizes = [1], strides = [1]} : vector<16xi32> to vector<1xi32>
      %squeeze3A_736 = vector.extract %slice3A_735[0] : i32 from vector<1xi32>
      %and3A_737 = arith.constant 127 : i32
      %and3A_738 = arith.andi %squeeze3A_736, %and3A_737 : i32
      %broadcast_in_dim3A_739 = vector.broadcast %and3A_738 : i32 to vector<16xi32>
      %and3A_740 = arith.constant 255 : i32
      %and3A_741 = arith.andi %add3A_689, %and3A_740 : i32
      %broadcast_in_dim3A_742 = vector.broadcast %and3A_741 : i32 to vector<16xi32>
      %add3A_743 = arith.constant 0 : i32
      %add3A_744 = vector.broadcast %add3A_743 : i32 to vector<16xi32>
      %add3A_745 = arith.addi %iota3A, %add3A_744 : vector<16xi32>
      %gather3A_746 = tpu.vector_load_idx %arg9[%add3A_745, %broadcast_in_dim3A_742] : memref<64x256xf32, #tpu.memory_space<vmem>>[vector<16xi32>, vector<16xi32>], vector<16xf32>,
      %add3A_747 = arith.constant 16 : i32
      %add3A_748 = vector.broadcast %add3A_747 : i32 to vector<16xi32>
      %add3A_749 = arith.addi %iota3A, %add3A_748 : vector<16xi32>
      %gather3A_750 = tpu.vector_load_idx %arg9[%add3A_749, %broadcast_in_dim3A_742] : memref<64x256xf32, #tpu.memory_space<vmem>>[vector<16xi32>, vector<16xi32>], vector<16xf32>,
      %add3A_751 = arith.constant 32 : i32
      %add3A_752 = vector.broadcast %add3A_751 : i32 to vector<16xi32>
      %add3A_753 = arith.addi %iota3A, %add3A_752 : vector<16xi32>
      %gather3A_754 = tpu.vector_load_idx %arg9[%add3A_753, %broadcast_in_dim3A_742] : memref<64x256xf32, #tpu.memory_space<vmem>>[vector<16xi32>, vector<16xi32>], vector<16xf32>,
      %add3A_755 = arith.constant 48 : i32
      %add3A_756 = vector.broadcast %add3A_755 : i32 to vector<16xi32>
      %add3A_757 = arith.addi %iota3A, %add3A_756 : vector<16xi32>
      %gather3A_758 = tpu.vector_load_idx %arg9[%add3A_757, %broadcast_in_dim3A_742] : memref<64x256xf32, #tpu.memory_space<vmem>>[vector<16xi32>, vector<16xi32>], vector<16xf32>,
      %mul3A_759 = arith.mulf %gather3A_746, %gather3A_746 : vector<16xf32>
      %mul3A_760 = arith.mulf %gather3A_750, %gather3A_750 : vector<16xf32>
      %add3A_761 = arith.addf %mul3A_759, %mul3A_760 : vector<16xf32>
      %mul3A_762 = arith.mulf %gather3A_754, %gather3A_754 : vector<16xf32>
      %add3A_763 = arith.addf %add3A_761, %mul3A_762 : vector<16xf32>
      %mul3A_764 = arith.mulf %gather3A_758, %gather3A_758 : vector<16xf32>
      %add3A_765 = arith.addf %add3A_763, %mul3A_764 : vector<16xf32>
      %lt3A_766 = arith.constant 0 : i32
      %lt3A_767 = vector.broadcast %lt3A_766 : i32 to vector<16xi32>
      %lt3A_768 = arith.cmpi slt, %xor3A_4, %lt3A_767 : vector<16xi32>
      %add3A_769 = arith.constant 16 : i32
      %add3A_770 = vector.broadcast %add3A_769 : i32 to vector<16xi32>
      %add3A_771 = arith.addi %xor3A_4, %add3A_770 : vector<16xi32>
      %select_n3A_772 = arith.select %lt3A_768, %add3A_771, %xor3A_4 : vector<16xi1>, vector<16xi32>
      %broadcast_in_dim3A_773 = vector.shape_cast %select_n3A_772 : vector<16xi32> to vector<16x1xi32>
      %gather3A_774 = vector.shape_cast %broadcast_in_dim3A_773 : vector<16x1xi32> to vector<16xi32>
      %gather3A_775 = tpu.dynamic_gather %add3A_765[%gather3A_774] in [0] : vector<16xf32>, vector<16xi32> -> vector<16xf32>
      %add3A_776 = arith.addf %add3A_765, %gather3A_775 : vector<16xf32>
      %lt3A_777 = arith.constant 0 : i32
      %lt3A_778 = vector.broadcast %lt3A_777 : i32 to vector<16xi32>
      %lt3A_779 = arith.cmpi slt, %xor3A_7, %lt3A_778 : vector<16xi32>
      %add3A_780 = arith.constant 16 : i32
      %add3A_781 = vector.broadcast %add3A_780 : i32 to vector<16xi32>
      %add3A_782 = arith.addi %xor3A_7, %add3A_781 : vector<16xi32>
      %select_n3A_783 = arith.select %lt3A_779, %add3A_782, %xor3A_7 : vector<16xi1>, vector<16xi32>
      %broadcast_in_dim3A_784 = vector.shape_cast %select_n3A_783 : vector<16xi32> to vector<16x1xi32>
      %gather3A_785 = vector.shape_cast %broadcast_in_dim3A_784 : vector<16x1xi32> to vector<16xi32>
      %gather3A_786 = tpu.dynamic_gather %add3A_776[%gather3A_785] in [0] : vector<16xf32>, vector<16xi32> -> vector<16xf32>
      %add3A_787 = arith.addf %add3A_776, %gather3A_786 : vector<16xf32>
      %lt3A_788 = arith.constant 0 : i32
      %lt3A_789 = vector.broadcast %lt3A_788 : i32 to vector<16xi32>
      %lt3A_790 = arith.cmpi slt, %xor3A_10, %lt3A_789 : vector<16xi32>
      %add3A_791 = arith.constant 16 : i32
      %add3A_792 = vector.broadcast %add3A_791 : i32 to vector<16xi32>
      %add3A_793 = arith.addi %xor3A_10, %add3A_792 : vector<16xi32>
      %select_n3A_794 = arith.select %lt3A_790, %add3A_793, %xor3A_10 : vector<16xi1>, vector<16xi32>
      %broadcast_in_dim3A_795 = vector.shape_cast %select_n3A_794 : vector<16xi32> to vector<16x1xi32>
      %gather3A_796 = vector.shape_cast %broadcast_in_dim3A_795 : vector<16x1xi32> to vector<16xi32>
      %gather3A_797 = tpu.dynamic_gather %add3A_787[%gather3A_796] in [0] : vector<16xf32>, vector<16xi32> -> vector<16xf32>
      %add3A_798 = arith.addf %add3A_787, %gather3A_797 : vector<16xf32>
      %lt3A_799 = arith.constant 0 : i32
      %lt3A_800 = vector.broadcast %lt3A_799 : i32 to vector<16xi32>
      %lt3A_801 = arith.cmpi slt, %xor3A_13, %lt3A_800 : vector<16xi32>
      %add3A_802 = arith.constant 16 : i32
      %add3A_803 = vector.broadcast %add3A_802 : i32 to vector<16xi32>
      %add3A_804 = arith.addi %xor3A_13, %add3A_803 : vector<16xi32>
      %select_n3A_805 = arith.select %lt3A_801, %add3A_804, %xor3A_13 : vector<16xi1>, vector<16xi32>
      %broadcast_in_dim3A_806 = vector.shape_cast %select_n3A_805 : vector<16xi32> to vector<16x1xi32>
      %gather3A_807 = vector.shape_cast %broadcast_in_dim3A_806 : vector<16x1xi32> to vector<16xi32>
      %gather3A_808 = tpu.dynamic_gather %add3A_798[%gather3A_807] in [0] : vector<16xf32>, vector<16xi32> -> vector<16xf32>
      %add3A_809 = arith.addf %add3A_798, %gather3A_808 : vector<16xf32>
      %bitcast_convert_type3A = tpu.bitcast %add3A_809 : vector<16xf32> -> vector<16xi32>
      %shift_right_logical3A_810 = arith.constant 1 : i32
      %shift_right_logical3A_811 = vector.broadcast %shift_right_logical3A_810 : i32 to vector<16xi32>
      %shift_right_logical3A_812 = arith.shrui %bitcast_convert_type3A, %shift_right_logical3A_811 : vector<16xi32>
      %sub3A_813 = arith.constant 1597463007 : i32
      %sub3A_814 = vector.broadcast %sub3A_813 : i32 to vector<16xi32>
      %sub3A_815 = arith.subi %sub3A_814, %shift_right_logical3A_812 : vector<16xi32>
      %bitcast_convert_type3A_816 = tpu.bitcast %sub3A_815 : vector<16xi32> -> vector<16xf32>
      %mul3A_817 = arith.constant 5.000000e-01 : f32
      %mul3A_818 = vector.broadcast %mul3A_817 : f32 to vector<16xf32>
      %mul3A_819 = arith.mulf %add3A_809, %mul3A_818 : vector<16xf32>
      %mul3A_820 = arith.mulf %mul3A_819, %bitcast_convert_type3A_816 : vector<16xf32>
      %mul3A_821 = arith.mulf %mul3A_820, %bitcast_convert_type3A_816 : vector<16xf32>
      %sub3A_822 = arith.constant 1.500000e+00 : f32
      %sub3A_823 = vector.broadcast %sub3A_822 : f32 to vector<16xf32>
      %sub3A_824 = arith.subf %sub3A_823, %mul3A_821 : vector<16xf32>
      %mul3A_825 = arith.mulf %bitcast_convert_type3A_816, %sub3A_824 : vector<16xf32>
      %mul3A_826 = arith.mulf %mul3A_819, %mul3A_825 : vector<16xf32>
      %mul3A_827 = arith.mulf %mul3A_826, %mul3A_825 : vector<16xf32>
      %sub3A_828 = arith.constant 1.500000e+00 : f32
      %sub3A_829 = vector.broadcast %sub3A_828 : f32 to vector<16xf32>
      %sub3A_830 = arith.subf %sub3A_829, %mul3A_827 : vector<16xf32>
      %mul3A_831 = arith.mulf %mul3A_825, %sub3A_830 : vector<16xf32>
      %mul3A_832 = arith.mulf %mul3A_819, %mul3A_831 : vector<16xf32>
      %mul3A_833 = arith.mulf %mul3A_832, %mul3A_831 : vector<16xf32>
      %sub3A_834 = arith.constant 1.500000e+00 : f32
      %sub3A_835 = vector.broadcast %sub3A_834 : f32 to vector<16xf32>
      %sub3A_836 = arith.subf %sub3A_835, %mul3A_833 : vector<16xf32>
      %mul3A_837 = arith.mulf %mul3A_831, %sub3A_836 : vector<16xf32>
      %add3A_838 = arith.constant 0 : i32
      %add3A_839 = vector.broadcast %add3A_838 : i32 to vector<16xi32>
      %add3A_840 = arith.addi %iota3A, %add3A_839 : vector<16xi32>
      %gather3A_841 = arith.constant 0 : i32
      %gather3A_842 = arith.constant 0 : i32
      %gather3A_843 = arith.constant 0 : i32
      %gather3A_844 = tpu.memref_slice %arg7[%gather3A_841, %gather3A_842, %gather3A_843] : memref<8x64x128xf32, #tpu.memory_space<vmem>> -> memref<1x64x128xf32, #tpu.memory_space<vmem>>
      %gather3A_845 = tpu.memref_squeeze %gather3A_844 : memref<1x64x128xf32, #tpu.memory_space<vmem>> -> memref<64x128xf32, #tpu.memory_space<vmem>>
      %gather3A_846 = tpu.vector_load_idx %gather3A_845[%add3A_840, %broadcast_in_dim3A_739] : memref<64x128xf32, #tpu.memory_space<vmem>>[vector<16xi32>, vector<16xi32>], vector<16xf32>,
      %mul3A_847 = arith.mulf %gather3A_746, %mul3A_837 : vector<16xf32>
      %add3A_848 = arith.addf %gather3A_846, %mul3A_847 : vector<16xf32>
      tpu.vector_store_idx %arg8[%add3A_840, %broadcast_in_dim3A_742], %add3A_848 : memref<64x256xf32, #tpu.memory_space<vmem>>[vector<16xi32>, vector<16xi32>], vector<16xf32>,
      %add3A_849 = arith.constant 16 : i32
      %add3A_850 = vector.broadcast %add3A_849 : i32 to vector<16xi32>
      %add3A_851 = arith.addi %iota3A, %add3A_850 : vector<16xi32>
      %gather3A_852 = arith.constant 0 : i32
      %gather3A_853 = arith.constant 0 : i32
      %gather3A_854 = arith.constant 0 : i32
      %gather3A_855 = tpu.memref_slice %arg7[%gather3A_852, %gather3A_853, %gather3A_854] : memref<8x64x128xf32, #tpu.memory_space<vmem>> -> memref<1x64x128xf32, #tpu.memory_space<vmem>>
      %gather3A_856 = tpu.memref_squeeze %gather3A_855 : memref<1x64x128xf32, #tpu.memory_space<vmem>> -> memref<64x128xf32, #tpu.memory_space<vmem>>
      %gather3A_857 = tpu.vector_load_idx %gather3A_856[%add3A_851, %broadcast_in_dim3A_739] : memref<64x128xf32, #tpu.memory_space<vmem>>[vector<16xi32>, vector<16xi32>], vector<16xf32>,
      %mul3A_858 = arith.mulf %gather3A_750, %mul3A_837 : vector<16xf32>
      %add3A_859 = arith.addf %gather3A_857, %mul3A_858 : vector<16xf32>
      tpu.vector_store_idx %arg8[%add3A_851, %broadcast_in_dim3A_742], %add3A_859 : memref<64x256xf32, #tpu.memory_space<vmem>>[vector<16xi32>, vector<16xi32>], vector<16xf32>,
      %add3A_860 = arith.constant 32 : i32
      %add3A_861 = vector.broadcast %add3A_860 : i32 to vector<16xi32>
      %add3A_862 = arith.addi %iota3A, %add3A_861 : vector<16xi32>
      %gather3A_863 = arith.constant 0 : i32
      %gather3A_864 = arith.constant 0 : i32
      %gather3A_865 = arith.constant 0 : i32
      %gather3A_866 = tpu.memref_slice %arg7[%gather3A_863, %gather3A_864, %gather3A_865] : memref<8x64x128xf32, #tpu.memory_space<vmem>> -> memref<1x64x128xf32, #tpu.memory_space<vmem>>
      %gather3A_867 = tpu.memref_squeeze %gather3A_866 : memref<1x64x128xf32, #tpu.memory_space<vmem>> -> memref<64x128xf32, #tpu.memory_space<vmem>>
      %gather3A_868 = tpu.vector_load_idx %gather3A_867[%add3A_862, %broadcast_in_dim3A_739] : memref<64x128xf32, #tpu.memory_space<vmem>>[vector<16xi32>, vector<16xi32>], vector<16xf32>,
      %mul3A_869 = arith.mulf %gather3A_754, %mul3A_837 : vector<16xf32>
      %add3A_870 = arith.addf %gather3A_868, %mul3A_869 : vector<16xf32>
      tpu.vector_store_idx %arg8[%add3A_862, %broadcast_in_dim3A_742], %add3A_870 : memref<64x256xf32, #tpu.memory_space<vmem>>[vector<16xi32>, vector<16xi32>], vector<16xf32>,
      %add3A_871 = arith.constant 48 : i32
      %add3A_872 = vector.broadcast %add3A_871 : i32 to vector<16xi32>
      %add3A_873 = arith.addi %iota3A, %add3A_872 : vector<16xi32>
      %gather3A_874 = arith.constant 0 : i32
      %gather3A_875 = arith.constant 0 : i32
      %gather3A_876 = arith.constant 0 : i32
      %gather3A_877 = tpu.memref_slice %arg7[%gather3A_874, %gather3A_875, %gather3A_876] : memref<8x64x128xf32, #tpu.memory_space<vmem>> -> memref<1x64x128xf32, #tpu.memory_space<vmem>>
      %gather3A_878 = tpu.memref_squeeze %gather3A_877 : memref<1x64x128xf32, #tpu.memory_space<vmem>> -> memref<64x128xf32, #tpu.memory_space<vmem>>
      %gather3A_879 = tpu.vector_load_idx %gather3A_878[%add3A_873, %broadcast_in_dim3A_739] : memref<64x128xf32, #tpu.memory_space<vmem>>[vector<16xi32>, vector<16xi32>], vector<16xf32>,
      %mul3A_880 = arith.mulf %gather3A_758, %mul3A_837 : vector<16xf32>
      %add3A_881 = arith.addf %gather3A_879, %mul3A_880 : vector<16xf32>
      tpu.vector_store_idx %arg8[%add3A_873, %broadcast_in_dim3A_742], %add3A_881 : memref<64x256xf32, #tpu.memory_space<vmem>>[vector<16xi32>, vector<16xi32>], vector<16xf32>,
      %add3A_882 = arith.constant 1 : i32
      %add3A_883 = arith.addi %add3A_687, %add3A_882 : i32
      %add3A_884 = arith.constant 8 : i32
      %add3A_885 = arith.addi %add3A_883, %add3A_884 : i32
      %sub3A_886 = arith.constant 1 : i32
      %sub3A_887 = arith.subi %add3A_885, %sub3A_886 : i32
      %lt3A_888 = arith.constant 256 : i32
      %lt3A_889 = arith.cmpi slt, %sub3A_887, %lt3A_888 : i32
      %convert_element_type3A_890 = arith.extui %lt3A_889 : i1 to i32
      %cond3A_891 = arith.constant 0 : i32
      %cond3A_892 = arith.cmpi ne, %convert_element_type3A_890, %cond3A_891 : i32
      scf.if %cond3A_892 {
        %add3A_2275 = arith.constant 8 : i32
        %add3A_2276 = arith.addi %add3A_883, %add3A_2275 : i32
        %sub3A_2277 = arith.constant 1 : i32
        %sub3A_2278 = arith.subi %add3A_2276, %sub3A_2277 : i32
        %shift_right_logical3A_2279 = arith.constant 4 : i32
        %shift_right_logical3A_2280 = arith.shrui %sub3A_2278, %shift_right_logical3A_2279 : i32
        %shift_right_logical3A_2281 = arith.constant 3 : i32
        %shift_right_logical3A_2282 = arith.shrui %shift_right_logical3A_2280, %shift_right_logical3A_2281 : i32
        %and3A_2283 = arith.constant 7 : i32
        %and3A_2284 = arith.andi %shift_right_logical3A_2280, %and3A_2283 : i32
        %mul3A_2285 = arith.constant 16 : i32
        %mul3A_2286 = arith.muli %and3A_2284, %mul3A_2285 : i32
        %multiple_of3A_2287 = tpu.assume_multiple %mul3A_2286, 16 : i32
        %get3A_2288 = arith.index_cast %shift_right_logical3A_2282 : i32 to index
        %get3A_2289 = arith.index_cast %multiple_of3A_2287 : i32 to index
        %get3A_2290 = tpu.vector_load %arg6[%get3A_2288, %get3A_2289] {strides = array<i32>} : memref<4x128xi32, #tpu.memory_space<vmem>>, vector<16xi32>,
        %and3A_2291 = arith.constant 15 : i32
        %and3A_2292 = arith.andi %sub3A_2278, %and3A_2291 : i32
        %broadcast_in_dim3A_2293 = vector.broadcast %and3A_2292 : i32 to vector<16xi32>
        %lt3A_2294 = arith.constant 0 : i32
        %lt3A_2295 = vector.broadcast %lt3A_2294 : i32 to vector<16xi32>
        %lt3A_2296 = arith.cmpi slt, %broadcast_in_dim3A_2293, %lt3A_2295 : vector<16xi32>
        %add3A_2297 = arith.constant 16 : i32
        %add3A_2298 = vector.broadcast %add3A_2297 : i32 to vector<16xi32>
        %add3A_2299 = arith.addi %broadcast_in_dim3A_2293, %add3A_2298 : vector<16xi32>
        %select_n3A_2300 = arith.select %lt3A_2296, %add3A_2299, %broadcast_in_dim3A_2293 : vector<16xi1>, vector<16xi32>
        %broadcast_in_dim3A_2301 = vector.shape_cast %select_n3A_2300 : vector<16xi32> to vector<16x1xi32>
        %gather3A_2302 = vector.shape_cast %broadcast_in_dim3A_2301 : vector<16x1xi32> to vector<16xi32>
        %gather3A_2303 = tpu.dynamic_gather %get3A_2290[%gather3A_2302] in [0] : vector<16xi32>, vector<16xi32> -> vector<16xi32>
        %slice3A_2304 = vector.extract_strided_slice %gather3A_2303 {offsets = [0], sizes = [1], strides = [1]} : vector<16xi32> to vector<1xi32>
        %squeeze3A_2305 = vector.extract %slice3A_2304[0] : i32 from vector<1xi32>
        %not3A_2306 = arith.constant 127 : i32
        %not3A_2307 = arith.constant -1 : i32
        %not3A_2308 = arith.xori %not3A_2306, %not3A_2307 : i32
        %and3A_2309 = arith.andi %squeeze3A_2305, %not3A_2308 : i32
        %multiple_of3A_2310 = tpu.assume_multiple %and3A_2309, 128 : i32
        %dma_start3A_2311 = arith.constant 0 : i32
        %dma_start3A_2312 = arith.constant 0 : i32
        %dma_start3A_2313 = arith.constant 0 : i32
        %dma_start3A_2314 = tpu.memref_slice %arg7[%dma_start3A_2311, %dma_start3A_2312, %dma_start3A_2313] : memref<8x64x128xf32, #tpu.memory_space<vmem>> -> memref<1x64x128xf32, #tpu.memory_space<vmem>>
        %dma_start3A_2315 = tpu.memref_squeeze %dma_start3A_2314 : memref<1x64x128xf32, #tpu.memory_space<vmem>> -> memref<64x128xf32, #tpu.memory_space<vmem>>
        %dma_start3A_2316 = arith.constant 0 : i32
        %dma_start3A_2317 = tpu.memref_slice %arg3[%dma_start3A_2316, %multiple_of3A_2310] : memref<64x1000000xf32, #tpu.memory_space<hbm>> -> memref<64x128xf32, #tpu.memory_space<hbm>>
        %dma_start3A_2318 = arith.constant 0 : i32
        %dma_start3A_2319 = arith.constant 0 : i32
        %dma_start3A_2320 = tpu.memref_slice %arg7[%dma_start3A_2311, %dma_start3A_2318, %dma_start3A_2319] : memref<8x64x128xf32, #tpu.memory_space<vmem>> -> memref<1x64x128xf32, #tpu.memory_space<vmem>>
        %dma_start3A_2321 = tpu.memref_squeeze %dma_start3A_2320 : memref<1x64x128xf32, #tpu.memory_space<vmem>> -> memref<64x128xf32, #tpu.memory_space<vmem>>
        %dma_start3A_2322 = arith.constant 0 : i32
        %dma_start3A_2323 = tpu.memref_slice %arg3[%dma_start3A_2322, %multiple_of3A_2310] : memref<64x1000000xf32, #tpu.memory_space<hbm>> -> memref<64x128xf32, #tpu.memory_space<hbm>>
        tpu.enqueue_dma source(%dma_start3A_2323 : memref<64x128xf32, #tpu.memory_space<hbm>>) target(%dma_start3A_2321 : memref<64x128xf32, #tpu.memory_space<vmem>>) target_semaphore(%arg10 : memref<!tpu.dma_semaphore, #tpu.memory_space<semaphore_mem>>)
      } else {
      }
      %dma_wait3A_893 = arith.constant 1 : i32
      %dma_wait3A_894 = arith.constant 0 : i32
      %dma_wait3A_895 = arith.constant 0 : i32
      %dma_wait3A_896 = tpu.memref_slice %arg7[%dma_wait3A_893, %dma_wait3A_894, %dma_wait3A_895] : memref<8x64x128xf32, #tpu.memory_space<vmem>> -> memref<1x64x128xf32, #tpu.memory_space<vmem>>
      %dma_wait3A_897 = tpu.memref_squeeze %dma_wait3A_896 : memref<1x64x128xf32, #tpu.memory_space<vmem>> -> memref<64x128xf32, #tpu.memory_space<vmem>>
      %dma_wait3A_898 = arith.constant 0 : i32
      %dma_wait3A_899 = arith.constant 0 : i32
      %dma_wait3A_900 = tpu.memref_slice %arg3[%dma_wait3A_898, %dma_wait3A_899] : memref<64x1000000xf32, #tpu.memory_space<hbm>> -> memref<64x128xf32, #tpu.memory_space<hbm>>
      %dma_wait3A_901 = arith.constant 0 : i32
      %dma_wait3A_902 = arith.constant 0 : i32
      %dma_wait3A_903 = tpu.memref_slice %arg7[%dma_wait3A_893, %dma_wait3A_901, %dma_wait3A_902] : memref<8x64x128xf32, #tpu.memory_space<vmem>> -> memref<1x64x128xf32, #tpu.memory_space<vmem>>
      %dma_wait3A_904 = tpu.memref_squeeze %dma_wait3A_903 : memref<1x64x128xf32, #tpu.memory_space<vmem>> -> memref<64x128xf32, #tpu.memory_space<vmem>>
      %dma_wait3A_905 = arith.constant 0 : i32
      %dma_wait3A_906 = arith.constant 0 : i32
      %dma_wait3A_907 = tpu.memref_slice %arg3[%dma_wait3A_905, %dma_wait3A_906] : memref<64x1000000xf32, #tpu.memory_space<hbm>> -> memref<64x128xf32, #tpu.memory_space<hbm>>
      tpu.wait_dma2 semaphore(%arg11 : memref<!tpu.dma_semaphore, #tpu.memory_space<semaphore_mem>>) src(%dma_wait3A_907 : memref<64x128xf32, #tpu.memory_space<hbm>>) dst(%dma_wait3A_904 : memref<64x128xf32, #tpu.memory_space<vmem>>)
      %shift_right_logical3A_908 = arith.constant 4 : i32
      %shift_right_logical3A_909 = arith.shrui %add3A_883, %shift_right_logical3A_908 : i32
      %shift_right_logical3A_910 = arith.constant 3 : i32
      %shift_right_logical3A_911 = arith.shrui %shift_right_logical3A_909, %shift_right_logical3A_910 : i32
      %and3A_912 = arith.constant 7 : i32
      %and3A_913 = arith.andi %shift_right_logical3A_909, %and3A_912 : i32
      %mul3A_914 = arith.constant 16 : i32
      %mul3A_915 = arith.muli %and3A_913, %mul3A_914 : i32
      %multiple_of3A_916 = tpu.assume_multiple %mul3A_915, 16 : i32
      %get3A_917 = arith.index_cast %shift_right_logical3A_911 : i32 to index
      %get3A_918 = arith.index_cast %multiple_of3A_916 : i32 to index
      %get3A_919 = tpu.vector_load %arg6[%get3A_917, %get3A_918] {strides = array<i32>} : memref<4x128xi32, #tpu.memory_space<vmem>>, vector<16xi32>,
      %and3A_920 = arith.constant 15 : i32
      %and3A_921 = arith.andi %add3A_883, %and3A_920 : i32
      %broadcast_in_dim3A_922 = vector.broadcast %and3A_921 : i32 to vector<16xi32>
      %lt3A_923 = arith.constant 0 : i32
      %lt3A_924 = vector.broadcast %lt3A_923 : i32 to vector<16xi32>
      %lt3A_925 = arith.cmpi slt, %broadcast_in_dim3A_922, %lt3A_924 : vector<16xi32>
      %add3A_926 = arith.constant 16 : i32
      %add3A_927 = vector.broadcast %add3A_926 : i32 to vector<16xi32>
      %add3A_928 = arith.addi %broadcast_in_dim3A_922, %add3A_927 : vector<16xi32>
      %select_n3A_929 = arith.select %lt3A_925, %add3A_928, %broadcast_in_dim3A_922 : vector<16xi1>, vector<16xi32>
      %broadcast_in_dim3A_930 = vector.shape_cast %select_n3A_929 : vector<16xi32> to vector<16x1xi32>
      %gather3A_931 = vector.shape_cast %broadcast_in_dim3A_930 : vector<16x1xi32> to vector<16xi32>
      %gather3A_932 = tpu.dynamic_gather %get3A_919[%gather3A_931] in [0] : vector<16xi32>, vector<16xi32> -> vector<16xi32>
      %slice3A_933 = vector.extract_strided_slice %gather3A_932 {offsets = [0], sizes = [1], strides = [1]} : vector<16xi32> to vector<1xi32>
      %squeeze3A_934 = vector.extract %slice3A_933[0] : i32 from vector<1xi32>
      %and3A_935 = arith.constant 127 : i32
      %and3A_936 = arith.andi %squeeze3A_934, %and3A_935 : i32
      %broadcast_in_dim3A_937 = vector.broadcast %and3A_936 : i32 to vector<16xi32>
      %and3A_938 = arith.constant 255 : i32
      %and3A_939 = arith.andi %add3A_883, %and3A_938 : i32
      %broadcast_in_dim3A_940 = vector.broadcast %and3A_939 : i32 to vector<16xi32>
      %add3A_941 = arith.constant 0 : i32
      %add3A_942 = vector.broadcast %add3A_941 : i32 to vector<16xi32>
      %add3A_943 = arith.addi %iota3A, %add3A_942 : vector<16xi32>
      %gather3A_944 = tpu.vector_load_idx %arg9[%add3A_943, %broadcast_in_dim3A_940] : memref<64x256xf32, #tpu.memory_space<vmem>>[vector<16xi32>, vector<16xi32>], vector<16xf32>,
      %add3A_945 = arith.constant 16 : i32
      %add3A_946 = vector.broadcast %add3A_945 : i32 to vector<16xi32>
      %add3A_947 = arith.addi %iota3A, %add3A_946 : vector<16xi32>
      %gather3A_948 = tpu.vector_load_idx %arg9[%add3A_947, %broadcast_in_dim3A_940] : memref<64x256xf32, #tpu.memory_space<vmem>>[vector<16xi32>, vector<16xi32>], vector<16xf32>,
      %add3A_949 = arith.constant 32 : i32
      %add3A_950 = vector.broadcast %add3A_949 : i32 to vector<16xi32>
      %add3A_951 = arith.addi %iota3A, %add3A_950 : vector<16xi32>
      %gather3A_952 = tpu.vector_load_idx %arg9[%add3A_951, %broadcast_in_dim3A_940] : memref<64x256xf32, #tpu.memory_space<vmem>>[vector<16xi32>, vector<16xi32>], vector<16xf32>,
      %add3A_953 = arith.constant 48 : i32
      %add3A_954 = vector.broadcast %add3A_953 : i32 to vector<16xi32>
      %add3A_955 = arith.addi %iota3A, %add3A_954 : vector<16xi32>
      %gather3A_956 = tpu.vector_load_idx %arg9[%add3A_955, %broadcast_in_dim3A_940] : memref<64x256xf32, #tpu.memory_space<vmem>>[vector<16xi32>, vector<16xi32>], vector<16xf32>,
      %mul3A_957 = arith.mulf %gather3A_944, %gather3A_944 : vector<16xf32>
      %mul3A_958 = arith.mulf %gather3A_948, %gather3A_948 : vector<16xf32>
      %add3A_959 = arith.addf %mul3A_957, %mul3A_958 : vector<16xf32>
      %mul3A_960 = arith.mulf %gather3A_952, %gather3A_952 : vector<16xf32>
      %add3A_961 = arith.addf %add3A_959, %mul3A_960 : vector<16xf32>
      %mul3A_962 = arith.mulf %gather3A_956, %gather3A_956 : vector<16xf32>
      %add3A_963 = arith.addf %add3A_961, %mul3A_962 : vector<16xf32>
      %lt3A_964 = arith.constant 0 : i32
      %lt3A_965 = vector.broadcast %lt3A_964 : i32 to vector<16xi32>
      %lt3A_966 = arith.cmpi slt, %xor3A_4, %lt3A_965 : vector<16xi32>
      %add3A_967 = arith.constant 16 : i32
      %add3A_968 = vector.broadcast %add3A_967 : i32 to vector<16xi32>
      %add3A_969 = arith.addi %xor3A_4, %add3A_968 : vector<16xi32>
      %select_n3A_970 = arith.select %lt3A_966, %add3A_969, %xor3A_4 : vector<16xi1>, vector<16xi32>
      %broadcast_in_dim3A_971 = vector.shape_cast %select_n3A_970 : vector<16xi32> to vector<16x1xi32>
      %gather3A_972 = vector.shape_cast %broadcast_in_dim3A_971 : vector<16x1xi32> to vector<16xi32>
      %gather3A_973 = tpu.dynamic_gather %add3A_963[%gather3A_972] in [0] : vector<16xf32>, vector<16xi32> -> vector<16xf32>
      %add3A_974 = arith.addf %add3A_963, %gather3A_973 : vector<16xf32>
      %lt3A_975 = arith.constant 0 : i32
      %lt3A_976 = vector.broadcast %lt3A_975 : i32 to vector<16xi32>
      %lt3A_977 = arith.cmpi slt, %xor3A_7, %lt3A_976 : vector<16xi32>
      %add3A_978 = arith.constant 16 : i32
      %add3A_979 = vector.broadcast %add3A_978 : i32 to vector<16xi32>
      %add3A_980 = arith.addi %xor3A_7, %add3A_979 : vector<16xi32>
      %select_n3A_981 = arith.select %lt3A_977, %add3A_980, %xor3A_7 : vector<16xi1>, vector<16xi32>
      %broadcast_in_dim3A_982 = vector.shape_cast %select_n3A_981 : vector<16xi32> to vector<16x1xi32>
      %gather3A_983 = vector.shape_cast %broadcast_in_dim3A_982 : vector<16x1xi32> to vector<16xi32>
      %gather3A_984 = tpu.dynamic_gather %add3A_974[%gather3A_983] in [0] : vector<16xf32>, vector<16xi32> -> vector<16xf32>
      %add3A_985 = arith.addf %add3A_974, %gather3A_984 : vector<16xf32>
      %lt3A_986 = arith.constant 0 : i32
      %lt3A_987 = vector.broadcast %lt3A_986 : i32 to vector<16xi32>
      %lt3A_988 = arith.cmpi slt, %xor3A_10, %lt3A_987 : vector<16xi32>
      %add3A_989 = arith.constant 16 : i32
      %add3A_990 = vector.broadcast %add3A_989 : i32 to vector<16xi32>
      %add3A_991 = arith.addi %xor3A_10, %add3A_990 : vector<16xi32>
      %select_n3A_992 = arith.select %lt3A_988, %add3A_991, %xor3A_10 : vector<16xi1>, vector<16xi32>
      %broadcast_in_dim3A_993 = vector.shape_cast %select_n3A_992 : vector<16xi32> to vector<16x1xi32>
      %gather3A_994 = vector.shape_cast %broadcast_in_dim3A_993 : vector<16x1xi32> to vector<16xi32>
      %gather3A_995 = tpu.dynamic_gather %add3A_985[%gather3A_994] in [0] : vector<16xf32>, vector<16xi32> -> vector<16xf32>
      %add3A_996 = arith.addf %add3A_985, %gather3A_995 : vector<16xf32>
      %lt3A_997 = arith.constant 0 : i32
      %lt3A_998 = vector.broadcast %lt3A_997 : i32 to vector<16xi32>
      %lt3A_999 = arith.cmpi slt, %xor3A_13, %lt3A_998 : vector<16xi32>
      %add3A_1000 = arith.constant 16 : i32
      %add3A_1001 = vector.broadcast %add3A_1000 : i32 to vector<16xi32>
      %add3A_1002 = arith.addi %xor3A_13, %add3A_1001 : vector<16xi32>
      %select_n3A_1003 = arith.select %lt3A_999, %add3A_1002, %xor3A_13 : vector<16xi1>, vector<16xi32>
      %broadcast_in_dim3A_1004 = vector.shape_cast %select_n3A_1003 : vector<16xi32> to vector<16x1xi32>
      %gather3A_1005 = vector.shape_cast %broadcast_in_dim3A_1004 : vector<16x1xi32> to vector<16xi32>
      %gather3A_1006 = tpu.dynamic_gather %add3A_996[%gather3A_1005] in [0] : vector<16xf32>, vector<16xi32> -> vector<16xf32>
      %add3A_1007 = arith.addf %add3A_996, %gather3A_1006 : vector<16xf32>
      %bitcast_convert_type3A_1008 = tpu.bitcast %add3A_1007 : vector<16xf32> -> vector<16xi32>
      %shift_right_logical3A_1009 = arith.constant 1 : i32
      %shift_right_logical3A_1010 = vector.broadcast %shift_right_logical3A_1009 : i32 to vector<16xi32>
      %shift_right_logical3A_1011 = arith.shrui %bitcast_convert_type3A_1008, %shift_right_logical3A_1010 : vector<16xi32>
      %sub3A_1012 = arith.constant 1597463007 : i32
      %sub3A_1013 = vector.broadcast %sub3A_1012 : i32 to vector<16xi32>
      %sub3A_1014 = arith.subi %sub3A_1013, %shift_right_logical3A_1011 : vector<16xi32>
      %bitcast_convert_type3A_1015 = tpu.bitcast %sub3A_1014 : vector<16xi32> -> vector<16xf32>
      %mul3A_1016 = arith.constant 5.000000e-01 : f32
      %mul3A_1017 = vector.broadcast %mul3A_1016 : f32 to vector<16xf32>
      %mul3A_1018 = arith.mulf %add3A_1007, %mul3A_1017 : vector<16xf32>
      %mul3A_1019 = arith.mulf %mul3A_1018, %bitcast_convert_type3A_1015 : vector<16xf32>
      %mul3A_1020 = arith.mulf %mul3A_1019, %bitcast_convert_type3A_1015 : vector<16xf32>
      %sub3A_1021 = arith.constant 1.500000e+00 : f32
      %sub3A_1022 = vector.broadcast %sub3A_1021 : f32 to vector<16xf32>
      %sub3A_1023 = arith.subf %sub3A_1022, %mul3A_1020 : vector<16xf32>
      %mul3A_1024 = arith.mulf %bitcast_convert_type3A_1015, %sub3A_1023 : vector<16xf32>
      %mul3A_1025 = arith.mulf %mul3A_1018, %mul3A_1024 : vector<16xf32>
      %mul3A_1026 = arith.mulf %mul3A_1025, %mul3A_1024 : vector<16xf32>
      %sub3A_1027 = arith.constant 1.500000e+00 : f32
      %sub3A_1028 = vector.broadcast %sub3A_1027 : f32 to vector<16xf32>
      %sub3A_1029 = arith.subf %sub3A_1028, %mul3A_1026 : vector<16xf32>
      %mul3A_1030 = arith.mulf %mul3A_1024, %sub3A_1029 : vector<16xf32>
      %mul3A_1031 = arith.mulf %mul3A_1018, %mul3A_1030 : vector<16xf32>
      %mul3A_1032 = arith.mulf %mul3A_1031, %mul3A_1030 : vector<16xf32>
      %sub3A_1033 = arith.constant 1.500000e+00 : f32
      %sub3A_1034 = vector.broadcast %sub3A_1033 : f32 to vector<16xf32>
      %sub3A_1035 = arith.subf %sub3A_1034, %mul3A_1032 : vector<16xf32>
      %mul3A_1036 = arith.mulf %mul3A_1030, %sub3A_1035 : vector<16xf32>
      %add3A_1037 = arith.constant 0 : i32
      %add3A_1038 = vector.broadcast %add3A_1037 : i32 to vector<16xi32>
      %add3A_1039 = arith.addi %iota3A, %add3A_1038 : vector<16xi32>
      %gather3A_1040 = arith.constant 1 : i32
      %gather3A_1041 = arith.constant 0 : i32
      %gather3A_1042 = arith.constant 0 : i32
      %gather3A_1043 = tpu.memref_slice %arg7[%gather3A_1040, %gather3A_1041, %gather3A_1042] : memref<8x64x128xf32, #tpu.memory_space<vmem>> -> memref<1x64x128xf32, #tpu.memory_space<vmem>>
      %gather3A_1044 = tpu.memref_squeeze %gather3A_1043 : memref<1x64x128xf32, #tpu.memory_space<vmem>> -> memref<64x128xf32, #tpu.memory_space<vmem>>
      %gather3A_1045 = tpu.vector_load_idx %gather3A_1044[%add3A_1039, %broadcast_in_dim3A_937] : memref<64x128xf32, #tpu.memory_space<vmem>>[vector<16xi32>, vector<16xi32>], vector<16xf32>,
      %mul3A_1046 = arith.mulf %gather3A_944, %mul3A_1036 : vector<16xf32>
      %add3A_1047 = arith.addf %gather3A_1045, %mul3A_1046 : vector<16xf32>
      tpu.vector_store_idx %arg8[%add3A_1039, %broadcast_in_dim3A_940], %add3A_1047 : memref<64x256xf32, #tpu.memory_space<vmem>>[vector<16xi32>, vector<16xi32>], vector<16xf32>,
      %add3A_1048 = arith.constant 16 : i32
      %add3A_1049 = vector.broadcast %add3A_1048 : i32 to vector<16xi32>
      %add3A_1050 = arith.addi %iota3A, %add3A_1049 : vector<16xi32>
      %gather3A_1051 = arith.constant 1 : i32
      %gather3A_1052 = arith.constant 0 : i32
      %gather3A_1053 = arith.constant 0 : i32
      %gather3A_1054 = tpu.memref_slice %arg7[%gather3A_1051, %gather3A_1052, %gather3A_1053] : memref<8x64x128xf32, #tpu.memory_space<vmem>> -> memref<1x64x128xf32, #tpu.memory_space<vmem>>
      %gather3A_1055 = tpu.memref_squeeze %gather3A_1054 : memref<1x64x128xf32, #tpu.memory_space<vmem>> -> memref<64x128xf32, #tpu.memory_space<vmem>>
      %gather3A_1056 = tpu.vector_load_idx %gather3A_1055[%add3A_1050, %broadcast_in_dim3A_937] : memref<64x128xf32, #tpu.memory_space<vmem>>[vector<16xi32>, vector<16xi32>], vector<16xf32>,
      %mul3A_1057 = arith.mulf %gather3A_948, %mul3A_1036 : vector<16xf32>
      %add3A_1058 = arith.addf %gather3A_1056, %mul3A_1057 : vector<16xf32>
      tpu.vector_store_idx %arg8[%add3A_1050, %broadcast_in_dim3A_940], %add3A_1058 : memref<64x256xf32, #tpu.memory_space<vmem>>[vector<16xi32>, vector<16xi32>], vector<16xf32>,
      %add3A_1059 = arith.constant 32 : i32
      %add3A_1060 = vector.broadcast %add3A_1059 : i32 to vector<16xi32>
      %add3A_1061 = arith.addi %iota3A, %add3A_1060 : vector<16xi32>
      %gather3A_1062 = arith.constant 1 : i32
      %gather3A_1063 = arith.constant 0 : i32
      %gather3A_1064 = arith.constant 0 : i32
      %gather3A_1065 = tpu.memref_slice %arg7[%gather3A_1062, %gather3A_1063, %gather3A_1064] : memref<8x64x128xf32, #tpu.memory_space<vmem>> -> memref<1x64x128xf32, #tpu.memory_space<vmem>>
      %gather3A_1066 = tpu.memref_squeeze %gather3A_1065 : memref<1x64x128xf32, #tpu.memory_space<vmem>> -> memref<64x128xf32, #tpu.memory_space<vmem>>
      %gather3A_1067 = tpu.vector_load_idx %gather3A_1066[%add3A_1061, %broadcast_in_dim3A_937] : memref<64x128xf32, #tpu.memory_space<vmem>>[vector<16xi32>, vector<16xi32>], vector<16xf32>,
      %mul3A_1068 = arith.mulf %gather3A_952, %mul3A_1036 : vector<16xf32>
      %add3A_1069 = arith.addf %gather3A_1067, %mul3A_1068 : vector<16xf32>
      tpu.vector_store_idx %arg8[%add3A_1061, %broadcast_in_dim3A_940], %add3A_1069 : memref<64x256xf32, #tpu.memory_space<vmem>>[vector<16xi32>, vector<16xi32>], vector<16xf32>,
      %add3A_1070 = arith.constant 48 : i32
      %add3A_1071 = vector.broadcast %add3A_1070 : i32 to vector<16xi32>
      %add3A_1072 = arith.addi %iota3A, %add3A_1071 : vector<16xi32>
      %gather3A_1073 = arith.constant 1 : i32
      %gather3A_1074 = arith.constant 0 : i32
      %gather3A_1075 = arith.constant 0 : i32
      %gather3A_1076 = tpu.memref_slice %arg7[%gather3A_1073, %gather3A_1074, %gather3A_1075] : memref<8x64x128xf32, #tpu.memory_space<vmem>> -> memref<1x64x128xf32, #tpu.memory_space<vmem>>
      %gather3A_1077 = tpu.memref_squeeze %gather3A_1076 : memref<1x64x128xf32, #tpu.memory_space<vmem>> -> memref<64x128xf32, #tpu.memory_space<vmem>>
      %gather3A_1078 = tpu.vector_load_idx %gather3A_1077[%add3A_1072, %broadcast_in_dim3A_937] : memref<64x128xf32, #tpu.memory_space<vmem>>[vector<16xi32>, vector<16xi32>], vector<16xf32>,
      %mul3A_1079 = arith.mulf %gather3A_956, %mul3A_1036 : vector<16xf32>
      %add3A_1080 = arith.addf %gather3A_1078, %mul3A_1079 : vector<16xf32>
      tpu.vector_store_idx %arg8[%add3A_1072, %broadcast_in_dim3A_940], %add3A_1080 : memref<64x256xf32, #tpu.memory_space<vmem>>[vector<16xi32>, vector<16xi32>], vector<16xf32>,
      %add3A_1081 = arith.constant 2 : i32
      %add3A_1082 = arith.addi %add3A_687, %add3A_1081 : i32
      %add3A_1083 = arith.constant 8 : i32
      %add3A_1084 = arith.addi %add3A_1082, %add3A_1083 : i32
      %sub3A_1085 = arith.constant 1 : i32
      %sub3A_1086 = arith.subi %add3A_1084, %sub3A_1085 : i32
      %lt3A_1087 = arith.constant 256 : i32
      %lt3A_1088 = arith.cmpi slt, %sub3A_1086, %lt3A_1087 : i32
      %convert_element_type3A_1089 = arith.extui %lt3A_1088 : i1 to i32
      %cond3A_1090 = arith.constant 0 : i32
      %cond3A_1091 = arith.cmpi ne, %convert_element_type3A_1089, %cond3A_1090 : i32
      scf.if %cond3A_1091 {
        %add3A_2275 = arith.constant 8 : i32
        %add3A_2276 = arith.addi %add3A_1082, %add3A_2275 : i32
        %sub3A_2277 = arith.constant 1 : i32
        %sub3A_2278 = arith.subi %add3A_2276, %sub3A_2277 : i32
        %shift_right_logical3A_2279 = arith.constant 4 : i32
        %shift_right_logical3A_2280 = arith.shrui %sub3A_2278, %shift_right_logical3A_2279 : i32
        %shift_right_logical3A_2281 = arith.constant 3 : i32
        %shift_right_logical3A_2282 = arith.shrui %shift_right_logical3A_2280, %shift_right_logical3A_2281 : i32
        %and3A_2283 = arith.constant 7 : i32
        %and3A_2284 = arith.andi %shift_right_logical3A_2280, %and3A_2283 : i32
        %mul3A_2285 = arith.constant 16 : i32
        %mul3A_2286 = arith.muli %and3A_2284, %mul3A_2285 : i32
        %multiple_of3A_2287 = tpu.assume_multiple %mul3A_2286, 16 : i32
        %get3A_2288 = arith.index_cast %shift_right_logical3A_2282 : i32 to index
        %get3A_2289 = arith.index_cast %multiple_of3A_2287 : i32 to index
        %get3A_2290 = tpu.vector_load %arg6[%get3A_2288, %get3A_2289] {strides = array<i32>} : memref<4x128xi32, #tpu.memory_space<vmem>>, vector<16xi32>,
        %and3A_2291 = arith.constant 15 : i32
        %and3A_2292 = arith.andi %sub3A_2278, %and3A_2291 : i32
        %broadcast_in_dim3A_2293 = vector.broadcast %and3A_2292 : i32 to vector<16xi32>
        %lt3A_2294 = arith.constant 0 : i32
        %lt3A_2295 = vector.broadcast %lt3A_2294 : i32 to vector<16xi32>
        %lt3A_2296 = arith.cmpi slt, %broadcast_in_dim3A_2293, %lt3A_2295 : vector<16xi32>
        %add3A_2297 = arith.constant 16 : i32
        %add3A_2298 = vector.broadcast %add3A_2297 : i32 to vector<16xi32>
        %add3A_2299 = arith.addi %broadcast_in_dim3A_2293, %add3A_2298 : vector<16xi32>
        %select_n3A_2300 = arith.select %lt3A_2296, %add3A_2299, %broadcast_in_dim3A_2293 : vector<16xi1>, vector<16xi32>
        %broadcast_in_dim3A_2301 = vector.shape_cast %select_n3A_2300 : vector<16xi32> to vector<16x1xi32>
        %gather3A_2302 = vector.shape_cast %broadcast_in_dim3A_2301 : vector<16x1xi32> to vector<16xi32>
        %gather3A_2303 = tpu.dynamic_gather %get3A_2290[%gather3A_2302] in [0] : vector<16xi32>, vector<16xi32> -> vector<16xi32>
        %slice3A_2304 = vector.extract_strided_slice %gather3A_2303 {offsets = [0], sizes = [1], strides = [1]} : vector<16xi32> to vector<1xi32>
        %squeeze3A_2305 = vector.extract %slice3A_2304[0] : i32 from vector<1xi32>
        %not3A_2306 = arith.constant 127 : i32
        %not3A_2307 = arith.constant -1 : i32
        %not3A_2308 = arith.xori %not3A_2306, %not3A_2307 : i32
        %and3A_2309 = arith.andi %squeeze3A_2305, %not3A_2308 : i32
        %multiple_of3A_2310 = tpu.assume_multiple %and3A_2309, 128 : i32
        %dma_start3A_2311 = arith.constant 1 : i32
        %dma_start3A_2312 = arith.constant 0 : i32
        %dma_start3A_2313 = arith.constant 0 : i32
        %dma_start3A_2314 = tpu.memref_slice %arg7[%dma_start3A_2311, %dma_start3A_2312, %dma_start3A_2313] : memref<8x64x128xf32, #tpu.memory_space<vmem>> -> memref<1x64x128xf32, #tpu.memory_space<vmem>>
        %dma_start3A_2315 = tpu.memref_squeeze %dma_start3A_2314 : memref<1x64x128xf32, #tpu.memory_space<vmem>> -> memref<64x128xf32, #tpu.memory_space<vmem>>
        %dma_start3A_2316 = arith.constant 0 : i32
        %dma_start3A_2317 = tpu.memref_slice %arg3[%dma_start3A_2316, %multiple_of3A_2310] : memref<64x1000000xf32, #tpu.memory_space<hbm>> -> memref<64x128xf32, #tpu.memory_space<hbm>>
        %dma_start3A_2318 = arith.constant 0 : i32
        %dma_start3A_2319 = arith.constant 0 : i32
        %dma_start3A_2320 = tpu.memref_slice %arg7[%dma_start3A_2311, %dma_start3A_2318, %dma_start3A_2319] : memref<8x64x128xf32, #tpu.memory_space<vmem>> -> memref<1x64x128xf32, #tpu.memory_space<vmem>>
        %dma_start3A_2321 = tpu.memref_squeeze %dma_start3A_2320 : memref<1x64x128xf32, #tpu.memory_space<vmem>> -> memref<64x128xf32, #tpu.memory_space<vmem>>
        %dma_start3A_2322 = arith.constant 0 : i32
        %dma_start3A_2323 = tpu.memref_slice %arg3[%dma_start3A_2322, %multiple_of3A_2310] : memref<64x1000000xf32, #tpu.memory_space<hbm>> -> memref<64x128xf32, #tpu.memory_space<hbm>>
        tpu.enqueue_dma source(%dma_start3A_2323 : memref<64x128xf32, #tpu.memory_space<hbm>>) target(%dma_start3A_2321 : memref<64x128xf32, #tpu.memory_space<vmem>>) target_semaphore(%arg11 : memref<!tpu.dma_semaphore, #tpu.memory_space<semaphore_mem>>)
      } else {
      }
      %dma_wait3A_1092 = arith.constant 2 : i32
      %dma_wait3A_1093 = arith.constant 0 : i32
      %dma_wait3A_1094 = arith.constant 0 : i32
      %dma_wait3A_1095 = tpu.memref_slice %arg7[%dma_wait3A_1092, %dma_wait3A_1093, %dma_wait3A_1094] : memref<8x64x128xf32, #tpu.memory_space<vmem>> -> memref<1x64x128xf32, #tpu.memory_space<vmem>>
      %dma_wait3A_1096 = tpu.memref_squeeze %dma_wait3A_1095 : memref<1x64x128xf32, #tpu.memory_space<vmem>> -> memref<64x128xf32, #tpu.memory_space<vmem>>
      %dma_wait3A_1097 = arith.constant 0 : i32
      %dma_wait3A_1098 = arith.constant 0 : i32
      %dma_wait3A_1099 = tpu.memref_slice %arg3[%dma_wait3A_1097, %dma_wait3A_1098] : memref<64x1000000xf32, #tpu.memory_space<hbm>> -> memref<64x128xf32, #tpu.memory_space<hbm>>
      %dma_wait3A_1100 = arith.constant 0 : i32
      %dma_wait3A_1101 = arith.constant 0 : i32
      %dma_wait3A_1102 = tpu.memref_slice %arg7[%dma_wait3A_1092, %dma_wait3A_1100, %dma_wait3A_1101] : memref<8x64x128xf32, #tpu.memory_space<vmem>> -> memref<1x64x128xf32, #tpu.memory_space<vmem>>
      %dma_wait3A_1103 = tpu.memref_squeeze %dma_wait3A_1102 : memref<1x64x128xf32, #tpu.memory_space<vmem>> -> memref<64x128xf32, #tpu.memory_space<vmem>>
      %dma_wait3A_1104 = arith.constant 0 : i32
      %dma_wait3A_1105 = arith.constant 0 : i32
      %dma_wait3A_1106 = tpu.memref_slice %arg3[%dma_wait3A_1104, %dma_wait3A_1105] : memref<64x1000000xf32, #tpu.memory_space<hbm>> -> memref<64x128xf32, #tpu.memory_space<hbm>>
      tpu.wait_dma2 semaphore(%arg12 : memref<!tpu.dma_semaphore, #tpu.memory_space<semaphore_mem>>) src(%dma_wait3A_1106 : memref<64x128xf32, #tpu.memory_space<hbm>>) dst(%dma_wait3A_1103 : memref<64x128xf32, #tpu.memory_space<vmem>>)
      %shift_right_logical3A_1107 = arith.constant 4 : i32
      %shift_right_logical3A_1108 = arith.shrui %add3A_1082, %shift_right_logical3A_1107 : i32
      %shift_right_logical3A_1109 = arith.constant 3 : i32
      %shift_right_logical3A_1110 = arith.shrui %shift_right_logical3A_1108, %shift_right_logical3A_1109 : i32
      %and3A_1111 = arith.constant 7 : i32
      %and3A_1112 = arith.andi %shift_right_logical3A_1108, %and3A_1111 : i32
      %mul3A_1113 = arith.constant 16 : i32
      %mul3A_1114 = arith.muli %and3A_1112, %mul3A_1113 : i32
      %multiple_of3A_1115 = tpu.assume_multiple %mul3A_1114, 16 : i32
      %get3A_1116 = arith.index_cast %shift_right_logical3A_1110 : i32 to index
      %get3A_1117 = arith.index_cast %multiple_of3A_1115 : i32 to index
      %get3A_1118 = tpu.vector_load %arg6[%get3A_1116, %get3A_1117] {strides = array<i32>} : memref<4x128xi32, #tpu.memory_space<vmem>>, vector<16xi32>,
      %and3A_1119 = arith.constant 15 : i32
      %and3A_1120 = arith.andi %add3A_1082, %and3A_1119 : i32
      %broadcast_in_dim3A_1121 = vector.broadcast %and3A_1120 : i32 to vector<16xi32>
      %lt3A_1122 = arith.constant 0 : i32
      %lt3A_1123 = vector.broadcast %lt3A_1122 : i32 to vector<16xi32>
      %lt3A_1124 = arith.cmpi slt, %broadcast_in_dim3A_1121, %lt3A_1123 : vector<16xi32>
      %add3A_1125 = arith.constant 16 : i32
      %add3A_1126 = vector.broadcast %add3A_1125 : i32 to vector<16xi32>
      %add3A_1127 = arith.addi %broadcast_in_dim3A_1121, %add3A_1126 : vector<16xi32>
      %select_n3A_1128 = arith.select %lt3A_1124, %add3A_1127, %broadcast_in_dim3A_1121 : vector<16xi1>, vector<16xi32>
      %broadcast_in_dim3A_1129 = vector.shape_cast %select_n3A_1128 : vector<16xi32> to vector<16x1xi32>
      %gather3A_1130 = vector.shape_cast %broadcast_in_dim3A_1129 : vector<16x1xi32> to vector<16xi32>
      %gather3A_1131 = tpu.dynamic_gather %get3A_1118[%gather3A_1130] in [0] : vector<16xi32>, vector<16xi32> -> vector<16xi32>
      %slice3A_1132 = vector.extract_strided_slice %gather3A_1131 {offsets = [0], sizes = [1], strides = [1]} : vector<16xi32> to vector<1xi32>
      %squeeze3A_1133 = vector.extract %slice3A_1132[0] : i32 from vector<1xi32>
      %and3A_1134 = arith.constant 127 : i32
      %and3A_1135 = arith.andi %squeeze3A_1133, %and3A_1134 : i32
      %broadcast_in_dim3A_1136 = vector.broadcast %and3A_1135 : i32 to vector<16xi32>
      %and3A_1137 = arith.constant 255 : i32
      %and3A_1138 = arith.andi %add3A_1082, %and3A_1137 : i32
      %broadcast_in_dim3A_1139 = vector.broadcast %and3A_1138 : i32 to vector<16xi32>
      %add3A_1140 = arith.constant 0 : i32
      %add3A_1141 = vector.broadcast %add3A_1140 : i32 to vector<16xi32>
      %add3A_1142 = arith.addi %iota3A, %add3A_1141 : vector<16xi32>
      %gather3A_1143 = tpu.vector_load_idx %arg9[%add3A_1142, %broadcast_in_dim3A_1139] : memref<64x256xf32, #tpu.memory_space<vmem>>[vector<16xi32>, vector<16xi32>], vector<16xf32>,
      %add3A_1144 = arith.constant 16 : i32
      %add3A_1145 = vector.broadcast %add3A_1144 : i32 to vector<16xi32>
      %add3A_1146 = arith.addi %iota3A, %add3A_1145 : vector<16xi32>
      %gather3A_1147 = tpu.vector_load_idx %arg9[%add3A_1146, %broadcast_in_dim3A_1139] : memref<64x256xf32, #tpu.memory_space<vmem>>[vector<16xi32>, vector<16xi32>], vector<16xf32>,
      %add3A_1148 = arith.constant 32 : i32
      %add3A_1149 = vector.broadcast %add3A_1148 : i32 to vector<16xi32>
      %add3A_1150 = arith.addi %iota3A, %add3A_1149 : vector<16xi32>
      %gather3A_1151 = tpu.vector_load_idx %arg9[%add3A_1150, %broadcast_in_dim3A_1139] : memref<64x256xf32, #tpu.memory_space<vmem>>[vector<16xi32>, vector<16xi32>], vector<16xf32>,
      %add3A_1152 = arith.constant 48 : i32
      %add3A_1153 = vector.broadcast %add3A_1152 : i32 to vector<16xi32>
      %add3A_1154 = arith.addi %iota3A, %add3A_1153 : vector<16xi32>
      %gather3A_1155 = tpu.vector_load_idx %arg9[%add3A_1154, %broadcast_in_dim3A_1139] : memref<64x256xf32, #tpu.memory_space<vmem>>[vector<16xi32>, vector<16xi32>], vector<16xf32>,
      %mul3A_1156 = arith.mulf %gather3A_1143, %gather3A_1143 : vector<16xf32>
      %mul3A_1157 = arith.mulf %gather3A_1147, %gather3A_1147 : vector<16xf32>
      %add3A_1158 = arith.addf %mul3A_1156, %mul3A_1157 : vector<16xf32>
      %mul3A_1159 = arith.mulf %gather3A_1151, %gather3A_1151 : vector<16xf32>
      %add3A_1160 = arith.addf %add3A_1158, %mul3A_1159 : vector<16xf32>
      %mul3A_1161 = arith.mulf %gather3A_1155, %gather3A_1155 : vector<16xf32>
      %add3A_1162 = arith.addf %add3A_1160, %mul3A_1161 : vector<16xf32>
      %lt3A_1163 = arith.constant 0 : i32
      %lt3A_1164 = vector.broadcast %lt3A_1163 : i32 to vector<16xi32>
      %lt3A_1165 = arith.cmpi slt, %xor3A_4, %lt3A_1164 : vector<16xi32>
      %add3A_1166 = arith.constant 16 : i32
      %add3A_1167 = vector.broadcast %add3A_1166 : i32 to vector<16xi32>
      %add3A_1168 = arith.addi %xor3A_4, %add3A_1167 : vector<16xi32>
      %select_n3A_1169 = arith.select %lt3A_1165, %add3A_1168, %xor3A_4 : vector<16xi1>, vector<16xi32>
      %broadcast_in_dim3A_1170 = vector.shape_cast %select_n3A_1169 : vector<16xi32> to vector<16x1xi32>
      %gather3A_1171 = vector.shape_cast %broadcast_in_dim3A_1170 : vector<16x1xi32> to vector<16xi32>
      %gather3A_1172 = tpu.dynamic_gather %add3A_1162[%gather3A_1171] in [0] : vector<16xf32>, vector<16xi32> -> vector<16xf32>
      %add3A_1173 = arith.addf %add3A_1162, %gather3A_1172 : vector<16xf32>
      %lt3A_1174 = arith.constant 0 : i32
      %lt3A_1175 = vector.broadcast %lt3A_1174 : i32 to vector<16xi32>
      %lt3A_1176 = arith.cmpi slt, %xor3A_7, %lt3A_1175 : vector<16xi32>
      %add3A_1177 = arith.constant 16 : i32
      %add3A_1178 = vector.broadcast %add3A_1177 : i32 to vector<16xi32>
      %add3A_1179 = arith.addi %xor3A_7, %add3A_1178 : vector<16xi32>
      %select_n3A_1180 = arith.select %lt3A_1176, %add3A_1179, %xor3A_7 : vector<16xi1>, vector<16xi32>
      %broadcast_in_dim3A_1181 = vector.shape_cast %select_n3A_1180 : vector<16xi32> to vector<16x1xi32>
      %gather3A_1182 = vector.shape_cast %broadcast_in_dim3A_1181 : vector<16x1xi32> to vector<16xi32>
      %gather3A_1183 = tpu.dynamic_gather %add3A_1173[%gather3A_1182] in [0] : vector<16xf32>, vector<16xi32> -> vector<16xf32>
      %add3A_1184 = arith.addf %add3A_1173, %gather3A_1183 : vector<16xf32>
      %lt3A_1185 = arith.constant 0 : i32
      %lt3A_1186 = vector.broadcast %lt3A_1185 : i32 to vector<16xi32>
      %lt3A_1187 = arith.cmpi slt, %xor3A_10, %lt3A_1186 : vector<16xi32>
      %add3A_1188 = arith.constant 16 : i32
      %add3A_1189 = vector.broadcast %add3A_1188 : i32 to vector<16xi32>
      %add3A_1190 = arith.addi %xor3A_10, %add3A_1189 : vector<16xi32>
      %select_n3A_1191 = arith.select %lt3A_1187, %add3A_1190, %xor3A_10 : vector<16xi1>, vector<16xi32>
      %broadcast_in_dim3A_1192 = vector.shape_cast %select_n3A_1191 : vector<16xi32> to vector<16x1xi32>
      %gather3A_1193 = vector.shape_cast %broadcast_in_dim3A_1192 : vector<16x1xi32> to vector<16xi32>
      %gather3A_1194 = tpu.dynamic_gather %add3A_1184[%gather3A_1193] in [0] : vector<16xf32>, vector<16xi32> -> vector<16xf32>
      %add3A_1195 = arith.addf %add3A_1184, %gather3A_1194 : vector<16xf32>
      %lt3A_1196 = arith.constant 0 : i32
      %lt3A_1197 = vector.broadcast %lt3A_1196 : i32 to vector<16xi32>
      %lt3A_1198 = arith.cmpi slt, %xor3A_13, %lt3A_1197 : vector<16xi32>
      %add3A_1199 = arith.constant 16 : i32
      %add3A_1200 = vector.broadcast %add3A_1199 : i32 to vector<16xi32>
      %add3A_1201 = arith.addi %xor3A_13, %add3A_1200 : vector<16xi32>
      %select_n3A_1202 = arith.select %lt3A_1198, %add3A_1201, %xor3A_13 : vector<16xi1>, vector<16xi32>
      %broadcast_in_dim3A_1203 = vector.shape_cast %select_n3A_1202 : vector<16xi32> to vector<16x1xi32>
      %gather3A_1204 = vector.shape_cast %broadcast_in_dim3A_1203 : vector<16x1xi32> to vector<16xi32>
      %gather3A_1205 = tpu.dynamic_gather %add3A_1195[%gather3A_1204] in [0] : vector<16xf32>, vector<16xi32> -> vector<16xf32>
      %add3A_1206 = arith.addf %add3A_1195, %gather3A_1205 : vector<16xf32>
      %bitcast_convert_type3A_1207 = tpu.bitcast %add3A_1206 : vector<16xf32> -> vector<16xi32>
      %shift_right_logical3A_1208 = arith.constant 1 : i32
      %shift_right_logical3A_1209 = vector.broadcast %shift_right_logical3A_1208 : i32 to vector<16xi32>
      %shift_right_logical3A_1210 = arith.shrui %bitcast_convert_type3A_1207, %shift_right_logical3A_1209 : vector<16xi32>
      %sub3A_1211 = arith.constant 1597463007 : i32
      %sub3A_1212 = vector.broadcast %sub3A_1211 : i32 to vector<16xi32>
      %sub3A_1213 = arith.subi %sub3A_1212, %shift_right_logical3A_1210 : vector<16xi32>
      %bitcast_convert_type3A_1214 = tpu.bitcast %sub3A_1213 : vector<16xi32> -> vector<16xf32>
      %mul3A_1215 = arith.constant 5.000000e-01 : f32
      %mul3A_1216 = vector.broadcast %mul3A_1215 : f32 to vector<16xf32>
      %mul3A_1217 = arith.mulf %add3A_1206, %mul3A_1216 : vector<16xf32>
      %mul3A_1218 = arith.mulf %mul3A_1217, %bitcast_convert_type3A_1214 : vector<16xf32>
      %mul3A_1219 = arith.mulf %mul3A_1218, %bitcast_convert_type3A_1214 : vector<16xf32>
      %sub3A_1220 = arith.constant 1.500000e+00 : f32
      %sub3A_1221 = vector.broadcast %sub3A_1220 : f32 to vector<16xf32>
      %sub3A_1222 = arith.subf %sub3A_1221, %mul3A_1219 : vector<16xf32>
      %mul3A_1223 = arith.mulf %bitcast_convert_type3A_1214, %sub3A_1222 : vector<16xf32>
      %mul3A_1224 = arith.mulf %mul3A_1217, %mul3A_1223 : vector<16xf32>
      %mul3A_1225 = arith.mulf %mul3A_1224, %mul3A_1223 : vector<16xf32>
      %sub3A_1226 = arith.constant 1.500000e+00 : f32
      %sub3A_1227 = vector.broadcast %sub3A_1226 : f32 to vector<16xf32>
      %sub3A_1228 = arith.subf %sub3A_1227, %mul3A_1225 : vector<16xf32>
      %mul3A_1229 = arith.mulf %mul3A_1223, %sub3A_1228 : vector<16xf32>
      %mul3A_1230 = arith.mulf %mul3A_1217, %mul3A_1229 : vector<16xf32>
      %mul3A_1231 = arith.mulf %mul3A_1230, %mul3A_1229 : vector<16xf32>
      %sub3A_1232 = arith.constant 1.500000e+00 : f32
      %sub3A_1233 = vector.broadcast %sub3A_1232 : f32 to vector<16xf32>
      %sub3A_1234 = arith.subf %sub3A_1233, %mul3A_1231 : vector<16xf32>
      %mul3A_1235 = arith.mulf %mul3A_1229, %sub3A_1234 : vector<16xf32>
      %add3A_1236 = arith.constant 0 : i32
      %add3A_1237 = vector.broadcast %add3A_1236 : i32 to vector<16xi32>
      %add3A_1238 = arith.addi %iota3A, %add3A_1237 : vector<16xi32>
      %gather3A_1239 = arith.constant 2 : i32
      %gather3A_1240 = arith.constant 0 : i32
      %gather3A_1241 = arith.constant 0 : i32
      %gather3A_1242 = tpu.memref_slice %arg7[%gather3A_1239, %gather3A_1240, %gather3A_1241] : memref<8x64x128xf32, #tpu.memory_space<vmem>> -> memref<1x64x128xf32, #tpu.memory_space<vmem>>
      %gather3A_1243 = tpu.memref_squeeze %gather3A_1242 : memref<1x64x128xf32, #tpu.memory_space<vmem>> -> memref<64x128xf32, #tpu.memory_space<vmem>>
      %gather3A_1244 = tpu.vector_load_idx %gather3A_1243[%add3A_1238, %broadcast_in_dim3A_1136] : memref<64x128xf32, #tpu.memory_space<vmem>>[vector<16xi32>, vector<16xi32>], vector<16xf32>,
      %mul3A_1245 = arith.mulf %gather3A_1143, %mul3A_1235 : vector<16xf32>
      %add3A_1246 = arith.addf %gather3A_1244, %mul3A_1245 : vector<16xf32>
      tpu.vector_store_idx %arg8[%add3A_1238, %broadcast_in_dim3A_1139], %add3A_1246 : memref<64x256xf32, #tpu.memory_space<vmem>>[vector<16xi32>, vector<16xi32>], vector<16xf32>,
      %add3A_1247 = arith.constant 16 : i32
      %add3A_1248 = vector.broadcast %add3A_1247 : i32 to vector<16xi32>
      %add3A_1249 = arith.addi %iota3A, %add3A_1248 : vector<16xi32>
      %gather3A_1250 = arith.constant 2 : i32
      %gather3A_1251 = arith.constant 0 : i32
      %gather3A_1252 = arith.constant 0 : i32
      %gather3A_1253 = tpu.memref_slice %arg7[%gather3A_1250, %gather3A_1251, %gather3A_1252] : memref<8x64x128xf32, #tpu.memory_space<vmem>> -> memref<1x64x128xf32, #tpu.memory_space<vmem>>
      %gather3A_1254 = tpu.memref_squeeze %gather3A_1253 : memref<1x64x128xf32, #tpu.memory_space<vmem>> -> memref<64x128xf32, #tpu.memory_space<vmem>>
      %gather3A_1255 = tpu.vector_load_idx %gather3A_1254[%add3A_1249, %broadcast_in_dim3A_1136] : memref<64x128xf32, #tpu.memory_space<vmem>>[vector<16xi32>, vector<16xi32>], vector<16xf32>,
      %mul3A_1256 = arith.mulf %gather3A_1147, %mul3A_1235 : vector<16xf32>
      %add3A_1257 = arith.addf %gather3A_1255, %mul3A_1256 : vector<16xf32>
      tpu.vector_store_idx %arg8[%add3A_1249, %broadcast_in_dim3A_1139], %add3A_1257 : memref<64x256xf32, #tpu.memory_space<vmem>>[vector<16xi32>, vector<16xi32>], vector<16xf32>,
      %add3A_1258 = arith.constant 32 : i32
      %add3A_1259 = vector.broadcast %add3A_1258 : i32 to vector<16xi32>
      %add3A_1260 = arith.addi %iota3A, %add3A_1259 : vector<16xi32>
      %gather3A_1261 = arith.constant 2 : i32
      %gather3A_1262 = arith.constant 0 : i32
      %gather3A_1263 = arith.constant 0 : i32
      %gather3A_1264 = tpu.memref_slice %arg7[%gather3A_1261, %gather3A_1262, %gather3A_1263] : memref<8x64x128xf32, #tpu.memory_space<vmem>> -> memref<1x64x128xf32, #tpu.memory_space<vmem>>
      %gather3A_1265 = tpu.memref_squeeze %gather3A_1264 : memref<1x64x128xf32, #tpu.memory_space<vmem>> -> memref<64x128xf32, #tpu.memory_space<vmem>>
      %gather3A_1266 = tpu.vector_load_idx %gather3A_1265[%add3A_1260, %broadcast_in_dim3A_1136] : memref<64x128xf32, #tpu.memory_space<vmem>>[vector<16xi32>, vector<16xi32>], vector<16xf32>,
      %mul3A_1267 = arith.mulf %gather3A_1151, %mul3A_1235 : vector<16xf32>
      %add3A_1268 = arith.addf %gather3A_1266, %mul3A_1267 : vector<16xf32>
      tpu.vector_store_idx %arg8[%add3A_1260, %broadcast_in_dim3A_1139], %add3A_1268 : memref<64x256xf32, #tpu.memory_space<vmem>>[vector<16xi32>, vector<16xi32>], vector<16xf32>,
      %add3A_1269 = arith.constant 48 : i32
      %add3A_1270 = vector.broadcast %add3A_1269 : i32 to vector<16xi32>
      %add3A_1271 = arith.addi %iota3A, %add3A_1270 : vector<16xi32>
      %gather3A_1272 = arith.constant 2 : i32
      %gather3A_1273 = arith.constant 0 : i32
      %gather3A_1274 = arith.constant 0 : i32
      %gather3A_1275 = tpu.memref_slice %arg7[%gather3A_1272, %gather3A_1273, %gather3A_1274] : memref<8x64x128xf32, #tpu.memory_space<vmem>> -> memref<1x64x128xf32, #tpu.memory_space<vmem>>
      %gather3A_1276 = tpu.memref_squeeze %gather3A_1275 : memref<1x64x128xf32, #tpu.memory_space<vmem>> -> memref<64x128xf32, #tpu.memory_space<vmem>>
      %gather3A_1277 = tpu.vector_load_idx %gather3A_1276[%add3A_1271, %broadcast_in_dim3A_1136] : memref<64x128xf32, #tpu.memory_space<vmem>>[vector<16xi32>, vector<16xi32>], vector<16xf32>,
      %mul3A_1278 = arith.mulf %gather3A_1155, %mul3A_1235 : vector<16xf32>
      %add3A_1279 = arith.addf %gather3A_1277, %mul3A_1278 : vector<16xf32>
      tpu.vector_store_idx %arg8[%add3A_1271, %broadcast_in_dim3A_1139], %add3A_1279 : memref<64x256xf32, #tpu.memory_space<vmem>>[vector<16xi32>, vector<16xi32>], vector<16xf32>,
      %add3A_1280 = arith.constant 3 : i32
      %add3A_1281 = arith.addi %add3A_687, %add3A_1280 : i32
      %add3A_1282 = arith.constant 8 : i32
      %add3A_1283 = arith.addi %add3A_1281, %add3A_1282 : i32
      %sub3A_1284 = arith.constant 1 : i32
      %sub3A_1285 = arith.subi %add3A_1283, %sub3A_1284 : i32
      %lt3A_1286 = arith.constant 256 : i32
      %lt3A_1287 = arith.cmpi slt, %sub3A_1285, %lt3A_1286 : i32
      %convert_element_type3A_1288 = arith.extui %lt3A_1287 : i1 to i32
      %cond3A_1289 = arith.constant 0 : i32
      %cond3A_1290 = arith.cmpi ne, %convert_element_type3A_1288, %cond3A_1289 : i32
      scf.if %cond3A_1290 {
        %add3A_2275 = arith.constant 8 : i32
        %add3A_2276 = arith.addi %add3A_1281, %add3A_2275 : i32
        %sub3A_2277 = arith.constant 1 : i32
        %sub3A_2278 = arith.subi %add3A_2276, %sub3A_2277 : i32
        %shift_right_logical3A_2279 = arith.constant 4 : i32
        %shift_right_logical3A_2280 = arith.shrui %sub3A_2278, %shift_right_logical3A_2279 : i32
        %shift_right_logical3A_2281 = arith.constant 3 : i32
        %shift_right_logical3A_2282 = arith.shrui %shift_right_logical3A_2280, %shift_right_logical3A_2281 : i32
        %and3A_2283 = arith.constant 7 : i32
        %and3A_2284 = arith.andi %shift_right_logical3A_2280, %and3A_2283 : i32
        %mul3A_2285 = arith.constant 16 : i32
        %mul3A_2286 = arith.muli %and3A_2284, %mul3A_2285 : i32
        %multiple_of3A_2287 = tpu.assume_multiple %mul3A_2286, 16 : i32
        %get3A_2288 = arith.index_cast %shift_right_logical3A_2282 : i32 to index
        %get3A_2289 = arith.index_cast %multiple_of3A_2287 : i32 to index
        %get3A_2290 = tpu.vector_load %arg6[%get3A_2288, %get3A_2289] {strides = array<i32>} : memref<4x128xi32, #tpu.memory_space<vmem>>, vector<16xi32>,
        %and3A_2291 = arith.constant 15 : i32
        %and3A_2292 = arith.andi %sub3A_2278, %and3A_2291 : i32
        %broadcast_in_dim3A_2293 = vector.broadcast %and3A_2292 : i32 to vector<16xi32>
        %lt3A_2294 = arith.constant 0 : i32
        %lt3A_2295 = vector.broadcast %lt3A_2294 : i32 to vector<16xi32>
        %lt3A_2296 = arith.cmpi slt, %broadcast_in_dim3A_2293, %lt3A_2295 : vector<16xi32>
        %add3A_2297 = arith.constant 16 : i32
        %add3A_2298 = vector.broadcast %add3A_2297 : i32 to vector<16xi32>
        %add3A_2299 = arith.addi %broadcast_in_dim3A_2293, %add3A_2298 : vector<16xi32>
        %select_n3A_2300 = arith.select %lt3A_2296, %add3A_2299, %broadcast_in_dim3A_2293 : vector<16xi1>, vector<16xi32>
        %broadcast_in_dim3A_2301 = vector.shape_cast %select_n3A_2300 : vector<16xi32> to vector<16x1xi32>
        %gather3A_2302 = vector.shape_cast %broadcast_in_dim3A_2301 : vector<16x1xi32> to vector<16xi32>
        %gather3A_2303 = tpu.dynamic_gather %get3A_2290[%gather3A_2302] in [0] : vector<16xi32>, vector<16xi32> -> vector<16xi32>
        %slice3A_2304 = vector.extract_strided_slice %gather3A_2303 {offsets = [0], sizes = [1], strides = [1]} : vector<16xi32> to vector<1xi32>
        %squeeze3A_2305 = vector.extract %slice3A_2304[0] : i32 from vector<1xi32>
        %not3A_2306 = arith.constant 127 : i32
        %not3A_2307 = arith.constant -1 : i32
        %not3A_2308 = arith.xori %not3A_2306, %not3A_2307 : i32
        %and3A_2309 = arith.andi %squeeze3A_2305, %not3A_2308 : i32
        %multiple_of3A_2310 = tpu.assume_multiple %and3A_2309, 128 : i32
        %dma_start3A_2311 = arith.constant 2 : i32
        %dma_start3A_2312 = arith.constant 0 : i32
        %dma_start3A_2313 = arith.constant 0 : i32
        %dma_start3A_2314 = tpu.memref_slice %arg7[%dma_start3A_2311, %dma_start3A_2312, %dma_start3A_2313] : memref<8x64x128xf32, #tpu.memory_space<vmem>> -> memref<1x64x128xf32, #tpu.memory_space<vmem>>
        %dma_start3A_2315 = tpu.memref_squeeze %dma_start3A_2314 : memref<1x64x128xf32, #tpu.memory_space<vmem>> -> memref<64x128xf32, #tpu.memory_space<vmem>>
        %dma_start3A_2316 = arith.constant 0 : i32
        %dma_start3A_2317 = tpu.memref_slice %arg3[%dma_start3A_2316, %multiple_of3A_2310] : memref<64x1000000xf32, #tpu.memory_space<hbm>> -> memref<64x128xf32, #tpu.memory_space<hbm>>
        %dma_start3A_2318 = arith.constant 0 : i32
        %dma_start3A_2319 = arith.constant 0 : i32
        %dma_start3A_2320 = tpu.memref_slice %arg7[%dma_start3A_2311, %dma_start3A_2318, %dma_start3A_2319] : memref<8x64x128xf32, #tpu.memory_space<vmem>> -> memref<1x64x128xf32, #tpu.memory_space<vmem>>
        %dma_start3A_2321 = tpu.memref_squeeze %dma_start3A_2320 : memref<1x64x128xf32, #tpu.memory_space<vmem>> -> memref<64x128xf32, #tpu.memory_space<vmem>>
        %dma_start3A_2322 = arith.constant 0 : i32
        %dma_start3A_2323 = tpu.memref_slice %arg3[%dma_start3A_2322, %multiple_of3A_2310] : memref<64x1000000xf32, #tpu.memory_space<hbm>> -> memref<64x128xf32, #tpu.memory_space<hbm>>
        tpu.enqueue_dma source(%dma_start3A_2323 : memref<64x128xf32, #tpu.memory_space<hbm>>) target(%dma_start3A_2321 : memref<64x128xf32, #tpu.memory_space<vmem>>) target_semaphore(%arg12 : memref<!tpu.dma_semaphore, #tpu.memory_space<semaphore_mem>>)
      } else {
      }
      %dma_wait3A_1291 = arith.constant 3 : i32
      %dma_wait3A_1292 = arith.constant 0 : i32
      %dma_wait3A_1293 = arith.constant 0 : i32
      %dma_wait3A_1294 = tpu.memref_slice %arg7[%dma_wait3A_1291, %dma_wait3A_1292, %dma_wait3A_1293] : memref<8x64x128xf32, #tpu.memory_space<vmem>> -> memref<1x64x128xf32, #tpu.memory_space<vmem>>
      %dma_wait3A_1295 = tpu.memref_squeeze %dma_wait3A_1294 : memref<1x64x128xf32, #tpu.memory_space<vmem>> -> memref<64x128xf32, #tpu.memory_space<vmem>>
      %dma_wait3A_1296 = arith.constant 0 : i32
      %dma_wait3A_1297 = arith.constant 0 : i32
      %dma_wait3A_1298 = tpu.memref_slice %arg3[%dma_wait3A_1296, %dma_wait3A_1297] : memref<64x1000000xf32, #tpu.memory_space<hbm>> -> memref<64x128xf32, #tpu.memory_space<hbm>>
      %dma_wait3A_1299 = arith.constant 0 : i32
      %dma_wait3A_1300 = arith.constant 0 : i32
      %dma_wait3A_1301 = tpu.memref_slice %arg7[%dma_wait3A_1291, %dma_wait3A_1299, %dma_wait3A_1300] : memref<8x64x128xf32, #tpu.memory_space<vmem>> -> memref<1x64x128xf32, #tpu.memory_space<vmem>>
      %dma_wait3A_1302 = tpu.memref_squeeze %dma_wait3A_1301 : memref<1x64x128xf32, #tpu.memory_space<vmem>> -> memref<64x128xf32, #tpu.memory_space<vmem>>
      %dma_wait3A_1303 = arith.constant 0 : i32
      %dma_wait3A_1304 = arith.constant 0 : i32
      %dma_wait3A_1305 = tpu.memref_slice %arg3[%dma_wait3A_1303, %dma_wait3A_1304] : memref<64x1000000xf32, #tpu.memory_space<hbm>> -> memref<64x128xf32, #tpu.memory_space<hbm>>
      tpu.wait_dma2 semaphore(%arg13 : memref<!tpu.dma_semaphore, #tpu.memory_space<semaphore_mem>>) src(%dma_wait3A_1305 : memref<64x128xf32, #tpu.memory_space<hbm>>) dst(%dma_wait3A_1302 : memref<64x128xf32, #tpu.memory_space<vmem>>)
      %shift_right_logical3A_1306 = arith.constant 4 : i32
      %shift_right_logical3A_1307 = arith.shrui %add3A_1281, %shift_right_logical3A_1306 : i32
      %shift_right_logical3A_1308 = arith.constant 3 : i32
      %shift_right_logical3A_1309 = arith.shrui %shift_right_logical3A_1307, %shift_right_logical3A_1308 : i32
      %and3A_1310 = arith.constant 7 : i32
      %and3A_1311 = arith.andi %shift_right_logical3A_1307, %and3A_1310 : i32
      %mul3A_1312 = arith.constant 16 : i32
      %mul3A_1313 = arith.muli %and3A_1311, %mul3A_1312 : i32
      %multiple_of3A_1314 = tpu.assume_multiple %mul3A_1313, 16 : i32
      %get3A_1315 = arith.index_cast %shift_right_logical3A_1309 : i32 to index
      %get3A_1316 = arith.index_cast %multiple_of3A_1314 : i32 to index
      %get3A_1317 = tpu.vector_load %arg6[%get3A_1315, %get3A_1316] {strides = array<i32>} : memref<4x128xi32, #tpu.memory_space<vmem>>, vector<16xi32>,
      %and3A_1318 = arith.constant 15 : i32
      %and3A_1319 = arith.andi %add3A_1281, %and3A_1318 : i32
      %broadcast_in_dim3A_1320 = vector.broadcast %and3A_1319 : i32 to vector<16xi32>
      %lt3A_1321 = arith.constant 0 : i32
      %lt3A_1322 = vector.broadcast %lt3A_1321 : i32 to vector<16xi32>
      %lt3A_1323 = arith.cmpi slt, %broadcast_in_dim3A_1320, %lt3A_1322 : vector<16xi32>
      %add3A_1324 = arith.constant 16 : i32
      %add3A_1325 = vector.broadcast %add3A_1324 : i32 to vector<16xi32>
      %add3A_1326 = arith.addi %broadcast_in_dim3A_1320, %add3A_1325 : vector<16xi32>
      %select_n3A_1327 = arith.select %lt3A_1323, %add3A_1326, %broadcast_in_dim3A_1320 : vector<16xi1>, vector<16xi32>
      %broadcast_in_dim3A_1328 = vector.shape_cast %select_n3A_1327 : vector<16xi32> to vector<16x1xi32>
      %gather3A_1329 = vector.shape_cast %broadcast_in_dim3A_1328 : vector<16x1xi32> to vector<16xi32>
      %gather3A_1330 = tpu.dynamic_gather %get3A_1317[%gather3A_1329] in [0] : vector<16xi32>, vector<16xi32> -> vector<16xi32>
      %slice3A_1331 = vector.extract_strided_slice %gather3A_1330 {offsets = [0], sizes = [1], strides = [1]} : vector<16xi32> to vector<1xi32>
      %squeeze3A_1332 = vector.extract %slice3A_1331[0] : i32 from vector<1xi32>
      %and3A_1333 = arith.constant 127 : i32
      %and3A_1334 = arith.andi %squeeze3A_1332, %and3A_1333 : i32
      %broadcast_in_dim3A_1335 = vector.broadcast %and3A_1334 : i32 to vector<16xi32>
      %and3A_1336 = arith.constant 255 : i32
      %and3A_1337 = arith.andi %add3A_1281, %and3A_1336 : i32
      %broadcast_in_dim3A_1338 = vector.broadcast %and3A_1337 : i32 to vector<16xi32>
      %add3A_1339 = arith.constant 0 : i32
      %add3A_1340 = vector.broadcast %add3A_1339 : i32 to vector<16xi32>
      %add3A_1341 = arith.addi %iota3A, %add3A_1340 : vector<16xi32>
      %gather3A_1342 = tpu.vector_load_idx %arg9[%add3A_1341, %broadcast_in_dim3A_1338] : memref<64x256xf32, #tpu.memory_space<vmem>>[vector<16xi32>, vector<16xi32>], vector<16xf32>,
      %add3A_1343 = arith.constant 16 : i32
      %add3A_1344 = vector.broadcast %add3A_1343 : i32 to vector<16xi32>
      %add3A_1345 = arith.addi %iota3A, %add3A_1344 : vector<16xi32>
      %gather3A_1346 = tpu.vector_load_idx %arg9[%add3A_1345, %broadcast_in_dim3A_1338] : memref<64x256xf32, #tpu.memory_space<vmem>>[vector<16xi32>, vector<16xi32>], vector<16xf32>,
      %add3A_1347 = arith.constant 32 : i32
      %add3A_1348 = vector.broadcast %add3A_1347 : i32 to vector<16xi32>
      %add3A_1349 = arith.addi %iota3A, %add3A_1348 : vector<16xi32>
      %gather3A_1350 = tpu.vector_load_idx %arg9[%add3A_1349, %broadcast_in_dim3A_1338] : memref<64x256xf32, #tpu.memory_space<vmem>>[vector<16xi32>, vector<16xi32>], vector<16xf32>,
      %add3A_1351 = arith.constant 48 : i32
      %add3A_1352 = vector.broadcast %add3A_1351 : i32 to vector<16xi32>
      %add3A_1353 = arith.addi %iota3A, %add3A_1352 : vector<16xi32>
      %gather3A_1354 = tpu.vector_load_idx %arg9[%add3A_1353, %broadcast_in_dim3A_1338] : memref<64x256xf32, #tpu.memory_space<vmem>>[vector<16xi32>, vector<16xi32>], vector<16xf32>,
      %mul3A_1355 = arith.mulf %gather3A_1342, %gather3A_1342 : vector<16xf32>
      %mul3A_1356 = arith.mulf %gather3A_1346, %gather3A_1346 : vector<16xf32>
      %add3A_1357 = arith.addf %mul3A_1355, %mul3A_1356 : vector<16xf32>
      %mul3A_1358 = arith.mulf %gather3A_1350, %gather3A_1350 : vector<16xf32>
      %add3A_1359 = arith.addf %add3A_1357, %mul3A_1358 : vector<16xf32>
      %mul3A_1360 = arith.mulf %gather3A_1354, %gather3A_1354 : vector<16xf32>
      %add3A_1361 = arith.addf %add3A_1359, %mul3A_1360 : vector<16xf32>
      %lt3A_1362 = arith.constant 0 : i32
      %lt3A_1363 = vector.broadcast %lt3A_1362 : i32 to vector<16xi32>
      %lt3A_1364 = arith.cmpi slt, %xor3A_4, %lt3A_1363 : vector<16xi32>
      %add3A_1365 = arith.constant 16 : i32
      %add3A_1366 = vector.broadcast %add3A_1365 : i32 to vector<16xi32>
      %add3A_1367 = arith.addi %xor3A_4, %add3A_1366 : vector<16xi32>
      %select_n3A_1368 = arith.select %lt3A_1364, %add3A_1367, %xor3A_4 : vector<16xi1>, vector<16xi32>
      %broadcast_in_dim3A_1369 = vector.shape_cast %select_n3A_1368 : vector<16xi32> to vector<16x1xi32>
      %gather3A_1370 = vector.shape_cast %broadcast_in_dim3A_1369 : vector<16x1xi32> to vector<16xi32>
      %gather3A_1371 = tpu.dynamic_gather %add3A_1361[%gather3A_1370] in [0] : vector<16xf32>, vector<16xi32> -> vector<16xf32>
      %add3A_1372 = arith.addf %add3A_1361, %gather3A_1371 : vector<16xf32>
      %lt3A_1373 = arith.constant 0 : i32
      %lt3A_1374 = vector.broadcast %lt3A_1373 : i32 to vector<16xi32>
      %lt3A_1375 = arith.cmpi slt, %xor3A_7, %lt3A_1374 : vector<16xi32>
      %add3A_1376 = arith.constant 16 : i32
      %add3A_1377 = vector.broadcast %add3A_1376 : i32 to vector<16xi32>
      %add3A_1378 = arith.addi %xor3A_7, %add3A_1377 : vector<16xi32>
      %select_n3A_1379 = arith.select %lt3A_1375, %add3A_1378, %xor3A_7 : vector<16xi1>, vector<16xi32>
      %broadcast_in_dim3A_1380 = vector.shape_cast %select_n3A_1379 : vector<16xi32> to vector<16x1xi32>
      %gather3A_1381 = vector.shape_cast %broadcast_in_dim3A_1380 : vector<16x1xi32> to vector<16xi32>
      %gather3A_1382 = tpu.dynamic_gather %add3A_1372[%gather3A_1381] in [0] : vector<16xf32>, vector<16xi32> -> vector<16xf32>
      %add3A_1383 = arith.addf %add3A_1372, %gather3A_1382 : vector<16xf32>
      %lt3A_1384 = arith.constant 0 : i32
      %lt3A_1385 = vector.broadcast %lt3A_1384 : i32 to vector<16xi32>
      %lt3A_1386 = arith.cmpi slt, %xor3A_10, %lt3A_1385 : vector<16xi32>
      %add3A_1387 = arith.constant 16 : i32
      %add3A_1388 = vector.broadcast %add3A_1387 : i32 to vector<16xi32>
      %add3A_1389 = arith.addi %xor3A_10, %add3A_1388 : vector<16xi32>
      %select_n3A_1390 = arith.select %lt3A_1386, %add3A_1389, %xor3A_10 : vector<16xi1>, vector<16xi32>
      %broadcast_in_dim3A_1391 = vector.shape_cast %select_n3A_1390 : vector<16xi32> to vector<16x1xi32>
      %gather3A_1392 = vector.shape_cast %broadcast_in_dim3A_1391 : vector<16x1xi32> to vector<16xi32>
      %gather3A_1393 = tpu.dynamic_gather %add3A_1383[%gather3A_1392] in [0] : vector<16xf32>, vector<16xi32> -> vector<16xf32>
      %add3A_1394 = arith.addf %add3A_1383, %gather3A_1393 : vector<16xf32>
      %lt3A_1395 = arith.constant 0 : i32
      %lt3A_1396 = vector.broadcast %lt3A_1395 : i32 to vector<16xi32>
      %lt3A_1397 = arith.cmpi slt, %xor3A_13, %lt3A_1396 : vector<16xi32>
      %add3A_1398 = arith.constant 16 : i32
      %add3A_1399 = vector.broadcast %add3A_1398 : i32 to vector<16xi32>
      %add3A_1400 = arith.addi %xor3A_13, %add3A_1399 : vector<16xi32>
      %select_n3A_1401 = arith.select %lt3A_1397, %add3A_1400, %xor3A_13 : vector<16xi1>, vector<16xi32>
      %broadcast_in_dim3A_1402 = vector.shape_cast %select_n3A_1401 : vector<16xi32> to vector<16x1xi32>
      %gather3A_1403 = vector.shape_cast %broadcast_in_dim3A_1402 : vector<16x1xi32> to vector<16xi32>
      %gather3A_1404 = tpu.dynamic_gather %add3A_1394[%gather3A_1403] in [0] : vector<16xf32>, vector<16xi32> -> vector<16xf32>
      %add3A_1405 = arith.addf %add3A_1394, %gather3A_1404 : vector<16xf32>
      %bitcast_convert_type3A_1406 = tpu.bitcast %add3A_1405 : vector<16xf32> -> vector<16xi32>
      %shift_right_logical3A_1407 = arith.constant 1 : i32
      %shift_right_logical3A_1408 = vector.broadcast %shift_right_logical3A_1407 : i32 to vector<16xi32>
      %shift_right_logical3A_1409 = arith.shrui %bitcast_convert_type3A_1406, %shift_right_logical3A_1408 : vector<16xi32>
      %sub3A_1410 = arith.constant 1597463007 : i32
      %sub3A_1411 = vector.broadcast %sub3A_1410 : i32 to vector<16xi32>
      %sub3A_1412 = arith.subi %sub3A_1411, %shift_right_logical3A_1409 : vector<16xi32>
      %bitcast_convert_type3A_1413 = tpu.bitcast %sub3A_1412 : vector<16xi32> -> vector<16xf32>
      %mul3A_1414 = arith.constant 5.000000e-01 : f32
      %mul3A_1415 = vector.broadcast %mul3A_1414 : f32 to vector<16xf32>
      %mul3A_1416 = arith.mulf %add3A_1405, %mul3A_1415 : vector<16xf32>
      %mul3A_1417 = arith.mulf %mul3A_1416, %bitcast_convert_type3A_1413 : vector<16xf32>
      %mul3A_1418 = arith.mulf %mul3A_1417, %bitcast_convert_type3A_1413 : vector<16xf32>
      %sub3A_1419 = arith.constant 1.500000e+00 : f32
      %sub3A_1420 = vector.broadcast %sub3A_1419 : f32 to vector<16xf32>
      %sub3A_1421 = arith.subf %sub3A_1420, %mul3A_1418 : vector<16xf32>
      %mul3A_1422 = arith.mulf %bitcast_convert_type3A_1413, %sub3A_1421 : vector<16xf32>
      %mul3A_1423 = arith.mulf %mul3A_1416, %mul3A_1422 : vector<16xf32>
      %mul3A_1424 = arith.mulf %mul3A_1423, %mul3A_1422 : vector<16xf32>
      %sub3A_1425 = arith.constant 1.500000e+00 : f32
      %sub3A_1426 = vector.broadcast %sub3A_1425 : f32 to vector<16xf32>
      %sub3A_1427 = arith.subf %sub3A_1426, %mul3A_1424 : vector<16xf32>
      %mul3A_1428 = arith.mulf %mul3A_1422, %sub3A_1427 : vector<16xf32>
      %mul3A_1429 = arith.mulf %mul3A_1416, %mul3A_1428 : vector<16xf32>
      %mul3A_1430 = arith.mulf %mul3A_1429, %mul3A_1428 : vector<16xf32>
      %sub3A_1431 = arith.constant 1.500000e+00 : f32
      %sub3A_1432 = vector.broadcast %sub3A_1431 : f32 to vector<16xf32>
      %sub3A_1433 = arith.subf %sub3A_1432, %mul3A_1430 : vector<16xf32>
      %mul3A_1434 = arith.mulf %mul3A_1428, %sub3A_1433 : vector<16xf32>
      %add3A_1435 = arith.constant 0 : i32
      %add3A_1436 = vector.broadcast %add3A_1435 : i32 to vector<16xi32>
      %add3A_1437 = arith.addi %iota3A, %add3A_1436 : vector<16xi32>
      %gather3A_1438 = arith.constant 3 : i32
      %gather3A_1439 = arith.constant 0 : i32
      %gather3A_1440 = arith.constant 0 : i32
      %gather3A_1441 = tpu.memref_slice %arg7[%gather3A_1438, %gather3A_1439, %gather3A_1440] : memref<8x64x128xf32, #tpu.memory_space<vmem>> -> memref<1x64x128xf32, #tpu.memory_space<vmem>>
      %gather3A_1442 = tpu.memref_squeeze %gather3A_1441 : memref<1x64x128xf32, #tpu.memory_space<vmem>> -> memref<64x128xf32, #tpu.memory_space<vmem>>
      %gather3A_1443 = tpu.vector_load_idx %gather3A_1442[%add3A_1437, %broadcast_in_dim3A_1335] : memref<64x128xf32, #tpu.memory_space<vmem>>[vector<16xi32>, vector<16xi32>], vector<16xf32>,
      %mul3A_1444 = arith.mulf %gather3A_1342, %mul3A_1434 : vector<16xf32>
      %add3A_1445 = arith.addf %gather3A_1443, %mul3A_1444 : vector<16xf32>
      tpu.vector_store_idx %arg8[%add3A_1437, %broadcast_in_dim3A_1338], %add3A_1445 : memref<64x256xf32, #tpu.memory_space<vmem>>[vector<16xi32>, vector<16xi32>], vector<16xf32>,
      %add3A_1446 = arith.constant 16 : i32
      %add3A_1447 = vector.broadcast %add3A_1446 : i32 to vector<16xi32>
      %add3A_1448 = arith.addi %iota3A, %add3A_1447 : vector<16xi32>
      %gather3A_1449 = arith.constant 3 : i32
      %gather3A_1450 = arith.constant 0 : i32
      %gather3A_1451 = arith.constant 0 : i32
      %gather3A_1452 = tpu.memref_slice %arg7[%gather3A_1449, %gather3A_1450, %gather3A_1451] : memref<8x64x128xf32, #tpu.memory_space<vmem>> -> memref<1x64x128xf32, #tpu.memory_space<vmem>>
      %gather3A_1453 = tpu.memref_squeeze %gather3A_1452 : memref<1x64x128xf32, #tpu.memory_space<vmem>> -> memref<64x128xf32, #tpu.memory_space<vmem>>
      %gather3A_1454 = tpu.vector_load_idx %gather3A_1453[%add3A_1448, %broadcast_in_dim3A_1335] : memref<64x128xf32, #tpu.memory_space<vmem>>[vector<16xi32>, vector<16xi32>], vector<16xf32>,
      %mul3A_1455 = arith.mulf %gather3A_1346, %mul3A_1434 : vector<16xf32>
      %add3A_1456 = arith.addf %gather3A_1454, %mul3A_1455 : vector<16xf32>
      tpu.vector_store_idx %arg8[%add3A_1448, %broadcast_in_dim3A_1338], %add3A_1456 : memref<64x256xf32, #tpu.memory_space<vmem>>[vector<16xi32>, vector<16xi32>], vector<16xf32>,
      %add3A_1457 = arith.constant 32 : i32
      %add3A_1458 = vector.broadcast %add3A_1457 : i32 to vector<16xi32>
      %add3A_1459 = arith.addi %iota3A, %add3A_1458 : vector<16xi32>
      %gather3A_1460 = arith.constant 3 : i32
      %gather3A_1461 = arith.constant 0 : i32
      %gather3A_1462 = arith.constant 0 : i32
      %gather3A_1463 = tpu.memref_slice %arg7[%gather3A_1460, %gather3A_1461, %gather3A_1462] : memref<8x64x128xf32, #tpu.memory_space<vmem>> -> memref<1x64x128xf32, #tpu.memory_space<vmem>>
      %gather3A_1464 = tpu.memref_squeeze %gather3A_1463 : memref<1x64x128xf32, #tpu.memory_space<vmem>> -> memref<64x128xf32, #tpu.memory_space<vmem>>
      %gather3A_1465 = tpu.vector_load_idx %gather3A_1464[%add3A_1459, %broadcast_in_dim3A_1335] : memref<64x128xf32, #tpu.memory_space<vmem>>[vector<16xi32>, vector<16xi32>], vector<16xf32>,
      %mul3A_1466 = arith.mulf %gather3A_1350, %mul3A_1434 : vector<16xf32>
      %add3A_1467 = arith.addf %gather3A_1465, %mul3A_1466 : vector<16xf32>
      tpu.vector_store_idx %arg8[%add3A_1459, %broadcast_in_dim3A_1338], %add3A_1467 : memref<64x256xf32, #tpu.memory_space<vmem>>[vector<16xi32>, vector<16xi32>], vector<16xf32>,
      %add3A_1468 = arith.constant 48 : i32
      %add3A_1469 = vector.broadcast %add3A_1468 : i32 to vector<16xi32>
      %add3A_1470 = arith.addi %iota3A, %add3A_1469 : vector<16xi32>
      %gather3A_1471 = arith.constant 3 : i32
      %gather3A_1472 = arith.constant 0 : i32
      %gather3A_1473 = arith.constant 0 : i32
      %gather3A_1474 = tpu.memref_slice %arg7[%gather3A_1471, %gather3A_1472, %gather3A_1473] : memref<8x64x128xf32, #tpu.memory_space<vmem>> -> memref<1x64x128xf32, #tpu.memory_space<vmem>>
      %gather3A_1475 = tpu.memref_squeeze %gather3A_1474 : memref<1x64x128xf32, #tpu.memory_space<vmem>> -> memref<64x128xf32, #tpu.memory_space<vmem>>
      %gather3A_1476 = tpu.vector_load_idx %gather3A_1475[%add3A_1470, %broadcast_in_dim3A_1335] : memref<64x128xf32, #tpu.memory_space<vmem>>[vector<16xi32>, vector<16xi32>], vector<16xf32>,
      %mul3A_1477 = arith.mulf %gather3A_1354, %mul3A_1434 : vector<16xf32>
      %add3A_1478 = arith.addf %gather3A_1476, %mul3A_1477 : vector<16xf32>
      tpu.vector_store_idx %arg8[%add3A_1470, %broadcast_in_dim3A_1338], %add3A_1478 : memref<64x256xf32, #tpu.memory_space<vmem>>[vector<16xi32>, vector<16xi32>], vector<16xf32>,
      %add3A_1479 = arith.constant 4 : i32
      %add3A_1480 = arith.addi %add3A_687, %add3A_1479 : i32
      %add3A_1481 = arith.constant 8 : i32
      %add3A_1482 = arith.addi %add3A_1480, %add3A_1481 : i32
      %sub3A_1483 = arith.constant 1 : i32
      %sub3A_1484 = arith.subi %add3A_1482, %sub3A_1483 : i32
      %lt3A_1485 = arith.constant 256 : i32
      %lt3A_1486 = arith.cmpi slt, %sub3A_1484, %lt3A_1485 : i32
      %convert_element_type3A_1487 = arith.extui %lt3A_1486 : i1 to i32
      %cond3A_1488 = arith.constant 0 : i32
      %cond3A_1489 = arith.cmpi ne, %convert_element_type3A_1487, %cond3A_1488 : i32
      scf.if %cond3A_1489 {
        %add3A_2275 = arith.constant 8 : i32
        %add3A_2276 = arith.addi %add3A_1480, %add3A_2275 : i32
        %sub3A_2277 = arith.constant 1 : i32
        %sub3A_2278 = arith.subi %add3A_2276, %sub3A_2277 : i32
        %shift_right_logical3A_2279 = arith.constant 4 : i32
        %shift_right_logical3A_2280 = arith.shrui %sub3A_2278, %shift_right_logical3A_2279 : i32
        %shift_right_logical3A_2281 = arith.constant 3 : i32
        %shift_right_logical3A_2282 = arith.shrui %shift_right_logical3A_2280, %shift_right_logical3A_2281 : i32
        %and3A_2283 = arith.constant 7 : i32
        %and3A_2284 = arith.andi %shift_right_logical3A_2280, %and3A_2283 : i32
        %mul3A_2285 = arith.constant 16 : i32
        %mul3A_2286 = arith.muli %and3A_2284, %mul3A_2285 : i32
        %multiple_of3A_2287 = tpu.assume_multiple %mul3A_2286, 16 : i32
        %get3A_2288 = arith.index_cast %shift_right_logical3A_2282 : i32 to index
        %get3A_2289 = arith.index_cast %multiple_of3A_2287 : i32 to index
        %get3A_2290 = tpu.vector_load %arg6[%get3A_2288, %get3A_2289] {strides = array<i32>} : memref<4x128xi32, #tpu.memory_space<vmem>>, vector<16xi32>,
        %and3A_2291 = arith.constant 15 : i32
        %and3A_2292 = arith.andi %sub3A_2278, %and3A_2291 : i32
        %broadcast_in_dim3A_2293 = vector.broadcast %and3A_2292 : i32 to vector<16xi32>
        %lt3A_2294 = arith.constant 0 : i32
        %lt3A_2295 = vector.broadcast %lt3A_2294 : i32 to vector<16xi32>
        %lt3A_2296 = arith.cmpi slt, %broadcast_in_dim3A_2293, %lt3A_2295 : vector<16xi32>
        %add3A_2297 = arith.constant 16 : i32
        %add3A_2298 = vector.broadcast %add3A_2297 : i32 to vector<16xi32>
        %add3A_2299 = arith.addi %broadcast_in_dim3A_2293, %add3A_2298 : vector<16xi32>
        %select_n3A_2300 = arith.select %lt3A_2296, %add3A_2299, %broadcast_in_dim3A_2293 : vector<16xi1>, vector<16xi32>
        %broadcast_in_dim3A_2301 = vector.shape_cast %select_n3A_2300 : vector<16xi32> to vector<16x1xi32>
        %gather3A_2302 = vector.shape_cast %broadcast_in_dim3A_2301 : vector<16x1xi32> to vector<16xi32>
        %gather3A_2303 = tpu.dynamic_gather %get3A_2290[%gather3A_2302] in [0] : vector<16xi32>, vector<16xi32> -> vector<16xi32>
        %slice3A_2304 = vector.extract_strided_slice %gather3A_2303 {offsets = [0], sizes = [1], strides = [1]} : vector<16xi32> to vector<1xi32>
        %squeeze3A_2305 = vector.extract %slice3A_2304[0] : i32 from vector<1xi32>
        %not3A_2306 = arith.constant 127 : i32
        %not3A_2307 = arith.constant -1 : i32
        %not3A_2308 = arith.xori %not3A_2306, %not3A_2307 : i32
        %and3A_2309 = arith.andi %squeeze3A_2305, %not3A_2308 : i32
        %multiple_of3A_2310 = tpu.assume_multiple %and3A_2309, 128 : i32
        %dma_start3A_2311 = arith.constant 3 : i32
        %dma_start3A_2312 = arith.constant 0 : i32
        %dma_start3A_2313 = arith.constant 0 : i32
        %dma_start3A_2314 = tpu.memref_slice %arg7[%dma_start3A_2311, %dma_start3A_2312, %dma_start3A_2313] : memref<8x64x128xf32, #tpu.memory_space<vmem>> -> memref<1x64x128xf32, #tpu.memory_space<vmem>>
        %dma_start3A_2315 = tpu.memref_squeeze %dma_start3A_2314 : memref<1x64x128xf32, #tpu.memory_space<vmem>> -> memref<64x128xf32, #tpu.memory_space<vmem>>
        %dma_start3A_2316 = arith.constant 0 : i32
        %dma_start3A_2317 = tpu.memref_slice %arg3[%dma_start3A_2316, %multiple_of3A_2310] : memref<64x1000000xf32, #tpu.memory_space<hbm>> -> memref<64x128xf32, #tpu.memory_space<hbm>>
        %dma_start3A_2318 = arith.constant 0 : i32
        %dma_start3A_2319 = arith.constant 0 : i32
        %dma_start3A_2320 = tpu.memref_slice %arg7[%dma_start3A_2311, %dma_start3A_2318, %dma_start3A_2319] : memref<8x64x128xf32, #tpu.memory_space<vmem>> -> memref<1x64x128xf32, #tpu.memory_space<vmem>>
        %dma_start3A_2321 = tpu.memref_squeeze %dma_start3A_2320 : memref<1x64x128xf32, #tpu.memory_space<vmem>> -> memref<64x128xf32, #tpu.memory_space<vmem>>
        %dma_start3A_2322 = arith.constant 0 : i32
        %dma_start3A_2323 = tpu.memref_slice %arg3[%dma_start3A_2322, %multiple_of3A_2310] : memref<64x1000000xf32, #tpu.memory_space<hbm>> -> memref<64x128xf32, #tpu.memory_space<hbm>>
        tpu.enqueue_dma source(%dma_start3A_2323 : memref<64x128xf32, #tpu.memory_space<hbm>>) target(%dma_start3A_2321 : memref<64x128xf32, #tpu.memory_space<vmem>>) target_semaphore(%arg13 : memref<!tpu.dma_semaphore, #tpu.memory_space<semaphore_mem>>)
      } else {
      }
      %dma_wait3A_1490 = arith.constant 4 : i32
      %dma_wait3A_1491 = arith.constant 0 : i32
      %dma_wait3A_1492 = arith.constant 0 : i32
      %dma_wait3A_1493 = tpu.memref_slice %arg7[%dma_wait3A_1490, %dma_wait3A_1491, %dma_wait3A_1492] : memref<8x64x128xf32, #tpu.memory_space<vmem>> -> memref<1x64x128xf32, #tpu.memory_space<vmem>>
      %dma_wait3A_1494 = tpu.memref_squeeze %dma_wait3A_1493 : memref<1x64x128xf32, #tpu.memory_space<vmem>> -> memref<64x128xf32, #tpu.memory_space<vmem>>
      %dma_wait3A_1495 = arith.constant 0 : i32
      %dma_wait3A_1496 = arith.constant 0 : i32
      %dma_wait3A_1497 = tpu.memref_slice %arg3[%dma_wait3A_1495, %dma_wait3A_1496] : memref<64x1000000xf32, #tpu.memory_space<hbm>> -> memref<64x128xf32, #tpu.memory_space<hbm>>
      %dma_wait3A_1498 = arith.constant 0 : i32
      %dma_wait3A_1499 = arith.constant 0 : i32
      %dma_wait3A_1500 = tpu.memref_slice %arg7[%dma_wait3A_1490, %dma_wait3A_1498, %dma_wait3A_1499] : memref<8x64x128xf32, #tpu.memory_space<vmem>> -> memref<1x64x128xf32, #tpu.memory_space<vmem>>
      %dma_wait3A_1501 = tpu.memref_squeeze %dma_wait3A_1500 : memref<1x64x128xf32, #tpu.memory_space<vmem>> -> memref<64x128xf32, #tpu.memory_space<vmem>>
      %dma_wait3A_1502 = arith.constant 0 : i32
      %dma_wait3A_1503 = arith.constant 0 : i32
      %dma_wait3A_1504 = tpu.memref_slice %arg3[%dma_wait3A_1502, %dma_wait3A_1503] : memref<64x1000000xf32, #tpu.memory_space<hbm>> -> memref<64x128xf32, #tpu.memory_space<hbm>>
      tpu.wait_dma2 semaphore(%arg14 : memref<!tpu.dma_semaphore, #tpu.memory_space<semaphore_mem>>) src(%dma_wait3A_1504 : memref<64x128xf32, #tpu.memory_space<hbm>>) dst(%dma_wait3A_1501 : memref<64x128xf32, #tpu.memory_space<vmem>>)
      %shift_right_logical3A_1505 = arith.constant 4 : i32
      %shift_right_logical3A_1506 = arith.shrui %add3A_1480, %shift_right_logical3A_1505 : i32
      %shift_right_logical3A_1507 = arith.constant 3 : i32
      %shift_right_logical3A_1508 = arith.shrui %shift_right_logical3A_1506, %shift_right_logical3A_1507 : i32
      %and3A_1509 = arith.constant 7 : i32
      %and3A_1510 = arith.andi %shift_right_logical3A_1506, %and3A_1509 : i32
      %mul3A_1511 = arith.constant 16 : i32
      %mul3A_1512 = arith.muli %and3A_1510, %mul3A_1511 : i32
      %multiple_of3A_1513 = tpu.assume_multiple %mul3A_1512, 16 : i32
      %get3A_1514 = arith.index_cast %shift_right_logical3A_1508 : i32 to index
      %get3A_1515 = arith.index_cast %multiple_of3A_1513 : i32 to index
      %get3A_1516 = tpu.vector_load %arg6[%get3A_1514, %get3A_1515] {strides = array<i32>} : memref<4x128xi32, #tpu.memory_space<vmem>>, vector<16xi32>,
      %and3A_1517 = arith.constant 15 : i32
      %and3A_1518 = arith.andi %add3A_1480, %and3A_1517 : i32
      %broadcast_in_dim3A_1519 = vector.broadcast %and3A_1518 : i32 to vector<16xi32>
      %lt3A_1520 = arith.constant 0 : i32
      %lt3A_1521 = vector.broadcast %lt3A_1520 : i32 to vector<16xi32>
      %lt3A_1522 = arith.cmpi slt, %broadcast_in_dim3A_1519, %lt3A_1521 : vector<16xi32>
      %add3A_1523 = arith.constant 16 : i32
      %add3A_1524 = vector.broadcast %add3A_1523 : i32 to vector<16xi32>
      %add3A_1525 = arith.addi %broadcast_in_dim3A_1519, %add3A_1524 : vector<16xi32>
      %select_n3A_1526 = arith.select %lt3A_1522, %add3A_1525, %broadcast_in_dim3A_1519 : vector<16xi1>, vector<16xi32>
      %broadcast_in_dim3A_1527 = vector.shape_cast %select_n3A_1526 : vector<16xi32> to vector<16x1xi32>
      %gather3A_1528 = vector.shape_cast %broadcast_in_dim3A_1527 : vector<16x1xi32> to vector<16xi32>
      %gather3A_1529 = tpu.dynamic_gather %get3A_1516[%gather3A_1528] in [0] : vector<16xi32>, vector<16xi32> -> vector<16xi32>
      %slice3A_1530 = vector.extract_strided_slice %gather3A_1529 {offsets = [0], sizes = [1], strides = [1]} : vector<16xi32> to vector<1xi32>
      %squeeze3A_1531 = vector.extract %slice3A_1530[0] : i32 from vector<1xi32>
      %and3A_1532 = arith.constant 127 : i32
      %and3A_1533 = arith.andi %squeeze3A_1531, %and3A_1532 : i32
      %broadcast_in_dim3A_1534 = vector.broadcast %and3A_1533 : i32 to vector<16xi32>
      %and3A_1535 = arith.constant 255 : i32
      %and3A_1536 = arith.andi %add3A_1480, %and3A_1535 : i32
      %broadcast_in_dim3A_1537 = vector.broadcast %and3A_1536 : i32 to vector<16xi32>
      %add3A_1538 = arith.constant 0 : i32
      %add3A_1539 = vector.broadcast %add3A_1538 : i32 to vector<16xi32>
      %add3A_1540 = arith.addi %iota3A, %add3A_1539 : vector<16xi32>
      %gather3A_1541 = tpu.vector_load_idx %arg9[%add3A_1540, %broadcast_in_dim3A_1537] : memref<64x256xf32, #tpu.memory_space<vmem>>[vector<16xi32>, vector<16xi32>], vector<16xf32>,
      %add3A_1542 = arith.constant 16 : i32
      %add3A_1543 = vector.broadcast %add3A_1542 : i32 to vector<16xi32>
      %add3A_1544 = arith.addi %iota3A, %add3A_1543 : vector<16xi32>
      %gather3A_1545 = tpu.vector_load_idx %arg9[%add3A_1544, %broadcast_in_dim3A_1537] : memref<64x256xf32, #tpu.memory_space<vmem>>[vector<16xi32>, vector<16xi32>], vector<16xf32>,
      %add3A_1546 = arith.constant 32 : i32
      %add3A_1547 = vector.broadcast %add3A_1546 : i32 to vector<16xi32>
      %add3A_1548 = arith.addi %iota3A, %add3A_1547 : vector<16xi32>
      %gather3A_1549 = tpu.vector_load_idx %arg9[%add3A_1548, %broadcast_in_dim3A_1537] : memref<64x256xf32, #tpu.memory_space<vmem>>[vector<16xi32>, vector<16xi32>], vector<16xf32>,
      %add3A_1550 = arith.constant 48 : i32
      %add3A_1551 = vector.broadcast %add3A_1550 : i32 to vector<16xi32>
      %add3A_1552 = arith.addi %iota3A, %add3A_1551 : vector<16xi32>
      %gather3A_1553 = tpu.vector_load_idx %arg9[%add3A_1552, %broadcast_in_dim3A_1537] : memref<64x256xf32, #tpu.memory_space<vmem>>[vector<16xi32>, vector<16xi32>], vector<16xf32>,
      %mul3A_1554 = arith.mulf %gather3A_1541, %gather3A_1541 : vector<16xf32>
      %mul3A_1555 = arith.mulf %gather3A_1545, %gather3A_1545 : vector<16xf32>
      %add3A_1556 = arith.addf %mul3A_1554, %mul3A_1555 : vector<16xf32>
      %mul3A_1557 = arith.mulf %gather3A_1549, %gather3A_1549 : vector<16xf32>
      %add3A_1558 = arith.addf %add3A_1556, %mul3A_1557 : vector<16xf32>
      %mul3A_1559 = arith.mulf %gather3A_1553, %gather3A_1553 : vector<16xf32>
      %add3A_1560 = arith.addf %add3A_1558, %mul3A_1559 : vector<16xf32>
      %lt3A_1561 = arith.constant 0 : i32
      %lt3A_1562 = vector.broadcast %lt3A_1561 : i32 to vector<16xi32>
      %lt3A_1563 = arith.cmpi slt, %xor3A_4, %lt3A_1562 : vector<16xi32>
      %add3A_1564 = arith.constant 16 : i32
      %add3A_1565 = vector.broadcast %add3A_1564 : i32 to vector<16xi32>
      %add3A_1566 = arith.addi %xor3A_4, %add3A_1565 : vector<16xi32>
      %select_n3A_1567 = arith.select %lt3A_1563, %add3A_1566, %xor3A_4 : vector<16xi1>, vector<16xi32>
      %broadcast_in_dim3A_1568 = vector.shape_cast %select_n3A_1567 : vector<16xi32> to vector<16x1xi32>
      %gather3A_1569 = vector.shape_cast %broadcast_in_dim3A_1568 : vector<16x1xi32> to vector<16xi32>
      %gather3A_1570 = tpu.dynamic_gather %add3A_1560[%gather3A_1569] in [0] : vector<16xf32>, vector<16xi32> -> vector<16xf32>
      %add3A_1571 = arith.addf %add3A_1560, %gather3A_1570 : vector<16xf32>
      %lt3A_1572 = arith.constant 0 : i32
      %lt3A_1573 = vector.broadcast %lt3A_1572 : i32 to vector<16xi32>
      %lt3A_1574 = arith.cmpi slt, %xor3A_7, %lt3A_1573 : vector<16xi32>
      %add3A_1575 = arith.constant 16 : i32
      %add3A_1576 = vector.broadcast %add3A_1575 : i32 to vector<16xi32>
      %add3A_1577 = arith.addi %xor3A_7, %add3A_1576 : vector<16xi32>
      %select_n3A_1578 = arith.select %lt3A_1574, %add3A_1577, %xor3A_7 : vector<16xi1>, vector<16xi32>
      %broadcast_in_dim3A_1579 = vector.shape_cast %select_n3A_1578 : vector<16xi32> to vector<16x1xi32>
      %gather3A_1580 = vector.shape_cast %broadcast_in_dim3A_1579 : vector<16x1xi32> to vector<16xi32>
      %gather3A_1581 = tpu.dynamic_gather %add3A_1571[%gather3A_1580] in [0] : vector<16xf32>, vector<16xi32> -> vector<16xf32>
      %add3A_1582 = arith.addf %add3A_1571, %gather3A_1581 : vector<16xf32>
      %lt3A_1583 = arith.constant 0 : i32
      %lt3A_1584 = vector.broadcast %lt3A_1583 : i32 to vector<16xi32>
      %lt3A_1585 = arith.cmpi slt, %xor3A_10, %lt3A_1584 : vector<16xi32>
      %add3A_1586 = arith.constant 16 : i32
      %add3A_1587 = vector.broadcast %add3A_1586 : i32 to vector<16xi32>
      %add3A_1588 = arith.addi %xor3A_10, %add3A_1587 : vector<16xi32>
      %select_n3A_1589 = arith.select %lt3A_1585, %add3A_1588, %xor3A_10 : vector<16xi1>, vector<16xi32>
      %broadcast_in_dim3A_1590 = vector.shape_cast %select_n3A_1589 : vector<16xi32> to vector<16x1xi32>
      %gather3A_1591 = vector.shape_cast %broadcast_in_dim3A_1590 : vector<16x1xi32> to vector<16xi32>
      %gather3A_1592 = tpu.dynamic_gather %add3A_1582[%gather3A_1591] in [0] : vector<16xf32>, vector<16xi32> -> vector<16xf32>
      %add3A_1593 = arith.addf %add3A_1582, %gather3A_1592 : vector<16xf32>
      %lt3A_1594 = arith.constant 0 : i32
      %lt3A_1595 = vector.broadcast %lt3A_1594 : i32 to vector<16xi32>
      %lt3A_1596 = arith.cmpi slt, %xor3A_13, %lt3A_1595 : vector<16xi32>
      %add3A_1597 = arith.constant 16 : i32
      %add3A_1598 = vector.broadcast %add3A_1597 : i32 to vector<16xi32>
      %add3A_1599 = arith.addi %xor3A_13, %add3A_1598 : vector<16xi32>
      %select_n3A_1600 = arith.select %lt3A_1596, %add3A_1599, %xor3A_13 : vector<16xi1>, vector<16xi32>
      %broadcast_in_dim3A_1601 = vector.shape_cast %select_n3A_1600 : vector<16xi32> to vector<16x1xi32>
      %gather3A_1602 = vector.shape_cast %broadcast_in_dim3A_1601 : vector<16x1xi32> to vector<16xi32>
      %gather3A_1603 = tpu.dynamic_gather %add3A_1593[%gather3A_1602] in [0] : vector<16xf32>, vector<16xi32> -> vector<16xf32>
      %add3A_1604 = arith.addf %add3A_1593, %gather3A_1603 : vector<16xf32>
      %bitcast_convert_type3A_1605 = tpu.bitcast %add3A_1604 : vector<16xf32> -> vector<16xi32>
      %shift_right_logical3A_1606 = arith.constant 1 : i32
      %shift_right_logical3A_1607 = vector.broadcast %shift_right_logical3A_1606 : i32 to vector<16xi32>
      %shift_right_logical3A_1608 = arith.shrui %bitcast_convert_type3A_1605, %shift_right_logical3A_1607 : vector<16xi32>
      %sub3A_1609 = arith.constant 1597463007 : i32
      %sub3A_1610 = vector.broadcast %sub3A_1609 : i32 to vector<16xi32>
      %sub3A_1611 = arith.subi %sub3A_1610, %shift_right_logical3A_1608 : vector<16xi32>
      %bitcast_convert_type3A_1612 = tpu.bitcast %sub3A_1611 : vector<16xi32> -> vector<16xf32>
      %mul3A_1613 = arith.constant 5.000000e-01 : f32
      %mul3A_1614 = vector.broadcast %mul3A_1613 : f32 to vector<16xf32>
      %mul3A_1615 = arith.mulf %add3A_1604, %mul3A_1614 : vector<16xf32>
      %mul3A_1616 = arith.mulf %mul3A_1615, %bitcast_convert_type3A_1612 : vector<16xf32>
      %mul3A_1617 = arith.mulf %mul3A_1616, %bitcast_convert_type3A_1612 : vector<16xf32>
      %sub3A_1618 = arith.constant 1.500000e+00 : f32
      %sub3A_1619 = vector.broadcast %sub3A_1618 : f32 to vector<16xf32>
      %sub3A_1620 = arith.subf %sub3A_1619, %mul3A_1617 : vector<16xf32>
      %mul3A_1621 = arith.mulf %bitcast_convert_type3A_1612, %sub3A_1620 : vector<16xf32>
      %mul3A_1622 = arith.mulf %mul3A_1615, %mul3A_1621 : vector<16xf32>
      %mul3A_1623 = arith.mulf %mul3A_1622, %mul3A_1621 : vector<16xf32>
      %sub3A_1624 = arith.constant 1.500000e+00 : f32
      %sub3A_1625 = vector.broadcast %sub3A_1624 : f32 to vector<16xf32>
      %sub3A_1626 = arith.subf %sub3A_1625, %mul3A_1623 : vector<16xf32>
      %mul3A_1627 = arith.mulf %mul3A_1621, %sub3A_1626 : vector<16xf32>
      %mul3A_1628 = arith.mulf %mul3A_1615, %mul3A_1627 : vector<16xf32>
      %mul3A_1629 = arith.mulf %mul3A_1628, %mul3A_1627 : vector<16xf32>
      %sub3A_1630 = arith.constant 1.500000e+00 : f32
      %sub3A_1631 = vector.broadcast %sub3A_1630 : f32 to vector<16xf32>
      %sub3A_1632 = arith.subf %sub3A_1631, %mul3A_1629 : vector<16xf32>
      %mul3A_1633 = arith.mulf %mul3A_1627, %sub3A_1632 : vector<16xf32>
      %add3A_1634 = arith.constant 0 : i32
      %add3A_1635 = vector.broadcast %add3A_1634 : i32 to vector<16xi32>
      %add3A_1636 = arith.addi %iota3A, %add3A_1635 : vector<16xi32>
      %gather3A_1637 = arith.constant 4 : i32
      %gather3A_1638 = arith.constant 0 : i32
      %gather3A_1639 = arith.constant 0 : i32
      %gather3A_1640 = tpu.memref_slice %arg7[%gather3A_1637, %gather3A_1638, %gather3A_1639] : memref<8x64x128xf32, #tpu.memory_space<vmem>> -> memref<1x64x128xf32, #tpu.memory_space<vmem>>
      %gather3A_1641 = tpu.memref_squeeze %gather3A_1640 : memref<1x64x128xf32, #tpu.memory_space<vmem>> -> memref<64x128xf32, #tpu.memory_space<vmem>>
      %gather3A_1642 = tpu.vector_load_idx %gather3A_1641[%add3A_1636, %broadcast_in_dim3A_1534] : memref<64x128xf32, #tpu.memory_space<vmem>>[vector<16xi32>, vector<16xi32>], vector<16xf32>,
      %mul3A_1643 = arith.mulf %gather3A_1541, %mul3A_1633 : vector<16xf32>
      %add3A_1644 = arith.addf %gather3A_1642, %mul3A_1643 : vector<16xf32>
      tpu.vector_store_idx %arg8[%add3A_1636, %broadcast_in_dim3A_1537], %add3A_1644 : memref<64x256xf32, #tpu.memory_space<vmem>>[vector<16xi32>, vector<16xi32>], vector<16xf32>,
      %add3A_1645 = arith.constant 16 : i32
      %add3A_1646 = vector.broadcast %add3A_1645 : i32 to vector<16xi32>
      %add3A_1647 = arith.addi %iota3A, %add3A_1646 : vector<16xi32>
      %gather3A_1648 = arith.constant 4 : i32
      %gather3A_1649 = arith.constant 0 : i32
      %gather3A_1650 = arith.constant 0 : i32
      %gather3A_1651 = tpu.memref_slice %arg7[%gather3A_1648, %gather3A_1649, %gather3A_1650] : memref<8x64x128xf32, #tpu.memory_space<vmem>> -> memref<1x64x128xf32, #tpu.memory_space<vmem>>
      %gather3A_1652 = tpu.memref_squeeze %gather3A_1651 : memref<1x64x128xf32, #tpu.memory_space<vmem>> -> memref<64x128xf32, #tpu.memory_space<vmem>>
      %gather3A_1653 = tpu.vector_load_idx %gather3A_1652[%add3A_1647, %broadcast_in_dim3A_1534] : memref<64x128xf32, #tpu.memory_space<vmem>>[vector<16xi32>, vector<16xi32>], vector<16xf32>,
      %mul3A_1654 = arith.mulf %gather3A_1545, %mul3A_1633 : vector<16xf32>
      %add3A_1655 = arith.addf %gather3A_1653, %mul3A_1654 : vector<16xf32>
      tpu.vector_store_idx %arg8[%add3A_1647, %broadcast_in_dim3A_1537], %add3A_1655 : memref<64x256xf32, #tpu.memory_space<vmem>>[vector<16xi32>, vector<16xi32>], vector<16xf32>,
      %add3A_1656 = arith.constant 32 : i32
      %add3A_1657 = vector.broadcast %add3A_1656 : i32 to vector<16xi32>
      %add3A_1658 = arith.addi %iota3A, %add3A_1657 : vector<16xi32>
      %gather3A_1659 = arith.constant 4 : i32
      %gather3A_1660 = arith.constant 0 : i32
      %gather3A_1661 = arith.constant 0 : i32
      %gather3A_1662 = tpu.memref_slice %arg7[%gather3A_1659, %gather3A_1660, %gather3A_1661] : memref<8x64x128xf32, #tpu.memory_space<vmem>> -> memref<1x64x128xf32, #tpu.memory_space<vmem>>
      %gather3A_1663 = tpu.memref_squeeze %gather3A_1662 : memref<1x64x128xf32, #tpu.memory_space<vmem>> -> memref<64x128xf32, #tpu.memory_space<vmem>>
      %gather3A_1664 = tpu.vector_load_idx %gather3A_1663[%add3A_1658, %broadcast_in_dim3A_1534] : memref<64x128xf32, #tpu.memory_space<vmem>>[vector<16xi32>, vector<16xi32>], vector<16xf32>,
      %mul3A_1665 = arith.mulf %gather3A_1549, %mul3A_1633 : vector<16xf32>
      %add3A_1666 = arith.addf %gather3A_1664, %mul3A_1665 : vector<16xf32>
      tpu.vector_store_idx %arg8[%add3A_1658, %broadcast_in_dim3A_1537], %add3A_1666 : memref<64x256xf32, #tpu.memory_space<vmem>>[vector<16xi32>, vector<16xi32>], vector<16xf32>,
      %add3A_1667 = arith.constant 48 : i32
      %add3A_1668 = vector.broadcast %add3A_1667 : i32 to vector<16xi32>
      %add3A_1669 = arith.addi %iota3A, %add3A_1668 : vector<16xi32>
      %gather3A_1670 = arith.constant 4 : i32
      %gather3A_1671 = arith.constant 0 : i32
      %gather3A_1672 = arith.constant 0 : i32
      %gather3A_1673 = tpu.memref_slice %arg7[%gather3A_1670, %gather3A_1671, %gather3A_1672] : memref<8x64x128xf32, #tpu.memory_space<vmem>> -> memref<1x64x128xf32, #tpu.memory_space<vmem>>
      %gather3A_1674 = tpu.memref_squeeze %gather3A_1673 : memref<1x64x128xf32, #tpu.memory_space<vmem>> -> memref<64x128xf32, #tpu.memory_space<vmem>>
      %gather3A_1675 = tpu.vector_load_idx %gather3A_1674[%add3A_1669, %broadcast_in_dim3A_1534] : memref<64x128xf32, #tpu.memory_space<vmem>>[vector<16xi32>, vector<16xi32>], vector<16xf32>,
      %mul3A_1676 = arith.mulf %gather3A_1553, %mul3A_1633 : vector<16xf32>
      %add3A_1677 = arith.addf %gather3A_1675, %mul3A_1676 : vector<16xf32>
      tpu.vector_store_idx %arg8[%add3A_1669, %broadcast_in_dim3A_1537], %add3A_1677 : memref<64x256xf32, #tpu.memory_space<vmem>>[vector<16xi32>, vector<16xi32>], vector<16xf32>,
      %add3A_1678 = arith.constant 5 : i32
      %add3A_1679 = arith.addi %add3A_687, %add3A_1678 : i32
      %add3A_1680 = arith.constant 8 : i32
      %add3A_1681 = arith.addi %add3A_1679, %add3A_1680 : i32
      %sub3A_1682 = arith.constant 1 : i32
      %sub3A_1683 = arith.subi %add3A_1681, %sub3A_1682 : i32
      %lt3A_1684 = arith.constant 256 : i32
      %lt3A_1685 = arith.cmpi slt, %sub3A_1683, %lt3A_1684 : i32
      %convert_element_type3A_1686 = arith.extui %lt3A_1685 : i1 to i32
      %cond3A_1687 = arith.constant 0 : i32
      %cond3A_1688 = arith.cmpi ne, %convert_element_type3A_1686, %cond3A_1687 : i32
      scf.if %cond3A_1688 {
        %add3A_2275 = arith.constant 8 : i32
        %add3A_2276 = arith.addi %add3A_1679, %add3A_2275 : i32
        %sub3A_2277 = arith.constant 1 : i32
        %sub3A_2278 = arith.subi %add3A_2276, %sub3A_2277 : i32
        %shift_right_logical3A_2279 = arith.constant 4 : i32
        %shift_right_logical3A_2280 = arith.shrui %sub3A_2278, %shift_right_logical3A_2279 : i32
        %shift_right_logical3A_2281 = arith.constant 3 : i32
        %shift_right_logical3A_2282 = arith.shrui %shift_right_logical3A_2280, %shift_right_logical3A_2281 : i32
        %and3A_2283 = arith.constant 7 : i32
        %and3A_2284 = arith.andi %shift_right_logical3A_2280, %and3A_2283 : i32
        %mul3A_2285 = arith.constant 16 : i32
        %mul3A_2286 = arith.muli %and3A_2284, %mul3A_2285 : i32
        %multiple_of3A_2287 = tpu.assume_multiple %mul3A_2286, 16 : i32
        %get3A_2288 = arith.index_cast %shift_right_logical3A_2282 : i32 to index
        %get3A_2289 = arith.index_cast %multiple_of3A_2287 : i32 to index
        %get3A_2290 = tpu.vector_load %arg6[%get3A_2288, %get3A_2289] {strides = array<i32>} : memref<4x128xi32, #tpu.memory_space<vmem>>, vector<16xi32>,
        %and3A_2291 = arith.constant 15 : i32
        %and3A_2292 = arith.andi %sub3A_2278, %and3A_2291 : i32
        %broadcast_in_dim3A_2293 = vector.broadcast %and3A_2292 : i32 to vector<16xi32>
        %lt3A_2294 = arith.constant 0 : i32
        %lt3A_2295 = vector.broadcast %lt3A_2294 : i32 to vector<16xi32>
        %lt3A_2296 = arith.cmpi slt, %broadcast_in_dim3A_2293, %lt3A_2295 : vector<16xi32>
        %add3A_2297 = arith.constant 16 : i32
        %add3A_2298 = vector.broadcast %add3A_2297 : i32 to vector<16xi32>
        %add3A_2299 = arith.addi %broadcast_in_dim3A_2293, %add3A_2298 : vector<16xi32>
        %select_n3A_2300 = arith.select %lt3A_2296, %add3A_2299, %broadcast_in_dim3A_2293 : vector<16xi1>, vector<16xi32>
        %broadcast_in_dim3A_2301 = vector.shape_cast %select_n3A_2300 : vector<16xi32> to vector<16x1xi32>
        %gather3A_2302 = vector.shape_cast %broadcast_in_dim3A_2301 : vector<16x1xi32> to vector<16xi32>
        %gather3A_2303 = tpu.dynamic_gather %get3A_2290[%gather3A_2302] in [0] : vector<16xi32>, vector<16xi32> -> vector<16xi32>
        %slice3A_2304 = vector.extract_strided_slice %gather3A_2303 {offsets = [0], sizes = [1], strides = [1]} : vector<16xi32> to vector<1xi32>
        %squeeze3A_2305 = vector.extract %slice3A_2304[0] : i32 from vector<1xi32>
        %not3A_2306 = arith.constant 127 : i32
        %not3A_2307 = arith.constant -1 : i32
        %not3A_2308 = arith.xori %not3A_2306, %not3A_2307 : i32
        %and3A_2309 = arith.andi %squeeze3A_2305, %not3A_2308 : i32
        %multiple_of3A_2310 = tpu.assume_multiple %and3A_2309, 128 : i32
        %dma_start3A_2311 = arith.constant 4 : i32
        %dma_start3A_2312 = arith.constant 0 : i32
        %dma_start3A_2313 = arith.constant 0 : i32
        %dma_start3A_2314 = tpu.memref_slice %arg7[%dma_start3A_2311, %dma_start3A_2312, %dma_start3A_2313] : memref<8x64x128xf32, #tpu.memory_space<vmem>> -> memref<1x64x128xf32, #tpu.memory_space<vmem>>
        %dma_start3A_2315 = tpu.memref_squeeze %dma_start3A_2314 : memref<1x64x128xf32, #tpu.memory_space<vmem>> -> memref<64x128xf32, #tpu.memory_space<vmem>>
        %dma_start3A_2316 = arith.constant 0 : i32
        %dma_start3A_2317 = tpu.memref_slice %arg3[%dma_start3A_2316, %multiple_of3A_2310] : memref<64x1000000xf32, #tpu.memory_space<hbm>> -> memref<64x128xf32, #tpu.memory_space<hbm>>
        %dma_start3A_2318 = arith.constant 0 : i32
        %dma_start3A_2319 = arith.constant 0 : i32
        %dma_start3A_2320 = tpu.memref_slice %arg7[%dma_start3A_2311, %dma_start3A_2318, %dma_start3A_2319] : memref<8x64x128xf32, #tpu.memory_space<vmem>> -> memref<1x64x128xf32, #tpu.memory_space<vmem>>
        %dma_start3A_2321 = tpu.memref_squeeze %dma_start3A_2320 : memref<1x64x128xf32, #tpu.memory_space<vmem>> -> memref<64x128xf32, #tpu.memory_space<vmem>>
        %dma_start3A_2322 = arith.constant 0 : i32
        %dma_start3A_2323 = tpu.memref_slice %arg3[%dma_start3A_2322, %multiple_of3A_2310] : memref<64x1000000xf32, #tpu.memory_space<hbm>> -> memref<64x128xf32, #tpu.memory_space<hbm>>
        tpu.enqueue_dma source(%dma_start3A_2323 : memref<64x128xf32, #tpu.memory_space<hbm>>) target(%dma_start3A_2321 : memref<64x128xf32, #tpu.memory_space<vmem>>) target_semaphore(%arg14 : memref<!tpu.dma_semaphore, #tpu.memory_space<semaphore_mem>>)
      } else {
      }
      %dma_wait3A_1689 = arith.constant 5 : i32
      %dma_wait3A_1690 = arith.constant 0 : i32
      %dma_wait3A_1691 = arith.constant 0 : i32
      %dma_wait3A_1692 = tpu.memref_slice %arg7[%dma_wait3A_1689, %dma_wait3A_1690, %dma_wait3A_1691] : memref<8x64x128xf32, #tpu.memory_space<vmem>> -> memref<1x64x128xf32, #tpu.memory_space<vmem>>
      %dma_wait3A_1693 = tpu.memref_squeeze %dma_wait3A_1692 : memref<1x64x128xf32, #tpu.memory_space<vmem>> -> memref<64x128xf32, #tpu.memory_space<vmem>>
      %dma_wait3A_1694 = arith.constant 0 : i32
      %dma_wait3A_1695 = arith.constant 0 : i32
      %dma_wait3A_1696 = tpu.memref_slice %arg3[%dma_wait3A_1694, %dma_wait3A_1695] : memref<64x1000000xf32, #tpu.memory_space<hbm>> -> memref<64x128xf32, #tpu.memory_space<hbm>>
      %dma_wait3A_1697 = arith.constant 0 : i32
      %dma_wait3A_1698 = arith.constant 0 : i32
      %dma_wait3A_1699 = tpu.memref_slice %arg7[%dma_wait3A_1689, %dma_wait3A_1697, %dma_wait3A_1698] : memref<8x64x128xf32, #tpu.memory_space<vmem>> -> memref<1x64x128xf32, #tpu.memory_space<vmem>>
      %dma_wait3A_1700 = tpu.memref_squeeze %dma_wait3A_1699 : memref<1x64x128xf32, #tpu.memory_space<vmem>> -> memref<64x128xf32, #tpu.memory_space<vmem>>
      %dma_wait3A_1701 = arith.constant 0 : i32
      %dma_wait3A_1702 = arith.constant 0 : i32
      %dma_wait3A_1703 = tpu.memref_slice %arg3[%dma_wait3A_1701, %dma_wait3A_1702] : memref<64x1000000xf32, #tpu.memory_space<hbm>> -> memref<64x128xf32, #tpu.memory_space<hbm>>
      tpu.wait_dma2 semaphore(%arg15 : memref<!tpu.dma_semaphore, #tpu.memory_space<semaphore_mem>>) src(%dma_wait3A_1703 : memref<64x128xf32, #tpu.memory_space<hbm>>) dst(%dma_wait3A_1700 : memref<64x128xf32, #tpu.memory_space<vmem>>)
      %shift_right_logical3A_1704 = arith.constant 4 : i32
      %shift_right_logical3A_1705 = arith.shrui %add3A_1679, %shift_right_logical3A_1704 : i32
      %shift_right_logical3A_1706 = arith.constant 3 : i32
      %shift_right_logical3A_1707 = arith.shrui %shift_right_logical3A_1705, %shift_right_logical3A_1706 : i32
      %and3A_1708 = arith.constant 7 : i32
      %and3A_1709 = arith.andi %shift_right_logical3A_1705, %and3A_1708 : i32
      %mul3A_1710 = arith.constant 16 : i32
      %mul3A_1711 = arith.muli %and3A_1709, %mul3A_1710 : i32
      %multiple_of3A_1712 = tpu.assume_multiple %mul3A_1711, 16 : i32
      %get3A_1713 = arith.index_cast %shift_right_logical3A_1707 : i32 to index
      %get3A_1714 = arith.index_cast %multiple_of3A_1712 : i32 to index
      %get3A_1715 = tpu.vector_load %arg6[%get3A_1713, %get3A_1714] {strides = array<i32>} : memref<4x128xi32, #tpu.memory_space<vmem>>, vector<16xi32>,
      %and3A_1716 = arith.constant 15 : i32
      %and3A_1717 = arith.andi %add3A_1679, %and3A_1716 : i32
      %broadcast_in_dim3A_1718 = vector.broadcast %and3A_1717 : i32 to vector<16xi32>
      %lt3A_1719 = arith.constant 0 : i32
      %lt3A_1720 = vector.broadcast %lt3A_1719 : i32 to vector<16xi32>
      %lt3A_1721 = arith.cmpi slt, %broadcast_in_dim3A_1718, %lt3A_1720 : vector<16xi32>
      %add3A_1722 = arith.constant 16 : i32
      %add3A_1723 = vector.broadcast %add3A_1722 : i32 to vector<16xi32>
      %add3A_1724 = arith.addi %broadcast_in_dim3A_1718, %add3A_1723 : vector<16xi32>
      %select_n3A_1725 = arith.select %lt3A_1721, %add3A_1724, %broadcast_in_dim3A_1718 : vector<16xi1>, vector<16xi32>
      %broadcast_in_dim3A_1726 = vector.shape_cast %select_n3A_1725 : vector<16xi32> to vector<16x1xi32>
      %gather3A_1727 = vector.shape_cast %broadcast_in_dim3A_1726 : vector<16x1xi32> to vector<16xi32>
      %gather3A_1728 = tpu.dynamic_gather %get3A_1715[%gather3A_1727] in [0] : vector<16xi32>, vector<16xi32> -> vector<16xi32>
      %slice3A_1729 = vector.extract_strided_slice %gather3A_1728 {offsets = [0], sizes = [1], strides = [1]} : vector<16xi32> to vector<1xi32>
      %squeeze3A_1730 = vector.extract %slice3A_1729[0] : i32 from vector<1xi32>
      %and3A_1731 = arith.constant 127 : i32
      %and3A_1732 = arith.andi %squeeze3A_1730, %and3A_1731 : i32
      %broadcast_in_dim3A_1733 = vector.broadcast %and3A_1732 : i32 to vector<16xi32>
      %and3A_1734 = arith.constant 255 : i32
      %and3A_1735 = arith.andi %add3A_1679, %and3A_1734 : i32
      %broadcast_in_dim3A_1736 = vector.broadcast %and3A_1735 : i32 to vector<16xi32>
      %add3A_1737 = arith.constant 0 : i32
      %add3A_1738 = vector.broadcast %add3A_1737 : i32 to vector<16xi32>
      %add3A_1739 = arith.addi %iota3A, %add3A_1738 : vector<16xi32>
      %gather3A_1740 = tpu.vector_load_idx %arg9[%add3A_1739, %broadcast_in_dim3A_1736] : memref<64x256xf32, #tpu.memory_space<vmem>>[vector<16xi32>, vector<16xi32>], vector<16xf32>,
      %add3A_1741 = arith.constant 16 : i32
      %add3A_1742 = vector.broadcast %add3A_1741 : i32 to vector<16xi32>
      %add3A_1743 = arith.addi %iota3A, %add3A_1742 : vector<16xi32>
      %gather3A_1744 = tpu.vector_load_idx %arg9[%add3A_1743, %broadcast_in_dim3A_1736] : memref<64x256xf32, #tpu.memory_space<vmem>>[vector<16xi32>, vector<16xi32>], vector<16xf32>,
      %add3A_1745 = arith.constant 32 : i32
      %add3A_1746 = vector.broadcast %add3A_1745 : i32 to vector<16xi32>
      %add3A_1747 = arith.addi %iota3A, %add3A_1746 : vector<16xi32>
      %gather3A_1748 = tpu.vector_load_idx %arg9[%add3A_1747, %broadcast_in_dim3A_1736] : memref<64x256xf32, #tpu.memory_space<vmem>>[vector<16xi32>, vector<16xi32>], vector<16xf32>,
      %add3A_1749 = arith.constant 48 : i32
      %add3A_1750 = vector.broadcast %add3A_1749 : i32 to vector<16xi32>
      %add3A_1751 = arith.addi %iota3A, %add3A_1750 : vector<16xi32>
      %gather3A_1752 = tpu.vector_load_idx %arg9[%add3A_1751, %broadcast_in_dim3A_1736] : memref<64x256xf32, #tpu.memory_space<vmem>>[vector<16xi32>, vector<16xi32>], vector<16xf32>,
      %mul3A_1753 = arith.mulf %gather3A_1740, %gather3A_1740 : vector<16xf32>
      %mul3A_1754 = arith.mulf %gather3A_1744, %gather3A_1744 : vector<16xf32>
      %add3A_1755 = arith.addf %mul3A_1753, %mul3A_1754 : vector<16xf32>
      %mul3A_1756 = arith.mulf %gather3A_1748, %gather3A_1748 : vector<16xf32>
      %add3A_1757 = arith.addf %add3A_1755, %mul3A_1756 : vector<16xf32>
      %mul3A_1758 = arith.mulf %gather3A_1752, %gather3A_1752 : vector<16xf32>
      %add3A_1759 = arith.addf %add3A_1757, %mul3A_1758 : vector<16xf32>
      %lt3A_1760 = arith.constant 0 : i32
      %lt3A_1761 = vector.broadcast %lt3A_1760 : i32 to vector<16xi32>
      %lt3A_1762 = arith.cmpi slt, %xor3A_4, %lt3A_1761 : vector<16xi32>
      %add3A_1763 = arith.constant 16 : i32
      %add3A_1764 = vector.broadcast %add3A_1763 : i32 to vector<16xi32>
      %add3A_1765 = arith.addi %xor3A_4, %add3A_1764 : vector<16xi32>
      %select_n3A_1766 = arith.select %lt3A_1762, %add3A_1765, %xor3A_4 : vector<16xi1>, vector<16xi32>
      %broadcast_in_dim3A_1767 = vector.shape_cast %select_n3A_1766 : vector<16xi32> to vector<16x1xi32>
      %gather3A_1768 = vector.shape_cast %broadcast_in_dim3A_1767 : vector<16x1xi32> to vector<16xi32>
      %gather3A_1769 = tpu.dynamic_gather %add3A_1759[%gather3A_1768] in [0] : vector<16xf32>, vector<16xi32> -> vector<16xf32>
      %add3A_1770 = arith.addf %add3A_1759, %gather3A_1769 : vector<16xf32>
      %lt3A_1771 = arith.constant 0 : i32
      %lt3A_1772 = vector.broadcast %lt3A_1771 : i32 to vector<16xi32>
      %lt3A_1773 = arith.cmpi slt, %xor3A_7, %lt3A_1772 : vector<16xi32>
      %add3A_1774 = arith.constant 16 : i32
      %add3A_1775 = vector.broadcast %add3A_1774 : i32 to vector<16xi32>
      %add3A_1776 = arith.addi %xor3A_7, %add3A_1775 : vector<16xi32>
      %select_n3A_1777 = arith.select %lt3A_1773, %add3A_1776, %xor3A_7 : vector<16xi1>, vector<16xi32>
      %broadcast_in_dim3A_1778 = vector.shape_cast %select_n3A_1777 : vector<16xi32> to vector<16x1xi32>
      %gather3A_1779 = vector.shape_cast %broadcast_in_dim3A_1778 : vector<16x1xi32> to vector<16xi32>
      %gather3A_1780 = tpu.dynamic_gather %add3A_1770[%gather3A_1779] in [0] : vector<16xf32>, vector<16xi32> -> vector<16xf32>
      %add3A_1781 = arith.addf %add3A_1770, %gather3A_1780 : vector<16xf32>
      %lt3A_1782 = arith.constant 0 : i32
      %lt3A_1783 = vector.broadcast %lt3A_1782 : i32 to vector<16xi32>
      %lt3A_1784 = arith.cmpi slt, %xor3A_10, %lt3A_1783 : vector<16xi32>
      %add3A_1785 = arith.constant 16 : i32
      %add3A_1786 = vector.broadcast %add3A_1785 : i32 to vector<16xi32>
      %add3A_1787 = arith.addi %xor3A_10, %add3A_1786 : vector<16xi32>
      %select_n3A_1788 = arith.select %lt3A_1784, %add3A_1787, %xor3A_10 : vector<16xi1>, vector<16xi32>
      %broadcast_in_dim3A_1789 = vector.shape_cast %select_n3A_1788 : vector<16xi32> to vector<16x1xi32>
      %gather3A_1790 = vector.shape_cast %broadcast_in_dim3A_1789 : vector<16x1xi32> to vector<16xi32>
      %gather3A_1791 = tpu.dynamic_gather %add3A_1781[%gather3A_1790] in [0] : vector<16xf32>, vector<16xi32> -> vector<16xf32>
      %add3A_1792 = arith.addf %add3A_1781, %gather3A_1791 : vector<16xf32>
      %lt3A_1793 = arith.constant 0 : i32
      %lt3A_1794 = vector.broadcast %lt3A_1793 : i32 to vector<16xi32>
      %lt3A_1795 = arith.cmpi slt, %xor3A_13, %lt3A_1794 : vector<16xi32>
      %add3A_1796 = arith.constant 16 : i32
      %add3A_1797 = vector.broadcast %add3A_1796 : i32 to vector<16xi32>
      %add3A_1798 = arith.addi %xor3A_13, %add3A_1797 : vector<16xi32>
      %select_n3A_1799 = arith.select %lt3A_1795, %add3A_1798, %xor3A_13 : vector<16xi1>, vector<16xi32>
      %broadcast_in_dim3A_1800 = vector.shape_cast %select_n3A_1799 : vector<16xi32> to vector<16x1xi32>
      %gather3A_1801 = vector.shape_cast %broadcast_in_dim3A_1800 : vector<16x1xi32> to vector<16xi32>
      %gather3A_1802 = tpu.dynamic_gather %add3A_1792[%gather3A_1801] in [0] : vector<16xf32>, vector<16xi32> -> vector<16xf32>
      %add3A_1803 = arith.addf %add3A_1792, %gather3A_1802 : vector<16xf32>
      %bitcast_convert_type3A_1804 = tpu.bitcast %add3A_1803 : vector<16xf32> -> vector<16xi32>
      %shift_right_logical3A_1805 = arith.constant 1 : i32
      %shift_right_logical3A_1806 = vector.broadcast %shift_right_logical3A_1805 : i32 to vector<16xi32>
      %shift_right_logical3A_1807 = arith.shrui %bitcast_convert_type3A_1804, %shift_right_logical3A_1806 : vector<16xi32>
      %sub3A_1808 = arith.constant 1597463007 : i32
      %sub3A_1809 = vector.broadcast %sub3A_1808 : i32 to vector<16xi32>
      %sub3A_1810 = arith.subi %sub3A_1809, %shift_right_logical3A_1807 : vector<16xi32>
      %bitcast_convert_type3A_1811 = tpu.bitcast %sub3A_1810 : vector<16xi32> -> vector<16xf32>
      %mul3A_1812 = arith.constant 5.000000e-01 : f32
      %mul3A_1813 = vector.broadcast %mul3A_1812 : f32 to vector<16xf32>
      %mul3A_1814 = arith.mulf %add3A_1803, %mul3A_1813 : vector<16xf32>
      %mul3A_1815 = arith.mulf %mul3A_1814, %bitcast_convert_type3A_1811 : vector<16xf32>
      %mul3A_1816 = arith.mulf %mul3A_1815, %bitcast_convert_type3A_1811 : vector<16xf32>
      %sub3A_1817 = arith.constant 1.500000e+00 : f32
      %sub3A_1818 = vector.broadcast %sub3A_1817 : f32 to vector<16xf32>
      %sub3A_1819 = arith.subf %sub3A_1818, %mul3A_1816 : vector<16xf32>
      %mul3A_1820 = arith.mulf %bitcast_convert_type3A_1811, %sub3A_1819 : vector<16xf32>
      %mul3A_1821 = arith.mulf %mul3A_1814, %mul3A_1820 : vector<16xf32>
      %mul3A_1822 = arith.mulf %mul3A_1821, %mul3A_1820 : vector<16xf32>
      %sub3A_1823 = arith.constant 1.500000e+00 : f32
      %sub3A_1824 = vector.broadcast %sub3A_1823 : f32 to vector<16xf32>
      %sub3A_1825 = arith.subf %sub3A_1824, %mul3A_1822 : vector<16xf32>
      %mul3A_1826 = arith.mulf %mul3A_1820, %sub3A_1825 : vector<16xf32>
      %mul3A_1827 = arith.mulf %mul3A_1814, %mul3A_1826 : vector<16xf32>
      %mul3A_1828 = arith.mulf %mul3A_1827, %mul3A_1826 : vector<16xf32>
      %sub3A_1829 = arith.constant 1.500000e+00 : f32
      %sub3A_1830 = vector.broadcast %sub3A_1829 : f32 to vector<16xf32>
      %sub3A_1831 = arith.subf %sub3A_1830, %mul3A_1828 : vector<16xf32>
      %mul3A_1832 = arith.mulf %mul3A_1826, %sub3A_1831 : vector<16xf32>
      %add3A_1833 = arith.constant 0 : i32
      %add3A_1834 = vector.broadcast %add3A_1833 : i32 to vector<16xi32>
      %add3A_1835 = arith.addi %iota3A, %add3A_1834 : vector<16xi32>
      %gather3A_1836 = arith.constant 5 : i32
      %gather3A_1837 = arith.constant 0 : i32
      %gather3A_1838 = arith.constant 0 : i32
      %gather3A_1839 = tpu.memref_slice %arg7[%gather3A_1836, %gather3A_1837, %gather3A_1838] : memref<8x64x128xf32, #tpu.memory_space<vmem>> -> memref<1x64x128xf32, #tpu.memory_space<vmem>>
      %gather3A_1840 = tpu.memref_squeeze %gather3A_1839 : memref<1x64x128xf32, #tpu.memory_space<vmem>> -> memref<64x128xf32, #tpu.memory_space<vmem>>
      %gather3A_1841 = tpu.vector_load_idx %gather3A_1840[%add3A_1835, %broadcast_in_dim3A_1733] : memref<64x128xf32, #tpu.memory_space<vmem>>[vector<16xi32>, vector<16xi32>], vector<16xf32>,
      %mul3A_1842 = arith.mulf %gather3A_1740, %mul3A_1832 : vector<16xf32>
      %add3A_1843 = arith.addf %gather3A_1841, %mul3A_1842 : vector<16xf32>
      tpu.vector_store_idx %arg8[%add3A_1835, %broadcast_in_dim3A_1736], %add3A_1843 : memref<64x256xf32, #tpu.memory_space<vmem>>[vector<16xi32>, vector<16xi32>], vector<16xf32>,
      %add3A_1844 = arith.constant 16 : i32
      %add3A_1845 = vector.broadcast %add3A_1844 : i32 to vector<16xi32>
      %add3A_1846 = arith.addi %iota3A, %add3A_1845 : vector<16xi32>
      %gather3A_1847 = arith.constant 5 : i32
      %gather3A_1848 = arith.constant 0 : i32
      %gather3A_1849 = arith.constant 0 : i32
      %gather3A_1850 = tpu.memref_slice %arg7[%gather3A_1847, %gather3A_1848, %gather3A_1849] : memref<8x64x128xf32, #tpu.memory_space<vmem>> -> memref<1x64x128xf32, #tpu.memory_space<vmem>>
      %gather3A_1851 = tpu.memref_squeeze %gather3A_1850 : memref<1x64x128xf32, #tpu.memory_space<vmem>> -> memref<64x128xf32, #tpu.memory_space<vmem>>
      %gather3A_1852 = tpu.vector_load_idx %gather3A_1851[%add3A_1846, %broadcast_in_dim3A_1733] : memref<64x128xf32, #tpu.memory_space<vmem>>[vector<16xi32>, vector<16xi32>], vector<16xf32>,
      %mul3A_1853 = arith.mulf %gather3A_1744, %mul3A_1832 : vector<16xf32>
      %add3A_1854 = arith.addf %gather3A_1852, %mul3A_1853 : vector<16xf32>
      tpu.vector_store_idx %arg8[%add3A_1846, %broadcast_in_dim3A_1736], %add3A_1854 : memref<64x256xf32, #tpu.memory_space<vmem>>[vector<16xi32>, vector<16xi32>], vector<16xf32>,
      %add3A_1855 = arith.constant 32 : i32
      %add3A_1856 = vector.broadcast %add3A_1855 : i32 to vector<16xi32>
      %add3A_1857 = arith.addi %iota3A, %add3A_1856 : vector<16xi32>
      %gather3A_1858 = arith.constant 5 : i32
      %gather3A_1859 = arith.constant 0 : i32
      %gather3A_1860 = arith.constant 0 : i32
      %gather3A_1861 = tpu.memref_slice %arg7[%gather3A_1858, %gather3A_1859, %gather3A_1860] : memref<8x64x128xf32, #tpu.memory_space<vmem>> -> memref<1x64x128xf32, #tpu.memory_space<vmem>>
      %gather3A_1862 = tpu.memref_squeeze %gather3A_1861 : memref<1x64x128xf32, #tpu.memory_space<vmem>> -> memref<64x128xf32, #tpu.memory_space<vmem>>
      %gather3A_1863 = tpu.vector_load_idx %gather3A_1862[%add3A_1857, %broadcast_in_dim3A_1733] : memref<64x128xf32, #tpu.memory_space<vmem>>[vector<16xi32>, vector<16xi32>], vector<16xf32>,
      %mul3A_1864 = arith.mulf %gather3A_1748, %mul3A_1832 : vector<16xf32>
      %add3A_1865 = arith.addf %gather3A_1863, %mul3A_1864 : vector<16xf32>
      tpu.vector_store_idx %arg8[%add3A_1857, %broadcast_in_dim3A_1736], %add3A_1865 : memref<64x256xf32, #tpu.memory_space<vmem>>[vector<16xi32>, vector<16xi32>], vector<16xf32>,
      %add3A_1866 = arith.constant 48 : i32
      %add3A_1867 = vector.broadcast %add3A_1866 : i32 to vector<16xi32>
      %add3A_1868 = arith.addi %iota3A, %add3A_1867 : vector<16xi32>
      %gather3A_1869 = arith.constant 5 : i32
      %gather3A_1870 = arith.constant 0 : i32
      %gather3A_1871 = arith.constant 0 : i32
      %gather3A_1872 = tpu.memref_slice %arg7[%gather3A_1869, %gather3A_1870, %gather3A_1871] : memref<8x64x128xf32, #tpu.memory_space<vmem>> -> memref<1x64x128xf32, #tpu.memory_space<vmem>>
      %gather3A_1873 = tpu.memref_squeeze %gather3A_1872 : memref<1x64x128xf32, #tpu.memory_space<vmem>> -> memref<64x128xf32, #tpu.memory_space<vmem>>
      %gather3A_1874 = tpu.vector_load_idx %gather3A_1873[%add3A_1868, %broadcast_in_dim3A_1733] : memref<64x128xf32, #tpu.memory_space<vmem>>[vector<16xi32>, vector<16xi32>], vector<16xf32>,
      %mul3A_1875 = arith.mulf %gather3A_1752, %mul3A_1832 : vector<16xf32>
      %add3A_1876 = arith.addf %gather3A_1874, %mul3A_1875 : vector<16xf32>
      tpu.vector_store_idx %arg8[%add3A_1868, %broadcast_in_dim3A_1736], %add3A_1876 : memref<64x256xf32, #tpu.memory_space<vmem>>[vector<16xi32>, vector<16xi32>], vector<16xf32>,
      %add3A_1877 = arith.constant 6 : i32
      %add3A_1878 = arith.addi %add3A_687, %add3A_1877 : i32
      %add3A_1879 = arith.constant 8 : i32
      %add3A_1880 = arith.addi %add3A_1878, %add3A_1879 : i32
      %sub3A_1881 = arith.constant 1 : i32
      %sub3A_1882 = arith.subi %add3A_1880, %sub3A_1881 : i32
      %lt3A_1883 = arith.constant 256 : i32
      %lt3A_1884 = arith.cmpi slt, %sub3A_1882, %lt3A_1883 : i32
      %convert_element_type3A_1885 = arith.extui %lt3A_1884 : i1 to i32
      %cond3A_1886 = arith.constant 0 : i32
      %cond3A_1887 = arith.cmpi ne, %convert_element_type3A_1885, %cond3A_1886 : i32
      scf.if %cond3A_1887 {
        %add3A_2275 = arith.constant 8 : i32
        %add3A_2276 = arith.addi %add3A_1878, %add3A_2275 : i32
        %sub3A_2277 = arith.constant 1 : i32
        %sub3A_2278 = arith.subi %add3A_2276, %sub3A_2277 : i32
        %shift_right_logical3A_2279 = arith.constant 4 : i32
        %shift_right_logical3A_2280 = arith.shrui %sub3A_2278, %shift_right_logical3A_2279 : i32
        %shift_right_logical3A_2281 = arith.constant 3 : i32
        %shift_right_logical3A_2282 = arith.shrui %shift_right_logical3A_2280, %shift_right_logical3A_2281 : i32
        %and3A_2283 = arith.constant 7 : i32
        %and3A_2284 = arith.andi %shift_right_logical3A_2280, %and3A_2283 : i32
        %mul3A_2285 = arith.constant 16 : i32
        %mul3A_2286 = arith.muli %and3A_2284, %mul3A_2285 : i32
        %multiple_of3A_2287 = tpu.assume_multiple %mul3A_2286, 16 : i32
        %get3A_2288 = arith.index_cast %shift_right_logical3A_2282 : i32 to index
        %get3A_2289 = arith.index_cast %multiple_of3A_2287 : i32 to index
        %get3A_2290 = tpu.vector_load %arg6[%get3A_2288, %get3A_2289] {strides = array<i32>} : memref<4x128xi32, #tpu.memory_space<vmem>>, vector<16xi32>,
        %and3A_2291 = arith.constant 15 : i32
        %and3A_2292 = arith.andi %sub3A_2278, %and3A_2291 : i32
        %broadcast_in_dim3A_2293 = vector.broadcast %and3A_2292 : i32 to vector<16xi32>
        %lt3A_2294 = arith.constant 0 : i32
        %lt3A_2295 = vector.broadcast %lt3A_2294 : i32 to vector<16xi32>
        %lt3A_2296 = arith.cmpi slt, %broadcast_in_dim3A_2293, %lt3A_2295 : vector<16xi32>
        %add3A_2297 = arith.constant 16 : i32
        %add3A_2298 = vector.broadcast %add3A_2297 : i32 to vector<16xi32>
        %add3A_2299 = arith.addi %broadcast_in_dim3A_2293, %add3A_2298 : vector<16xi32>
        %select_n3A_2300 = arith.select %lt3A_2296, %add3A_2299, %broadcast_in_dim3A_2293 : vector<16xi1>, vector<16xi32>
        %broadcast_in_dim3A_2301 = vector.shape_cast %select_n3A_2300 : vector<16xi32> to vector<16x1xi32>
        %gather3A_2302 = vector.shape_cast %broadcast_in_dim3A_2301 : vector<16x1xi32> to vector<16xi32>
        %gather3A_2303 = tpu.dynamic_gather %get3A_2290[%gather3A_2302] in [0] : vector<16xi32>, vector<16xi32> -> vector<16xi32>
        %slice3A_2304 = vector.extract_strided_slice %gather3A_2303 {offsets = [0], sizes = [1], strides = [1]} : vector<16xi32> to vector<1xi32>
        %squeeze3A_2305 = vector.extract %slice3A_2304[0] : i32 from vector<1xi32>
        %not3A_2306 = arith.constant 127 : i32
        %not3A_2307 = arith.constant -1 : i32
        %not3A_2308 = arith.xori %not3A_2306, %not3A_2307 : i32
        %and3A_2309 = arith.andi %squeeze3A_2305, %not3A_2308 : i32
        %multiple_of3A_2310 = tpu.assume_multiple %and3A_2309, 128 : i32
        %dma_start3A_2311 = arith.constant 5 : i32
        %dma_start3A_2312 = arith.constant 0 : i32
        %dma_start3A_2313 = arith.constant 0 : i32
        %dma_start3A_2314 = tpu.memref_slice %arg7[%dma_start3A_2311, %dma_start3A_2312, %dma_start3A_2313] : memref<8x64x128xf32, #tpu.memory_space<vmem>> -> memref<1x64x128xf32, #tpu.memory_space<vmem>>
        %dma_start3A_2315 = tpu.memref_squeeze %dma_start3A_2314 : memref<1x64x128xf32, #tpu.memory_space<vmem>> -> memref<64x128xf32, #tpu.memory_space<vmem>>
        %dma_start3A_2316 = arith.constant 0 : i32
        %dma_start3A_2317 = tpu.memref_slice %arg3[%dma_start3A_2316, %multiple_of3A_2310] : memref<64x1000000xf32, #tpu.memory_space<hbm>> -> memref<64x128xf32, #tpu.memory_space<hbm>>
        %dma_start3A_2318 = arith.constant 0 : i32
        %dma_start3A_2319 = arith.constant 0 : i32
        %dma_start3A_2320 = tpu.memref_slice %arg7[%dma_start3A_2311, %dma_start3A_2318, %dma_start3A_2319] : memref<8x64x128xf32, #tpu.memory_space<vmem>> -> memref<1x64x128xf32, #tpu.memory_space<vmem>>
        %dma_start3A_2321 = tpu.memref_squeeze %dma_start3A_2320 : memref<1x64x128xf32, #tpu.memory_space<vmem>> -> memref<64x128xf32, #tpu.memory_space<vmem>>
        %dma_start3A_2322 = arith.constant 0 : i32
        %dma_start3A_2323 = tpu.memref_slice %arg3[%dma_start3A_2322, %multiple_of3A_2310] : memref<64x1000000xf32, #tpu.memory_space<hbm>> -> memref<64x128xf32, #tpu.memory_space<hbm>>
        tpu.enqueue_dma source(%dma_start3A_2323 : memref<64x128xf32, #tpu.memory_space<hbm>>) target(%dma_start3A_2321 : memref<64x128xf32, #tpu.memory_space<vmem>>) target_semaphore(%arg15 : memref<!tpu.dma_semaphore, #tpu.memory_space<semaphore_mem>>)
      } else {
      }
      %dma_wait3A_1888 = arith.constant 6 : i32
      %dma_wait3A_1889 = arith.constant 0 : i32
      %dma_wait3A_1890 = arith.constant 0 : i32
      %dma_wait3A_1891 = tpu.memref_slice %arg7[%dma_wait3A_1888, %dma_wait3A_1889, %dma_wait3A_1890] : memref<8x64x128xf32, #tpu.memory_space<vmem>> -> memref<1x64x128xf32, #tpu.memory_space<vmem>>
      %dma_wait3A_1892 = tpu.memref_squeeze %dma_wait3A_1891 : memref<1x64x128xf32, #tpu.memory_space<vmem>> -> memref<64x128xf32, #tpu.memory_space<vmem>>
      %dma_wait3A_1893 = arith.constant 0 : i32
      %dma_wait3A_1894 = arith.constant 0 : i32
      %dma_wait3A_1895 = tpu.memref_slice %arg3[%dma_wait3A_1893, %dma_wait3A_1894] : memref<64x1000000xf32, #tpu.memory_space<hbm>> -> memref<64x128xf32, #tpu.memory_space<hbm>>
      %dma_wait3A_1896 = arith.constant 0 : i32
      %dma_wait3A_1897 = arith.constant 0 : i32
      %dma_wait3A_1898 = tpu.memref_slice %arg7[%dma_wait3A_1888, %dma_wait3A_1896, %dma_wait3A_1897] : memref<8x64x128xf32, #tpu.memory_space<vmem>> -> memref<1x64x128xf32, #tpu.memory_space<vmem>>
      %dma_wait3A_1899 = tpu.memref_squeeze %dma_wait3A_1898 : memref<1x64x128xf32, #tpu.memory_space<vmem>> -> memref<64x128xf32, #tpu.memory_space<vmem>>
      %dma_wait3A_1900 = arith.constant 0 : i32
      %dma_wait3A_1901 = arith.constant 0 : i32
      %dma_wait3A_1902 = tpu.memref_slice %arg3[%dma_wait3A_1900, %dma_wait3A_1901] : memref<64x1000000xf32, #tpu.memory_space<hbm>> -> memref<64x128xf32, #tpu.memory_space<hbm>>
      tpu.wait_dma2 semaphore(%arg16 : memref<!tpu.dma_semaphore, #tpu.memory_space<semaphore_mem>>) src(%dma_wait3A_1902 : memref<64x128xf32, #tpu.memory_space<hbm>>) dst(%dma_wait3A_1899 : memref<64x128xf32, #tpu.memory_space<vmem>>)
      %shift_right_logical3A_1903 = arith.constant 4 : i32
      %shift_right_logical3A_1904 = arith.shrui %add3A_1878, %shift_right_logical3A_1903 : i32
      %shift_right_logical3A_1905 = arith.constant 3 : i32
      %shift_right_logical3A_1906 = arith.shrui %shift_right_logical3A_1904, %shift_right_logical3A_1905 : i32
      %and3A_1907 = arith.constant 7 : i32
      %and3A_1908 = arith.andi %shift_right_logical3A_1904, %and3A_1907 : i32
      %mul3A_1909 = arith.constant 16 : i32
      %mul3A_1910 = arith.muli %and3A_1908, %mul3A_1909 : i32
      %multiple_of3A_1911 = tpu.assume_multiple %mul3A_1910, 16 : i32
      %get3A_1912 = arith.index_cast %shift_right_logical3A_1906 : i32 to index
      %get3A_1913 = arith.index_cast %multiple_of3A_1911 : i32 to index
      %get3A_1914 = tpu.vector_load %arg6[%get3A_1912, %get3A_1913] {strides = array<i32>} : memref<4x128xi32, #tpu.memory_space<vmem>>, vector<16xi32>,
      %and3A_1915 = arith.constant 15 : i32
      %and3A_1916 = arith.andi %add3A_1878, %and3A_1915 : i32
      %broadcast_in_dim3A_1917 = vector.broadcast %and3A_1916 : i32 to vector<16xi32>
      %lt3A_1918 = arith.constant 0 : i32
      %lt3A_1919 = vector.broadcast %lt3A_1918 : i32 to vector<16xi32>
      %lt3A_1920 = arith.cmpi slt, %broadcast_in_dim3A_1917, %lt3A_1919 : vector<16xi32>
      %add3A_1921 = arith.constant 16 : i32
      %add3A_1922 = vector.broadcast %add3A_1921 : i32 to vector<16xi32>
      %add3A_1923 = arith.addi %broadcast_in_dim3A_1917, %add3A_1922 : vector<16xi32>
      %select_n3A_1924 = arith.select %lt3A_1920, %add3A_1923, %broadcast_in_dim3A_1917 : vector<16xi1>, vector<16xi32>
      %broadcast_in_dim3A_1925 = vector.shape_cast %select_n3A_1924 : vector<16xi32> to vector<16x1xi32>
      %gather3A_1926 = vector.shape_cast %broadcast_in_dim3A_1925 : vector<16x1xi32> to vector<16xi32>
      %gather3A_1927 = tpu.dynamic_gather %get3A_1914[%gather3A_1926] in [0] : vector<16xi32>, vector<16xi32> -> vector<16xi32>
      %slice3A_1928 = vector.extract_strided_slice %gather3A_1927 {offsets = [0], sizes = [1], strides = [1]} : vector<16xi32> to vector<1xi32>
      %squeeze3A_1929 = vector.extract %slice3A_1928[0] : i32 from vector<1xi32>
      %and3A_1930 = arith.constant 127 : i32
      %and3A_1931 = arith.andi %squeeze3A_1929, %and3A_1930 : i32
      %broadcast_in_dim3A_1932 = vector.broadcast %and3A_1931 : i32 to vector<16xi32>
      %and3A_1933 = arith.constant 255 : i32
      %and3A_1934 = arith.andi %add3A_1878, %and3A_1933 : i32
      %broadcast_in_dim3A_1935 = vector.broadcast %and3A_1934 : i32 to vector<16xi32>
      %add3A_1936 = arith.constant 0 : i32
      %add3A_1937 = vector.broadcast %add3A_1936 : i32 to vector<16xi32>
      %add3A_1938 = arith.addi %iota3A, %add3A_1937 : vector<16xi32>
      %gather3A_1939 = tpu.vector_load_idx %arg9[%add3A_1938, %broadcast_in_dim3A_1935] : memref<64x256xf32, #tpu.memory_space<vmem>>[vector<16xi32>, vector<16xi32>], vector<16xf32>,
      %add3A_1940 = arith.constant 16 : i32
      %add3A_1941 = vector.broadcast %add3A_1940 : i32 to vector<16xi32>
      %add3A_1942 = arith.addi %iota3A, %add3A_1941 : vector<16xi32>
      %gather3A_1943 = tpu.vector_load_idx %arg9[%add3A_1942, %broadcast_in_dim3A_1935] : memref<64x256xf32, #tpu.memory_space<vmem>>[vector<16xi32>, vector<16xi32>], vector<16xf32>,
      %add3A_1944 = arith.constant 32 : i32
      %add3A_1945 = vector.broadcast %add3A_1944 : i32 to vector<16xi32>
      %add3A_1946 = arith.addi %iota3A, %add3A_1945 : vector<16xi32>
      %gather3A_1947 = tpu.vector_load_idx %arg9[%add3A_1946, %broadcast_in_dim3A_1935] : memref<64x256xf32, #tpu.memory_space<vmem>>[vector<16xi32>, vector<16xi32>], vector<16xf32>,
      %add3A_1948 = arith.constant 48 : i32
      %add3A_1949 = vector.broadcast %add3A_1948 : i32 to vector<16xi32>
      %add3A_1950 = arith.addi %iota3A, %add3A_1949 : vector<16xi32>
      %gather3A_1951 = tpu.vector_load_idx %arg9[%add3A_1950, %broadcast_in_dim3A_1935] : memref<64x256xf32, #tpu.memory_space<vmem>>[vector<16xi32>, vector<16xi32>], vector<16xf32>,
      %mul3A_1952 = arith.mulf %gather3A_1939, %gather3A_1939 : vector<16xf32>
      %mul3A_1953 = arith.mulf %gather3A_1943, %gather3A_1943 : vector<16xf32>
      %add3A_1954 = arith.addf %mul3A_1952, %mul3A_1953 : vector<16xf32>
      %mul3A_1955 = arith.mulf %gather3A_1947, %gather3A_1947 : vector<16xf32>
      %add3A_1956 = arith.addf %add3A_1954, %mul3A_1955 : vector<16xf32>
      %mul3A_1957 = arith.mulf %gather3A_1951, %gather3A_1951 : vector<16xf32>
      %add3A_1958 = arith.addf %add3A_1956, %mul3A_1957 : vector<16xf32>
      %lt3A_1959 = arith.constant 0 : i32
      %lt3A_1960 = vector.broadcast %lt3A_1959 : i32 to vector<16xi32>
      %lt3A_1961 = arith.cmpi slt, %xor3A_4, %lt3A_1960 : vector<16xi32>
      %add3A_1962 = arith.constant 16 : i32
      %add3A_1963 = vector.broadcast %add3A_1962 : i32 to vector<16xi32>
      %add3A_1964 = arith.addi %xor3A_4, %add3A_1963 : vector<16xi32>
      %select_n3A_1965 = arith.select %lt3A_1961, %add3A_1964, %xor3A_4 : vector<16xi1>, vector<16xi32>
      %broadcast_in_dim3A_1966 = vector.shape_cast %select_n3A_1965 : vector<16xi32> to vector<16x1xi32>
      %gather3A_1967 = vector.shape_cast %broadcast_in_dim3A_1966 : vector<16x1xi32> to vector<16xi32>
      %gather3A_1968 = tpu.dynamic_gather %add3A_1958[%gather3A_1967] in [0] : vector<16xf32>, vector<16xi32> -> vector<16xf32>
      %add3A_1969 = arith.addf %add3A_1958, %gather3A_1968 : vector<16xf32>
      %lt3A_1970 = arith.constant 0 : i32
      %lt3A_1971 = vector.broadcast %lt3A_1970 : i32 to vector<16xi32>
      %lt3A_1972 = arith.cmpi slt, %xor3A_7, %lt3A_1971 : vector<16xi32>
      %add3A_1973 = arith.constant 16 : i32
      %add3A_1974 = vector.broadcast %add3A_1973 : i32 to vector<16xi32>
      %add3A_1975 = arith.addi %xor3A_7, %add3A_1974 : vector<16xi32>
      %select_n3A_1976 = arith.select %lt3A_1972, %add3A_1975, %xor3A_7 : vector<16xi1>, vector<16xi32>
      %broadcast_in_dim3A_1977 = vector.shape_cast %select_n3A_1976 : vector<16xi32> to vector<16x1xi32>
      %gather3A_1978 = vector.shape_cast %broadcast_in_dim3A_1977 : vector<16x1xi32> to vector<16xi32>
      %gather3A_1979 = tpu.dynamic_gather %add3A_1969[%gather3A_1978] in [0] : vector<16xf32>, vector<16xi32> -> vector<16xf32>
      %add3A_1980 = arith.addf %add3A_1969, %gather3A_1979 : vector<16xf32>
      %lt3A_1981 = arith.constant 0 : i32
      %lt3A_1982 = vector.broadcast %lt3A_1981 : i32 to vector<16xi32>
      %lt3A_1983 = arith.cmpi slt, %xor3A_10, %lt3A_1982 : vector<16xi32>
      %add3A_1984 = arith.constant 16 : i32
      %add3A_1985 = vector.broadcast %add3A_1984 : i32 to vector<16xi32>
      %add3A_1986 = arith.addi %xor3A_10, %add3A_1985 : vector<16xi32>
      %select_n3A_1987 = arith.select %lt3A_1983, %add3A_1986, %xor3A_10 : vector<16xi1>, vector<16xi32>
      %broadcast_in_dim3A_1988 = vector.shape_cast %select_n3A_1987 : vector<16xi32> to vector<16x1xi32>
      %gather3A_1989 = vector.shape_cast %broadcast_in_dim3A_1988 : vector<16x1xi32> to vector<16xi32>
      %gather3A_1990 = tpu.dynamic_gather %add3A_1980[%gather3A_1989] in [0] : vector<16xf32>, vector<16xi32> -> vector<16xf32>
      %add3A_1991 = arith.addf %add3A_1980, %gather3A_1990 : vector<16xf32>
      %lt3A_1992 = arith.constant 0 : i32
      %lt3A_1993 = vector.broadcast %lt3A_1992 : i32 to vector<16xi32>
      %lt3A_1994 = arith.cmpi slt, %xor3A_13, %lt3A_1993 : vector<16xi32>
      %add3A_1995 = arith.constant 16 : i32
      %add3A_1996 = vector.broadcast %add3A_1995 : i32 to vector<16xi32>
      %add3A_1997 = arith.addi %xor3A_13, %add3A_1996 : vector<16xi32>
      %select_n3A_1998 = arith.select %lt3A_1994, %add3A_1997, %xor3A_13 : vector<16xi1>, vector<16xi32>
      %broadcast_in_dim3A_1999 = vector.shape_cast %select_n3A_1998 : vector<16xi32> to vector<16x1xi32>
      %gather3A_2000 = vector.shape_cast %broadcast_in_dim3A_1999 : vector<16x1xi32> to vector<16xi32>
      %gather3A_2001 = tpu.dynamic_gather %add3A_1991[%gather3A_2000] in [0] : vector<16xf32>, vector<16xi32> -> vector<16xf32>
      %add3A_2002 = arith.addf %add3A_1991, %gather3A_2001 : vector<16xf32>
      %bitcast_convert_type3A_2003 = tpu.bitcast %add3A_2002 : vector<16xf32> -> vector<16xi32>
      %shift_right_logical3A_2004 = arith.constant 1 : i32
      %shift_right_logical3A_2005 = vector.broadcast %shift_right_logical3A_2004 : i32 to vector<16xi32>
      %shift_right_logical3A_2006 = arith.shrui %bitcast_convert_type3A_2003, %shift_right_logical3A_2005 : vector<16xi32>
      %sub3A_2007 = arith.constant 1597463007 : i32
      %sub3A_2008 = vector.broadcast %sub3A_2007 : i32 to vector<16xi32>
      %sub3A_2009 = arith.subi %sub3A_2008, %shift_right_logical3A_2006 : vector<16xi32>
      %bitcast_convert_type3A_2010 = tpu.bitcast %sub3A_2009 : vector<16xi32> -> vector<16xf32>
      %mul3A_2011 = arith.constant 5.000000e-01 : f32
      %mul3A_2012 = vector.broadcast %mul3A_2011 : f32 to vector<16xf32>
      %mul3A_2013 = arith.mulf %add3A_2002, %mul3A_2012 : vector<16xf32>
      %mul3A_2014 = arith.mulf %mul3A_2013, %bitcast_convert_type3A_2010 : vector<16xf32>
      %mul3A_2015 = arith.mulf %mul3A_2014, %bitcast_convert_type3A_2010 : vector<16xf32>
      %sub3A_2016 = arith.constant 1.500000e+00 : f32
      %sub3A_2017 = vector.broadcast %sub3A_2016 : f32 to vector<16xf32>
      %sub3A_2018 = arith.subf %sub3A_2017, %mul3A_2015 : vector<16xf32>
      %mul3A_2019 = arith.mulf %bitcast_convert_type3A_2010, %sub3A_2018 : vector<16xf32>
      %mul3A_2020 = arith.mulf %mul3A_2013, %mul3A_2019 : vector<16xf32>
      %mul3A_2021 = arith.mulf %mul3A_2020, %mul3A_2019 : vector<16xf32>
      %sub3A_2022 = arith.constant 1.500000e+00 : f32
      %sub3A_2023 = vector.broadcast %sub3A_2022 : f32 to vector<16xf32>
      %sub3A_2024 = arith.subf %sub3A_2023, %mul3A_2021 : vector<16xf32>
      %mul3A_2025 = arith.mulf %mul3A_2019, %sub3A_2024 : vector<16xf32>
      %mul3A_2026 = arith.mulf %mul3A_2013, %mul3A_2025 : vector<16xf32>
      %mul3A_2027 = arith.mulf %mul3A_2026, %mul3A_2025 : vector<16xf32>
      %sub3A_2028 = arith.constant 1.500000e+00 : f32
      %sub3A_2029 = vector.broadcast %sub3A_2028 : f32 to vector<16xf32>
      %sub3A_2030 = arith.subf %sub3A_2029, %mul3A_2027 : vector<16xf32>
      %mul3A_2031 = arith.mulf %mul3A_2025, %sub3A_2030 : vector<16xf32>
      %add3A_2032 = arith.constant 0 : i32
      %add3A_2033 = vector.broadcast %add3A_2032 : i32 to vector<16xi32>
      %add3A_2034 = arith.addi %iota3A, %add3A_2033 : vector<16xi32>
      %gather3A_2035 = arith.constant 6 : i32
      %gather3A_2036 = arith.constant 0 : i32
      %gather3A_2037 = arith.constant 0 : i32
      %gather3A_2038 = tpu.memref_slice %arg7[%gather3A_2035, %gather3A_2036, %gather3A_2037] : memref<8x64x128xf32, #tpu.memory_space<vmem>> -> memref<1x64x128xf32, #tpu.memory_space<vmem>>
      %gather3A_2039 = tpu.memref_squeeze %gather3A_2038 : memref<1x64x128xf32, #tpu.memory_space<vmem>> -> memref<64x128xf32, #tpu.memory_space<vmem>>
      %gather3A_2040 = tpu.vector_load_idx %gather3A_2039[%add3A_2034, %broadcast_in_dim3A_1932] : memref<64x128xf32, #tpu.memory_space<vmem>>[vector<16xi32>, vector<16xi32>], vector<16xf32>,
      %mul3A_2041 = arith.mulf %gather3A_1939, %mul3A_2031 : vector<16xf32>
      %add3A_2042 = arith.addf %gather3A_2040, %mul3A_2041 : vector<16xf32>
      tpu.vector_store_idx %arg8[%add3A_2034, %broadcast_in_dim3A_1935], %add3A_2042 : memref<64x256xf32, #tpu.memory_space<vmem>>[vector<16xi32>, vector<16xi32>], vector<16xf32>,
      %add3A_2043 = arith.constant 16 : i32
      %add3A_2044 = vector.broadcast %add3A_2043 : i32 to vector<16xi32>
      %add3A_2045 = arith.addi %iota3A, %add3A_2044 : vector<16xi32>
      %gather3A_2046 = arith.constant 6 : i32
      %gather3A_2047 = arith.constant 0 : i32
      %gather3A_2048 = arith.constant 0 : i32
      %gather3A_2049 = tpu.memref_slice %arg7[%gather3A_2046, %gather3A_2047, %gather3A_2048] : memref<8x64x128xf32, #tpu.memory_space<vmem>> -> memref<1x64x128xf32, #tpu.memory_space<vmem>>
      %gather3A_2050 = tpu.memref_squeeze %gather3A_2049 : memref<1x64x128xf32, #tpu.memory_space<vmem>> -> memref<64x128xf32, #tpu.memory_space<vmem>>
      %gather3A_2051 = tpu.vector_load_idx %gather3A_2050[%add3A_2045, %broadcast_in_dim3A_1932] : memref<64x128xf32, #tpu.memory_space<vmem>>[vector<16xi32>, vector<16xi32>], vector<16xf32>,
      %mul3A_2052 = arith.mulf %gather3A_1943, %mul3A_2031 : vector<16xf32>
      %add3A_2053 = arith.addf %gather3A_2051, %mul3A_2052 : vector<16xf32>
      tpu.vector_store_idx %arg8[%add3A_2045, %broadcast_in_dim3A_1935], %add3A_2053 : memref<64x256xf32, #tpu.memory_space<vmem>>[vector<16xi32>, vector<16xi32>], vector<16xf32>,
      %add3A_2054 = arith.constant 32 : i32
      %add3A_2055 = vector.broadcast %add3A_2054 : i32 to vector<16xi32>
      %add3A_2056 = arith.addi %iota3A, %add3A_2055 : vector<16xi32>
      %gather3A_2057 = arith.constant 6 : i32
      %gather3A_2058 = arith.constant 0 : i32
      %gather3A_2059 = arith.constant 0 : i32
      %gather3A_2060 = tpu.memref_slice %arg7[%gather3A_2057, %gather3A_2058, %gather3A_2059] : memref<8x64x128xf32, #tpu.memory_space<vmem>> -> memref<1x64x128xf32, #tpu.memory_space<vmem>>
      %gather3A_2061 = tpu.memref_squeeze %gather3A_2060 : memref<1x64x128xf32, #tpu.memory_space<vmem>> -> memref<64x128xf32, #tpu.memory_space<vmem>>
      %gather3A_2062 = tpu.vector_load_idx %gather3A_2061[%add3A_2056, %broadcast_in_dim3A_1932] : memref<64x128xf32, #tpu.memory_space<vmem>>[vector<16xi32>, vector<16xi32>], vector<16xf32>,
      %mul3A_2063 = arith.mulf %gather3A_1947, %mul3A_2031 : vector<16xf32>
      %add3A_2064 = arith.addf %gather3A_2062, %mul3A_2063 : vector<16xf32>
      tpu.vector_store_idx %arg8[%add3A_2056, %broadcast_in_dim3A_1935], %add3A_2064 : memref<64x256xf32, #tpu.memory_space<vmem>>[vector<16xi32>, vector<16xi32>], vector<16xf32>,
      %add3A_2065 = arith.constant 48 : i32
      %add3A_2066 = vector.broadcast %add3A_2065 : i32 to vector<16xi32>
      %add3A_2067 = arith.addi %iota3A, %add3A_2066 : vector<16xi32>
      %gather3A_2068 = arith.constant 6 : i32
      %gather3A_2069 = arith.constant 0 : i32
      %gather3A_2070 = arith.constant 0 : i32
      %gather3A_2071 = tpu.memref_slice %arg7[%gather3A_2068, %gather3A_2069, %gather3A_2070] : memref<8x64x128xf32, #tpu.memory_space<vmem>> -> memref<1x64x128xf32, #tpu.memory_space<vmem>>
      %gather3A_2072 = tpu.memref_squeeze %gather3A_2071 : memref<1x64x128xf32, #tpu.memory_space<vmem>> -> memref<64x128xf32, #tpu.memory_space<vmem>>
      %gather3A_2073 = tpu.vector_load_idx %gather3A_2072[%add3A_2067, %broadcast_in_dim3A_1932] : memref<64x128xf32, #tpu.memory_space<vmem>>[vector<16xi32>, vector<16xi32>], vector<16xf32>,
      %mul3A_2074 = arith.mulf %gather3A_1951, %mul3A_2031 : vector<16xf32>
      %add3A_2075 = arith.addf %gather3A_2073, %mul3A_2074 : vector<16xf32>
      tpu.vector_store_idx %arg8[%add3A_2067, %broadcast_in_dim3A_1935], %add3A_2075 : memref<64x256xf32, #tpu.memory_space<vmem>>[vector<16xi32>, vector<16xi32>], vector<16xf32>,
      %add3A_2076 = arith.constant 7 : i32
      %add3A_2077 = arith.addi %add3A_687, %add3A_2076 : i32
      %add3A_2078 = arith.constant 8 : i32
      %add3A_2079 = arith.addi %add3A_2077, %add3A_2078 : i32
      %sub3A_2080 = arith.constant 1 : i32
      %sub3A_2081 = arith.subi %add3A_2079, %sub3A_2080 : i32
      %lt3A_2082 = arith.constant 256 : i32
      %lt3A_2083 = arith.cmpi slt, %sub3A_2081, %lt3A_2082 : i32
      %convert_element_type3A_2084 = arith.extui %lt3A_2083 : i1 to i32
      %cond3A_2085 = arith.constant 0 : i32
      %cond3A_2086 = arith.cmpi ne, %convert_element_type3A_2084, %cond3A_2085 : i32
      scf.if %cond3A_2086 {
        %add3A_2275 = arith.constant 8 : i32
        %add3A_2276 = arith.addi %add3A_2077, %add3A_2275 : i32
        %sub3A_2277 = arith.constant 1 : i32
        %sub3A_2278 = arith.subi %add3A_2276, %sub3A_2277 : i32
        %shift_right_logical3A_2279 = arith.constant 4 : i32
        %shift_right_logical3A_2280 = arith.shrui %sub3A_2278, %shift_right_logical3A_2279 : i32
        %shift_right_logical3A_2281 = arith.constant 3 : i32
        %shift_right_logical3A_2282 = arith.shrui %shift_right_logical3A_2280, %shift_right_logical3A_2281 : i32
        %and3A_2283 = arith.constant 7 : i32
        %and3A_2284 = arith.andi %shift_right_logical3A_2280, %and3A_2283 : i32
        %mul3A_2285 = arith.constant 16 : i32
        %mul3A_2286 = arith.muli %and3A_2284, %mul3A_2285 : i32
        %multiple_of3A_2287 = tpu.assume_multiple %mul3A_2286, 16 : i32
        %get3A_2288 = arith.index_cast %shift_right_logical3A_2282 : i32 to index
        %get3A_2289 = arith.index_cast %multiple_of3A_2287 : i32 to index
        %get3A_2290 = tpu.vector_load %arg6[%get3A_2288, %get3A_2289] {strides = array<i32>} : memref<4x128xi32, #tpu.memory_space<vmem>>, vector<16xi32>,
        %and3A_2291 = arith.constant 15 : i32
        %and3A_2292 = arith.andi %sub3A_2278, %and3A_2291 : i32
        %broadcast_in_dim3A_2293 = vector.broadcast %and3A_2292 : i32 to vector<16xi32>
        %lt3A_2294 = arith.constant 0 : i32
        %lt3A_2295 = vector.broadcast %lt3A_2294 : i32 to vector<16xi32>
        %lt3A_2296 = arith.cmpi slt, %broadcast_in_dim3A_2293, %lt3A_2295 : vector<16xi32>
        %add3A_2297 = arith.constant 16 : i32
        %add3A_2298 = vector.broadcast %add3A_2297 : i32 to vector<16xi32>
        %add3A_2299 = arith.addi %broadcast_in_dim3A_2293, %add3A_2298 : vector<16xi32>
        %select_n3A_2300 = arith.select %lt3A_2296, %add3A_2299, %broadcast_in_dim3A_2293 : vector<16xi1>, vector<16xi32>
        %broadcast_in_dim3A_2301 = vector.shape_cast %select_n3A_2300 : vector<16xi32> to vector<16x1xi32>
        %gather3A_2302 = vector.shape_cast %broadcast_in_dim3A_2301 : vector<16x1xi32> to vector<16xi32>
        %gather3A_2303 = tpu.dynamic_gather %get3A_2290[%gather3A_2302] in [0] : vector<16xi32>, vector<16xi32> -> vector<16xi32>
        %slice3A_2304 = vector.extract_strided_slice %gather3A_2303 {offsets = [0], sizes = [1], strides = [1]} : vector<16xi32> to vector<1xi32>
        %squeeze3A_2305 = vector.extract %slice3A_2304[0] : i32 from vector<1xi32>
        %not3A_2306 = arith.constant 127 : i32
        %not3A_2307 = arith.constant -1 : i32
        %not3A_2308 = arith.xori %not3A_2306, %not3A_2307 : i32
        %and3A_2309 = arith.andi %squeeze3A_2305, %not3A_2308 : i32
        %multiple_of3A_2310 = tpu.assume_multiple %and3A_2309, 128 : i32
        %dma_start3A_2311 = arith.constant 6 : i32
        %dma_start3A_2312 = arith.constant 0 : i32
        %dma_start3A_2313 = arith.constant 0 : i32
        %dma_start3A_2314 = tpu.memref_slice %arg7[%dma_start3A_2311, %dma_start3A_2312, %dma_start3A_2313] : memref<8x64x128xf32, #tpu.memory_space<vmem>> -> memref<1x64x128xf32, #tpu.memory_space<vmem>>
        %dma_start3A_2315 = tpu.memref_squeeze %dma_start3A_2314 : memref<1x64x128xf32, #tpu.memory_space<vmem>> -> memref<64x128xf32, #tpu.memory_space<vmem>>
        %dma_start3A_2316 = arith.constant 0 : i32
        %dma_start3A_2317 = tpu.memref_slice %arg3[%dma_start3A_2316, %multiple_of3A_2310] : memref<64x1000000xf32, #tpu.memory_space<hbm>> -> memref<64x128xf32, #tpu.memory_space<hbm>>
        %dma_start3A_2318 = arith.constant 0 : i32
        %dma_start3A_2319 = arith.constant 0 : i32
        %dma_start3A_2320 = tpu.memref_slice %arg7[%dma_start3A_2311, %dma_start3A_2318, %dma_start3A_2319] : memref<8x64x128xf32, #tpu.memory_space<vmem>> -> memref<1x64x128xf32, #tpu.memory_space<vmem>>
        %dma_start3A_2321 = tpu.memref_squeeze %dma_start3A_2320 : memref<1x64x128xf32, #tpu.memory_space<vmem>> -> memref<64x128xf32, #tpu.memory_space<vmem>>
        %dma_start3A_2322 = arith.constant 0 : i32
        %dma_start3A_2323 = tpu.memref_slice %arg3[%dma_start3A_2322, %multiple_of3A_2310] : memref<64x1000000xf32, #tpu.memory_space<hbm>> -> memref<64x128xf32, #tpu.memory_space<hbm>>
        tpu.enqueue_dma source(%dma_start3A_2323 : memref<64x128xf32, #tpu.memory_space<hbm>>) target(%dma_start3A_2321 : memref<64x128xf32, #tpu.memory_space<vmem>>) target_semaphore(%arg16 : memref<!tpu.dma_semaphore, #tpu.memory_space<semaphore_mem>>)
      } else {
      }
      %dma_wait3A_2087 = arith.constant 7 : i32
      %dma_wait3A_2088 = arith.constant 0 : i32
      %dma_wait3A_2089 = arith.constant 0 : i32
      %dma_wait3A_2090 = tpu.memref_slice %arg7[%dma_wait3A_2087, %dma_wait3A_2088, %dma_wait3A_2089] : memref<8x64x128xf32, #tpu.memory_space<vmem>> -> memref<1x64x128xf32, #tpu.memory_space<vmem>>
      %dma_wait3A_2091 = tpu.memref_squeeze %dma_wait3A_2090 : memref<1x64x128xf32, #tpu.memory_space<vmem>> -> memref<64x128xf32, #tpu.memory_space<vmem>>
      %dma_wait3A_2092 = arith.constant 0 : i32
      %dma_wait3A_2093 = arith.constant 0 : i32
      %dma_wait3A_2094 = tpu.memref_slice %arg3[%dma_wait3A_2092, %dma_wait3A_2093] : memref<64x1000000xf32, #tpu.memory_space<hbm>> -> memref<64x128xf32, #tpu.memory_space<hbm>>
      %dma_wait3A_2095 = arith.constant 0 : i32
      %dma_wait3A_2096 = arith.constant 0 : i32
      %dma_wait3A_2097 = tpu.memref_slice %arg7[%dma_wait3A_2087, %dma_wait3A_2095, %dma_wait3A_2096] : memref<8x64x128xf32, #tpu.memory_space<vmem>> -> memref<1x64x128xf32, #tpu.memory_space<vmem>>
      %dma_wait3A_2098 = tpu.memref_squeeze %dma_wait3A_2097 : memref<1x64x128xf32, #tpu.memory_space<vmem>> -> memref<64x128xf32, #tpu.memory_space<vmem>>
      %dma_wait3A_2099 = arith.constant 0 : i32
      %dma_wait3A_2100 = arith.constant 0 : i32
      %dma_wait3A_2101 = tpu.memref_slice %arg3[%dma_wait3A_2099, %dma_wait3A_2100] : memref<64x1000000xf32, #tpu.memory_space<hbm>> -> memref<64x128xf32, #tpu.memory_space<hbm>>
      tpu.wait_dma2 semaphore(%arg17 : memref<!tpu.dma_semaphore, #tpu.memory_space<semaphore_mem>>) src(%dma_wait3A_2101 : memref<64x128xf32, #tpu.memory_space<hbm>>) dst(%dma_wait3A_2098 : memref<64x128xf32, #tpu.memory_space<vmem>>)
      %shift_right_logical3A_2102 = arith.constant 4 : i32
      %shift_right_logical3A_2103 = arith.shrui %add3A_2077, %shift_right_logical3A_2102 : i32
      %shift_right_logical3A_2104 = arith.constant 3 : i32
      %shift_right_logical3A_2105 = arith.shrui %shift_right_logical3A_2103, %shift_right_logical3A_2104 : i32
      %and3A_2106 = arith.constant 7 : i32
      %and3A_2107 = arith.andi %shift_right_logical3A_2103, %and3A_2106 : i32
      %mul3A_2108 = arith.constant 16 : i32
      %mul3A_2109 = arith.muli %and3A_2107, %mul3A_2108 : i32
      %multiple_of3A_2110 = tpu.assume_multiple %mul3A_2109, 16 : i32
      %get3A_2111 = arith.index_cast %shift_right_logical3A_2105 : i32 to index
      %get3A_2112 = arith.index_cast %multiple_of3A_2110 : i32 to index
      %get3A_2113 = tpu.vector_load %arg6[%get3A_2111, %get3A_2112] {strides = array<i32>} : memref<4x128xi32, #tpu.memory_space<vmem>>, vector<16xi32>,
      %and3A_2114 = arith.constant 15 : i32
      %and3A_2115 = arith.andi %add3A_2077, %and3A_2114 : i32
      %broadcast_in_dim3A_2116 = vector.broadcast %and3A_2115 : i32 to vector<16xi32>
      %lt3A_2117 = arith.constant 0 : i32
      %lt3A_2118 = vector.broadcast %lt3A_2117 : i32 to vector<16xi32>
      %lt3A_2119 = arith.cmpi slt, %broadcast_in_dim3A_2116, %lt3A_2118 : vector<16xi32>
      %add3A_2120 = arith.constant 16 : i32
      %add3A_2121 = vector.broadcast %add3A_2120 : i32 to vector<16xi32>
      %add3A_2122 = arith.addi %broadcast_in_dim3A_2116, %add3A_2121 : vector<16xi32>
      %select_n3A_2123 = arith.select %lt3A_2119, %add3A_2122, %broadcast_in_dim3A_2116 : vector<16xi1>, vector<16xi32>
      %broadcast_in_dim3A_2124 = vector.shape_cast %select_n3A_2123 : vector<16xi32> to vector<16x1xi32>
      %gather3A_2125 = vector.shape_cast %broadcast_in_dim3A_2124 : vector<16x1xi32> to vector<16xi32>
      %gather3A_2126 = tpu.dynamic_gather %get3A_2113[%gather3A_2125] in [0] : vector<16xi32>, vector<16xi32> -> vector<16xi32>
      %slice3A_2127 = vector.extract_strided_slice %gather3A_2126 {offsets = [0], sizes = [1], strides = [1]} : vector<16xi32> to vector<1xi32>
      %squeeze3A_2128 = vector.extract %slice3A_2127[0] : i32 from vector<1xi32>
      %and3A_2129 = arith.constant 127 : i32
      %and3A_2130 = arith.andi %squeeze3A_2128, %and3A_2129 : i32
      %broadcast_in_dim3A_2131 = vector.broadcast %and3A_2130 : i32 to vector<16xi32>
      %and3A_2132 = arith.constant 255 : i32
      %and3A_2133 = arith.andi %add3A_2077, %and3A_2132 : i32
      %broadcast_in_dim3A_2134 = vector.broadcast %and3A_2133 : i32 to vector<16xi32>
      %add3A_2135 = arith.constant 0 : i32
      %add3A_2136 = vector.broadcast %add3A_2135 : i32 to vector<16xi32>
      %add3A_2137 = arith.addi %iota3A, %add3A_2136 : vector<16xi32>
      %gather3A_2138 = tpu.vector_load_idx %arg9[%add3A_2137, %broadcast_in_dim3A_2134] : memref<64x256xf32, #tpu.memory_space<vmem>>[vector<16xi32>, vector<16xi32>], vector<16xf32>,
      %add3A_2139 = arith.constant 16 : i32
      %add3A_2140 = vector.broadcast %add3A_2139 : i32 to vector<16xi32>
      %add3A_2141 = arith.addi %iota3A, %add3A_2140 : vector<16xi32>
      %gather3A_2142 = tpu.vector_load_idx %arg9[%add3A_2141, %broadcast_in_dim3A_2134] : memref<64x256xf32, #tpu.memory_space<vmem>>[vector<16xi32>, vector<16xi32>], vector<16xf32>,
      %add3A_2143 = arith.constant 32 : i32
      %add3A_2144 = vector.broadcast %add3A_2143 : i32 to vector<16xi32>
      %add3A_2145 = arith.addi %iota3A, %add3A_2144 : vector<16xi32>
      %gather3A_2146 = tpu.vector_load_idx %arg9[%add3A_2145, %broadcast_in_dim3A_2134] : memref<64x256xf32, #tpu.memory_space<vmem>>[vector<16xi32>, vector<16xi32>], vector<16xf32>,
      %add3A_2147 = arith.constant 48 : i32
      %add3A_2148 = vector.broadcast %add3A_2147 : i32 to vector<16xi32>
      %add3A_2149 = arith.addi %iota3A, %add3A_2148 : vector<16xi32>
      %gather3A_2150 = tpu.vector_load_idx %arg9[%add3A_2149, %broadcast_in_dim3A_2134] : memref<64x256xf32, #tpu.memory_space<vmem>>[vector<16xi32>, vector<16xi32>], vector<16xf32>,
      %mul3A_2151 = arith.mulf %gather3A_2138, %gather3A_2138 : vector<16xf32>
      %mul3A_2152 = arith.mulf %gather3A_2142, %gather3A_2142 : vector<16xf32>
      %add3A_2153 = arith.addf %mul3A_2151, %mul3A_2152 : vector<16xf32>
      %mul3A_2154 = arith.mulf %gather3A_2146, %gather3A_2146 : vector<16xf32>
      %add3A_2155 = arith.addf %add3A_2153, %mul3A_2154 : vector<16xf32>
      %mul3A_2156 = arith.mulf %gather3A_2150, %gather3A_2150 : vector<16xf32>
      %add3A_2157 = arith.addf %add3A_2155, %mul3A_2156 : vector<16xf32>
      %lt3A_2158 = arith.constant 0 : i32
      %lt3A_2159 = vector.broadcast %lt3A_2158 : i32 to vector<16xi32>
      %lt3A_2160 = arith.cmpi slt, %xor3A_4, %lt3A_2159 : vector<16xi32>
      %add3A_2161 = arith.constant 16 : i32
      %add3A_2162 = vector.broadcast %add3A_2161 : i32 to vector<16xi32>
      %add3A_2163 = arith.addi %xor3A_4, %add3A_2162 : vector<16xi32>
      %select_n3A_2164 = arith.select %lt3A_2160, %add3A_2163, %xor3A_4 : vector<16xi1>, vector<16xi32>
      %broadcast_in_dim3A_2165 = vector.shape_cast %select_n3A_2164 : vector<16xi32> to vector<16x1xi32>
      %gather3A_2166 = vector.shape_cast %broadcast_in_dim3A_2165 : vector<16x1xi32> to vector<16xi32>
      %gather3A_2167 = tpu.dynamic_gather %add3A_2157[%gather3A_2166] in [0] : vector<16xf32>, vector<16xi32> -> vector<16xf32>
      %add3A_2168 = arith.addf %add3A_2157, %gather3A_2167 : vector<16xf32>
      %lt3A_2169 = arith.constant 0 : i32
      %lt3A_2170 = vector.broadcast %lt3A_2169 : i32 to vector<16xi32>
      %lt3A_2171 = arith.cmpi slt, %xor3A_7, %lt3A_2170 : vector<16xi32>
      %add3A_2172 = arith.constant 16 : i32
      %add3A_2173 = vector.broadcast %add3A_2172 : i32 to vector<16xi32>
      %add3A_2174 = arith.addi %xor3A_7, %add3A_2173 : vector<16xi32>
      %select_n3A_2175 = arith.select %lt3A_2171, %add3A_2174, %xor3A_7 : vector<16xi1>, vector<16xi32>
      %broadcast_in_dim3A_2176 = vector.shape_cast %select_n3A_2175 : vector<16xi32> to vector<16x1xi32>
      %gather3A_2177 = vector.shape_cast %broadcast_in_dim3A_2176 : vector<16x1xi32> to vector<16xi32>
      %gather3A_2178 = tpu.dynamic_gather %add3A_2168[%gather3A_2177] in [0] : vector<16xf32>, vector<16xi32> -> vector<16xf32>
      %add3A_2179 = arith.addf %add3A_2168, %gather3A_2178 : vector<16xf32>
      %lt3A_2180 = arith.constant 0 : i32
      %lt3A_2181 = vector.broadcast %lt3A_2180 : i32 to vector<16xi32>
      %lt3A_2182 = arith.cmpi slt, %xor3A_10, %lt3A_2181 : vector<16xi32>
      %add3A_2183 = arith.constant 16 : i32
      %add3A_2184 = vector.broadcast %add3A_2183 : i32 to vector<16xi32>
      %add3A_2185 = arith.addi %xor3A_10, %add3A_2184 : vector<16xi32>
      %select_n3A_2186 = arith.select %lt3A_2182, %add3A_2185, %xor3A_10 : vector<16xi1>, vector<16xi32>
      %broadcast_in_dim3A_2187 = vector.shape_cast %select_n3A_2186 : vector<16xi32> to vector<16x1xi32>
      %gather3A_2188 = vector.shape_cast %broadcast_in_dim3A_2187 : vector<16x1xi32> to vector<16xi32>
      %gather3A_2189 = tpu.dynamic_gather %add3A_2179[%gather3A_2188] in [0] : vector<16xf32>, vector<16xi32> -> vector<16xf32>
      %add3A_2190 = arith.addf %add3A_2179, %gather3A_2189 : vector<16xf32>
      %lt3A_2191 = arith.constant 0 : i32
      %lt3A_2192 = vector.broadcast %lt3A_2191 : i32 to vector<16xi32>
      %lt3A_2193 = arith.cmpi slt, %xor3A_13, %lt3A_2192 : vector<16xi32>
      %add3A_2194 = arith.constant 16 : i32
      %add3A_2195 = vector.broadcast %add3A_2194 : i32 to vector<16xi32>
      %add3A_2196 = arith.addi %xor3A_13, %add3A_2195 : vector<16xi32>
      %select_n3A_2197 = arith.select %lt3A_2193, %add3A_2196, %xor3A_13 : vector<16xi1>, vector<16xi32>
      %broadcast_in_dim3A_2198 = vector.shape_cast %select_n3A_2197 : vector<16xi32> to vector<16x1xi32>
      %gather3A_2199 = vector.shape_cast %broadcast_in_dim3A_2198 : vector<16x1xi32> to vector<16xi32>
      %gather3A_2200 = tpu.dynamic_gather %add3A_2190[%gather3A_2199] in [0] : vector<16xf32>, vector<16xi32> -> vector<16xf32>
      %add3A_2201 = arith.addf %add3A_2190, %gather3A_2200 : vector<16xf32>
      %bitcast_convert_type3A_2202 = tpu.bitcast %add3A_2201 : vector<16xf32> -> vector<16xi32>
      %shift_right_logical3A_2203 = arith.constant 1 : i32
      %shift_right_logical3A_2204 = vector.broadcast %shift_right_logical3A_2203 : i32 to vector<16xi32>
      %shift_right_logical3A_2205 = arith.shrui %bitcast_convert_type3A_2202, %shift_right_logical3A_2204 : vector<16xi32>
      %sub3A_2206 = arith.constant 1597463007 : i32
      %sub3A_2207 = vector.broadcast %sub3A_2206 : i32 to vector<16xi32>
      %sub3A_2208 = arith.subi %sub3A_2207, %shift_right_logical3A_2205 : vector<16xi32>
      %bitcast_convert_type3A_2209 = tpu.bitcast %sub3A_2208 : vector<16xi32> -> vector<16xf32>
      %mul3A_2210 = arith.constant 5.000000e-01 : f32
      %mul3A_2211 = vector.broadcast %mul3A_2210 : f32 to vector<16xf32>
      %mul3A_2212 = arith.mulf %add3A_2201, %mul3A_2211 : vector<16xf32>
      %mul3A_2213 = arith.mulf %mul3A_2212, %bitcast_convert_type3A_2209 : vector<16xf32>
      %mul3A_2214 = arith.mulf %mul3A_2213, %bitcast_convert_type3A_2209 : vector<16xf32>
      %sub3A_2215 = arith.constant 1.500000e+00 : f32
      %sub3A_2216 = vector.broadcast %sub3A_2215 : f32 to vector<16xf32>
      %sub3A_2217 = arith.subf %sub3A_2216, %mul3A_2214 : vector<16xf32>
      %mul3A_2218 = arith.mulf %bitcast_convert_type3A_2209, %sub3A_2217 : vector<16xf32>
      %mul3A_2219 = arith.mulf %mul3A_2212, %mul3A_2218 : vector<16xf32>
      %mul3A_2220 = arith.mulf %mul3A_2219, %mul3A_2218 : vector<16xf32>
      %sub3A_2221 = arith.constant 1.500000e+00 : f32
      %sub3A_2222 = vector.broadcast %sub3A_2221 : f32 to vector<16xf32>
      %sub3A_2223 = arith.subf %sub3A_2222, %mul3A_2220 : vector<16xf32>
      %mul3A_2224 = arith.mulf %mul3A_2218, %sub3A_2223 : vector<16xf32>
      %mul3A_2225 = arith.mulf %mul3A_2212, %mul3A_2224 : vector<16xf32>
      %mul3A_2226 = arith.mulf %mul3A_2225, %mul3A_2224 : vector<16xf32>
      %sub3A_2227 = arith.constant 1.500000e+00 : f32
      %sub3A_2228 = vector.broadcast %sub3A_2227 : f32 to vector<16xf32>
      %sub3A_2229 = arith.subf %sub3A_2228, %mul3A_2226 : vector<16xf32>
      %mul3A_2230 = arith.mulf %mul3A_2224, %sub3A_2229 : vector<16xf32>
      %add3A_2231 = arith.constant 0 : i32
      %add3A_2232 = vector.broadcast %add3A_2231 : i32 to vector<16xi32>
      %add3A_2233 = arith.addi %iota3A, %add3A_2232 : vector<16xi32>
      %gather3A_2234 = arith.constant 7 : i32
      %gather3A_2235 = arith.constant 0 : i32
      %gather3A_2236 = arith.constant 0 : i32
      %gather3A_2237 = tpu.memref_slice %arg7[%gather3A_2234, %gather3A_2235, %gather3A_2236] : memref<8x64x128xf32, #tpu.memory_space<vmem>> -> memref<1x64x128xf32, #tpu.memory_space<vmem>>
      %gather3A_2238 = tpu.memref_squeeze %gather3A_2237 : memref<1x64x128xf32, #tpu.memory_space<vmem>> -> memref<64x128xf32, #tpu.memory_space<vmem>>
      %gather3A_2239 = tpu.vector_load_idx %gather3A_2238[%add3A_2233, %broadcast_in_dim3A_2131] : memref<64x128xf32, #tpu.memory_space<vmem>>[vector<16xi32>, vector<16xi32>], vector<16xf32>,
      %mul3A_2240 = arith.mulf %gather3A_2138, %mul3A_2230 : vector<16xf32>
      %add3A_2241 = arith.addf %gather3A_2239, %mul3A_2240 : vector<16xf32>
      tpu.vector_store_idx %arg8[%add3A_2233, %broadcast_in_dim3A_2134], %add3A_2241 : memref<64x256xf32, #tpu.memory_space<vmem>>[vector<16xi32>, vector<16xi32>], vector<16xf32>,
      %add3A_2242 = arith.constant 16 : i32
      %add3A_2243 = vector.broadcast %add3A_2242 : i32 to vector<16xi32>
      %add3A_2244 = arith.addi %iota3A, %add3A_2243 : vector<16xi32>
      %gather3A_2245 = arith.constant 7 : i32
      %gather3A_2246 = arith.constant 0 : i32
      %gather3A_2247 = arith.constant 0 : i32
      %gather3A_2248 = tpu.memref_slice %arg7[%gather3A_2245, %gather3A_2246, %gather3A_2247] : memref<8x64x128xf32, #tpu.memory_space<vmem>> -> memref<1x64x128xf32, #tpu.memory_space<vmem>>
      %gather3A_2249 = tpu.memref_squeeze %gather3A_2248 : memref<1x64x128xf32, #tpu.memory_space<vmem>> -> memref<64x128xf32, #tpu.memory_space<vmem>>
      %gather3A_2250 = tpu.vector_load_idx %gather3A_2249[%add3A_2244, %broadcast_in_dim3A_2131] : memref<64x128xf32, #tpu.memory_space<vmem>>[vector<16xi32>, vector<16xi32>], vector<16xf32>,
      %mul3A_2251 = arith.mulf %gather3A_2142, %mul3A_2230 : vector<16xf32>
      %add3A_2252 = arith.addf %gather3A_2250, %mul3A_2251 : vector<16xf32>
      tpu.vector_store_idx %arg8[%add3A_2244, %broadcast_in_dim3A_2134], %add3A_2252 : memref<64x256xf32, #tpu.memory_space<vmem>>[vector<16xi32>, vector<16xi32>], vector<16xf32>,
      %add3A_2253 = arith.constant 32 : i32
      %add3A_2254 = vector.broadcast %add3A_2253 : i32 to vector<16xi32>
      %add3A_2255 = arith.addi %iota3A, %add3A_2254 : vector<16xi32>
      %gather3A_2256 = arith.constant 7 : i32
      %gather3A_2257 = arith.constant 0 : i32
      %gather3A_2258 = arith.constant 0 : i32
      %gather3A_2259 = tpu.memref_slice %arg7[%gather3A_2256, %gather3A_2257, %gather3A_2258] : memref<8x64x128xf32, #tpu.memory_space<vmem>> -> memref<1x64x128xf32, #tpu.memory_space<vmem>>
      %gather3A_2260 = tpu.memref_squeeze %gather3A_2259 : memref<1x64x128xf32, #tpu.memory_space<vmem>> -> memref<64x128xf32, #tpu.memory_space<vmem>>
      %gather3A_2261 = tpu.vector_load_idx %gather3A_2260[%add3A_2255, %broadcast_in_dim3A_2131] : memref<64x128xf32, #tpu.memory_space<vmem>>[vector<16xi32>, vector<16xi32>], vector<16xf32>,
      %mul3A_2262 = arith.mulf %gather3A_2146, %mul3A_2230 : vector<16xf32>
      %add3A_2263 = arith.addf %gather3A_2261, %mul3A_2262 : vector<16xf32>
      tpu.vector_store_idx %arg8[%add3A_2255, %broadcast_in_dim3A_2134], %add3A_2263 : memref<64x256xf32, #tpu.memory_space<vmem>>[vector<16xi32>, vector<16xi32>], vector<16xf32>,
      %add3A_2264 = arith.constant 48 : i32
      %add3A_2265 = vector.broadcast %add3A_2264 : i32 to vector<16xi32>
      %add3A_2266 = arith.addi %iota3A, %add3A_2265 : vector<16xi32>
      %gather3A_2267 = arith.constant 7 : i32
      %gather3A_2268 = arith.constant 0 : i32
      %gather3A_2269 = arith.constant 0 : i32
      %gather3A_2270 = tpu.memref_slice %arg7[%gather3A_2267, %gather3A_2268, %gather3A_2269] : memref<8x64x128xf32, #tpu.memory_space<vmem>> -> memref<1x64x128xf32, #tpu.memory_space<vmem>>
      %gather3A_2271 = tpu.memref_squeeze %gather3A_2270 : memref<1x64x128xf32, #tpu.memory_space<vmem>> -> memref<64x128xf32, #tpu.memory_space<vmem>>
      %gather3A_2272 = tpu.vector_load_idx %gather3A_2271[%add3A_2266, %broadcast_in_dim3A_2131] : memref<64x128xf32, #tpu.memory_space<vmem>>[vector<16xi32>, vector<16xi32>], vector<16xf32>,
      %mul3A_2273 = arith.mulf %gather3A_2150, %mul3A_2230 : vector<16xf32>
      %add3A_2274 = arith.addf %gather3A_2272, %mul3A_2273 : vector<16xf32>
      tpu.vector_store_idx %arg8[%add3A_2266, %broadcast_in_dim3A_2134], %add3A_2274 : memref<64x256xf32, #tpu.memory_space<vmem>>[vector<16xi32>, vector<16xi32>], vector<16xf32>,
    }
    %scan3A_338 = arith.constant 32 : i32
    %add3A_339 = arith.constant 0 : i32
    %add3A_340 = arith.addi %mul3A_2, %add3A_339 : i32
    %multiple_of3A_341 = tpu.assume_multiple %add3A_340, 256 : i32
    "tpu.region"() ({
      %run_scoped3A = tpu.sem_alloc : memref<!tpu.dma_semaphore, #tpu.memory_space<semaphore_mem>>
      %dma_start3A_683 = arith.constant 0 : i32
      %dma_start3A_684 = tpu.memref_slice %arg5[%dma_start3A_683, %multiple_of3A_341] : memref<64x16384xf32, #tpu.memory_space<hbm>> -> memref<64x256xf32, #tpu.memory_space<hbm>>
      %dma_start3A_685 = arith.constant 0 : i32
      %dma_start3A_686 = tpu.memref_slice %arg5[%dma_start3A_685, %multiple_of3A_341] : memref<64x16384xf32, #tpu.memory_space<hbm>> -> memref<64x256xf32, #tpu.memory_space<hbm>>
      tpu.enqueue_dma source(%arg8 : memref<64x256xf32, #tpu.memory_space<vmem>>) target(%dma_start3A_686 : memref<64x256xf32, #tpu.memory_space<hbm>>) target_semaphore(%run_scoped3A : memref<!tpu.dma_semaphore, #tpu.memory_space<semaphore_mem>>)
      %dma_wait3A = arith.constant 0 : i32
      %dma_wait3A_687 = tpu.memref_slice %arg5[%dma_wait3A, %multiple_of3A_341] : memref<64x16384xf32, #tpu.memory_space<hbm>> -> memref<64x256xf32, #tpu.memory_space<hbm>>
      %dma_wait3A_688 = arith.constant 0 : i32
      %dma_wait3A_689 = tpu.memref_slice %arg5[%dma_wait3A_688, %multiple_of3A_341] : memref<64x16384xf32, #tpu.memory_space<hbm>> -> memref<64x256xf32, #tpu.memory_space<hbm>>
      tpu.wait_dma2 semaphore(%run_scoped3A : memref<!tpu.dma_semaphore, #tpu.memory_space<semaphore_mem>>) src(%arg8 : memref<64x256xf32, #tpu.memory_space<vmem>>) dst(%dma_wait3A_689 : memref<64x256xf32, #tpu.memory_space<hbm>>)
      tpu.yield
    }) : () -> ()
    %add3A_342 = arith.constant 256 : i32
    %add3A_343 = arith.addi %mul3A_2, %add3A_342 : i32
    %multiple_of3A_344 = tpu.assume_multiple %add3A_343, 256 : i32
    "tpu.region"() ({
      %run_scoped3A = tpu.sem_alloc : memref<!tpu.dma_semaphore, #tpu.memory_space<semaphore_mem>>
      %dma_start3A_683 = arith.constant 0 : i32
      %dma_start3A_684 = tpu.memref_slice %arg4[%dma_start3A_683, %multiple_of3A_344] : memref<64x16384xf32, #tpu.memory_space<hbm>> -> memref<64x256xf32, #tpu.memory_space<hbm>>
      %dma_start3A_685 = arith.constant 0 : i32
      %dma_start3A_686 = tpu.memref_slice %arg4[%dma_start3A_685, %multiple_of3A_344] : memref<64x16384xf32, #tpu.memory_space<hbm>> -> memref<64x256xf32, #tpu.memory_space<hbm>>
      tpu.enqueue_dma source(%dma_start3A_686 : memref<64x256xf32, #tpu.memory_space<hbm>>) target(%arg9 : memref<64x256xf32, #tpu.memory_space<vmem>>) target_semaphore(%run_scoped3A : memref<!tpu.dma_semaphore, #tpu.memory_space<semaphore_mem>>)
      %dma_wait3A = arith.constant 0 : i32
      %dma_wait3A_687 = tpu.memref_slice %arg4[%dma_wait3A, %multiple_of3A_344] : memref<64x16384xf32, #tpu.memory_space<hbm>> -> memref<64x256xf32, #tpu.memory_space<hbm>>
      %dma_wait3A_688 = arith.constant 0 : i32
      %dma_wait3A_689 = tpu.memref_slice %arg4[%dma_wait3A_688, %multiple_of3A_344] : memref<64x16384xf32, #tpu.memory_space<hbm>> -> memref<64x256xf32, #tpu.memory_space<hbm>>
      tpu.wait_dma2 semaphore(%run_scoped3A : memref<!tpu.dma_semaphore, #tpu.memory_space<semaphore_mem>>) src(%dma_wait3A_689 : memref<64x256xf32, #tpu.memory_space<hbm>>) dst(%arg9 : memref<64x256xf32, #tpu.memory_space<vmem>>)
      tpu.yield
    }) : () -> ()
    %shift_right_logical3A_345 = arith.constant 256 : i32
    %shift_right_logical3A_346 = arith.constant 4 : i32
    %shift_right_logical3A_347 = arith.shrui %shift_right_logical3A_345, %shift_right_logical3A_346 : i32
    %shift_right_logical3A_348 = arith.constant 3 : i32
    %shift_right_logical3A_349 = arith.shrui %shift_right_logical3A_347, %shift_right_logical3A_348 : i32
    %and3A_350 = arith.constant 7 : i32
    %and3A_351 = arith.andi %shift_right_logical3A_347, %and3A_350 : i32
    %mul3A_352 = arith.constant 16 : i32
    %mul3A_353 = arith.muli %and3A_351, %mul3A_352 : i32
    %multiple_of3A_354 = tpu.assume_multiple %mul3A_353, 16 : i32
    %get3A_355 = arith.index_cast %shift_right_logical3A_349 : i32 to index
    %get3A_356 = arith.index_cast %multiple_of3A_354 : i32 to index
    %get3A_357 = tpu.vector_load %arg6[%get3A_355, %get3A_356] {strides = array<i32>} : memref<4x128xi32, #tpu.memory_space<vmem>>, vector<16xi32>,
    %and3A_358 = arith.constant 256 : i32
    %and3A_359 = arith.constant 15 : i32
    %and3A_360 = arith.andi %and3A_358, %and3A_359 : i32
    %broadcast_in_dim3A_361 = vector.broadcast %and3A_360 : i32 to vector<16xi32>
    %lt3A_362 = arith.constant 0 : i32
    %lt3A_363 = vector.broadcast %lt3A_362 : i32 to vector<16xi32>
    %lt3A_364 = arith.cmpi slt, %broadcast_in_dim3A_361, %lt3A_363 : vector<16xi32>
    %add3A_365 = arith.constant 16 : i32
    %add3A_366 = vector.broadcast %add3A_365 : i32 to vector<16xi32>
    %add3A_367 = arith.addi %broadcast_in_dim3A_361, %add3A_366 : vector<16xi32>
    %select_n3A_368 = arith.select %lt3A_364, %add3A_367, %broadcast_in_dim3A_361 : vector<16xi1>, vector<16xi32>
    %broadcast_in_dim3A_369 = vector.shape_cast %select_n3A_368 : vector<16xi32> to vector<16x1xi32>
    %gather3A_370 = vector.shape_cast %broadcast_in_dim3A_369 : vector<16x1xi32> to vector<16xi32>
    %gather3A_371 = tpu.dynamic_gather %get3A_357[%gather3A_370] in [0] : vector<16xi32>, vector<16xi32> -> vector<16xi32>
    %slice3A_372 = vector.extract_strided_slice %gather3A_371 {offsets = [0], sizes = [1], strides = [1]} : vector<16xi32> to vector<1xi32>
    %squeeze3A_373 = vector.extract %slice3A_372[0] : i32 from vector<1xi32>
    %not3A_374 = arith.constant 127 : i32
    %not3A_375 = arith.constant -1 : i32
    %not3A_376 = arith.xori %not3A_374, %not3A_375 : i32
    %and3A_377 = arith.andi %squeeze3A_373, %not3A_376 : i32
    %multiple_of3A_378 = tpu.assume_multiple %and3A_377, 128 : i32
    %dma_start3A_379 = arith.constant 0 : i32
    %dma_start3A_380 = arith.constant 0 : i32
    %dma_start3A_381 = arith.constant 0 : i32
    %dma_start3A_382 = tpu.memref_slice %arg7[%dma_start3A_379, %dma_start3A_380, %dma_start3A_381] : memref<8x64x128xf32, #tpu.memory_space<vmem>> -> memref<1x64x128xf32, #tpu.memory_space<vmem>>
    %dma_start3A_383 = tpu.memref_squeeze %dma_start3A_382 : memref<1x64x128xf32, #tpu.memory_space<vmem>> -> memref<64x128xf32, #tpu.memory_space<vmem>>
    %dma_start3A_384 = arith.constant 0 : i32
    %dma_start3A_385 = tpu.memref_slice %arg3[%dma_start3A_384, %multiple_of3A_378] : memref<64x1000000xf32, #tpu.memory_space<hbm>> -> memref<64x128xf32, #tpu.memory_space<hbm>>
    %dma_start3A_386 = arith.constant 0 : i32
    %dma_start3A_387 = arith.constant 0 : i32
    %dma_start3A_388 = tpu.memref_slice %arg7[%dma_start3A_379, %dma_start3A_386, %dma_start3A_387] : memref<8x64x128xf32, #tpu.memory_space<vmem>> -> memref<1x64x128xf32, #tpu.memory_space<vmem>>
    %dma_start3A_389 = tpu.memref_squeeze %dma_start3A_388 : memref<1x64x128xf32, #tpu.memory_space<vmem>> -> memref<64x128xf32, #tpu.memory_space<vmem>>
    %dma_start3A_390 = arith.constant 0 : i32
    %dma_start3A_391 = tpu.memref_slice %arg3[%dma_start3A_390, %multiple_of3A_378] : memref<64x1000000xf32, #tpu.memory_space<hbm>> -> memref<64x128xf32, #tpu.memory_space<hbm>>
    tpu.enqueue_dma source(%dma_start3A_391 : memref<64x128xf32, #tpu.memory_space<hbm>>) target(%dma_start3A_389 : memref<64x128xf32, #tpu.memory_space<vmem>>) target_semaphore(%arg10 : memref<!tpu.dma_semaphore, #tpu.memory_space<semaphore_mem>>)
    %shift_right_logical3A_392 = arith.constant 257 : i32
    %shift_right_logical3A_393 = arith.constant 4 : i32
    %shift_right_logical3A_394 = arith.shrui %shift_right_logical3A_392, %shift_right_logical3A_393 : i32
    %shift_right_logical3A_395 = arith.constant 3 : i32
    %shift_right_logical3A_396 = arith.shrui %shift_right_logical3A_394, %shift_right_logical3A_395 : i32
    %and3A_397 = arith.constant 7 : i32
    %and3A_398 = arith.andi %shift_right_logical3A_394, %and3A_397 : i32
    %mul3A_399 = arith.constant 16 : i32
    %mul3A_400 = arith.muli %and3A_398, %mul3A_399 : i32
    %multiple_of3A_401 = tpu.assume_multiple %mul3A_400, 16 : i32
    %get3A_402 = arith.index_cast %shift_right_logical3A_396 : i32 to index
    %get3A_403 = arith.index_cast %multiple_of3A_401 : i32 to index
    %get3A_404 = tpu.vector_load %arg6[%get3A_402, %get3A_403] {strides = array<i32>} : memref<4x128xi32, #tpu.memory_space<vmem>>, vector<16xi32>,
    %and3A_405 = arith.constant 257 : i32
    %and3A_406 = arith.constant 15 : i32
    %and3A_407 = arith.andi %and3A_405, %and3A_406 : i32
    %broadcast_in_dim3A_408 = vector.broadcast %and3A_407 : i32 to vector<16xi32>
    %lt3A_409 = arith.constant 0 : i32
    %lt3A_410 = vector.broadcast %lt3A_409 : i32 to vector<16xi32>
    %lt3A_411 = arith.cmpi slt, %broadcast_in_dim3A_408, %lt3A_410 : vector<16xi32>
    %add3A_412 = arith.constant 16 : i32
    %add3A_413 = vector.broadcast %add3A_412 : i32 to vector<16xi32>
    %add3A_414 = arith.addi %broadcast_in_dim3A_408, %add3A_413 : vector<16xi32>
    %select_n3A_415 = arith.select %lt3A_411, %add3A_414, %broadcast_in_dim3A_408 : vector<16xi1>, vector<16xi32>
    %broadcast_in_dim3A_416 = vector.shape_cast %select_n3A_415 : vector<16xi32> to vector<16x1xi32>
    %gather3A_417 = vector.shape_cast %broadcast_in_dim3A_416 : vector<16x1xi32> to vector<16xi32>
    %gather3A_418 = tpu.dynamic_gather %get3A_404[%gather3A_417] in [0] : vector<16xi32>, vector<16xi32> -> vector<16xi32>
    %slice3A_419 = vector.extract_strided_slice %gather3A_418 {offsets = [0], sizes = [1], strides = [1]} : vector<16xi32> to vector<1xi32>
    %squeeze3A_420 = vector.extract %slice3A_419[0] : i32 from vector<1xi32>
    %not3A_421 = arith.constant 127 : i32
    %not3A_422 = arith.constant -1 : i32
    %not3A_423 = arith.xori %not3A_421, %not3A_422 : i32
    %and3A_424 = arith.andi %squeeze3A_420, %not3A_423 : i32
    %multiple_of3A_425 = tpu.assume_multiple %and3A_424, 128 : i32
    %dma_start3A_426 = arith.constant 1 : i32
    %dma_start3A_427 = arith.constant 0 : i32
    %dma_start3A_428 = arith.constant 0 : i32
    %dma_start3A_429 = tpu.memref_slice %arg7[%dma_start3A_426, %dma_start3A_427, %dma_start3A_428] : memref<8x64x128xf32, #tpu.memory_space<vmem>> -> memref<1x64x128xf32, #tpu.memory_space<vmem>>
    %dma_start3A_430 = tpu.memref_squeeze %dma_start3A_429 : memref<1x64x128xf32, #tpu.memory_space<vmem>> -> memref<64x128xf32, #tpu.memory_space<vmem>>
    %dma_start3A_431 = arith.constant 0 : i32
    %dma_start3A_432 = tpu.memref_slice %arg3[%dma_start3A_431, %multiple_of3A_425] : memref<64x1000000xf32, #tpu.memory_space<hbm>> -> memref<64x128xf32, #tpu.memory_space<hbm>>
    %dma_start3A_433 = arith.constant 0 : i32
    %dma_start3A_434 = arith.constant 0 : i32
    %dma_start3A_435 = tpu.memref_slice %arg7[%dma_start3A_426, %dma_start3A_433, %dma_start3A_434] : memref<8x64x128xf32, #tpu.memory_space<vmem>> -> memref<1x64x128xf32, #tpu.memory_space<vmem>>
    %dma_start3A_436 = tpu.memref_squeeze %dma_start3A_435 : memref<1x64x128xf32, #tpu.memory_space<vmem>> -> memref<64x128xf32, #tpu.memory_space<vmem>>
    %dma_start3A_437 = arith.constant 0 : i32
    %dma_start3A_438 = tpu.memref_slice %arg3[%dma_start3A_437, %multiple_of3A_425] : memref<64x1000000xf32, #tpu.memory_space<hbm>> -> memref<64x128xf32, #tpu.memory_space<hbm>>
    tpu.enqueue_dma source(%dma_start3A_438 : memref<64x128xf32, #tpu.memory_space<hbm>>) target(%dma_start3A_436 : memref<64x128xf32, #tpu.memory_space<vmem>>) target_semaphore(%arg11 : memref<!tpu.dma_semaphore, #tpu.memory_space<semaphore_mem>>)
    %shift_right_logical3A_439 = arith.constant 258 : i32
    %shift_right_logical3A_440 = arith.constant 4 : i32
    %shift_right_logical3A_441 = arith.shrui %shift_right_logical3A_439, %shift_right_logical3A_440 : i32
    %shift_right_logical3A_442 = arith.constant 3 : i32
    %shift_right_logical3A_443 = arith.shrui %shift_right_logical3A_441, %shift_right_logical3A_442 : i32
    %and3A_444 = arith.constant 7 : i32
    %and3A_445 = arith.andi %shift_right_logical3A_441, %and3A_444 : i32
    %mul3A_446 = arith.constant 16 : i32
    %mul3A_447 = arith.muli %and3A_445, %mul3A_446 : i32
    %multiple_of3A_448 = tpu.assume_multiple %mul3A_447, 16 : i32
    %get3A_449 = arith.index_cast %shift_right_logical3A_443 : i32 to index
    %get3A_450 = arith.index_cast %multiple_of3A_448 : i32 to index
    %get3A_451 = tpu.vector_load %arg6[%get3A_449, %get3A_450] {strides = array<i32>} : memref<4x128xi32, #tpu.memory_space<vmem>>, vector<16xi32>,
    %and3A_452 = arith.constant 258 : i32
    %and3A_453 = arith.constant 15 : i32
    %and3A_454 = arith.andi %and3A_452, %and3A_453 : i32
    %broadcast_in_dim3A_455 = vector.broadcast %and3A_454 : i32 to vector<16xi32>
    %lt3A_456 = arith.constant 0 : i32
    %lt3A_457 = vector.broadcast %lt3A_456 : i32 to vector<16xi32>
    %lt3A_458 = arith.cmpi slt, %broadcast_in_dim3A_455, %lt3A_457 : vector<16xi32>
    %add3A_459 = arith.constant 16 : i32
    %add3A_460 = vector.broadcast %add3A_459 : i32 to vector<16xi32>
    %add3A_461 = arith.addi %broadcast_in_dim3A_455, %add3A_460 : vector<16xi32>
    %select_n3A_462 = arith.select %lt3A_458, %add3A_461, %broadcast_in_dim3A_455 : vector<16xi1>, vector<16xi32>
    %broadcast_in_dim3A_463 = vector.shape_cast %select_n3A_462 : vector<16xi32> to vector<16x1xi32>
    %gather3A_464 = vector.shape_cast %broadcast_in_dim3A_463 : vector<16x1xi32> to vector<16xi32>
    %gather3A_465 = tpu.dynamic_gather %get3A_451[%gather3A_464] in [0] : vector<16xi32>, vector<16xi32> -> vector<16xi32>
    %slice3A_466 = vector.extract_strided_slice %gather3A_465 {offsets = [0], sizes = [1], strides = [1]} : vector<16xi32> to vector<1xi32>
    %squeeze3A_467 = vector.extract %slice3A_466[0] : i32 from vector<1xi32>
    %not3A_468 = arith.constant 127 : i32
    %not3A_469 = arith.constant -1 : i32
    %not3A_470 = arith.xori %not3A_468, %not3A_469 : i32
    %and3A_471 = arith.andi %squeeze3A_467, %not3A_470 : i32
    %multiple_of3A_472 = tpu.assume_multiple %and3A_471, 128 : i32
    %dma_start3A_473 = arith.constant 2 : i32
    %dma_start3A_474 = arith.constant 0 : i32
    %dma_start3A_475 = arith.constant 0 : i32
    %dma_start3A_476 = tpu.memref_slice %arg7[%dma_start3A_473, %dma_start3A_474, %dma_start3A_475] : memref<8x64x128xf32, #tpu.memory_space<vmem>> -> memref<1x64x128xf32, #tpu.memory_space<vmem>>
    %dma_start3A_477 = tpu.memref_squeeze %dma_start3A_476 : memref<1x64x128xf32, #tpu.memory_space<vmem>> -> memref<64x128xf32, #tpu.memory_space<vmem>>
    %dma_start3A_478 = arith.constant 0 : i32
    %dma_start3A_479 = tpu.memref_slice %arg3[%dma_start3A_478, %multiple_of3A_472] : memref<64x1000000xf32, #tpu.memory_space<hbm>> -> memref<64x128xf32, #tpu.memory_space<hbm>>
    %dma_start3A_480 = arith.constant 0 : i32
    %dma_start3A_481 = arith.constant 0 : i32
    %dma_start3A_482 = tpu.memref_slice %arg7[%dma_start3A_473, %dma_start3A_480, %dma_start3A_481] : memref<8x64x128xf32, #tpu.memory_space<vmem>> -> memref<1x64x128xf32, #tpu.memory_space<vmem>>
    %dma_start3A_483 = tpu.memref_squeeze %dma_start3A_482 : memref<1x64x128xf32, #tpu.memory_space<vmem>> -> memref<64x128xf32, #tpu.memory_space<vmem>>
    %dma_start3A_484 = arith.constant 0 : i32
    %dma_start3A_485 = tpu.memref_slice %arg3[%dma_start3A_484, %multiple_of3A_472] : memref<64x1000000xf32, #tpu.memory_space<hbm>> -> memref<64x128xf32, #tpu.memory_space<hbm>>
    tpu.enqueue_dma source(%dma_start3A_485 : memref<64x128xf32, #tpu.memory_space<hbm>>) target(%dma_start3A_483 : memref<64x128xf32, #tpu.memory_space<vmem>>) target_semaphore(%arg12 : memref<!tpu.dma_semaphore, #tpu.memory_space<semaphore_mem>>)
    %shift_right_logical3A_486 = arith.constant 259 : i32
    %shift_right_logical3A_487 = arith.constant 4 : i32
    %shift_right_logical3A_488 = arith.shrui %shift_right_logical3A_486, %shift_right_logical3A_487 : i32
    %shift_right_logical3A_489 = arith.constant 3 : i32
    %shift_right_logical3A_490 = arith.shrui %shift_right_logical3A_488, %shift_right_logical3A_489 : i32
    %and3A_491 = arith.constant 7 : i32
    %and3A_492 = arith.andi %shift_right_logical3A_488, %and3A_491 : i32
    %mul3A_493 = arith.constant 16 : i32
    %mul3A_494 = arith.muli %and3A_492, %mul3A_493 : i32
    %multiple_of3A_495 = tpu.assume_multiple %mul3A_494, 16 : i32
    %get3A_496 = arith.index_cast %shift_right_logical3A_490 : i32 to index
    %get3A_497 = arith.index_cast %multiple_of3A_495 : i32 to index
    %get3A_498 = tpu.vector_load %arg6[%get3A_496, %get3A_497] {strides = array<i32>} : memref<4x128xi32, #tpu.memory_space<vmem>>, vector<16xi32>,
    %and3A_499 = arith.constant 259 : i32
    %and3A_500 = arith.constant 15 : i32
    %and3A_501 = arith.andi %and3A_499, %and3A_500 : i32
    %broadcast_in_dim3A_502 = vector.broadcast %and3A_501 : i32 to vector<16xi32>
    %lt3A_503 = arith.constant 0 : i32
    %lt3A_504 = vector.broadcast %lt3A_503 : i32 to vector<16xi32>
    %lt3A_505 = arith.cmpi slt, %broadcast_in_dim3A_502, %lt3A_504 : vector<16xi32>
    %add3A_506 = arith.constant 16 : i32
    %add3A_507 = vector.broadcast %add3A_506 : i32 to vector<16xi32>
    %add3A_508 = arith.addi %broadcast_in_dim3A_502, %add3A_507 : vector<16xi32>
    %select_n3A_509 = arith.select %lt3A_505, %add3A_508, %broadcast_in_dim3A_502 : vector<16xi1>, vector<16xi32>
    %broadcast_in_dim3A_510 = vector.shape_cast %select_n3A_509 : vector<16xi32> to vector<16x1xi32>
    %gather3A_511 = vector.shape_cast %broadcast_in_dim3A_510 : vector<16x1xi32> to vector<16xi32>
    %gather3A_512 = tpu.dynamic_gather %get3A_498[%gather3A_511] in [0] : vector<16xi32>, vector<16xi32> -> vector<16xi32>
    %slice3A_513 = vector.extract_strided_slice %gather3A_512 {offsets = [0], sizes = [1], strides = [1]} : vector<16xi32> to vector<1xi32>
    %squeeze3A_514 = vector.extract %slice3A_513[0] : i32 from vector<1xi32>
    %not3A_515 = arith.constant 127 : i32
    %not3A_516 = arith.constant -1 : i32
    %not3A_517 = arith.xori %not3A_515, %not3A_516 : i32
    %and3A_518 = arith.andi %squeeze3A_514, %not3A_517 : i32
    %multiple_of3A_519 = tpu.assume_multiple %and3A_518, 128 : i32
    %dma_start3A_520 = arith.constant 3 : i32
    %dma_start3A_521 = arith.constant 0 : i32
    %dma_start3A_522 = arith.constant 0 : i32
    %dma_start3A_523 = tpu.memref_slice %arg7[%dma_start3A_520, %dma_start3A_521, %dma_start3A_522] : memref<8x64x128xf32, #tpu.memory_space<vmem>> -> memref<1x64x128xf32, #tpu.memory_space<vmem>>
    %dma_start3A_524 = tpu.memref_squeeze %dma_start3A_523 : memref<1x64x128xf32, #tpu.memory_space<vmem>> -> memref<64x128xf32, #tpu.memory_space<vmem>>
    %dma_start3A_525 = arith.constant 0 : i32
    %dma_start3A_526 = tpu.memref_slice %arg3[%dma_start3A_525, %multiple_of3A_519] : memref<64x1000000xf32, #tpu.memory_space<hbm>> -> memref<64x128xf32, #tpu.memory_space<hbm>>
    %dma_start3A_527 = arith.constant 0 : i32
    %dma_start3A_528 = arith.constant 0 : i32
    %dma_start3A_529 = tpu.memref_slice %arg7[%dma_start3A_520, %dma_start3A_527, %dma_start3A_528] : memref<8x64x128xf32, #tpu.memory_space<vmem>> -> memref<1x64x128xf32, #tpu.memory_space<vmem>>
    %dma_start3A_530 = tpu.memref_squeeze %dma_start3A_529 : memref<1x64x128xf32, #tpu.memory_space<vmem>> -> memref<64x128xf32, #tpu.memory_space<vmem>>
    %dma_start3A_531 = arith.constant 0 : i32
    %dma_start3A_532 = tpu.memref_slice %arg3[%dma_start3A_531, %multiple_of3A_519] : memref<64x1000000xf32, #tpu.memory_space<hbm>> -> memref<64x128xf32, #tpu.memory_space<hbm>>
    tpu.enqueue_dma source(%dma_start3A_532 : memref<64x128xf32, #tpu.memory_space<hbm>>) target(%dma_start3A_530 : memref<64x128xf32, #tpu.memory_space<vmem>>) target_semaphore(%arg13 : memref<!tpu.dma_semaphore, #tpu.memory_space<semaphore_mem>>)
    %shift_right_logical3A_533 = arith.constant 260 : i32
    %shift_right_logical3A_534 = arith.constant 4 : i32
    %shift_right_logical3A_535 = arith.shrui %shift_right_logical3A_533, %shift_right_logical3A_534 : i32
    %shift_right_logical3A_536 = arith.constant 3 : i32
    %shift_right_logical3A_537 = arith.shrui %shift_right_logical3A_535, %shift_right_logical3A_536 : i32
    %and3A_538 = arith.constant 7 : i32
    %and3A_539 = arith.andi %shift_right_logical3A_535, %and3A_538 : i32
    %mul3A_540 = arith.constant 16 : i32
    %mul3A_541 = arith.muli %and3A_539, %mul3A_540 : i32
    %multiple_of3A_542 = tpu.assume_multiple %mul3A_541, 16 : i32
    %get3A_543 = arith.index_cast %shift_right_logical3A_537 : i32 to index
    %get3A_544 = arith.index_cast %multiple_of3A_542 : i32 to index
    %get3A_545 = tpu.vector_load %arg6[%get3A_543, %get3A_544] {strides = array<i32>} : memref<4x128xi32, #tpu.memory_space<vmem>>, vector<16xi32>,
    %and3A_546 = arith.constant 260 : i32
    %and3A_547 = arith.constant 15 : i32
    %and3A_548 = arith.andi %and3A_546, %and3A_547 : i32
    %broadcast_in_dim3A_549 = vector.broadcast %and3A_548 : i32 to vector<16xi32>
    %lt3A_550 = arith.constant 0 : i32
    %lt3A_551 = vector.broadcast %lt3A_550 : i32 to vector<16xi32>
    %lt3A_552 = arith.cmpi slt, %broadcast_in_dim3A_549, %lt3A_551 : vector<16xi32>
    %add3A_553 = arith.constant 16 : i32
    %add3A_554 = vector.broadcast %add3A_553 : i32 to vector<16xi32>
    %add3A_555 = arith.addi %broadcast_in_dim3A_549, %add3A_554 : vector<16xi32>
    %select_n3A_556 = arith.select %lt3A_552, %add3A_555, %broadcast_in_dim3A_549 : vector<16xi1>, vector<16xi32>
    %broadcast_in_dim3A_557 = vector.shape_cast %select_n3A_556 : vector<16xi32> to vector<16x1xi32>
    %gather3A_558 = vector.shape_cast %broadcast_in_dim3A_557 : vector<16x1xi32> to vector<16xi32>
    %gather3A_559 = tpu.dynamic_gather %get3A_545[%gather3A_558] in [0] : vector<16xi32>, vector<16xi32> -> vector<16xi32>
    %slice3A_560 = vector.extract_strided_slice %gather3A_559 {offsets = [0], sizes = [1], strides = [1]} : vector<16xi32> to vector<1xi32>
    %squeeze3A_561 = vector.extract %slice3A_560[0] : i32 from vector<1xi32>
    %not3A_562 = arith.constant 127 : i32
    %not3A_563 = arith.constant -1 : i32
    %not3A_564 = arith.xori %not3A_562, %not3A_563 : i32
    %and3A_565 = arith.andi %squeeze3A_561, %not3A_564 : i32
    %multiple_of3A_566 = tpu.assume_multiple %and3A_565, 128 : i32
    %dma_start3A_567 = arith.constant 4 : i32
    %dma_start3A_568 = arith.constant 0 : i32
    %dma_start3A_569 = arith.constant 0 : i32
    %dma_start3A_570 = tpu.memref_slice %arg7[%dma_start3A_567, %dma_start3A_568, %dma_start3A_569] : memref<8x64x128xf32, #tpu.memory_space<vmem>> -> memref<1x64x128xf32, #tpu.memory_space<vmem>>
    %dma_start3A_571 = tpu.memref_squeeze %dma_start3A_570 : memref<1x64x128xf32, #tpu.memory_space<vmem>> -> memref<64x128xf32, #tpu.memory_space<vmem>>
    %dma_start3A_572 = arith.constant 0 : i32
    %dma_start3A_573 = tpu.memref_slice %arg3[%dma_start3A_572, %multiple_of3A_566] : memref<64x1000000xf32, #tpu.memory_space<hbm>> -> memref<64x128xf32, #tpu.memory_space<hbm>>
    %dma_start3A_574 = arith.constant 0 : i32
    %dma_start3A_575 = arith.constant 0 : i32
    %dma_start3A_576 = tpu.memref_slice %arg7[%dma_start3A_567, %dma_start3A_574, %dma_start3A_575] : memref<8x64x128xf32, #tpu.memory_space<vmem>> -> memref<1x64x128xf32, #tpu.memory_space<vmem>>
    %dma_start3A_577 = tpu.memref_squeeze %dma_start3A_576 : memref<1x64x128xf32, #tpu.memory_space<vmem>> -> memref<64x128xf32, #tpu.memory_space<vmem>>
    %dma_start3A_578 = arith.constant 0 : i32
    %dma_start3A_579 = tpu.memref_slice %arg3[%dma_start3A_578, %multiple_of3A_566] : memref<64x1000000xf32, #tpu.memory_space<hbm>> -> memref<64x128xf32, #tpu.memory_space<hbm>>
    tpu.enqueue_dma source(%dma_start3A_579 : memref<64x128xf32, #tpu.memory_space<hbm>>) target(%dma_start3A_577 : memref<64x128xf32, #tpu.memory_space<vmem>>) target_semaphore(%arg14 : memref<!tpu.dma_semaphore, #tpu.memory_space<semaphore_mem>>)
    %shift_right_logical3A_580 = arith.constant 261 : i32
    %shift_right_logical3A_581 = arith.constant 4 : i32
    %shift_right_logical3A_582 = arith.shrui %shift_right_logical3A_580, %shift_right_logical3A_581 : i32
    %shift_right_logical3A_583 = arith.constant 3 : i32
    %shift_right_logical3A_584 = arith.shrui %shift_right_logical3A_582, %shift_right_logical3A_583 : i32
    %and3A_585 = arith.constant 7 : i32
    %and3A_586 = arith.andi %shift_right_logical3A_582, %and3A_585 : i32
    %mul3A_587 = arith.constant 16 : i32
    %mul3A_588 = arith.muli %and3A_586, %mul3A_587 : i32
    %multiple_of3A_589 = tpu.assume_multiple %mul3A_588, 16 : i32
    %get3A_590 = arith.index_cast %shift_right_logical3A_584 : i32 to index
    %get3A_591 = arith.index_cast %multiple_of3A_589 : i32 to index
    %get3A_592 = tpu.vector_load %arg6[%get3A_590, %get3A_591] {strides = array<i32>} : memref<4x128xi32, #tpu.memory_space<vmem>>, vector<16xi32>,
    %and3A_593 = arith.constant 261 : i32
    %and3A_594 = arith.constant 15 : i32
    %and3A_595 = arith.andi %and3A_593, %and3A_594 : i32
    %broadcast_in_dim3A_596 = vector.broadcast %and3A_595 : i32 to vector<16xi32>
    %lt3A_597 = arith.constant 0 : i32
    %lt3A_598 = vector.broadcast %lt3A_597 : i32 to vector<16xi32>
    %lt3A_599 = arith.cmpi slt, %broadcast_in_dim3A_596, %lt3A_598 : vector<16xi32>
    %add3A_600 = arith.constant 16 : i32
    %add3A_601 = vector.broadcast %add3A_600 : i32 to vector<16xi32>
    %add3A_602 = arith.addi %broadcast_in_dim3A_596, %add3A_601 : vector<16xi32>
    %select_n3A_603 = arith.select %lt3A_599, %add3A_602, %broadcast_in_dim3A_596 : vector<16xi1>, vector<16xi32>
    %broadcast_in_dim3A_604 = vector.shape_cast %select_n3A_603 : vector<16xi32> to vector<16x1xi32>
    %gather3A_605 = vector.shape_cast %broadcast_in_dim3A_604 : vector<16x1xi32> to vector<16xi32>
    %gather3A_606 = tpu.dynamic_gather %get3A_592[%gather3A_605] in [0] : vector<16xi32>, vector<16xi32> -> vector<16xi32>
    %slice3A_607 = vector.extract_strided_slice %gather3A_606 {offsets = [0], sizes = [1], strides = [1]} : vector<16xi32> to vector<1xi32>
    %squeeze3A_608 = vector.extract %slice3A_607[0] : i32 from vector<1xi32>
    %not3A_609 = arith.constant 127 : i32
    %not3A_610 = arith.constant -1 : i32
    %not3A_611 = arith.xori %not3A_609, %not3A_610 : i32
    %and3A_612 = arith.andi %squeeze3A_608, %not3A_611 : i32
    %multiple_of3A_613 = tpu.assume_multiple %and3A_612, 128 : i32
    %dma_start3A_614 = arith.constant 5 : i32
    %dma_start3A_615 = arith.constant 0 : i32
    %dma_start3A_616 = arith.constant 0 : i32
    %dma_start3A_617 = tpu.memref_slice %arg7[%dma_start3A_614, %dma_start3A_615, %dma_start3A_616] : memref<8x64x128xf32, #tpu.memory_space<vmem>> -> memref<1x64x128xf32, #tpu.memory_space<vmem>>
    %dma_start3A_618 = tpu.memref_squeeze %dma_start3A_617 : memref<1x64x128xf32, #tpu.memory_space<vmem>> -> memref<64x128xf32, #tpu.memory_space<vmem>>
    %dma_start3A_619 = arith.constant 0 : i32
    %dma_start3A_620 = tpu.memref_slice %arg3[%dma_start3A_619, %multiple_of3A_613] : memref<64x1000000xf32, #tpu.memory_space<hbm>> -> memref<64x128xf32, #tpu.memory_space<hbm>>
    %dma_start3A_621 = arith.constant 0 : i32
    %dma_start3A_622 = arith.constant 0 : i32
    %dma_start3A_623 = tpu.memref_slice %arg7[%dma_start3A_614, %dma_start3A_621, %dma_start3A_622] : memref<8x64x128xf32, #tpu.memory_space<vmem>> -> memref<1x64x128xf32, #tpu.memory_space<vmem>>
    %dma_start3A_624 = tpu.memref_squeeze %dma_start3A_623 : memref<1x64x128xf32, #tpu.memory_space<vmem>> -> memref<64x128xf32, #tpu.memory_space<vmem>>
    %dma_start3A_625 = arith.constant 0 : i32
    %dma_start3A_626 = tpu.memref_slice %arg3[%dma_start3A_625, %multiple_of3A_613] : memref<64x1000000xf32, #tpu.memory_space<hbm>> -> memref<64x128xf32, #tpu.memory_space<hbm>>
    tpu.enqueue_dma source(%dma_start3A_626 : memref<64x128xf32, #tpu.memory_space<hbm>>) target(%dma_start3A_624 : memref<64x128xf32, #tpu.memory_space<vmem>>) target_semaphore(%arg15 : memref<!tpu.dma_semaphore, #tpu.memory_space<semaphore_mem>>)
    %shift_right_logical3A_627 = arith.constant 262 : i32
    %shift_right_logical3A_628 = arith.constant 4 : i32
    %shift_right_logical3A_629 = arith.shrui %shift_right_logical3A_627, %shift_right_logical3A_628 : i32
    %shift_right_logical3A_630 = arith.constant 3 : i32
    %shift_right_logical3A_631 = arith.shrui %shift_right_logical3A_629, %shift_right_logical3A_630 : i32
    %and3A_632 = arith.constant 7 : i32
    %and3A_633 = arith.andi %shift_right_logical3A_629, %and3A_632 : i32
    %mul3A_634 = arith.constant 16 : i32
    %mul3A_635 = arith.muli %and3A_633, %mul3A_634 : i32
    %multiple_of3A_636 = tpu.assume_multiple %mul3A_635, 16 : i32
    %get3A_637 = arith.index_cast %shift_right_logical3A_631 : i32 to index
    %get3A_638 = arith.index_cast %multiple_of3A_636 : i32 to index
    %get3A_639 = tpu.vector_load %arg6[%get3A_637, %get3A_638] {strides = array<i32>} : memref<4x128xi32, #tpu.memory_space<vmem>>, vector<16xi32>,
    %and3A_640 = arith.constant 262 : i32
    %and3A_641 = arith.constant 15 : i32
    %and3A_642 = arith.andi %and3A_640, %and3A_641 : i32
    %broadcast_in_dim3A_643 = vector.broadcast %and3A_642 : i32 to vector<16xi32>
    %lt3A_644 = arith.constant 0 : i32
    %lt3A_645 = vector.broadcast %lt3A_644 : i32 to vector<16xi32>
    %lt3A_646 = arith.cmpi slt, %broadcast_in_dim3A_643, %lt3A_645 : vector<16xi32>
    %add3A_647 = arith.constant 16 : i32
    %add3A_648 = vector.broadcast %add3A_647 : i32 to vector<16xi32>
    %add3A_649 = arith.addi %broadcast_in_dim3A_643, %add3A_648 : vector<16xi32>
    %select_n3A_650 = arith.select %lt3A_646, %add3A_649, %broadcast_in_dim3A_643 : vector<16xi1>, vector<16xi32>
    %broadcast_in_dim3A_651 = vector.shape_cast %select_n3A_650 : vector<16xi32> to vector<16x1xi32>
    %gather3A_652 = vector.shape_cast %broadcast_in_dim3A_651 : vector<16x1xi32> to vector<16xi32>
    %gather3A_653 = tpu.dynamic_gather %get3A_639[%gather3A_652] in [0] : vector<16xi32>, vector<16xi32> -> vector<16xi32>
    %slice3A_654 = vector.extract_strided_slice %gather3A_653 {offsets = [0], sizes = [1], strides = [1]} : vector<16xi32> to vector<1xi32>
    %squeeze3A_655 = vector.extract %slice3A_654[0] : i32 from vector<1xi32>
    %not3A_656 = arith.constant 127 : i32
    %not3A_657 = arith.constant -1 : i32
    %not3A_658 = arith.xori %not3A_656, %not3A_657 : i32
    %and3A_659 = arith.andi %squeeze3A_655, %not3A_658 : i32
    %multiple_of3A_660 = tpu.assume_multiple %and3A_659, 128 : i32
    %dma_start3A_661 = arith.constant 6 : i32
    %dma_start3A_662 = arith.constant 0 : i32
    %dma_start3A_663 = arith.constant 0 : i32
    %dma_start3A_664 = tpu.memref_slice %arg7[%dma_start3A_661, %dma_start3A_662, %dma_start3A_663] : memref<8x64x128xf32, #tpu.memory_space<vmem>> -> memref<1x64x128xf32, #tpu.memory_space<vmem>>
    %dma_start3A_665 = tpu.memref_squeeze %dma_start3A_664 : memref<1x64x128xf32, #tpu.memory_space<vmem>> -> memref<64x128xf32, #tpu.memory_space<vmem>>
    %dma_start3A_666 = arith.constant 0 : i32
    %dma_start3A_667 = tpu.memref_slice %arg3[%dma_start3A_666, %multiple_of3A_660] : memref<64x1000000xf32, #tpu.memory_space<hbm>> -> memref<64x128xf32, #tpu.memory_space<hbm>>
    %dma_start3A_668 = arith.constant 0 : i32
    %dma_start3A_669 = arith.constant 0 : i32
    %dma_start3A_670 = tpu.memref_slice %arg7[%dma_start3A_661, %dma_start3A_668, %dma_start3A_669] : memref<8x64x128xf32, #tpu.memory_space<vmem>> -> memref<1x64x128xf32, #tpu.memory_space<vmem>>
    %dma_start3A_671 = tpu.memref_squeeze %dma_start3A_670 : memref<1x64x128xf32, #tpu.memory_space<vmem>> -> memref<64x128xf32, #tpu.memory_space<vmem>>
    %dma_start3A_672 = arith.constant 0 : i32
    %dma_start3A_673 = tpu.memref_slice %arg3[%dma_start3A_672, %multiple_of3A_660] : memref<64x1000000xf32, #tpu.memory_space<hbm>> -> memref<64x128xf32, #tpu.memory_space<hbm>>
    tpu.enqueue_dma source(%dma_start3A_673 : memref<64x128xf32, #tpu.memory_space<hbm>>) target(%dma_start3A_671 : memref<64x128xf32, #tpu.memory_space<vmem>>) target_semaphore(%arg16 : memref<!tpu.dma_semaphore, #tpu.memory_space<semaphore_mem>>)
    %scan3A_674 = arith.constant 0 : i32
    %scan3A_675 = arith.constant 0 : i32
    %scan3A_676 = arith.constant 32 : i32
    %scan3A_677 = arith.addi %scan3A_675, %scan3A_676 : i32
    %scan3A_678 = arith.constant 1 : i32
    scf.for %scan3A_683 = %scan3A_675 to %scan3A_677 step %scan3A_678  : i32 {
      %mul3A_684 = arith.constant 8 : i32
      %mul3A_685 = arith.muli %scan3A_683, %mul3A_684 : i32
      %add3A_686 = arith.constant 256 : i32
      %add3A_687 = arith.addi %add3A_686, %mul3A_685 : i32
      %add3A_688 = arith.constant 0 : i32
      %add3A_689 = arith.addi %add3A_687, %add3A_688 : i32
      %add3A_690 = arith.constant 8 : i32
      %add3A_691 = arith.addi %add3A_689, %add3A_690 : i32
      %sub3A = arith.constant 1 : i32
      %sub3A_692 = arith.subi %add3A_691, %sub3A : i32
      %lt3A_693 = arith.constant 512 : i32
      %lt3A_694 = arith.cmpi slt, %sub3A_692, %lt3A_693 : i32
      %convert_element_type3A = arith.extui %lt3A_694 : i1 to i32
      %cond3A = arith.constant 0 : i32
      %cond3A_695 = arith.cmpi ne, %convert_element_type3A, %cond3A : i32
      scf.if %cond3A_695 {
        %add3A_2275 = arith.constant 8 : i32
        %add3A_2276 = arith.addi %add3A_689, %add3A_2275 : i32
        %sub3A_2277 = arith.constant 1 : i32
        %sub3A_2278 = arith.subi %add3A_2276, %sub3A_2277 : i32
        %shift_right_logical3A_2279 = arith.constant 4 : i32
        %shift_right_logical3A_2280 = arith.shrui %sub3A_2278, %shift_right_logical3A_2279 : i32
        %shift_right_logical3A_2281 = arith.constant 3 : i32
        %shift_right_logical3A_2282 = arith.shrui %shift_right_logical3A_2280, %shift_right_logical3A_2281 : i32
        %and3A_2283 = arith.constant 7 : i32
        %and3A_2284 = arith.andi %shift_right_logical3A_2280, %and3A_2283 : i32
        %mul3A_2285 = arith.constant 16 : i32
        %mul3A_2286 = arith.muli %and3A_2284, %mul3A_2285 : i32
        %multiple_of3A_2287 = tpu.assume_multiple %mul3A_2286, 16 : i32
        %get3A_2288 = arith.index_cast %shift_right_logical3A_2282 : i32 to index
        %get3A_2289 = arith.index_cast %multiple_of3A_2287 : i32 to index
        %get3A_2290 = tpu.vector_load %arg6[%get3A_2288, %get3A_2289] {strides = array<i32>} : memref<4x128xi32, #tpu.memory_space<vmem>>, vector<16xi32>,
        %and3A_2291 = arith.constant 15 : i32
        %and3A_2292 = arith.andi %sub3A_2278, %and3A_2291 : i32
        %broadcast_in_dim3A_2293 = vector.broadcast %and3A_2292 : i32 to vector<16xi32>
        %lt3A_2294 = arith.constant 0 : i32
        %lt3A_2295 = vector.broadcast %lt3A_2294 : i32 to vector<16xi32>
        %lt3A_2296 = arith.cmpi slt, %broadcast_in_dim3A_2293, %lt3A_2295 : vector<16xi32>
        %add3A_2297 = arith.constant 16 : i32
        %add3A_2298 = vector.broadcast %add3A_2297 : i32 to vector<16xi32>
        %add3A_2299 = arith.addi %broadcast_in_dim3A_2293, %add3A_2298 : vector<16xi32>
        %select_n3A_2300 = arith.select %lt3A_2296, %add3A_2299, %broadcast_in_dim3A_2293 : vector<16xi1>, vector<16xi32>
        %broadcast_in_dim3A_2301 = vector.shape_cast %select_n3A_2300 : vector<16xi32> to vector<16x1xi32>
        %gather3A_2302 = vector.shape_cast %broadcast_in_dim3A_2301 : vector<16x1xi32> to vector<16xi32>
        %gather3A_2303 = tpu.dynamic_gather %get3A_2290[%gather3A_2302] in [0] : vector<16xi32>, vector<16xi32> -> vector<16xi32>
        %slice3A_2304 = vector.extract_strided_slice %gather3A_2303 {offsets = [0], sizes = [1], strides = [1]} : vector<16xi32> to vector<1xi32>
        %squeeze3A_2305 = vector.extract %slice3A_2304[0] : i32 from vector<1xi32>
        %not3A_2306 = arith.constant 127 : i32
        %not3A_2307 = arith.constant -1 : i32
        %not3A_2308 = arith.xori %not3A_2306, %not3A_2307 : i32
        %and3A_2309 = arith.andi %squeeze3A_2305, %not3A_2308 : i32
        %multiple_of3A_2310 = tpu.assume_multiple %and3A_2309, 128 : i32
        %dma_start3A_2311 = arith.constant 7 : i32
        %dma_start3A_2312 = arith.constant 0 : i32
        %dma_start3A_2313 = arith.constant 0 : i32
        %dma_start3A_2314 = tpu.memref_slice %arg7[%dma_start3A_2311, %dma_start3A_2312, %dma_start3A_2313] : memref<8x64x128xf32, #tpu.memory_space<vmem>> -> memref<1x64x128xf32, #tpu.memory_space<vmem>>
        %dma_start3A_2315 = tpu.memref_squeeze %dma_start3A_2314 : memref<1x64x128xf32, #tpu.memory_space<vmem>> -> memref<64x128xf32, #tpu.memory_space<vmem>>
        %dma_start3A_2316 = arith.constant 0 : i32
        %dma_start3A_2317 = tpu.memref_slice %arg3[%dma_start3A_2316, %multiple_of3A_2310] : memref<64x1000000xf32, #tpu.memory_space<hbm>> -> memref<64x128xf32, #tpu.memory_space<hbm>>
        %dma_start3A_2318 = arith.constant 0 : i32
        %dma_start3A_2319 = arith.constant 0 : i32
        %dma_start3A_2320 = tpu.memref_slice %arg7[%dma_start3A_2311, %dma_start3A_2318, %dma_start3A_2319] : memref<8x64x128xf32, #tpu.memory_space<vmem>> -> memref<1x64x128xf32, #tpu.memory_space<vmem>>
        %dma_start3A_2321 = tpu.memref_squeeze %dma_start3A_2320 : memref<1x64x128xf32, #tpu.memory_space<vmem>> -> memref<64x128xf32, #tpu.memory_space<vmem>>
        %dma_start3A_2322 = arith.constant 0 : i32
        %dma_start3A_2323 = tpu.memref_slice %arg3[%dma_start3A_2322, %multiple_of3A_2310] : memref<64x1000000xf32, #tpu.memory_space<hbm>> -> memref<64x128xf32, #tpu.memory_space<hbm>>
        tpu.enqueue_dma source(%dma_start3A_2323 : memref<64x128xf32, #tpu.memory_space<hbm>>) target(%dma_start3A_2321 : memref<64x128xf32, #tpu.memory_space<vmem>>) target_semaphore(%arg17 : memref<!tpu.dma_semaphore, #tpu.memory_space<semaphore_mem>>)
      } else {
      }
      %dma_wait3A = arith.constant 0 : i32
      %dma_wait3A_696 = arith.constant 0 : i32
      %dma_wait3A_697 = arith.constant 0 : i32
      %dma_wait3A_698 = tpu.memref_slice %arg7[%dma_wait3A, %dma_wait3A_696, %dma_wait3A_697] : memref<8x64x128xf32, #tpu.memory_space<vmem>> -> memref<1x64x128xf32, #tpu.memory_space<vmem>>
      %dma_wait3A_699 = tpu.memref_squeeze %dma_wait3A_698 : memref<1x64x128xf32, #tpu.memory_space<vmem>> -> memref<64x128xf32, #tpu.memory_space<vmem>>
      %dma_wait3A_700 = arith.constant 0 : i32
      %dma_wait3A_701 = arith.constant 0 : i32
      %dma_wait3A_702 = tpu.memref_slice %arg3[%dma_wait3A_700, %dma_wait3A_701] : memref<64x1000000xf32, #tpu.memory_space<hbm>> -> memref<64x128xf32, #tpu.memory_space<hbm>>
      %dma_wait3A_703 = arith.constant 0 : i32
      %dma_wait3A_704 = arith.constant 0 : i32
      %dma_wait3A_705 = tpu.memref_slice %arg7[%dma_wait3A, %dma_wait3A_703, %dma_wait3A_704] : memref<8x64x128xf32, #tpu.memory_space<vmem>> -> memref<1x64x128xf32, #tpu.memory_space<vmem>>
      %dma_wait3A_706 = tpu.memref_squeeze %dma_wait3A_705 : memref<1x64x128xf32, #tpu.memory_space<vmem>> -> memref<64x128xf32, #tpu.memory_space<vmem>>
      %dma_wait3A_707 = arith.constant 0 : i32
      %dma_wait3A_708 = arith.constant 0 : i32
      %dma_wait3A_709 = tpu.memref_slice %arg3[%dma_wait3A_707, %dma_wait3A_708] : memref<64x1000000xf32, #tpu.memory_space<hbm>> -> memref<64x128xf32, #tpu.memory_space<hbm>>
      tpu.wait_dma2 semaphore(%arg10 : memref<!tpu.dma_semaphore, #tpu.memory_space<semaphore_mem>>) src(%dma_wait3A_709 : memref<64x128xf32, #tpu.memory_space<hbm>>) dst(%dma_wait3A_706 : memref<64x128xf32, #tpu.memory_space<vmem>>)
      %shift_right_logical3A_710 = arith.constant 4 : i32
      %shift_right_logical3A_711 = arith.shrui %add3A_689, %shift_right_logical3A_710 : i32
      %shift_right_logical3A_712 = arith.constant 3 : i32
      %shift_right_logical3A_713 = arith.shrui %shift_right_logical3A_711, %shift_right_logical3A_712 : i32
      %and3A_714 = arith.constant 7 : i32
      %and3A_715 = arith.andi %shift_right_logical3A_711, %and3A_714 : i32
      %mul3A_716 = arith.constant 16 : i32
      %mul3A_717 = arith.muli %and3A_715, %mul3A_716 : i32
      %multiple_of3A_718 = tpu.assume_multiple %mul3A_717, 16 : i32
      %get3A_719 = arith.index_cast %shift_right_logical3A_713 : i32 to index
      %get3A_720 = arith.index_cast %multiple_of3A_718 : i32 to index
      %get3A_721 = tpu.vector_load %arg6[%get3A_719, %get3A_720] {strides = array<i32>} : memref<4x128xi32, #tpu.memory_space<vmem>>, vector<16xi32>,
      %and3A_722 = arith.constant 15 : i32
      %and3A_723 = arith.andi %add3A_689, %and3A_722 : i32
      %broadcast_in_dim3A_724 = vector.broadcast %and3A_723 : i32 to vector<16xi32>
      %lt3A_725 = arith.constant 0 : i32
      %lt3A_726 = vector.broadcast %lt3A_725 : i32 to vector<16xi32>
      %lt3A_727 = arith.cmpi slt, %broadcast_in_dim3A_724, %lt3A_726 : vector<16xi32>
      %add3A_728 = arith.constant 16 : i32
      %add3A_729 = vector.broadcast %add3A_728 : i32 to vector<16xi32>
      %add3A_730 = arith.addi %broadcast_in_dim3A_724, %add3A_729 : vector<16xi32>
      %select_n3A_731 = arith.select %lt3A_727, %add3A_730, %broadcast_in_dim3A_724 : vector<16xi1>, vector<16xi32>
      %broadcast_in_dim3A_732 = vector.shape_cast %select_n3A_731 : vector<16xi32> to vector<16x1xi32>
      %gather3A_733 = vector.shape_cast %broadcast_in_dim3A_732 : vector<16x1xi32> to vector<16xi32>
      %gather3A_734 = tpu.dynamic_gather %get3A_721[%gather3A_733] in [0] : vector<16xi32>, vector<16xi32> -> vector<16xi32>
      %slice3A_735 = vector.extract_strided_slice %gather3A_734 {offsets = [0], sizes = [1], strides = [1]} : vector<16xi32> to vector<1xi32>
      %squeeze3A_736 = vector.extract %slice3A_735[0] : i32 from vector<1xi32>
      %and3A_737 = arith.constant 127 : i32
      %and3A_738 = arith.andi %squeeze3A_736, %and3A_737 : i32
      %broadcast_in_dim3A_739 = vector.broadcast %and3A_738 : i32 to vector<16xi32>
      %and3A_740 = arith.constant 255 : i32
      %and3A_741 = arith.andi %add3A_689, %and3A_740 : i32
      %broadcast_in_dim3A_742 = vector.broadcast %and3A_741 : i32 to vector<16xi32>
      %add3A_743 = arith.constant 0 : i32
      %add3A_744 = vector.broadcast %add3A_743 : i32 to vector<16xi32>
      %add3A_745 = arith.addi %iota3A, %add3A_744 : vector<16xi32>
      %gather3A_746 = tpu.vector_load_idx %arg9[%add3A_745, %broadcast_in_dim3A_742] : memref<64x256xf32, #tpu.memory_space<vmem>>[vector<16xi32>, vector<16xi32>], vector<16xf32>,
      %add3A_747 = arith.constant 16 : i32
      %add3A_748 = vector.broadcast %add3A_747 : i32 to vector<16xi32>
      %add3A_749 = arith.addi %iota3A, %add3A_748 : vector<16xi32>
      %gather3A_750 = tpu.vector_load_idx %arg9[%add3A_749, %broadcast_in_dim3A_742] : memref<64x256xf32, #tpu.memory_space<vmem>>[vector<16xi32>, vector<16xi32>], vector<16xf32>,
      %add3A_751 = arith.constant 32 : i32
      %add3A_752 = vector.broadcast %add3A_751 : i32 to vector<16xi32>
      %add3A_753 = arith.addi %iota3A, %add3A_752 : vector<16xi32>
      %gather3A_754 = tpu.vector_load_idx %arg9[%add3A_753, %broadcast_in_dim3A_742] : memref<64x256xf32, #tpu.memory_space<vmem>>[vector<16xi32>, vector<16xi32>], vector<16xf32>,
      %add3A_755 = arith.constant 48 : i32
      %add3A_756 = vector.broadcast %add3A_755 : i32 to vector<16xi32>
      %add3A_757 = arith.addi %iota3A, %add3A_756 : vector<16xi32>
      %gather3A_758 = tpu.vector_load_idx %arg9[%add3A_757, %broadcast_in_dim3A_742] : memref<64x256xf32, #tpu.memory_space<vmem>>[vector<16xi32>, vector<16xi32>], vector<16xf32>,
      %mul3A_759 = arith.mulf %gather3A_746, %gather3A_746 : vector<16xf32>
      %mul3A_760 = arith.mulf %gather3A_750, %gather3A_750 : vector<16xf32>
      %add3A_761 = arith.addf %mul3A_759, %mul3A_760 : vector<16xf32>
      %mul3A_762 = arith.mulf %gather3A_754, %gather3A_754 : vector<16xf32>
      %add3A_763 = arith.addf %add3A_761, %mul3A_762 : vector<16xf32>
      %mul3A_764 = arith.mulf %gather3A_758, %gather3A_758 : vector<16xf32>
      %add3A_765 = arith.addf %add3A_763, %mul3A_764 : vector<16xf32>
      %lt3A_766 = arith.constant 0 : i32
      %lt3A_767 = vector.broadcast %lt3A_766 : i32 to vector<16xi32>
      %lt3A_768 = arith.cmpi slt, %xor3A_4, %lt3A_767 : vector<16xi32>
      %add3A_769 = arith.constant 16 : i32
      %add3A_770 = vector.broadcast %add3A_769 : i32 to vector<16xi32>
      %add3A_771 = arith.addi %xor3A_4, %add3A_770 : vector<16xi32>
      %select_n3A_772 = arith.select %lt3A_768, %add3A_771, %xor3A_4 : vector<16xi1>, vector<16xi32>
      %broadcast_in_dim3A_773 = vector.shape_cast %select_n3A_772 : vector<16xi32> to vector<16x1xi32>
      %gather3A_774 = vector.shape_cast %broadcast_in_dim3A_773 : vector<16x1xi32> to vector<16xi32>
      %gather3A_775 = tpu.dynamic_gather %add3A_765[%gather3A_774] in [0] : vector<16xf32>, vector<16xi32> -> vector<16xf32>
      %add3A_776 = arith.addf %add3A_765, %gather3A_775 : vector<16xf32>
      %lt3A_777 = arith.constant 0 : i32
      %lt3A_778 = vector.broadcast %lt3A_777 : i32 to vector<16xi32>
      %lt3A_779 = arith.cmpi slt, %xor3A_7, %lt3A_778 : vector<16xi32>
      %add3A_780 = arith.constant 16 : i32
      %add3A_781 = vector.broadcast %add3A_780 : i32 to vector<16xi32>
      %add3A_782 = arith.addi %xor3A_7, %add3A_781 : vector<16xi32>
      %select_n3A_783 = arith.select %lt3A_779, %add3A_782, %xor3A_7 : vector<16xi1>, vector<16xi32>
      %broadcast_in_dim3A_784 = vector.shape_cast %select_n3A_783 : vector<16xi32> to vector<16x1xi32>
      %gather3A_785 = vector.shape_cast %broadcast_in_dim3A_784 : vector<16x1xi32> to vector<16xi32>
      %gather3A_786 = tpu.dynamic_gather %add3A_776[%gather3A_785] in [0] : vector<16xf32>, vector<16xi32> -> vector<16xf32>
      %add3A_787 = arith.addf %add3A_776, %gather3A_786 : vector<16xf32>
      %lt3A_788 = arith.constant 0 : i32
      %lt3A_789 = vector.broadcast %lt3A_788 : i32 to vector<16xi32>
      %lt3A_790 = arith.cmpi slt, %xor3A_10, %lt3A_789 : vector<16xi32>
      %add3A_791 = arith.constant 16 : i32
      %add3A_792 = vector.broadcast %add3A_791 : i32 to vector<16xi32>
      %add3A_793 = arith.addi %xor3A_10, %add3A_792 : vector<16xi32>
      %select_n3A_794 = arith.select %lt3A_790, %add3A_793, %xor3A_10 : vector<16xi1>, vector<16xi32>
      %broadcast_in_dim3A_795 = vector.shape_cast %select_n3A_794 : vector<16xi32> to vector<16x1xi32>
      %gather3A_796 = vector.shape_cast %broadcast_in_dim3A_795 : vector<16x1xi32> to vector<16xi32>
      %gather3A_797 = tpu.dynamic_gather %add3A_787[%gather3A_796] in [0] : vector<16xf32>, vector<16xi32> -> vector<16xf32>
      %add3A_798 = arith.addf %add3A_787, %gather3A_797 : vector<16xf32>
      %lt3A_799 = arith.constant 0 : i32
      %lt3A_800 = vector.broadcast %lt3A_799 : i32 to vector<16xi32>
      %lt3A_801 = arith.cmpi slt, %xor3A_13, %lt3A_800 : vector<16xi32>
      %add3A_802 = arith.constant 16 : i32
      %add3A_803 = vector.broadcast %add3A_802 : i32 to vector<16xi32>
      %add3A_804 = arith.addi %xor3A_13, %add3A_803 : vector<16xi32>
      %select_n3A_805 = arith.select %lt3A_801, %add3A_804, %xor3A_13 : vector<16xi1>, vector<16xi32>
      %broadcast_in_dim3A_806 = vector.shape_cast %select_n3A_805 : vector<16xi32> to vector<16x1xi32>
      %gather3A_807 = vector.shape_cast %broadcast_in_dim3A_806 : vector<16x1xi32> to vector<16xi32>
      %gather3A_808 = tpu.dynamic_gather %add3A_798[%gather3A_807] in [0] : vector<16xf32>, vector<16xi32> -> vector<16xf32>
      %add3A_809 = arith.addf %add3A_798, %gather3A_808 : vector<16xf32>
      %bitcast_convert_type3A = tpu.bitcast %add3A_809 : vector<16xf32> -> vector<16xi32>
      %shift_right_logical3A_810 = arith.constant 1 : i32
      %shift_right_logical3A_811 = vector.broadcast %shift_right_logical3A_810 : i32 to vector<16xi32>
      %shift_right_logical3A_812 = arith.shrui %bitcast_convert_type3A, %shift_right_logical3A_811 : vector<16xi32>
      %sub3A_813 = arith.constant 1597463007 : i32
      %sub3A_814 = vector.broadcast %sub3A_813 : i32 to vector<16xi32>
      %sub3A_815 = arith.subi %sub3A_814, %shift_right_logical3A_812 : vector<16xi32>
      %bitcast_convert_type3A_816 = tpu.bitcast %sub3A_815 : vector<16xi32> -> vector<16xf32>
      %mul3A_817 = arith.constant 5.000000e-01 : f32
      %mul3A_818 = vector.broadcast %mul3A_817 : f32 to vector<16xf32>
      %mul3A_819 = arith.mulf %add3A_809, %mul3A_818 : vector<16xf32>
      %mul3A_820 = arith.mulf %mul3A_819, %bitcast_convert_type3A_816 : vector<16xf32>
      %mul3A_821 = arith.mulf %mul3A_820, %bitcast_convert_type3A_816 : vector<16xf32>
      %sub3A_822 = arith.constant 1.500000e+00 : f32
      %sub3A_823 = vector.broadcast %sub3A_822 : f32 to vector<16xf32>
      %sub3A_824 = arith.subf %sub3A_823, %mul3A_821 : vector<16xf32>
      %mul3A_825 = arith.mulf %bitcast_convert_type3A_816, %sub3A_824 : vector<16xf32>
      %mul3A_826 = arith.mulf %mul3A_819, %mul3A_825 : vector<16xf32>
      %mul3A_827 = arith.mulf %mul3A_826, %mul3A_825 : vector<16xf32>
      %sub3A_828 = arith.constant 1.500000e+00 : f32
      %sub3A_829 = vector.broadcast %sub3A_828 : f32 to vector<16xf32>
      %sub3A_830 = arith.subf %sub3A_829, %mul3A_827 : vector<16xf32>
      %mul3A_831 = arith.mulf %mul3A_825, %sub3A_830 : vector<16xf32>
      %mul3A_832 = arith.mulf %mul3A_819, %mul3A_831 : vector<16xf32>
      %mul3A_833 = arith.mulf %mul3A_832, %mul3A_831 : vector<16xf32>
      %sub3A_834 = arith.constant 1.500000e+00 : f32
      %sub3A_835 = vector.broadcast %sub3A_834 : f32 to vector<16xf32>
      %sub3A_836 = arith.subf %sub3A_835, %mul3A_833 : vector<16xf32>
      %mul3A_837 = arith.mulf %mul3A_831, %sub3A_836 : vector<16xf32>
      %add3A_838 = arith.constant 0 : i32
      %add3A_839 = vector.broadcast %add3A_838 : i32 to vector<16xi32>
      %add3A_840 = arith.addi %iota3A, %add3A_839 : vector<16xi32>
      %gather3A_841 = arith.constant 0 : i32
      %gather3A_842 = arith.constant 0 : i32
      %gather3A_843 = arith.constant 0 : i32
      %gather3A_844 = tpu.memref_slice %arg7[%gather3A_841, %gather3A_842, %gather3A_843] : memref<8x64x128xf32, #tpu.memory_space<vmem>> -> memref<1x64x128xf32, #tpu.memory_space<vmem>>
      %gather3A_845 = tpu.memref_squeeze %gather3A_844 : memref<1x64x128xf32, #tpu.memory_space<vmem>> -> memref<64x128xf32, #tpu.memory_space<vmem>>
      %gather3A_846 = tpu.vector_load_idx %gather3A_845[%add3A_840, %broadcast_in_dim3A_739] : memref<64x128xf32, #tpu.memory_space<vmem>>[vector<16xi32>, vector<16xi32>], vector<16xf32>,
      %mul3A_847 = arith.mulf %gather3A_746, %mul3A_837 : vector<16xf32>
      %add3A_848 = arith.addf %gather3A_846, %mul3A_847 : vector<16xf32>
      tpu.vector_store_idx %arg8[%add3A_840, %broadcast_in_dim3A_742], %add3A_848 : memref<64x256xf32, #tpu.memory_space<vmem>>[vector<16xi32>, vector<16xi32>], vector<16xf32>,
      %add3A_849 = arith.constant 16 : i32
      %add3A_850 = vector.broadcast %add3A_849 : i32 to vector<16xi32>
      %add3A_851 = arith.addi %iota3A, %add3A_850 : vector<16xi32>
      %gather3A_852 = arith.constant 0 : i32
      %gather3A_853 = arith.constant 0 : i32
      %gather3A_854 = arith.constant 0 : i32
      %gather3A_855 = tpu.memref_slice %arg7[%gather3A_852, %gather3A_853, %gather3A_854] : memref<8x64x128xf32, #tpu.memory_space<vmem>> -> memref<1x64x128xf32, #tpu.memory_space<vmem>>
      %gather3A_856 = tpu.memref_squeeze %gather3A_855 : memref<1x64x128xf32, #tpu.memory_space<vmem>> -> memref<64x128xf32, #tpu.memory_space<vmem>>
      %gather3A_857 = tpu.vector_load_idx %gather3A_856[%add3A_851, %broadcast_in_dim3A_739] : memref<64x128xf32, #tpu.memory_space<vmem>>[vector<16xi32>, vector<16xi32>], vector<16xf32>,
      %mul3A_858 = arith.mulf %gather3A_750, %mul3A_837 : vector<16xf32>
      %add3A_859 = arith.addf %gather3A_857, %mul3A_858 : vector<16xf32>
      tpu.vector_store_idx %arg8[%add3A_851, %broadcast_in_dim3A_742], %add3A_859 : memref<64x256xf32, #tpu.memory_space<vmem>>[vector<16xi32>, vector<16xi32>], vector<16xf32>,
      %add3A_860 = arith.constant 32 : i32
      %add3A_861 = vector.broadcast %add3A_860 : i32 to vector<16xi32>
      %add3A_862 = arith.addi %iota3A, %add3A_861 : vector<16xi32>
      %gather3A_863 = arith.constant 0 : i32
      %gather3A_864 = arith.constant 0 : i32
      %gather3A_865 = arith.constant 0 : i32
      %gather3A_866 = tpu.memref_slice %arg7[%gather3A_863, %gather3A_864, %gather3A_865] : memref<8x64x128xf32, #tpu.memory_space<vmem>> -> memref<1x64x128xf32, #tpu.memory_space<vmem>>
      %gather3A_867 = tpu.memref_squeeze %gather3A_866 : memref<1x64x128xf32, #tpu.memory_space<vmem>> -> memref<64x128xf32, #tpu.memory_space<vmem>>
      %gather3A_868 = tpu.vector_load_idx %gather3A_867[%add3A_862, %broadcast_in_dim3A_739] : memref<64x128xf32, #tpu.memory_space<vmem>>[vector<16xi32>, vector<16xi32>], vector<16xf32>,
      %mul3A_869 = arith.mulf %gather3A_754, %mul3A_837 : vector<16xf32>
      %add3A_870 = arith.addf %gather3A_868, %mul3A_869 : vector<16xf32>
      tpu.vector_store_idx %arg8[%add3A_862, %broadcast_in_dim3A_742], %add3A_870 : memref<64x256xf32, #tpu.memory_space<vmem>>[vector<16xi32>, vector<16xi32>], vector<16xf32>,
      %add3A_871 = arith.constant 48 : i32
      %add3A_872 = vector.broadcast %add3A_871 : i32 to vector<16xi32>
      %add3A_873 = arith.addi %iota3A, %add3A_872 : vector<16xi32>
      %gather3A_874 = arith.constant 0 : i32
      %gather3A_875 = arith.constant 0 : i32
      %gather3A_876 = arith.constant 0 : i32
      %gather3A_877 = tpu.memref_slice %arg7[%gather3A_874, %gather3A_875, %gather3A_876] : memref<8x64x128xf32, #tpu.memory_space<vmem>> -> memref<1x64x128xf32, #tpu.memory_space<vmem>>
      %gather3A_878 = tpu.memref_squeeze %gather3A_877 : memref<1x64x128xf32, #tpu.memory_space<vmem>> -> memref<64x128xf32, #tpu.memory_space<vmem>>
      %gather3A_879 = tpu.vector_load_idx %gather3A_878[%add3A_873, %broadcast_in_dim3A_739] : memref<64x128xf32, #tpu.memory_space<vmem>>[vector<16xi32>, vector<16xi32>], vector<16xf32>,
      %mul3A_880 = arith.mulf %gather3A_758, %mul3A_837 : vector<16xf32>
      %add3A_881 = arith.addf %gather3A_879, %mul3A_880 : vector<16xf32>
      tpu.vector_store_idx %arg8[%add3A_873, %broadcast_in_dim3A_742], %add3A_881 : memref<64x256xf32, #tpu.memory_space<vmem>>[vector<16xi32>, vector<16xi32>], vector<16xf32>,
      %add3A_882 = arith.constant 1 : i32
      %add3A_883 = arith.addi %add3A_687, %add3A_882 : i32
      %add3A_884 = arith.constant 8 : i32
      %add3A_885 = arith.addi %add3A_883, %add3A_884 : i32
      %sub3A_886 = arith.constant 1 : i32
      %sub3A_887 = arith.subi %add3A_885, %sub3A_886 : i32
      %lt3A_888 = arith.constant 512 : i32
      %lt3A_889 = arith.cmpi slt, %sub3A_887, %lt3A_888 : i32
      %convert_element_type3A_890 = arith.extui %lt3A_889 : i1 to i32
      %cond3A_891 = arith.constant 0 : i32
      %cond3A_892 = arith.cmpi ne, %convert_element_type3A_890, %cond3A_891 : i32
      scf.if %cond3A_892 {
        %add3A_2275 = arith.constant 8 : i32
        %add3A_2276 = arith.addi %add3A_883, %add3A_2275 : i32
        %sub3A_2277 = arith.constant 1 : i32
        %sub3A_2278 = arith.subi %add3A_2276, %sub3A_2277 : i32
        %shift_right_logical3A_2279 = arith.constant 4 : i32
        %shift_right_logical3A_2280 = arith.shrui %sub3A_2278, %shift_right_logical3A_2279 : i32
        %shift_right_logical3A_2281 = arith.constant 3 : i32
        %shift_right_logical3A_2282 = arith.shrui %shift_right_logical3A_2280, %shift_right_logical3A_2281 : i32
        %and3A_2283 = arith.constant 7 : i32
        %and3A_2284 = arith.andi %shift_right_logical3A_2280, %and3A_2283 : i32
        %mul3A_2285 = arith.constant 16 : i32
        %mul3A_2286 = arith.muli %and3A_2284, %mul3A_2285 : i32
        %multiple_of3A_2287 = tpu.assume_multiple %mul3A_2286, 16 : i32
        %get3A_2288 = arith.index_cast %shift_right_logical3A_2282 : i32 to index
        %get3A_2289 = arith.index_cast %multiple_of3A_2287 : i32 to index
        %get3A_2290 = tpu.vector_load %arg6[%get3A_2288, %get3A_2289] {strides = array<i32>} : memref<4x128xi32, #tpu.memory_space<vmem>>, vector<16xi32>,
        %and3A_2291 = arith.constant 15 : i32
        %and3A_2292 = arith.andi %sub3A_2278, %and3A_2291 : i32
        %broadcast_in_dim3A_2293 = vector.broadcast %and3A_2292 : i32 to vector<16xi32>
        %lt3A_2294 = arith.constant 0 : i32
        %lt3A_2295 = vector.broadcast %lt3A_2294 : i32 to vector<16xi32>
        %lt3A_2296 = arith.cmpi slt, %broadcast_in_dim3A_2293, %lt3A_2295 : vector<16xi32>
        %add3A_2297 = arith.constant 16 : i32
        %add3A_2298 = vector.broadcast %add3A_2297 : i32 to vector<16xi32>
        %add3A_2299 = arith.addi %broadcast_in_dim3A_2293, %add3A_2298 : vector<16xi32>
        %select_n3A_2300 = arith.select %lt3A_2296, %add3A_2299, %broadcast_in_dim3A_2293 : vector<16xi1>, vector<16xi32>
        %broadcast_in_dim3A_2301 = vector.shape_cast %select_n3A_2300 : vector<16xi32> to vector<16x1xi32>
        %gather3A_2302 = vector.shape_cast %broadcast_in_dim3A_2301 : vector<16x1xi32> to vector<16xi32>
        %gather3A_2303 = tpu.dynamic_gather %get3A_2290[%gather3A_2302] in [0] : vector<16xi32>, vector<16xi32> -> vector<16xi32>
        %slice3A_2304 = vector.extract_strided_slice %gather3A_2303 {offsets = [0], sizes = [1], strides = [1]} : vector<16xi32> to vector<1xi32>
        %squeeze3A_2305 = vector.extract %slice3A_2304[0] : i32 from vector<1xi32>
        %not3A_2306 = arith.constant 127 : i32
        %not3A_2307 = arith.constant -1 : i32
        %not3A_2308 = arith.xori %not3A_2306, %not3A_2307 : i32
        %and3A_2309 = arith.andi %squeeze3A_2305, %not3A_2308 : i32
        %multiple_of3A_2310 = tpu.assume_multiple %and3A_2309, 128 : i32
        %dma_start3A_2311 = arith.constant 0 : i32
        %dma_start3A_2312 = arith.constant 0 : i32
        %dma_start3A_2313 = arith.constant 0 : i32
        %dma_start3A_2314 = tpu.memref_slice %arg7[%dma_start3A_2311, %dma_start3A_2312, %dma_start3A_2313] : memref<8x64x128xf32, #tpu.memory_space<vmem>> -> memref<1x64x128xf32, #tpu.memory_space<vmem>>
        %dma_start3A_2315 = tpu.memref_squeeze %dma_start3A_2314 : memref<1x64x128xf32, #tpu.memory_space<vmem>> -> memref<64x128xf32, #tpu.memory_space<vmem>>
        %dma_start3A_2316 = arith.constant 0 : i32
        %dma_start3A_2317 = tpu.memref_slice %arg3[%dma_start3A_2316, %multiple_of3A_2310] : memref<64x1000000xf32, #tpu.memory_space<hbm>> -> memref<64x128xf32, #tpu.memory_space<hbm>>
        %dma_start3A_2318 = arith.constant 0 : i32
        %dma_start3A_2319 = arith.constant 0 : i32
        %dma_start3A_2320 = tpu.memref_slice %arg7[%dma_start3A_2311, %dma_start3A_2318, %dma_start3A_2319] : memref<8x64x128xf32, #tpu.memory_space<vmem>> -> memref<1x64x128xf32, #tpu.memory_space<vmem>>
        %dma_start3A_2321 = tpu.memref_squeeze %dma_start3A_2320 : memref<1x64x128xf32, #tpu.memory_space<vmem>> -> memref<64x128xf32, #tpu.memory_space<vmem>>
        %dma_start3A_2322 = arith.constant 0 : i32
        %dma_start3A_2323 = tpu.memref_slice %arg3[%dma_start3A_2322, %multiple_of3A_2310] : memref<64x1000000xf32, #tpu.memory_space<hbm>> -> memref<64x128xf32, #tpu.memory_space<hbm>>
        tpu.enqueue_dma source(%dma_start3A_2323 : memref<64x128xf32, #tpu.memory_space<hbm>>) target(%dma_start3A_2321 : memref<64x128xf32, #tpu.memory_space<vmem>>) target_semaphore(%arg10 : memref<!tpu.dma_semaphore, #tpu.memory_space<semaphore_mem>>)
      } else {
      }
      %dma_wait3A_893 = arith.constant 1 : i32
      %dma_wait3A_894 = arith.constant 0 : i32
      %dma_wait3A_895 = arith.constant 0 : i32
      %dma_wait3A_896 = tpu.memref_slice %arg7[%dma_wait3A_893, %dma_wait3A_894, %dma_wait3A_895] : memref<8x64x128xf32, #tpu.memory_space<vmem>> -> memref<1x64x128xf32, #tpu.memory_space<vmem>>
      %dma_wait3A_897 = tpu.memref_squeeze %dma_wait3A_896 : memref<1x64x128xf32, #tpu.memory_space<vmem>> -> memref<64x128xf32, #tpu.memory_space<vmem>>
      %dma_wait3A_898 = arith.constant 0 : i32
      %dma_wait3A_899 = arith.constant 0 : i32
      %dma_wait3A_900 = tpu.memref_slice %arg3[%dma_wait3A_898, %dma_wait3A_899] : memref<64x1000000xf32, #tpu.memory_space<hbm>> -> memref<64x128xf32, #tpu.memory_space<hbm>>
      %dma_wait3A_901 = arith.constant 0 : i32
      %dma_wait3A_902 = arith.constant 0 : i32
      %dma_wait3A_903 = tpu.memref_slice %arg7[%dma_wait3A_893, %dma_wait3A_901, %dma_wait3A_902] : memref<8x64x128xf32, #tpu.memory_space<vmem>> -> memref<1x64x128xf32, #tpu.memory_space<vmem>>
      %dma_wait3A_904 = tpu.memref_squeeze %dma_wait3A_903 : memref<1x64x128xf32, #tpu.memory_space<vmem>> -> memref<64x128xf32, #tpu.memory_space<vmem>>
      %dma_wait3A_905 = arith.constant 0 : i32
      %dma_wait3A_906 = arith.constant 0 : i32
      %dma_wait3A_907 = tpu.memref_slice %arg3[%dma_wait3A_905, %dma_wait3A_906] : memref<64x1000000xf32, #tpu.memory_space<hbm>> -> memref<64x128xf32, #tpu.memory_space<hbm>>
      tpu.wait_dma2 semaphore(%arg11 : memref<!tpu.dma_semaphore, #tpu.memory_space<semaphore_mem>>) src(%dma_wait3A_907 : memref<64x128xf32, #tpu.memory_space<hbm>>) dst(%dma_wait3A_904 : memref<64x128xf32, #tpu.memory_space<vmem>>)
      %shift_right_logical3A_908 = arith.constant 4 : i32
      %shift_right_logical3A_909 = arith.shrui %add3A_883, %shift_right_logical3A_908 : i32
      %shift_right_logical3A_910 = arith.constant 3 : i32
      %shift_right_logical3A_911 = arith.shrui %shift_right_logical3A_909, %shift_right_logical3A_910 : i32
      %and3A_912 = arith.constant 7 : i32
      %and3A_913 = arith.andi %shift_right_logical3A_909, %and3A_912 : i32
      %mul3A_914 = arith.constant 16 : i32
      %mul3A_915 = arith.muli %and3A_913, %mul3A_914 : i32
      %multiple_of3A_916 = tpu.assume_multiple %mul3A_915, 16 : i32
      %get3A_917 = arith.index_cast %shift_right_logical3A_911 : i32 to index
      %get3A_918 = arith.index_cast %multiple_of3A_916 : i32 to index
      %get3A_919 = tpu.vector_load %arg6[%get3A_917, %get3A_918] {strides = array<i32>} : memref<4x128xi32, #tpu.memory_space<vmem>>, vector<16xi32>,
      %and3A_920 = arith.constant 15 : i32
      %and3A_921 = arith.andi %add3A_883, %and3A_920 : i32
      %broadcast_in_dim3A_922 = vector.broadcast %and3A_921 : i32 to vector<16xi32>
      %lt3A_923 = arith.constant 0 : i32
      %lt3A_924 = vector.broadcast %lt3A_923 : i32 to vector<16xi32>
      %lt3A_925 = arith.cmpi slt, %broadcast_in_dim3A_922, %lt3A_924 : vector<16xi32>
      %add3A_926 = arith.constant 16 : i32
      %add3A_927 = vector.broadcast %add3A_926 : i32 to vector<16xi32>
      %add3A_928 = arith.addi %broadcast_in_dim3A_922, %add3A_927 : vector<16xi32>
      %select_n3A_929 = arith.select %lt3A_925, %add3A_928, %broadcast_in_dim3A_922 : vector<16xi1>, vector<16xi32>
      %broadcast_in_dim3A_930 = vector.shape_cast %select_n3A_929 : vector<16xi32> to vector<16x1xi32>
      %gather3A_931 = vector.shape_cast %broadcast_in_dim3A_930 : vector<16x1xi32> to vector<16xi32>
      %gather3A_932 = tpu.dynamic_gather %get3A_919[%gather3A_931] in [0] : vector<16xi32>, vector<16xi32> -> vector<16xi32>
      %slice3A_933 = vector.extract_strided_slice %gather3A_932 {offsets = [0], sizes = [1], strides = [1]} : vector<16xi32> to vector<1xi32>
      %squeeze3A_934 = vector.extract %slice3A_933[0] : i32 from vector<1xi32>
      %and3A_935 = arith.constant 127 : i32
      %and3A_936 = arith.andi %squeeze3A_934, %and3A_935 : i32
      %broadcast_in_dim3A_937 = vector.broadcast %and3A_936 : i32 to vector<16xi32>
      %and3A_938 = arith.constant 255 : i32
      %and3A_939 = arith.andi %add3A_883, %and3A_938 : i32
      %broadcast_in_dim3A_940 = vector.broadcast %and3A_939 : i32 to vector<16xi32>
      %add3A_941 = arith.constant 0 : i32
      %add3A_942 = vector.broadcast %add3A_941 : i32 to vector<16xi32>
      %add3A_943 = arith.addi %iota3A, %add3A_942 : vector<16xi32>
      %gather3A_944 = tpu.vector_load_idx %arg9[%add3A_943, %broadcast_in_dim3A_940] : memref<64x256xf32, #tpu.memory_space<vmem>>[vector<16xi32>, vector<16xi32>], vector<16xf32>,
      %add3A_945 = arith.constant 16 : i32
      %add3A_946 = vector.broadcast %add3A_945 : i32 to vector<16xi32>
      %add3A_947 = arith.addi %iota3A, %add3A_946 : vector<16xi32>
      %gather3A_948 = tpu.vector_load_idx %arg9[%add3A_947, %broadcast_in_dim3A_940] : memref<64x256xf32, #tpu.memory_space<vmem>>[vector<16xi32>, vector<16xi32>], vector<16xf32>,
      %add3A_949 = arith.constant 32 : i32
      %add3A_950 = vector.broadcast %add3A_949 : i32 to vector<16xi32>
      %add3A_951 = arith.addi %iota3A, %add3A_950 : vector<16xi32>
      %gather3A_952 = tpu.vector_load_idx %arg9[%add3A_951, %broadcast_in_dim3A_940] : memref<64x256xf32, #tpu.memory_space<vmem>>[vector<16xi32>, vector<16xi32>], vector<16xf32>,
      %add3A_953 = arith.constant 48 : i32
      %add3A_954 = vector.broadcast %add3A_953 : i32 to vector<16xi32>
      %add3A_955 = arith.addi %iota3A, %add3A_954 : vector<16xi32>
      %gather3A_956 = tpu.vector_load_idx %arg9[%add3A_955, %broadcast_in_dim3A_940] : memref<64x256xf32, #tpu.memory_space<vmem>>[vector<16xi32>, vector<16xi32>], vector<16xf32>,
      %mul3A_957 = arith.mulf %gather3A_944, %gather3A_944 : vector<16xf32>
      %mul3A_958 = arith.mulf %gather3A_948, %gather3A_948 : vector<16xf32>
      %add3A_959 = arith.addf %mul3A_957, %mul3A_958 : vector<16xf32>
      %mul3A_960 = arith.mulf %gather3A_952, %gather3A_952 : vector<16xf32>
      %add3A_961 = arith.addf %add3A_959, %mul3A_960 : vector<16xf32>
      %mul3A_962 = arith.mulf %gather3A_956, %gather3A_956 : vector<16xf32>
      %add3A_963 = arith.addf %add3A_961, %mul3A_962 : vector<16xf32>
      %lt3A_964 = arith.constant 0 : i32
      %lt3A_965 = vector.broadcast %lt3A_964 : i32 to vector<16xi32>
      %lt3A_966 = arith.cmpi slt, %xor3A_4, %lt3A_965 : vector<16xi32>
      %add3A_967 = arith.constant 16 : i32
      %add3A_968 = vector.broadcast %add3A_967 : i32 to vector<16xi32>
      %add3A_969 = arith.addi %xor3A_4, %add3A_968 : vector<16xi32>
      %select_n3A_970 = arith.select %lt3A_966, %add3A_969, %xor3A_4 : vector<16xi1>, vector<16xi32>
      %broadcast_in_dim3A_971 = vector.shape_cast %select_n3A_970 : vector<16xi32> to vector<16x1xi32>
      %gather3A_972 = vector.shape_cast %broadcast_in_dim3A_971 : vector<16x1xi32> to vector<16xi32>
      %gather3A_973 = tpu.dynamic_gather %add3A_963[%gather3A_972] in [0] : vector<16xf32>, vector<16xi32> -> vector<16xf32>
      %add3A_974 = arith.addf %add3A_963, %gather3A_973 : vector<16xf32>
      %lt3A_975 = arith.constant 0 : i32
      %lt3A_976 = vector.broadcast %lt3A_975 : i32 to vector<16xi32>
      %lt3A_977 = arith.cmpi slt, %xor3A_7, %lt3A_976 : vector<16xi32>
      %add3A_978 = arith.constant 16 : i32
      %add3A_979 = vector.broadcast %add3A_978 : i32 to vector<16xi32>
      %add3A_980 = arith.addi %xor3A_7, %add3A_979 : vector<16xi32>
      %select_n3A_981 = arith.select %lt3A_977, %add3A_980, %xor3A_7 : vector<16xi1>, vector<16xi32>
      %broadcast_in_dim3A_982 = vector.shape_cast %select_n3A_981 : vector<16xi32> to vector<16x1xi32>
      %gather3A_983 = vector.shape_cast %broadcast_in_dim3A_982 : vector<16x1xi32> to vector<16xi32>
      %gather3A_984 = tpu.dynamic_gather %add3A_974[%gather3A_983] in [0] : vector<16xf32>, vector<16xi32> -> vector<16xf32>
      %add3A_985 = arith.addf %add3A_974, %gather3A_984 : vector<16xf32>
      %lt3A_986 = arith.constant 0 : i32
      %lt3A_987 = vector.broadcast %lt3A_986 : i32 to vector<16xi32>
      %lt3A_988 = arith.cmpi slt, %xor3A_10, %lt3A_987 : vector<16xi32>
      %add3A_989 = arith.constant 16 : i32
      %add3A_990 = vector.broadcast %add3A_989 : i32 to vector<16xi32>
      %add3A_991 = arith.addi %xor3A_10, %add3A_990 : vector<16xi32>
      %select_n3A_992 = arith.select %lt3A_988, %add3A_991, %xor3A_10 : vector<16xi1>, vector<16xi32>
      %broadcast_in_dim3A_993 = vector.shape_cast %select_n3A_992 : vector<16xi32> to vector<16x1xi32>
      %gather3A_994 = vector.shape_cast %broadcast_in_dim3A_993 : vector<16x1xi32> to vector<16xi32>
      %gather3A_995 = tpu.dynamic_gather %add3A_985[%gather3A_994] in [0] : vector<16xf32>, vector<16xi32> -> vector<16xf32>
      %add3A_996 = arith.addf %add3A_985, %gather3A_995 : vector<16xf32>
      %lt3A_997 = arith.constant 0 : i32
      %lt3A_998 = vector.broadcast %lt3A_997 : i32 to vector<16xi32>
      %lt3A_999 = arith.cmpi slt, %xor3A_13, %lt3A_998 : vector<16xi32>
      %add3A_1000 = arith.constant 16 : i32
      %add3A_1001 = vector.broadcast %add3A_1000 : i32 to vector<16xi32>
      %add3A_1002 = arith.addi %xor3A_13, %add3A_1001 : vector<16xi32>
      %select_n3A_1003 = arith.select %lt3A_999, %add3A_1002, %xor3A_13 : vector<16xi1>, vector<16xi32>
      %broadcast_in_dim3A_1004 = vector.shape_cast %select_n3A_1003 : vector<16xi32> to vector<16x1xi32>
      %gather3A_1005 = vector.shape_cast %broadcast_in_dim3A_1004 : vector<16x1xi32> to vector<16xi32>
      %gather3A_1006 = tpu.dynamic_gather %add3A_996[%gather3A_1005] in [0] : vector<16xf32>, vector<16xi32> -> vector<16xf32>
      %add3A_1007 = arith.addf %add3A_996, %gather3A_1006 : vector<16xf32>
      %bitcast_convert_type3A_1008 = tpu.bitcast %add3A_1007 : vector<16xf32> -> vector<16xi32>
      %shift_right_logical3A_1009 = arith.constant 1 : i32
      %shift_right_logical3A_1010 = vector.broadcast %shift_right_logical3A_1009 : i32 to vector<16xi32>
      %shift_right_logical3A_1011 = arith.shrui %bitcast_convert_type3A_1008, %shift_right_logical3A_1010 : vector<16xi32>
      %sub3A_1012 = arith.constant 1597463007 : i32
      %sub3A_1013 = vector.broadcast %sub3A_1012 : i32 to vector<16xi32>
      %sub3A_1014 = arith.subi %sub3A_1013, %shift_right_logical3A_1011 : vector<16xi32>
      %bitcast_convert_type3A_1015 = tpu.bitcast %sub3A_1014 : vector<16xi32> -> vector<16xf32>
      %mul3A_1016 = arith.constant 5.000000e-01 : f32
      %mul3A_1017 = vector.broadcast %mul3A_1016 : f32 to vector<16xf32>
      %mul3A_1018 = arith.mulf %add3A_1007, %mul3A_1017 : vector<16xf32>
      %mul3A_1019 = arith.mulf %mul3A_1018, %bitcast_convert_type3A_1015 : vector<16xf32>
      %mul3A_1020 = arith.mulf %mul3A_1019, %bitcast_convert_type3A_1015 : vector<16xf32>
      %sub3A_1021 = arith.constant 1.500000e+00 : f32
      %sub3A_1022 = vector.broadcast %sub3A_1021 : f32 to vector<16xf32>
      %sub3A_1023 = arith.subf %sub3A_1022, %mul3A_1020 : vector<16xf32>
      %mul3A_1024 = arith.mulf %bitcast_convert_type3A_1015, %sub3A_1023 : vector<16xf32>
      %mul3A_1025 = arith.mulf %mul3A_1018, %mul3A_1024 : vector<16xf32>
      %mul3A_1026 = arith.mulf %mul3A_1025, %mul3A_1024 : vector<16xf32>
      %sub3A_1027 = arith.constant 1.500000e+00 : f32
      %sub3A_1028 = vector.broadcast %sub3A_1027 : f32 to vector<16xf32>
      %sub3A_1029 = arith.subf %sub3A_1028, %mul3A_1026 : vector<16xf32>
      %mul3A_1030 = arith.mulf %mul3A_1024, %sub3A_1029 : vector<16xf32>
      %mul3A_1031 = arith.mulf %mul3A_1018, %mul3A_1030 : vector<16xf32>
      %mul3A_1032 = arith.mulf %mul3A_1031, %mul3A_1030 : vector<16xf32>
      %sub3A_1033 = arith.constant 1.500000e+00 : f32
      %sub3A_1034 = vector.broadcast %sub3A_1033 : f32 to vector<16xf32>
      %sub3A_1035 = arith.subf %sub3A_1034, %mul3A_1032 : vector<16xf32>
      %mul3A_1036 = arith.mulf %mul3A_1030, %sub3A_1035 : vector<16xf32>
      %add3A_1037 = arith.constant 0 : i32
      %add3A_1038 = vector.broadcast %add3A_1037 : i32 to vector<16xi32>
      %add3A_1039 = arith.addi %iota3A, %add3A_1038 : vector<16xi32>
      %gather3A_1040 = arith.constant 1 : i32
      %gather3A_1041 = arith.constant 0 : i32
      %gather3A_1042 = arith.constant 0 : i32
      %gather3A_1043 = tpu.memref_slice %arg7[%gather3A_1040, %gather3A_1041, %gather3A_1042] : memref<8x64x128xf32, #tpu.memory_space<vmem>> -> memref<1x64x128xf32, #tpu.memory_space<vmem>>
      %gather3A_1044 = tpu.memref_squeeze %gather3A_1043 : memref<1x64x128xf32, #tpu.memory_space<vmem>> -> memref<64x128xf32, #tpu.memory_space<vmem>>
      %gather3A_1045 = tpu.vector_load_idx %gather3A_1044[%add3A_1039, %broadcast_in_dim3A_937] : memref<64x128xf32, #tpu.memory_space<vmem>>[vector<16xi32>, vector<16xi32>], vector<16xf32>,
      %mul3A_1046 = arith.mulf %gather3A_944, %mul3A_1036 : vector<16xf32>
      %add3A_1047 = arith.addf %gather3A_1045, %mul3A_1046 : vector<16xf32>
      tpu.vector_store_idx %arg8[%add3A_1039, %broadcast_in_dim3A_940], %add3A_1047 : memref<64x256xf32, #tpu.memory_space<vmem>>[vector<16xi32>, vector<16xi32>], vector<16xf32>,
      %add3A_1048 = arith.constant 16 : i32
      %add3A_1049 = vector.broadcast %add3A_1048 : i32 to vector<16xi32>
      %add3A_1050 = arith.addi %iota3A, %add3A_1049 : vector<16xi32>
      %gather3A_1051 = arith.constant 1 : i32
      %gather3A_1052 = arith.constant 0 : i32
      %gather3A_1053 = arith.constant 0 : i32
      %gather3A_1054 = tpu.memref_slice %arg7[%gather3A_1051, %gather3A_1052, %gather3A_1053] : memref<8x64x128xf32, #tpu.memory_space<vmem>> -> memref<1x64x128xf32, #tpu.memory_space<vmem>>
      %gather3A_1055 = tpu.memref_squeeze %gather3A_1054 : memref<1x64x128xf32, #tpu.memory_space<vmem>> -> memref<64x128xf32, #tpu.memory_space<vmem>>
      %gather3A_1056 = tpu.vector_load_idx %gather3A_1055[%add3A_1050, %broadcast_in_dim3A_937] : memref<64x128xf32, #tpu.memory_space<vmem>>[vector<16xi32>, vector<16xi32>], vector<16xf32>,
      %mul3A_1057 = arith.mulf %gather3A_948, %mul3A_1036 : vector<16xf32>
      %add3A_1058 = arith.addf %gather3A_1056, %mul3A_1057 : vector<16xf32>
      tpu.vector_store_idx %arg8[%add3A_1050, %broadcast_in_dim3A_940], %add3A_1058 : memref<64x256xf32, #tpu.memory_space<vmem>>[vector<16xi32>, vector<16xi32>], vector<16xf32>,
      %add3A_1059 = arith.constant 32 : i32
      %add3A_1060 = vector.broadcast %add3A_1059 : i32 to vector<16xi32>
      %add3A_1061 = arith.addi %iota3A, %add3A_1060 : vector<16xi32>
      %gather3A_1062 = arith.constant 1 : i32
      %gather3A_1063 = arith.constant 0 : i32
      %gather3A_1064 = arith.constant 0 : i32
      %gather3A_1065 = tpu.memref_slice %arg7[%gather3A_1062, %gather3A_1063, %gather3A_1064] : memref<8x64x128xf32, #tpu.memory_space<vmem>> -> memref<1x64x128xf32, #tpu.memory_space<vmem>>
      %gather3A_1066 = tpu.memref_squeeze %gather3A_1065 : memref<1x64x128xf32, #tpu.memory_space<vmem>> -> memref<64x128xf32, #tpu.memory_space<vmem>>
      %gather3A_1067 = tpu.vector_load_idx %gather3A_1066[%add3A_1061, %broadcast_in_dim3A_937] : memref<64x128xf32, #tpu.memory_space<vmem>>[vector<16xi32>, vector<16xi32>], vector<16xf32>,
      %mul3A_1068 = arith.mulf %gather3A_952, %mul3A_1036 : vector<16xf32>
      %add3A_1069 = arith.addf %gather3A_1067, %mul3A_1068 : vector<16xf32>
      tpu.vector_store_idx %arg8[%add3A_1061, %broadcast_in_dim3A_940], %add3A_1069 : memref<64x256xf32, #tpu.memory_space<vmem>>[vector<16xi32>, vector<16xi32>], vector<16xf32>,
      %add3A_1070 = arith.constant 48 : i32
      %add3A_1071 = vector.broadcast %add3A_1070 : i32 to vector<16xi32>
      %add3A_1072 = arith.addi %iota3A, %add3A_1071 : vector<16xi32>
      %gather3A_1073 = arith.constant 1 : i32
      %gather3A_1074 = arith.constant 0 : i32
      %gather3A_1075 = arith.constant 0 : i32
      %gather3A_1076 = tpu.memref_slice %arg7[%gather3A_1073, %gather3A_1074, %gather3A_1075] : memref<8x64x128xf32, #tpu.memory_space<vmem>> -> memref<1x64x128xf32, #tpu.memory_space<vmem>>
      %gather3A_1077 = tpu.memref_squeeze %gather3A_1076 : memref<1x64x128xf32, #tpu.memory_space<vmem>> -> memref<64x128xf32, #tpu.memory_space<vmem>>
      %gather3A_1078 = tpu.vector_load_idx %gather3A_1077[%add3A_1072, %broadcast_in_dim3A_937] : memref<64x128xf32, #tpu.memory_space<vmem>>[vector<16xi32>, vector<16xi32>], vector<16xf32>,
      %mul3A_1079 = arith.mulf %gather3A_956, %mul3A_1036 : vector<16xf32>
      %add3A_1080 = arith.addf %gather3A_1078, %mul3A_1079 : vector<16xf32>
      tpu.vector_store_idx %arg8[%add3A_1072, %broadcast_in_dim3A_940], %add3A_1080 : memref<64x256xf32, #tpu.memory_space<vmem>>[vector<16xi32>, vector<16xi32>], vector<16xf32>,
      %add3A_1081 = arith.constant 2 : i32
      %add3A_1082 = arith.addi %add3A_687, %add3A_1081 : i32
      %add3A_1083 = arith.constant 8 : i32
      %add3A_1084 = arith.addi %add3A_1082, %add3A_1083 : i32
      %sub3A_1085 = arith.constant 1 : i32
      %sub3A_1086 = arith.subi %add3A_1084, %sub3A_1085 : i32
      %lt3A_1087 = arith.constant 512 : i32
      %lt3A_1088 = arith.cmpi slt, %sub3A_1086, %lt3A_1087 : i32
      %convert_element_type3A_1089 = arith.extui %lt3A_1088 : i1 to i32
      %cond3A_1090 = arith.constant 0 : i32
      %cond3A_1091 = arith.cmpi ne, %convert_element_type3A_1089, %cond3A_1090 : i32
      scf.if %cond3A_1091 {
        %add3A_2275 = arith.constant 8 : i32
        %add3A_2276 = arith.addi %add3A_1082, %add3A_2275 : i32
        %sub3A_2277 = arith.constant 1 : i32
        %sub3A_2278 = arith.subi %add3A_2276, %sub3A_2277 : i32
        %shift_right_logical3A_2279 = arith.constant 4 : i32
        %shift_right_logical3A_2280 = arith.shrui %sub3A_2278, %shift_right_logical3A_2279 : i32
        %shift_right_logical3A_2281 = arith.constant 3 : i32
        %shift_right_logical3A_2282 = arith.shrui %shift_right_logical3A_2280, %shift_right_logical3A_2281 : i32
        %and3A_2283 = arith.constant 7 : i32
        %and3A_2284 = arith.andi %shift_right_logical3A_2280, %and3A_2283 : i32
        %mul3A_2285 = arith.constant 16 : i32
        %mul3A_2286 = arith.muli %and3A_2284, %mul3A_2285 : i32
        %multiple_of3A_2287 = tpu.assume_multiple %mul3A_2286, 16 : i32
        %get3A_2288 = arith.index_cast %shift_right_logical3A_2282 : i32 to index
        %get3A_2289 = arith.index_cast %multiple_of3A_2287 : i32 to index
        %get3A_2290 = tpu.vector_load %arg6[%get3A_2288, %get3A_2289] {strides = array<i32>} : memref<4x128xi32, #tpu.memory_space<vmem>>, vector<16xi32>,
        %and3A_2291 = arith.constant 15 : i32
        %and3A_2292 = arith.andi %sub3A_2278, %and3A_2291 : i32
        %broadcast_in_dim3A_2293 = vector.broadcast %and3A_2292 : i32 to vector<16xi32>
        %lt3A_2294 = arith.constant 0 : i32
        %lt3A_2295 = vector.broadcast %lt3A_2294 : i32 to vector<16xi32>
        %lt3A_2296 = arith.cmpi slt, %broadcast_in_dim3A_2293, %lt3A_2295 : vector<16xi32>
        %add3A_2297 = arith.constant 16 : i32
        %add3A_2298 = vector.broadcast %add3A_2297 : i32 to vector<16xi32>
        %add3A_2299 = arith.addi %broadcast_in_dim3A_2293, %add3A_2298 : vector<16xi32>
        %select_n3A_2300 = arith.select %lt3A_2296, %add3A_2299, %broadcast_in_dim3A_2293 : vector<16xi1>, vector<16xi32>
        %broadcast_in_dim3A_2301 = vector.shape_cast %select_n3A_2300 : vector<16xi32> to vector<16x1xi32>
        %gather3A_2302 = vector.shape_cast %broadcast_in_dim3A_2301 : vector<16x1xi32> to vector<16xi32>
        %gather3A_2303 = tpu.dynamic_gather %get3A_2290[%gather3A_2302] in [0] : vector<16xi32>, vector<16xi32> -> vector<16xi32>
        %slice3A_2304 = vector.extract_strided_slice %gather3A_2303 {offsets = [0], sizes = [1], strides = [1]} : vector<16xi32> to vector<1xi32>
        %squeeze3A_2305 = vector.extract %slice3A_2304[0] : i32 from vector<1xi32>
        %not3A_2306 = arith.constant 127 : i32
        %not3A_2307 = arith.constant -1 : i32
        %not3A_2308 = arith.xori %not3A_2306, %not3A_2307 : i32
        %and3A_2309 = arith.andi %squeeze3A_2305, %not3A_2308 : i32
        %multiple_of3A_2310 = tpu.assume_multiple %and3A_2309, 128 : i32
        %dma_start3A_2311 = arith.constant 1 : i32
        %dma_start3A_2312 = arith.constant 0 : i32
        %dma_start3A_2313 = arith.constant 0 : i32
        %dma_start3A_2314 = tpu.memref_slice %arg7[%dma_start3A_2311, %dma_start3A_2312, %dma_start3A_2313] : memref<8x64x128xf32, #tpu.memory_space<vmem>> -> memref<1x64x128xf32, #tpu.memory_space<vmem>>
        %dma_start3A_2315 = tpu.memref_squeeze %dma_start3A_2314 : memref<1x64x128xf32, #tpu.memory_space<vmem>> -> memref<64x128xf32, #tpu.memory_space<vmem>>
        %dma_start3A_2316 = arith.constant 0 : i32
        %dma_start3A_2317 = tpu.memref_slice %arg3[%dma_start3A_2316, %multiple_of3A_2310] : memref<64x1000000xf32, #tpu.memory_space<hbm>> -> memref<64x128xf32, #tpu.memory_space<hbm>>
        %dma_start3A_2318 = arith.constant 0 : i32
        %dma_start3A_2319 = arith.constant 0 : i32
        %dma_start3A_2320 = tpu.memref_slice %arg7[%dma_start3A_2311, %dma_start3A_2318, %dma_start3A_2319] : memref<8x64x128xf32, #tpu.memory_space<vmem>> -> memref<1x64x128xf32, #tpu.memory_space<vmem>>
        %dma_start3A_2321 = tpu.memref_squeeze %dma_start3A_2320 : memref<1x64x128xf32, #tpu.memory_space<vmem>> -> memref<64x128xf32, #tpu.memory_space<vmem>>
        %dma_start3A_2322 = arith.constant 0 : i32
        %dma_start3A_2323 = tpu.memref_slice %arg3[%dma_start3A_2322, %multiple_of3A_2310] : memref<64x1000000xf32, #tpu.memory_space<hbm>> -> memref<64x128xf32, #tpu.memory_space<hbm>>
        tpu.enqueue_dma source(%dma_start3A_2323 : memref<64x128xf32, #tpu.memory_space<hbm>>) target(%dma_start3A_2321 : memref<64x128xf32, #tpu.memory_space<vmem>>) target_semaphore(%arg11 : memref<!tpu.dma_semaphore, #tpu.memory_space<semaphore_mem>>)
      } else {
      }
      %dma_wait3A_1092 = arith.constant 2 : i32
      %dma_wait3A_1093 = arith.constant 0 : i32
      %dma_wait3A_1094 = arith.constant 0 : i32
      %dma_wait3A_1095 = tpu.memref_slice %arg7[%dma_wait3A_1092, %dma_wait3A_1093, %dma_wait3A_1094] : memref<8x64x128xf32, #tpu.memory_space<vmem>> -> memref<1x64x128xf32, #tpu.memory_space<vmem>>
      %dma_wait3A_1096 = tpu.memref_squeeze %dma_wait3A_1095 : memref<1x64x128xf32, #tpu.memory_space<vmem>> -> memref<64x128xf32, #tpu.memory_space<vmem>>
      %dma_wait3A_1097 = arith.constant 0 : i32
      %dma_wait3A_1098 = arith.constant 0 : i32
      %dma_wait3A_1099 = tpu.memref_slice %arg3[%dma_wait3A_1097, %dma_wait3A_1098] : memref<64x1000000xf32, #tpu.memory_space<hbm>> -> memref<64x128xf32, #tpu.memory_space<hbm>>
      %dma_wait3A_1100 = arith.constant 0 : i32
      %dma_wait3A_1101 = arith.constant 0 : i32
      %dma_wait3A_1102 = tpu.memref_slice %arg7[%dma_wait3A_1092, %dma_wait3A_1100, %dma_wait3A_1101] : memref<8x64x128xf32, #tpu.memory_space<vmem>> -> memref<1x64x128xf32, #tpu.memory_space<vmem>>
      %dma_wait3A_1103 = tpu.memref_squeeze %dma_wait3A_1102 : memref<1x64x128xf32, #tpu.memory_space<vmem>> -> memref<64x128xf32, #tpu.memory_space<vmem>>
      %dma_wait3A_1104 = arith.constant 0 : i32
      %dma_wait3A_1105 = arith.constant 0 : i32
      %dma_wait3A_1106 = tpu.memref_slice %arg3[%dma_wait3A_1104, %dma_wait3A_1105] : memref<64x1000000xf32, #tpu.memory_space<hbm>> -> memref<64x128xf32, #tpu.memory_space<hbm>>
      tpu.wait_dma2 semaphore(%arg12 : memref<!tpu.dma_semaphore, #tpu.memory_space<semaphore_mem>>) src(%dma_wait3A_1106 : memref<64x128xf32, #tpu.memory_space<hbm>>) dst(%dma_wait3A_1103 : memref<64x128xf32, #tpu.memory_space<vmem>>)
      %shift_right_logical3A_1107 = arith.constant 4 : i32
      %shift_right_logical3A_1108 = arith.shrui %add3A_1082, %shift_right_logical3A_1107 : i32
      %shift_right_logical3A_1109 = arith.constant 3 : i32
      %shift_right_logical3A_1110 = arith.shrui %shift_right_logical3A_1108, %shift_right_logical3A_1109 : i32
      %and3A_1111 = arith.constant 7 : i32
      %and3A_1112 = arith.andi %shift_right_logical3A_1108, %and3A_1111 : i32
      %mul3A_1113 = arith.constant 16 : i32
      %mul3A_1114 = arith.muli %and3A_1112, %mul3A_1113 : i32
      %multiple_of3A_1115 = tpu.assume_multiple %mul3A_1114, 16 : i32
      %get3A_1116 = arith.index_cast %shift_right_logical3A_1110 : i32 to index
      %get3A_1117 = arith.index_cast %multiple_of3A_1115 : i32 to index
      %get3A_1118 = tpu.vector_load %arg6[%get3A_1116, %get3A_1117] {strides = array<i32>} : memref<4x128xi32, #tpu.memory_space<vmem>>, vector<16xi32>,
      %and3A_1119 = arith.constant 15 : i32
      %and3A_1120 = arith.andi %add3A_1082, %and3A_1119 : i32
      %broadcast_in_dim3A_1121 = vector.broadcast %and3A_1120 : i32 to vector<16xi32>
      %lt3A_1122 = arith.constant 0 : i32
      %lt3A_1123 = vector.broadcast %lt3A_1122 : i32 to vector<16xi32>
      %lt3A_1124 = arith.cmpi slt, %broadcast_in_dim3A_1121, %lt3A_1123 : vector<16xi32>
      %add3A_1125 = arith.constant 16 : i32
      %add3A_1126 = vector.broadcast %add3A_1125 : i32 to vector<16xi32>
      %add3A_1127 = arith.addi %broadcast_in_dim3A_1121, %add3A_1126 : vector<16xi32>
      %select_n3A_1128 = arith.select %lt3A_1124, %add3A_1127, %broadcast_in_dim3A_1121 : vector<16xi1>, vector<16xi32>
      %broadcast_in_dim3A_1129 = vector.shape_cast %select_n3A_1128 : vector<16xi32> to vector<16x1xi32>
      %gather3A_1130 = vector.shape_cast %broadcast_in_dim3A_1129 : vector<16x1xi32> to vector<16xi32>
      %gather3A_1131 = tpu.dynamic_gather %get3A_1118[%gather3A_1130] in [0] : vector<16xi32>, vector<16xi32> -> vector<16xi32>
      %slice3A_1132 = vector.extract_strided_slice %gather3A_1131 {offsets = [0], sizes = [1], strides = [1]} : vector<16xi32> to vector<1xi32>
      %squeeze3A_1133 = vector.extract %slice3A_1132[0] : i32 from vector<1xi32>
      %and3A_1134 = arith.constant 127 : i32
      %and3A_1135 = arith.andi %squeeze3A_1133, %and3A_1134 : i32
      %broadcast_in_dim3A_1136 = vector.broadcast %and3A_1135 : i32 to vector<16xi32>
      %and3A_1137 = arith.constant 255 : i32
      %and3A_1138 = arith.andi %add3A_1082, %and3A_1137 : i32
      %broadcast_in_dim3A_1139 = vector.broadcast %and3A_1138 : i32 to vector<16xi32>
      %add3A_1140 = arith.constant 0 : i32
      %add3A_1141 = vector.broadcast %add3A_1140 : i32 to vector<16xi32>
      %add3A_1142 = arith.addi %iota3A, %add3A_1141 : vector<16xi32>
      %gather3A_1143 = tpu.vector_load_idx %arg9[%add3A_1142, %broadcast_in_dim3A_1139] : memref<64x256xf32, #tpu.memory_space<vmem>>[vector<16xi32>, vector<16xi32>], vector<16xf32>,
      %add3A_1144 = arith.constant 16 : i32
      %add3A_1145 = vector.broadcast %add3A_1144 : i32 to vector<16xi32>
      %add3A_1146 = arith.addi %iota3A, %add3A_1145 : vector<16xi32>
      %gather3A_1147 = tpu.vector_load_idx %arg9[%add3A_1146, %broadcast_in_dim3A_1139] : memref<64x256xf32, #tpu.memory_space<vmem>>[vector<16xi32>, vector<16xi32>], vector<16xf32>,
      %add3A_1148 = arith.constant 32 : i32
      %add3A_1149 = vector.broadcast %add3A_1148 : i32 to vector<16xi32>
      %add3A_1150 = arith.addi %iota3A, %add3A_1149 : vector<16xi32>
      %gather3A_1151 = tpu.vector_load_idx %arg9[%add3A_1150, %broadcast_in_dim3A_1139] : memref<64x256xf32, #tpu.memory_space<vmem>>[vector<16xi32>, vector<16xi32>], vector<16xf32>,
      %add3A_1152 = arith.constant 48 : i32
      %add3A_1153 = vector.broadcast %add3A_1152 : i32 to vector<16xi32>
      %add3A_1154 = arith.addi %iota3A, %add3A_1153 : vector<16xi32>
      %gather3A_1155 = tpu.vector_load_idx %arg9[%add3A_1154, %broadcast_in_dim3A_1139] : memref<64x256xf32, #tpu.memory_space<vmem>>[vector<16xi32>, vector<16xi32>], vector<16xf32>,
      %mul3A_1156 = arith.mulf %gather3A_1143, %gather3A_1143 : vector<16xf32>
      %mul3A_1157 = arith.mulf %gather3A_1147, %gather3A_1147 : vector<16xf32>
      %add3A_1158 = arith.addf %mul3A_1156, %mul3A_1157 : vector<16xf32>
      %mul3A_1159 = arith.mulf %gather3A_1151, %gather3A_1151 : vector<16xf32>
      %add3A_1160 = arith.addf %add3A_1158, %mul3A_1159 : vector<16xf32>
      %mul3A_1161 = arith.mulf %gather3A_1155, %gather3A_1155 : vector<16xf32>
      %add3A_1162 = arith.addf %add3A_1160, %mul3A_1161 : vector<16xf32>
      %lt3A_1163 = arith.constant 0 : i32
      %lt3A_1164 = vector.broadcast %lt3A_1163 : i32 to vector<16xi32>
      %lt3A_1165 = arith.cmpi slt, %xor3A_4, %lt3A_1164 : vector<16xi32>
      %add3A_1166 = arith.constant 16 : i32
      %add3A_1167 = vector.broadcast %add3A_1166 : i32 to vector<16xi32>
      %add3A_1168 = arith.addi %xor3A_4, %add3A_1167 : vector<16xi32>
      %select_n3A_1169 = arith.select %lt3A_1165, %add3A_1168, %xor3A_4 : vector<16xi1>, vector<16xi32>
      %broadcast_in_dim3A_1170 = vector.shape_cast %select_n3A_1169 : vector<16xi32> to vector<16x1xi32>
      %gather3A_1171 = vector.shape_cast %broadcast_in_dim3A_1170 : vector<16x1xi32> to vector<16xi32>
      %gather3A_1172 = tpu.dynamic_gather %add3A_1162[%gather3A_1171] in [0] : vector<16xf32>, vector<16xi32> -> vector<16xf32>
      %add3A_1173 = arith.addf %add3A_1162, %gather3A_1172 : vector<16xf32>
      %lt3A_1174 = arith.constant 0 : i32
      %lt3A_1175 = vector.broadcast %lt3A_1174 : i32 to vector<16xi32>
      %lt3A_1176 = arith.cmpi slt, %xor3A_7, %lt3A_1175 : vector<16xi32>
      %add3A_1177 = arith.constant 16 : i32
      %add3A_1178 = vector.broadcast %add3A_1177 : i32 to vector<16xi32>
      %add3A_1179 = arith.addi %xor3A_7, %add3A_1178 : vector<16xi32>
      %select_n3A_1180 = arith.select %lt3A_1176, %add3A_1179, %xor3A_7 : vector<16xi1>, vector<16xi32>
      %broadcast_in_dim3A_1181 = vector.shape_cast %select_n3A_1180 : vector<16xi32> to vector<16x1xi32>
      %gather3A_1182 = vector.shape_cast %broadcast_in_dim3A_1181 : vector<16x1xi32> to vector<16xi32>
      %gather3A_1183 = tpu.dynamic_gather %add3A_1173[%gather3A_1182] in [0] : vector<16xf32>, vector<16xi32> -> vector<16xf32>
      %add3A_1184 = arith.addf %add3A_1173, %gather3A_1183 : vector<16xf32>
      %lt3A_1185 = arith.constant 0 : i32
      %lt3A_1186 = vector.broadcast %lt3A_1185 : i32 to vector<16xi32>
      %lt3A_1187 = arith.cmpi slt, %xor3A_10, %lt3A_1186 : vector<16xi32>
      %add3A_1188 = arith.constant 16 : i32
      %add3A_1189 = vector.broadcast %add3A_1188 : i32 to vector<16xi32>
      %add3A_1190 = arith.addi %xor3A_10, %add3A_1189 : vector<16xi32>
      %select_n3A_1191 = arith.select %lt3A_1187, %add3A_1190, %xor3A_10 : vector<16xi1>, vector<16xi32>
      %broadcast_in_dim3A_1192 = vector.shape_cast %select_n3A_1191 : vector<16xi32> to vector<16x1xi32>
      %gather3A_1193 = vector.shape_cast %broadcast_in_dim3A_1192 : vector<16x1xi32> to vector<16xi32>
      %gather3A_1194 = tpu.dynamic_gather %add3A_1184[%gather3A_1193] in [0] : vector<16xf32>, vector<16xi32> -> vector<16xf32>
      %add3A_1195 = arith.addf %add3A_1184, %gather3A_1194 : vector<16xf32>
      %lt3A_1196 = arith.constant 0 : i32
      %lt3A_1197 = vector.broadcast %lt3A_1196 : i32 to vector<16xi32>
      %lt3A_1198 = arith.cmpi slt, %xor3A_13, %lt3A_1197 : vector<16xi32>
      %add3A_1199 = arith.constant 16 : i32
      %add3A_1200 = vector.broadcast %add3A_1199 : i32 to vector<16xi32>
      %add3A_1201 = arith.addi %xor3A_13, %add3A_1200 : vector<16xi32>
      %select_n3A_1202 = arith.select %lt3A_1198, %add3A_1201, %xor3A_13 : vector<16xi1>, vector<16xi32>
      %broadcast_in_dim3A_1203 = vector.shape_cast %select_n3A_1202 : vector<16xi32> to vector<16x1xi32>
      %gather3A_1204 = vector.shape_cast %broadcast_in_dim3A_1203 : vector<16x1xi32> to vector<16xi32>
      %gather3A_1205 = tpu.dynamic_gather %add3A_1195[%gather3A_1204] in [0] : vector<16xf32>, vector<16xi32> -> vector<16xf32>
      %add3A_1206 = arith.addf %add3A_1195, %gather3A_1205 : vector<16xf32>
      %bitcast_convert_type3A_1207 = tpu.bitcast %add3A_1206 : vector<16xf32> -> vector<16xi32>
      %shift_right_logical3A_1208 = arith.constant 1 : i32
      %shift_right_logical3A_1209 = vector.broadcast %shift_right_logical3A_1208 : i32 to vector<16xi32>
      %shift_right_logical3A_1210 = arith.shrui %bitcast_convert_type3A_1207, %shift_right_logical3A_1209 : vector<16xi32>
      %sub3A_1211 = arith.constant 1597463007 : i32
      %sub3A_1212 = vector.broadcast %sub3A_1211 : i32 to vector<16xi32>
      %sub3A_1213 = arith.subi %sub3A_1212, %shift_right_logical3A_1210 : vector<16xi32>
      %bitcast_convert_type3A_1214 = tpu.bitcast %sub3A_1213 : vector<16xi32> -> vector<16xf32>
      %mul3A_1215 = arith.constant 5.000000e-01 : f32
      %mul3A_1216 = vector.broadcast %mul3A_1215 : f32 to vector<16xf32>
      %mul3A_1217 = arith.mulf %add3A_1206, %mul3A_1216 : vector<16xf32>
      %mul3A_1218 = arith.mulf %mul3A_1217, %bitcast_convert_type3A_1214 : vector<16xf32>
      %mul3A_1219 = arith.mulf %mul3A_1218, %bitcast_convert_type3A_1214 : vector<16xf32>
      %sub3A_1220 = arith.constant 1.500000e+00 : f32
      %sub3A_1221 = vector.broadcast %sub3A_1220 : f32 to vector<16xf32>
      %sub3A_1222 = arith.subf %sub3A_1221, %mul3A_1219 : vector<16xf32>
      %mul3A_1223 = arith.mulf %bitcast_convert_type3A_1214, %sub3A_1222 : vector<16xf32>
      %mul3A_1224 = arith.mulf %mul3A_1217, %mul3A_1223 : vector<16xf32>
      %mul3A_1225 = arith.mulf %mul3A_1224, %mul3A_1223 : vector<16xf32>
      %sub3A_1226 = arith.constant 1.500000e+00 : f32
      %sub3A_1227 = vector.broadcast %sub3A_1226 : f32 to vector<16xf32>
      %sub3A_1228 = arith.subf %sub3A_1227, %mul3A_1225 : vector<16xf32>
      %mul3A_1229 = arith.mulf %mul3A_1223, %sub3A_1228 : vector<16xf32>
      %mul3A_1230 = arith.mulf %mul3A_1217, %mul3A_1229 : vector<16xf32>
      %mul3A_1231 = arith.mulf %mul3A_1230, %mul3A_1229 : vector<16xf32>
      %sub3A_1232 = arith.constant 1.500000e+00 : f32
      %sub3A_1233 = vector.broadcast %sub3A_1232 : f32 to vector<16xf32>
      %sub3A_1234 = arith.subf %sub3A_1233, %mul3A_1231 : vector<16xf32>
      %mul3A_1235 = arith.mulf %mul3A_1229, %sub3A_1234 : vector<16xf32>
      %add3A_1236 = arith.constant 0 : i32
      %add3A_1237 = vector.broadcast %add3A_1236 : i32 to vector<16xi32>
      %add3A_1238 = arith.addi %iota3A, %add3A_1237 : vector<16xi32>
      %gather3A_1239 = arith.constant 2 : i32
      %gather3A_1240 = arith.constant 0 : i32
      %gather3A_1241 = arith.constant 0 : i32
      %gather3A_1242 = tpu.memref_slice %arg7[%gather3A_1239, %gather3A_1240, %gather3A_1241] : memref<8x64x128xf32, #tpu.memory_space<vmem>> -> memref<1x64x128xf32, #tpu.memory_space<vmem>>
      %gather3A_1243 = tpu.memref_squeeze %gather3A_1242 : memref<1x64x128xf32, #tpu.memory_space<vmem>> -> memref<64x128xf32, #tpu.memory_space<vmem>>
      %gather3A_1244 = tpu.vector_load_idx %gather3A_1243[%add3A_1238, %broadcast_in_dim3A_1136] : memref<64x128xf32, #tpu.memory_space<vmem>>[vector<16xi32>, vector<16xi32>], vector<16xf32>,
      %mul3A_1245 = arith.mulf %gather3A_1143, %mul3A_1235 : vector<16xf32>
      %add3A_1246 = arith.addf %gather3A_1244, %mul3A_1245 : vector<16xf32>
      tpu.vector_store_idx %arg8[%add3A_1238, %broadcast_in_dim3A_1139], %add3A_1246 : memref<64x256xf32, #tpu.memory_space<vmem>>[vector<16xi32>, vector<16xi32>], vector<16xf32>,
      %add3A_1247 = arith.constant 16 : i32
      %add3A_1248 = vector.broadcast %add3A_1247 : i32 to vector<16xi32>
      %add3A_1249 = arith.addi %iota3A, %add3A_1248 : vector<16xi32>
      %gather3A_1250 = arith.constant 2 : i32
      %gather3A_1251 = arith.constant 0 : i32
      %gather3A_1252 = arith.constant 0 : i32
      %gather3A_1253 = tpu.memref_slice %arg7[%gather3A_1250, %gather3A_1251, %gather3A_1252] : memref<8x64x128xf32, #tpu.memory_space<vmem>> -> memref<1x64x128xf32, #tpu.memory_space<vmem>>
      %gather3A_1254 = tpu.memref_squeeze %gather3A_1253 : memref<1x64x128xf32, #tpu.memory_space<vmem>> -> memref<64x128xf32, #tpu.memory_space<vmem>>
      %gather3A_1255 = tpu.vector_load_idx %gather3A_1254[%add3A_1249, %broadcast_in_dim3A_1136] : memref<64x128xf32, #tpu.memory_space<vmem>>[vector<16xi32>, vector<16xi32>], vector<16xf32>,
      %mul3A_1256 = arith.mulf %gather3A_1147, %mul3A_1235 : vector<16xf32>
      %add3A_1257 = arith.addf %gather3A_1255, %mul3A_1256 : vector<16xf32>
      tpu.vector_store_idx %arg8[%add3A_1249, %broadcast_in_dim3A_1139], %add3A_1257 : memref<64x256xf32, #tpu.memory_space<vmem>>[vector<16xi32>, vector<16xi32>], vector<16xf32>,
      %add3A_1258 = arith.constant 32 : i32
      %add3A_1259 = vector.broadcast %add3A_1258 : i32 to vector<16xi32>
      %add3A_1260 = arith.addi %iota3A, %add3A_1259 : vector<16xi32>
      %gather3A_1261 = arith.constant 2 : i32
      %gather3A_1262 = arith.constant 0 : i32
      %gather3A_1263 = arith.constant 0 : i32
      %gather3A_1264 = tpu.memref_slice %arg7[%gather3A_1261, %gather3A_1262, %gather3A_1263] : memref<8x64x128xf32, #tpu.memory_space<vmem>> -> memref<1x64x128xf32, #tpu.memory_space<vmem>>
      %gather3A_1265 = tpu.memref_squeeze %gather3A_1264 : memref<1x64x128xf32, #tpu.memory_space<vmem>> -> memref<64x128xf32, #tpu.memory_space<vmem>>
      %gather3A_1266 = tpu.vector_load_idx %gather3A_1265[%add3A_1260, %broadcast_in_dim3A_1136] : memref<64x128xf32, #tpu.memory_space<vmem>>[vector<16xi32>, vector<16xi32>], vector<16xf32>,
      %mul3A_1267 = arith.mulf %gather3A_1151, %mul3A_1235 : vector<16xf32>
      %add3A_1268 = arith.addf %gather3A_1266, %mul3A_1267 : vector<16xf32>
      tpu.vector_store_idx %arg8[%add3A_1260, %broadcast_in_dim3A_1139], %add3A_1268 : memref<64x256xf32, #tpu.memory_space<vmem>>[vector<16xi32>, vector<16xi32>], vector<16xf32>,
      %add3A_1269 = arith.constant 48 : i32
      %add3A_1270 = vector.broadcast %add3A_1269 : i32 to vector<16xi32>
      %add3A_1271 = arith.addi %iota3A, %add3A_1270 : vector<16xi32>
      %gather3A_1272 = arith.constant 2 : i32
      %gather3A_1273 = arith.constant 0 : i32
      %gather3A_1274 = arith.constant 0 : i32
      %gather3A_1275 = tpu.memref_slice %arg7[%gather3A_1272, %gather3A_1273, %gather3A_1274] : memref<8x64x128xf32, #tpu.memory_space<vmem>> -> memref<1x64x128xf32, #tpu.memory_space<vmem>>
      %gather3A_1276 = tpu.memref_squeeze %gather3A_1275 : memref<1x64x128xf32, #tpu.memory_space<vmem>> -> memref<64x128xf32, #tpu.memory_space<vmem>>
      %gather3A_1277 = tpu.vector_load_idx %gather3A_1276[%add3A_1271, %broadcast_in_dim3A_1136] : memref<64x128xf32, #tpu.memory_space<vmem>>[vector<16xi32>, vector<16xi32>], vector<16xf32>,
      %mul3A_1278 = arith.mulf %gather3A_1155, %mul3A_1235 : vector<16xf32>
      %add3A_1279 = arith.addf %gather3A_1277, %mul3A_1278 : vector<16xf32>
      tpu.vector_store_idx %arg8[%add3A_1271, %broadcast_in_dim3A_1139], %add3A_1279 : memref<64x256xf32, #tpu.memory_space<vmem>>[vector<16xi32>, vector<16xi32>], vector<16xf32>,
      %add3A_1280 = arith.constant 3 : i32
      %add3A_1281 = arith.addi %add3A_687, %add3A_1280 : i32
      %add3A_1282 = arith.constant 8 : i32
      %add3A_1283 = arith.addi %add3A_1281, %add3A_1282 : i32
      %sub3A_1284 = arith.constant 1 : i32
      %sub3A_1285 = arith.subi %add3A_1283, %sub3A_1284 : i32
      %lt3A_1286 = arith.constant 512 : i32
      %lt3A_1287 = arith.cmpi slt, %sub3A_1285, %lt3A_1286 : i32
      %convert_element_type3A_1288 = arith.extui %lt3A_1287 : i1 to i32
      %cond3A_1289 = arith.constant 0 : i32
      %cond3A_1290 = arith.cmpi ne, %convert_element_type3A_1288, %cond3A_1289 : i32
      scf.if %cond3A_1290 {
        %add3A_2275 = arith.constant 8 : i32
        %add3A_2276 = arith.addi %add3A_1281, %add3A_2275 : i32
        %sub3A_2277 = arith.constant 1 : i32
        %sub3A_2278 = arith.subi %add3A_2276, %sub3A_2277 : i32
        %shift_right_logical3A_2279 = arith.constant 4 : i32
        %shift_right_logical3A_2280 = arith.shrui %sub3A_2278, %shift_right_logical3A_2279 : i32
        %shift_right_logical3A_2281 = arith.constant 3 : i32
        %shift_right_logical3A_2282 = arith.shrui %shift_right_logical3A_2280, %shift_right_logical3A_2281 : i32
        %and3A_2283 = arith.constant 7 : i32
        %and3A_2284 = arith.andi %shift_right_logical3A_2280, %and3A_2283 : i32
        %mul3A_2285 = arith.constant 16 : i32
        %mul3A_2286 = arith.muli %and3A_2284, %mul3A_2285 : i32
        %multiple_of3A_2287 = tpu.assume_multiple %mul3A_2286, 16 : i32
        %get3A_2288 = arith.index_cast %shift_right_logical3A_2282 : i32 to index
        %get3A_2289 = arith.index_cast %multiple_of3A_2287 : i32 to index
        %get3A_2290 = tpu.vector_load %arg6[%get3A_2288, %get3A_2289] {strides = array<i32>} : memref<4x128xi32, #tpu.memory_space<vmem>>, vector<16xi32>,
        %and3A_2291 = arith.constant 15 : i32
        %and3A_2292 = arith.andi %sub3A_2278, %and3A_2291 : i32
        %broadcast_in_dim3A_2293 = vector.broadcast %and3A_2292 : i32 to vector<16xi32>
        %lt3A_2294 = arith.constant 0 : i32
        %lt3A_2295 = vector.broadcast %lt3A_2294 : i32 to vector<16xi32>
        %lt3A_2296 = arith.cmpi slt, %broadcast_in_dim3A_2293, %lt3A_2295 : vector<16xi32>
        %add3A_2297 = arith.constant 16 : i32
        %add3A_2298 = vector.broadcast %add3A_2297 : i32 to vector<16xi32>
        %add3A_2299 = arith.addi %broadcast_in_dim3A_2293, %add3A_2298 : vector<16xi32>
        %select_n3A_2300 = arith.select %lt3A_2296, %add3A_2299, %broadcast_in_dim3A_2293 : vector<16xi1>, vector<16xi32>
        %broadcast_in_dim3A_2301 = vector.shape_cast %select_n3A_2300 : vector<16xi32> to vector<16x1xi32>
        %gather3A_2302 = vector.shape_cast %broadcast_in_dim3A_2301 : vector<16x1xi32> to vector<16xi32>
        %gather3A_2303 = tpu.dynamic_gather %get3A_2290[%gather3A_2302] in [0] : vector<16xi32>, vector<16xi32> -> vector<16xi32>
        %slice3A_2304 = vector.extract_strided_slice %gather3A_2303 {offsets = [0], sizes = [1], strides = [1]} : vector<16xi32> to vector<1xi32>
        %squeeze3A_2305 = vector.extract %slice3A_2304[0] : i32 from vector<1xi32>
        %not3A_2306 = arith.constant 127 : i32
        %not3A_2307 = arith.constant -1 : i32
        %not3A_2308 = arith.xori %not3A_2306, %not3A_2307 : i32
        %and3A_2309 = arith.andi %squeeze3A_2305, %not3A_2308 : i32
        %multiple_of3A_2310 = tpu.assume_multiple %and3A_2309, 128 : i32
        %dma_start3A_2311 = arith.constant 2 : i32
        %dma_start3A_2312 = arith.constant 0 : i32
        %dma_start3A_2313 = arith.constant 0 : i32
        %dma_start3A_2314 = tpu.memref_slice %arg7[%dma_start3A_2311, %dma_start3A_2312, %dma_start3A_2313] : memref<8x64x128xf32, #tpu.memory_space<vmem>> -> memref<1x64x128xf32, #tpu.memory_space<vmem>>
        %dma_start3A_2315 = tpu.memref_squeeze %dma_start3A_2314 : memref<1x64x128xf32, #tpu.memory_space<vmem>> -> memref<64x128xf32, #tpu.memory_space<vmem>>
        %dma_start3A_2316 = arith.constant 0 : i32
        %dma_start3A_2317 = tpu.memref_slice %arg3[%dma_start3A_2316, %multiple_of3A_2310] : memref<64x1000000xf32, #tpu.memory_space<hbm>> -> memref<64x128xf32, #tpu.memory_space<hbm>>
        %dma_start3A_2318 = arith.constant 0 : i32
        %dma_start3A_2319 = arith.constant 0 : i32
        %dma_start3A_2320 = tpu.memref_slice %arg7[%dma_start3A_2311, %dma_start3A_2318, %dma_start3A_2319] : memref<8x64x128xf32, #tpu.memory_space<vmem>> -> memref<1x64x128xf32, #tpu.memory_space<vmem>>
        %dma_start3A_2321 = tpu.memref_squeeze %dma_start3A_2320 : memref<1x64x128xf32, #tpu.memory_space<vmem>> -> memref<64x128xf32, #tpu.memory_space<vmem>>
        %dma_start3A_2322 = arith.constant 0 : i32
        %dma_start3A_2323 = tpu.memref_slice %arg3[%dma_start3A_2322, %multiple_of3A_2310] : memref<64x1000000xf32, #tpu.memory_space<hbm>> -> memref<64x128xf32, #tpu.memory_space<hbm>>
        tpu.enqueue_dma source(%dma_start3A_2323 : memref<64x128xf32, #tpu.memory_space<hbm>>) target(%dma_start3A_2321 : memref<64x128xf32, #tpu.memory_space<vmem>>) target_semaphore(%arg12 : memref<!tpu.dma_semaphore, #tpu.memory_space<semaphore_mem>>)
      } else {
      }
      %dma_wait3A_1291 = arith.constant 3 : i32
      %dma_wait3A_1292 = arith.constant 0 : i32
      %dma_wait3A_1293 = arith.constant 0 : i32
      %dma_wait3A_1294 = tpu.memref_slice %arg7[%dma_wait3A_1291, %dma_wait3A_1292, %dma_wait3A_1293] : memref<8x64x128xf32, #tpu.memory_space<vmem>> -> memref<1x64x128xf32, #tpu.memory_space<vmem>>
      %dma_wait3A_1295 = tpu.memref_squeeze %dma_wait3A_1294 : memref<1x64x128xf32, #tpu.memory_space<vmem>> -> memref<64x128xf32, #tpu.memory_space<vmem>>
      %dma_wait3A_1296 = arith.constant 0 : i32
      %dma_wait3A_1297 = arith.constant 0 : i32
      %dma_wait3A_1298 = tpu.memref_slice %arg3[%dma_wait3A_1296, %dma_wait3A_1297] : memref<64x1000000xf32, #tpu.memory_space<hbm>> -> memref<64x128xf32, #tpu.memory_space<hbm>>
      %dma_wait3A_1299 = arith.constant 0 : i32
      %dma_wait3A_1300 = arith.constant 0 : i32
      %dma_wait3A_1301 = tpu.memref_slice %arg7[%dma_wait3A_1291, %dma_wait3A_1299, %dma_wait3A_1300] : memref<8x64x128xf32, #tpu.memory_space<vmem>> -> memref<1x64x128xf32, #tpu.memory_space<vmem>>
      %dma_wait3A_1302 = tpu.memref_squeeze %dma_wait3A_1301 : memref<1x64x128xf32, #tpu.memory_space<vmem>> -> memref<64x128xf32, #tpu.memory_space<vmem>>
      %dma_wait3A_1303 = arith.constant 0 : i32
      %dma_wait3A_1304 = arith.constant 0 : i32
      %dma_wait3A_1305 = tpu.memref_slice %arg3[%dma_wait3A_1303, %dma_wait3A_1304] : memref<64x1000000xf32, #tpu.memory_space<hbm>> -> memref<64x128xf32, #tpu.memory_space<hbm>>
      tpu.wait_dma2 semaphore(%arg13 : memref<!tpu.dma_semaphore, #tpu.memory_space<semaphore_mem>>) src(%dma_wait3A_1305 : memref<64x128xf32, #tpu.memory_space<hbm>>) dst(%dma_wait3A_1302 : memref<64x128xf32, #tpu.memory_space<vmem>>)
      %shift_right_logical3A_1306 = arith.constant 4 : i32
      %shift_right_logical3A_1307 = arith.shrui %add3A_1281, %shift_right_logical3A_1306 : i32
      %shift_right_logical3A_1308 = arith.constant 3 : i32
      %shift_right_logical3A_1309 = arith.shrui %shift_right_logical3A_1307, %shift_right_logical3A_1308 : i32
      %and3A_1310 = arith.constant 7 : i32
      %and3A_1311 = arith.andi %shift_right_logical3A_1307, %and3A_1310 : i32
      %mul3A_1312 = arith.constant 16 : i32
      %mul3A_1313 = arith.muli %and3A_1311, %mul3A_1312 : i32
      %multiple_of3A_1314 = tpu.assume_multiple %mul3A_1313, 16 : i32
      %get3A_1315 = arith.index_cast %shift_right_logical3A_1309 : i32 to index
      %get3A_1316 = arith.index_cast %multiple_of3A_1314 : i32 to index
      %get3A_1317 = tpu.vector_load %arg6[%get3A_1315, %get3A_1316] {strides = array<i32>} : memref<4x128xi32, #tpu.memory_space<vmem>>, vector<16xi32>,
      %and3A_1318 = arith.constant 15 : i32
      %and3A_1319 = arith.andi %add3A_1281, %and3A_1318 : i32
      %broadcast_in_dim3A_1320 = vector.broadcast %and3A_1319 : i32 to vector<16xi32>
      %lt3A_1321 = arith.constant 0 : i32
      %lt3A_1322 = vector.broadcast %lt3A_1321 : i32 to vector<16xi32>
      %lt3A_1323 = arith.cmpi slt, %broadcast_in_dim3A_1320, %lt3A_1322 : vector<16xi32>
      %add3A_1324 = arith.constant 16 : i32
      %add3A_1325 = vector.broadcast %add3A_1324 : i32 to vector<16xi32>
      %add3A_1326 = arith.addi %broadcast_in_dim3A_1320, %add3A_1325 : vector<16xi32>
      %select_n3A_1327 = arith.select %lt3A_1323, %add3A_1326, %broadcast_in_dim3A_1320 : vector<16xi1>, vector<16xi32>
      %broadcast_in_dim3A_1328 = vector.shape_cast %select_n3A_1327 : vector<16xi32> to vector<16x1xi32>
      %gather3A_1329 = vector.shape_cast %broadcast_in_dim3A_1328 : vector<16x1xi32> to vector<16xi32>
      %gather3A_1330 = tpu.dynamic_gather %get3A_1317[%gather3A_1329] in [0] : vector<16xi32>, vector<16xi32> -> vector<16xi32>
      %slice3A_1331 = vector.extract_strided_slice %gather3A_1330 {offsets = [0], sizes = [1], strides = [1]} : vector<16xi32> to vector<1xi32>
      %squeeze3A_1332 = vector.extract %slice3A_1331[0] : i32 from vector<1xi32>
      %and3A_1333 = arith.constant 127 : i32
      %and3A_1334 = arith.andi %squeeze3A_1332, %and3A_1333 : i32
      %broadcast_in_dim3A_1335 = vector.broadcast %and3A_1334 : i32 to vector<16xi32>
      %and3A_1336 = arith.constant 255 : i32
      %and3A_1337 = arith.andi %add3A_1281, %and3A_1336 : i32
      %broadcast_in_dim3A_1338 = vector.broadcast %and3A_1337 : i32 to vector<16xi32>
      %add3A_1339 = arith.constant 0 : i32
      %add3A_1340 = vector.broadcast %add3A_1339 : i32 to vector<16xi32>
      %add3A_1341 = arith.addi %iota3A, %add3A_1340 : vector<16xi32>
      %gather3A_1342 = tpu.vector_load_idx %arg9[%add3A_1341, %broadcast_in_dim3A_1338] : memref<64x256xf32, #tpu.memory_space<vmem>>[vector<16xi32>, vector<16xi32>], vector<16xf32>,
      %add3A_1343 = arith.constant 16 : i32
      %add3A_1344 = vector.broadcast %add3A_1343 : i32 to vector<16xi32>
      %add3A_1345 = arith.addi %iota3A, %add3A_1344 : vector<16xi32>
      %gather3A_1346 = tpu.vector_load_idx %arg9[%add3A_1345, %broadcast_in_dim3A_1338] : memref<64x256xf32, #tpu.memory_space<vmem>>[vector<16xi32>, vector<16xi32>], vector<16xf32>,
      %add3A_1347 = arith.constant 32 : i32
      %add3A_1348 = vector.broadcast %add3A_1347 : i32 to vector<16xi32>
      %add3A_1349 = arith.addi %iota3A, %add3A_1348 : vector<16xi32>
      %gather3A_1350 = tpu.vector_load_idx %arg9[%add3A_1349, %broadcast_in_dim3A_1338] : memref<64x256xf32, #tpu.memory_space<vmem>>[vector<16xi32>, vector<16xi32>], vector<16xf32>,
      %add3A_1351 = arith.constant 48 : i32
      %add3A_1352 = vector.broadcast %add3A_1351 : i32 to vector<16xi32>
      %add3A_1353 = arith.addi %iota3A, %add3A_1352 : vector<16xi32>
      %gather3A_1354 = tpu.vector_load_idx %arg9[%add3A_1353, %broadcast_in_dim3A_1338] : memref<64x256xf32, #tpu.memory_space<vmem>>[vector<16xi32>, vector<16xi32>], vector<16xf32>,
      %mul3A_1355 = arith.mulf %gather3A_1342, %gather3A_1342 : vector<16xf32>
      %mul3A_1356 = arith.mulf %gather3A_1346, %gather3A_1346 : vector<16xf32>
      %add3A_1357 = arith.addf %mul3A_1355, %mul3A_1356 : vector<16xf32>
      %mul3A_1358 = arith.mulf %gather3A_1350, %gather3A_1350 : vector<16xf32>
      %add3A_1359 = arith.addf %add3A_1357, %mul3A_1358 : vector<16xf32>
      %mul3A_1360 = arith.mulf %gather3A_1354, %gather3A_1354 : vector<16xf32>
      %add3A_1361 = arith.addf %add3A_1359, %mul3A_1360 : vector<16xf32>
      %lt3A_1362 = arith.constant 0 : i32
      %lt3A_1363 = vector.broadcast %lt3A_1362 : i32 to vector<16xi32>
      %lt3A_1364 = arith.cmpi slt, %xor3A_4, %lt3A_1363 : vector<16xi32>
      %add3A_1365 = arith.constant 16 : i32
      %add3A_1366 = vector.broadcast %add3A_1365 : i32 to vector<16xi32>
      %add3A_1367 = arith.addi %xor3A_4, %add3A_1366 : vector<16xi32>
      %select_n3A_1368 = arith.select %lt3A_1364, %add3A_1367, %xor3A_4 : vector<16xi1>, vector<16xi32>
      %broadcast_in_dim3A_1369 = vector.shape_cast %select_n3A_1368 : vector<16xi32> to vector<16x1xi32>
      %gather3A_1370 = vector.shape_cast %broadcast_in_dim3A_1369 : vector<16x1xi32> to vector<16xi32>
      %gather3A_1371 = tpu.dynamic_gather %add3A_1361[%gather3A_1370] in [0] : vector<16xf32>, vector<16xi32> -> vector<16xf32>
      %add3A_1372 = arith.addf %add3A_1361, %gather3A_1371 : vector<16xf32>
      %lt3A_1373 = arith.constant 0 : i32
      %lt3A_1374 = vector.broadcast %lt3A_1373 : i32 to vector<16xi32>
      %lt3A_1375 = arith.cmpi slt, %xor3A_7, %lt3A_1374 : vector<16xi32>
      %add3A_1376 = arith.constant 16 : i32
      %add3A_1377 = vector.broadcast %add3A_1376 : i32 to vector<16xi32>
      %add3A_1378 = arith.addi %xor3A_7, %add3A_1377 : vector<16xi32>
      %select_n3A_1379 = arith.select %lt3A_1375, %add3A_1378, %xor3A_7 : vector<16xi1>, vector<16xi32>
      %broadcast_in_dim3A_1380 = vector.shape_cast %select_n3A_1379 : vector<16xi32> to vector<16x1xi32>
      %gather3A_1381 = vector.shape_cast %broadcast_in_dim3A_1380 : vector<16x1xi32> to vector<16xi32>
      %gather3A_1382 = tpu.dynamic_gather %add3A_1372[%gather3A_1381] in [0] : vector<16xf32>, vector<16xi32> -> vector<16xf32>
      %add3A_1383 = arith.addf %add3A_1372, %gather3A_1382 : vector<16xf32>
      %lt3A_1384 = arith.constant 0 : i32
      %lt3A_1385 = vector.broadcast %lt3A_1384 : i32 to vector<16xi32>
      %lt3A_1386 = arith.cmpi slt, %xor3A_10, %lt3A_1385 : vector<16xi32>
      %add3A_1387 = arith.constant 16 : i32
      %add3A_1388 = vector.broadcast %add3A_1387 : i32 to vector<16xi32>
      %add3A_1389 = arith.addi %xor3A_10, %add3A_1388 : vector<16xi32>
      %select_n3A_1390 = arith.select %lt3A_1386, %add3A_1389, %xor3A_10 : vector<16xi1>, vector<16xi32>
      %broadcast_in_dim3A_1391 = vector.shape_cast %select_n3A_1390 : vector<16xi32> to vector<16x1xi32>
      %gather3A_1392 = vector.shape_cast %broadcast_in_dim3A_1391 : vector<16x1xi32> to vector<16xi32>
      %gather3A_1393 = tpu.dynamic_gather %add3A_1383[%gather3A_1392] in [0] : vector<16xf32>, vector<16xi32> -> vector<16xf32>
      %add3A_1394 = arith.addf %add3A_1383, %gather3A_1393 : vector<16xf32>
      %lt3A_1395 = arith.constant 0 : i32
      %lt3A_1396 = vector.broadcast %lt3A_1395 : i32 to vector<16xi32>
      %lt3A_1397 = arith.cmpi slt, %xor3A_13, %lt3A_1396 : vector<16xi32>
      %add3A_1398 = arith.constant 16 : i32
      %add3A_1399 = vector.broadcast %add3A_1398 : i32 to vector<16xi32>
      %add3A_1400 = arith.addi %xor3A_13, %add3A_1399 : vector<16xi32>
      %select_n3A_1401 = arith.select %lt3A_1397, %add3A_1400, %xor3A_13 : vector<16xi1>, vector<16xi32>
      %broadcast_in_dim3A_1402 = vector.shape_cast %select_n3A_1401 : vector<16xi32> to vector<16x1xi32>
      %gather3A_1403 = vector.shape_cast %broadcast_in_dim3A_1402 : vector<16x1xi32> to vector<16xi32>
      %gather3A_1404 = tpu.dynamic_gather %add3A_1394[%gather3A_1403] in [0] : vector<16xf32>, vector<16xi32> -> vector<16xf32>
      %add3A_1405 = arith.addf %add3A_1394, %gather3A_1404 : vector<16xf32>
      %bitcast_convert_type3A_1406 = tpu.bitcast %add3A_1405 : vector<16xf32> -> vector<16xi32>
      %shift_right_logical3A_1407 = arith.constant 1 : i32
      %shift_right_logical3A_1408 = vector.broadcast %shift_right_logical3A_1407 : i32 to vector<16xi32>
      %shift_right_logical3A_1409 = arith.shrui %bitcast_convert_type3A_1406, %shift_right_logical3A_1408 : vector<16xi32>
      %sub3A_1410 = arith.constant 1597463007 : i32
      %sub3A_1411 = vector.broadcast %sub3A_1410 : i32 to vector<16xi32>
      %sub3A_1412 = arith.subi %sub3A_1411, %shift_right_logical3A_1409 : vector<16xi32>
      %bitcast_convert_type3A_1413 = tpu.bitcast %sub3A_1412 : vector<16xi32> -> vector<16xf32>
      %mul3A_1414 = arith.constant 5.000000e-01 : f32
      %mul3A_1415 = vector.broadcast %mul3A_1414 : f32 to vector<16xf32>
      %mul3A_1416 = arith.mulf %add3A_1405, %mul3A_1415 : vector<16xf32>
      %mul3A_1417 = arith.mulf %mul3A_1416, %bitcast_convert_type3A_1413 : vector<16xf32>
      %mul3A_1418 = arith.mulf %mul3A_1417, %bitcast_convert_type3A_1413 : vector<16xf32>
      %sub3A_1419 = arith.constant 1.500000e+00 : f32
      %sub3A_1420 = vector.broadcast %sub3A_1419 : f32 to vector<16xf32>
      %sub3A_1421 = arith.subf %sub3A_1420, %mul3A_1418 : vector<16xf32>
      %mul3A_1422 = arith.mulf %bitcast_convert_type3A_1413, %sub3A_1421 : vector<16xf32>
      %mul3A_1423 = arith.mulf %mul3A_1416, %mul3A_1422 : vector<16xf32>
      %mul3A_1424 = arith.mulf %mul3A_1423, %mul3A_1422 : vector<16xf32>
      %sub3A_1425 = arith.constant 1.500000e+00 : f32
      %sub3A_1426 = vector.broadcast %sub3A_1425 : f32 to vector<16xf32>
      %sub3A_1427 = arith.subf %sub3A_1426, %mul3A_1424 : vector<16xf32>
      %mul3A_1428 = arith.mulf %mul3A_1422, %sub3A_1427 : vector<16xf32>
      %mul3A_1429 = arith.mulf %mul3A_1416, %mul3A_1428 : vector<16xf32>
      %mul3A_1430 = arith.mulf %mul3A_1429, %mul3A_1428 : vector<16xf32>
      %sub3A_1431 = arith.constant 1.500000e+00 : f32
      %sub3A_1432 = vector.broadcast %sub3A_1431 : f32 to vector<16xf32>
      %sub3A_1433 = arith.subf %sub3A_1432, %mul3A_1430 : vector<16xf32>
      %mul3A_1434 = arith.mulf %mul3A_1428, %sub3A_1433 : vector<16xf32>
      %add3A_1435 = arith.constant 0 : i32
      %add3A_1436 = vector.broadcast %add3A_1435 : i32 to vector<16xi32>
      %add3A_1437 = arith.addi %iota3A, %add3A_1436 : vector<16xi32>
      %gather3A_1438 = arith.constant 3 : i32
      %gather3A_1439 = arith.constant 0 : i32
      %gather3A_1440 = arith.constant 0 : i32
      %gather3A_1441 = tpu.memref_slice %arg7[%gather3A_1438, %gather3A_1439, %gather3A_1440] : memref<8x64x128xf32, #tpu.memory_space<vmem>> -> memref<1x64x128xf32, #tpu.memory_space<vmem>>
      %gather3A_1442 = tpu.memref_squeeze %gather3A_1441 : memref<1x64x128xf32, #tpu.memory_space<vmem>> -> memref<64x128xf32, #tpu.memory_space<vmem>>
      %gather3A_1443 = tpu.vector_load_idx %gather3A_1442[%add3A_1437, %broadcast_in_dim3A_1335] : memref<64x128xf32, #tpu.memory_space<vmem>>[vector<16xi32>, vector<16xi32>], vector<16xf32>,
      %mul3A_1444 = arith.mulf %gather3A_1342, %mul3A_1434 : vector<16xf32>
      %add3A_1445 = arith.addf %gather3A_1443, %mul3A_1444 : vector<16xf32>
      tpu.vector_store_idx %arg8[%add3A_1437, %broadcast_in_dim3A_1338], %add3A_1445 : memref<64x256xf32, #tpu.memory_space<vmem>>[vector<16xi32>, vector<16xi32>], vector<16xf32>,
      %add3A_1446 = arith.constant 16 : i32
      %add3A_1447 = vector.broadcast %add3A_1446 : i32 to vector<16xi32>
      %add3A_1448 = arith.addi %iota3A, %add3A_1447 : vector<16xi32>
      %gather3A_1449 = arith.constant 3 : i32
      %gather3A_1450 = arith.constant 0 : i32
      %gather3A_1451 = arith.constant 0 : i32
      %gather3A_1452 = tpu.memref_slice %arg7[%gather3A_1449, %gather3A_1450, %gather3A_1451] : memref<8x64x128xf32, #tpu.memory_space<vmem>> -> memref<1x64x128xf32, #tpu.memory_space<vmem>>
      %gather3A_1453 = tpu.memref_squeeze %gather3A_1452 : memref<1x64x128xf32, #tpu.memory_space<vmem>> -> memref<64x128xf32, #tpu.memory_space<vmem>>
      %gather3A_1454 = tpu.vector_load_idx %gather3A_1453[%add3A_1448, %broadcast_in_dim3A_1335] : memref<64x128xf32, #tpu.memory_space<vmem>>[vector<16xi32>, vector<16xi32>], vector<16xf32>,
      %mul3A_1455 = arith.mulf %gather3A_1346, %mul3A_1434 : vector<16xf32>
      %add3A_1456 = arith.addf %gather3A_1454, %mul3A_1455 : vector<16xf32>
      tpu.vector_store_idx %arg8[%add3A_1448, %broadcast_in_dim3A_1338], %add3A_1456 : memref<64x256xf32, #tpu.memory_space<vmem>>[vector<16xi32>, vector<16xi32>], vector<16xf32>,
      %add3A_1457 = arith.constant 32 : i32
      %add3A_1458 = vector.broadcast %add3A_1457 : i32 to vector<16xi32>
      %add3A_1459 = arith.addi %iota3A, %add3A_1458 : vector<16xi32>
      %gather3A_1460 = arith.constant 3 : i32
      %gather3A_1461 = arith.constant 0 : i32
      %gather3A_1462 = arith.constant 0 : i32
      %gather3A_1463 = tpu.memref_slice %arg7[%gather3A_1460, %gather3A_1461, %gather3A_1462] : memref<8x64x128xf32, #tpu.memory_space<vmem>> -> memref<1x64x128xf32, #tpu.memory_space<vmem>>
      %gather3A_1464 = tpu.memref_squeeze %gather3A_1463 : memref<1x64x128xf32, #tpu.memory_space<vmem>> -> memref<64x128xf32, #tpu.memory_space<vmem>>
      %gather3A_1465 = tpu.vector_load_idx %gather3A_1464[%add3A_1459, %broadcast_in_dim3A_1335] : memref<64x128xf32, #tpu.memory_space<vmem>>[vector<16xi32>, vector<16xi32>], vector<16xf32>,
      %mul3A_1466 = arith.mulf %gather3A_1350, %mul3A_1434 : vector<16xf32>
      %add3A_1467 = arith.addf %gather3A_1465, %mul3A_1466 : vector<16xf32>
      tpu.vector_store_idx %arg8[%add3A_1459, %broadcast_in_dim3A_1338], %add3A_1467 : memref<64x256xf32, #tpu.memory_space<vmem>>[vector<16xi32>, vector<16xi32>], vector<16xf32>,
      %add3A_1468 = arith.constant 48 : i32
      %add3A_1469 = vector.broadcast %add3A_1468 : i32 to vector<16xi32>
      %add3A_1470 = arith.addi %iota3A, %add3A_1469 : vector<16xi32>
      %gather3A_1471 = arith.constant 3 : i32
      %gather3A_1472 = arith.constant 0 : i32
      %gather3A_1473 = arith.constant 0 : i32
      %gather3A_1474 = tpu.memref_slice %arg7[%gather3A_1471, %gather3A_1472, %gather3A_1473] : memref<8x64x128xf32, #tpu.memory_space<vmem>> -> memref<1x64x128xf32, #tpu.memory_space<vmem>>
      %gather3A_1475 = tpu.memref_squeeze %gather3A_1474 : memref<1x64x128xf32, #tpu.memory_space<vmem>> -> memref<64x128xf32, #tpu.memory_space<vmem>>
      %gather3A_1476 = tpu.vector_load_idx %gather3A_1475[%add3A_1470, %broadcast_in_dim3A_1335] : memref<64x128xf32, #tpu.memory_space<vmem>>[vector<16xi32>, vector<16xi32>], vector<16xf32>,
      %mul3A_1477 = arith.mulf %gather3A_1354, %mul3A_1434 : vector<16xf32>
      %add3A_1478 = arith.addf %gather3A_1476, %mul3A_1477 : vector<16xf32>
      tpu.vector_store_idx %arg8[%add3A_1470, %broadcast_in_dim3A_1338], %add3A_1478 : memref<64x256xf32, #tpu.memory_space<vmem>>[vector<16xi32>, vector<16xi32>], vector<16xf32>,
      %add3A_1479 = arith.constant 4 : i32
      %add3A_1480 = arith.addi %add3A_687, %add3A_1479 : i32
      %add3A_1481 = arith.constant 8 : i32
      %add3A_1482 = arith.addi %add3A_1480, %add3A_1481 : i32
      %sub3A_1483 = arith.constant 1 : i32
      %sub3A_1484 = arith.subi %add3A_1482, %sub3A_1483 : i32
      %lt3A_1485 = arith.constant 512 : i32
      %lt3A_1486 = arith.cmpi slt, %sub3A_1484, %lt3A_1485 : i32
      %convert_element_type3A_1487 = arith.extui %lt3A_1486 : i1 to i32
      %cond3A_1488 = arith.constant 0 : i32
      %cond3A_1489 = arith.cmpi ne, %convert_element_type3A_1487, %cond3A_1488 : i32
      scf.if %cond3A_1489 {
        %add3A_2275 = arith.constant 8 : i32
        %add3A_2276 = arith.addi %add3A_1480, %add3A_2275 : i32
        %sub3A_2277 = arith.constant 1 : i32
        %sub3A_2278 = arith.subi %add3A_2276, %sub3A_2277 : i32
        %shift_right_logical3A_2279 = arith.constant 4 : i32
        %shift_right_logical3A_2280 = arith.shrui %sub3A_2278, %shift_right_logical3A_2279 : i32
        %shift_right_logical3A_2281 = arith.constant 3 : i32
        %shift_right_logical3A_2282 = arith.shrui %shift_right_logical3A_2280, %shift_right_logical3A_2281 : i32
        %and3A_2283 = arith.constant 7 : i32
        %and3A_2284 = arith.andi %shift_right_logical3A_2280, %and3A_2283 : i32
        %mul3A_2285 = arith.constant 16 : i32
        %mul3A_2286 = arith.muli %and3A_2284, %mul3A_2285 : i32
        %multiple_of3A_2287 = tpu.assume_multiple %mul3A_2286, 16 : i32
        %get3A_2288 = arith.index_cast %shift_right_logical3A_2282 : i32 to index
        %get3A_2289 = arith.index_cast %multiple_of3A_2287 : i32 to index
        %get3A_2290 = tpu.vector_load %arg6[%get3A_2288, %get3A_2289] {strides = array<i32>} : memref<4x128xi32, #tpu.memory_space<vmem>>, vector<16xi32>,
        %and3A_2291 = arith.constant 15 : i32
        %and3A_2292 = arith.andi %sub3A_2278, %and3A_2291 : i32
        %broadcast_in_dim3A_2293 = vector.broadcast %and3A_2292 : i32 to vector<16xi32>
        %lt3A_2294 = arith.constant 0 : i32
        %lt3A_2295 = vector.broadcast %lt3A_2294 : i32 to vector<16xi32>
        %lt3A_2296 = arith.cmpi slt, %broadcast_in_dim3A_2293, %lt3A_2295 : vector<16xi32>
        %add3A_2297 = arith.constant 16 : i32
        %add3A_2298 = vector.broadcast %add3A_2297 : i32 to vector<16xi32>
        %add3A_2299 = arith.addi %broadcast_in_dim3A_2293, %add3A_2298 : vector<16xi32>
        %select_n3A_2300 = arith.select %lt3A_2296, %add3A_2299, %broadcast_in_dim3A_2293 : vector<16xi1>, vector<16xi32>
        %broadcast_in_dim3A_2301 = vector.shape_cast %select_n3A_2300 : vector<16xi32> to vector<16x1xi32>
        %gather3A_2302 = vector.shape_cast %broadcast_in_dim3A_2301 : vector<16x1xi32> to vector<16xi32>
        %gather3A_2303 = tpu.dynamic_gather %get3A_2290[%gather3A_2302] in [0] : vector<16xi32>, vector<16xi32> -> vector<16xi32>
        %slice3A_2304 = vector.extract_strided_slice %gather3A_2303 {offsets = [0], sizes = [1], strides = [1]} : vector<16xi32> to vector<1xi32>
        %squeeze3A_2305 = vector.extract %slice3A_2304[0] : i32 from vector<1xi32>
        %not3A_2306 = arith.constant 127 : i32
        %not3A_2307 = arith.constant -1 : i32
        %not3A_2308 = arith.xori %not3A_2306, %not3A_2307 : i32
        %and3A_2309 = arith.andi %squeeze3A_2305, %not3A_2308 : i32
        %multiple_of3A_2310 = tpu.assume_multiple %and3A_2309, 128 : i32
        %dma_start3A_2311 = arith.constant 3 : i32
        %dma_start3A_2312 = arith.constant 0 : i32
        %dma_start3A_2313 = arith.constant 0 : i32
        %dma_start3A_2314 = tpu.memref_slice %arg7[%dma_start3A_2311, %dma_start3A_2312, %dma_start3A_2313] : memref<8x64x128xf32, #tpu.memory_space<vmem>> -> memref<1x64x128xf32, #tpu.memory_space<vmem>>
        %dma_start3A_2315 = tpu.memref_squeeze %dma_start3A_2314 : memref<1x64x128xf32, #tpu.memory_space<vmem>> -> memref<64x128xf32, #tpu.memory_space<vmem>>
        %dma_start3A_2316 = arith.constant 0 : i32
        %dma_start3A_2317 = tpu.memref_slice %arg3[%dma_start3A_2316, %multiple_of3A_2310] : memref<64x1000000xf32, #tpu.memory_space<hbm>> -> memref<64x128xf32, #tpu.memory_space<hbm>>
        %dma_start3A_2318 = arith.constant 0 : i32
        %dma_start3A_2319 = arith.constant 0 : i32
        %dma_start3A_2320 = tpu.memref_slice %arg7[%dma_start3A_2311, %dma_start3A_2318, %dma_start3A_2319] : memref<8x64x128xf32, #tpu.memory_space<vmem>> -> memref<1x64x128xf32, #tpu.memory_space<vmem>>
        %dma_start3A_2321 = tpu.memref_squeeze %dma_start3A_2320 : memref<1x64x128xf32, #tpu.memory_space<vmem>> -> memref<64x128xf32, #tpu.memory_space<vmem>>
        %dma_start3A_2322 = arith.constant 0 : i32
        %dma_start3A_2323 = tpu.memref_slice %arg3[%dma_start3A_2322, %multiple_of3A_2310] : memref<64x1000000xf32, #tpu.memory_space<hbm>> -> memref<64x128xf32, #tpu.memory_space<hbm>>
        tpu.enqueue_dma source(%dma_start3A_2323 : memref<64x128xf32, #tpu.memory_space<hbm>>) target(%dma_start3A_2321 : memref<64x128xf32, #tpu.memory_space<vmem>>) target_semaphore(%arg13 : memref<!tpu.dma_semaphore, #tpu.memory_space<semaphore_mem>>)
      } else {
      }
      %dma_wait3A_1490 = arith.constant 4 : i32
      %dma_wait3A_1491 = arith.constant 0 : i32
      %dma_wait3A_1492 = arith.constant 0 : i32
      %dma_wait3A_1493 = tpu.memref_slice %arg7[%dma_wait3A_1490, %dma_wait3A_1491, %dma_wait3A_1492] : memref<8x64x128xf32, #tpu.memory_space<vmem>> -> memref<1x64x128xf32, #tpu.memory_space<vmem>>
      %dma_wait3A_1494 = tpu.memref_squeeze %dma_wait3A_1493 : memref<1x64x128xf32, #tpu.memory_space<vmem>> -> memref<64x128xf32, #tpu.memory_space<vmem>>
      %dma_wait3A_1495 = arith.constant 0 : i32
      %dma_wait3A_1496 = arith.constant 0 : i32
      %dma_wait3A_1497 = tpu.memref_slice %arg3[%dma_wait3A_1495, %dma_wait3A_1496] : memref<64x1000000xf32, #tpu.memory_space<hbm>> -> memref<64x128xf32, #tpu.memory_space<hbm>>
      %dma_wait3A_1498 = arith.constant 0 : i32
      %dma_wait3A_1499 = arith.constant 0 : i32
      %dma_wait3A_1500 = tpu.memref_slice %arg7[%dma_wait3A_1490, %dma_wait3A_1498, %dma_wait3A_1499] : memref<8x64x128xf32, #tpu.memory_space<vmem>> -> memref<1x64x128xf32, #tpu.memory_space<vmem>>
      %dma_wait3A_1501 = tpu.memref_squeeze %dma_wait3A_1500 : memref<1x64x128xf32, #tpu.memory_space<vmem>> -> memref<64x128xf32, #tpu.memory_space<vmem>>
      %dma_wait3A_1502 = arith.constant 0 : i32
      %dma_wait3A_1503 = arith.constant 0 : i32
      %dma_wait3A_1504 = tpu.memref_slice %arg3[%dma_wait3A_1502, %dma_wait3A_1503] : memref<64x1000000xf32, #tpu.memory_space<hbm>> -> memref<64x128xf32, #tpu.memory_space<hbm>>
      tpu.wait_dma2 semaphore(%arg14 : memref<!tpu.dma_semaphore, #tpu.memory_space<semaphore_mem>>) src(%dma_wait3A_1504 : memref<64x128xf32, #tpu.memory_space<hbm>>) dst(%dma_wait3A_1501 : memref<64x128xf32, #tpu.memory_space<vmem>>)
      %shift_right_logical3A_1505 = arith.constant 4 : i32
      %shift_right_logical3A_1506 = arith.shrui %add3A_1480, %shift_right_logical3A_1505 : i32
      %shift_right_logical3A_1507 = arith.constant 3 : i32
      %shift_right_logical3A_1508 = arith.shrui %shift_right_logical3A_1506, %shift_right_logical3A_1507 : i32
      %and3A_1509 = arith.constant 7 : i32
      %and3A_1510 = arith.andi %shift_right_logical3A_1506, %and3A_1509 : i32
      %mul3A_1511 = arith.constant 16 : i32
      %mul3A_1512 = arith.muli %and3A_1510, %mul3A_1511 : i32
      %multiple_of3A_1513 = tpu.assume_multiple %mul3A_1512, 16 : i32
      %get3A_1514 = arith.index_cast %shift_right_logical3A_1508 : i32 to index
      %get3A_1515 = arith.index_cast %multiple_of3A_1513 : i32 to index
      %get3A_1516 = tpu.vector_load %arg6[%get3A_1514, %get3A_1515] {strides = array<i32>} : memref<4x128xi32, #tpu.memory_space<vmem>>, vector<16xi32>,
      %and3A_1517 = arith.constant 15 : i32
      %and3A_1518 = arith.andi %add3A_1480, %and3A_1517 : i32
      %broadcast_in_dim3A_1519 = vector.broadcast %and3A_1518 : i32 to vector<16xi32>
      %lt3A_1520 = arith.constant 0 : i32
      %lt3A_1521 = vector.broadcast %lt3A_1520 : i32 to vector<16xi32>
      %lt3A_1522 = arith.cmpi slt, %broadcast_in_dim3A_1519, %lt3A_1521 : vector<16xi32>
      %add3A_1523 = arith.constant 16 : i32
      %add3A_1524 = vector.broadcast %add3A_1523 : i32 to vector<16xi32>
      %add3A_1525 = arith.addi %broadcast_in_dim3A_1519, %add3A_1524 : vector<16xi32>
      %select_n3A_1526 = arith.select %lt3A_1522, %add3A_1525, %broadcast_in_dim3A_1519 : vector<16xi1>, vector<16xi32>
      %broadcast_in_dim3A_1527 = vector.shape_cast %select_n3A_1526 : vector<16xi32> to vector<16x1xi32>
      %gather3A_1528 = vector.shape_cast %broadcast_in_dim3A_1527 : vector<16x1xi32> to vector<16xi32>
      %gather3A_1529 = tpu.dynamic_gather %get3A_1516[%gather3A_1528] in [0] : vector<16xi32>, vector<16xi32> -> vector<16xi32>
      %slice3A_1530 = vector.extract_strided_slice %gather3A_1529 {offsets = [0], sizes = [1], strides = [1]} : vector<16xi32> to vector<1xi32>
      %squeeze3A_1531 = vector.extract %slice3A_1530[0] : i32 from vector<1xi32>
      %and3A_1532 = arith.constant 127 : i32
      %and3A_1533 = arith.andi %squeeze3A_1531, %and3A_1532 : i32
      %broadcast_in_dim3A_1534 = vector.broadcast %and3A_1533 : i32 to vector<16xi32>
      %and3A_1535 = arith.constant 255 : i32
      %and3A_1536 = arith.andi %add3A_1480, %and3A_1535 : i32
      %broadcast_in_dim3A_1537 = vector.broadcast %and3A_1536 : i32 to vector<16xi32>
      %add3A_1538 = arith.constant 0 : i32
      %add3A_1539 = vector.broadcast %add3A_1538 : i32 to vector<16xi32>
      %add3A_1540 = arith.addi %iota3A, %add3A_1539 : vector<16xi32>
      %gather3A_1541 = tpu.vector_load_idx %arg9[%add3A_1540, %broadcast_in_dim3A_1537] : memref<64x256xf32, #tpu.memory_space<vmem>>[vector<16xi32>, vector<16xi32>], vector<16xf32>,
      %add3A_1542 = arith.constant 16 : i32
      %add3A_1543 = vector.broadcast %add3A_1542 : i32 to vector<16xi32>
      %add3A_1544 = arith.addi %iota3A, %add3A_1543 : vector<16xi32>
      %gather3A_1545 = tpu.vector_load_idx %arg9[%add3A_1544, %broadcast_in_dim3A_1537] : memref<64x256xf32, #tpu.memory_space<vmem>>[vector<16xi32>, vector<16xi32>], vector<16xf32>,
      %add3A_1546 = arith.constant 32 : i32
      %add3A_1547 = vector.broadcast %add3A_1546 : i32 to vector<16xi32>
      %add3A_1548 = arith.addi %iota3A, %add3A_1547 : vector<16xi32>
      %gather3A_1549 = tpu.vector_load_idx %arg9[%add3A_1548, %broadcast_in_dim3A_1537] : memref<64x256xf32, #tpu.memory_space<vmem>>[vector<16xi32>, vector<16xi32>], vector<16xf32>,
      %add3A_1550 = arith.constant 48 : i32
      %add3A_1551 = vector.broadcast %add3A_1550 : i32 to vector<16xi32>
      %add3A_1552 = arith.addi %iota3A, %add3A_1551 : vector<16xi32>
      %gather3A_1553 = tpu.vector_load_idx %arg9[%add3A_1552, %broadcast_in_dim3A_1537] : memref<64x256xf32, #tpu.memory_space<vmem>>[vector<16xi32>, vector<16xi32>], vector<16xf32>,
      %mul3A_1554 = arith.mulf %gather3A_1541, %gather3A_1541 : vector<16xf32>
      %mul3A_1555 = arith.mulf %gather3A_1545, %gather3A_1545 : vector<16xf32>
      %add3A_1556 = arith.addf %mul3A_1554, %mul3A_1555 : vector<16xf32>
      %mul3A_1557 = arith.mulf %gather3A_1549, %gather3A_1549 : vector<16xf32>
      %add3A_1558 = arith.addf %add3A_1556, %mul3A_1557 : vector<16xf32>
      %mul3A_1559 = arith.mulf %gather3A_1553, %gather3A_1553 : vector<16xf32>
      %add3A_1560 = arith.addf %add3A_1558, %mul3A_1559 : vector<16xf32>
      %lt3A_1561 = arith.constant 0 : i32
      %lt3A_1562 = vector.broadcast %lt3A_1561 : i32 to vector<16xi32>
      %lt3A_1563 = arith.cmpi slt, %xor3A_4, %lt3A_1562 : vector<16xi32>
      %add3A_1564 = arith.constant 16 : i32
      %add3A_1565 = vector.broadcast %add3A_1564 : i32 to vector<16xi32>
      %add3A_1566 = arith.addi %xor3A_4, %add3A_1565 : vector<16xi32>
      %select_n3A_1567 = arith.select %lt3A_1563, %add3A_1566, %xor3A_4 : vector<16xi1>, vector<16xi32>
      %broadcast_in_dim3A_1568 = vector.shape_cast %select_n3A_1567 : vector<16xi32> to vector<16x1xi32>
      %gather3A_1569 = vector.shape_cast %broadcast_in_dim3A_1568 : vector<16x1xi32> to vector<16xi32>
      %gather3A_1570 = tpu.dynamic_gather %add3A_1560[%gather3A_1569] in [0] : vector<16xf32>, vector<16xi32> -> vector<16xf32>
      %add3A_1571 = arith.addf %add3A_1560, %gather3A_1570 : vector<16xf32>
      %lt3A_1572 = arith.constant 0 : i32
      %lt3A_1573 = vector.broadcast %lt3A_1572 : i32 to vector<16xi32>
      %lt3A_1574 = arith.cmpi slt, %xor3A_7, %lt3A_1573 : vector<16xi32>
      %add3A_1575 = arith.constant 16 : i32
      %add3A_1576 = vector.broadcast %add3A_1575 : i32 to vector<16xi32>
      %add3A_1577 = arith.addi %xor3A_7, %add3A_1576 : vector<16xi32>
      %select_n3A_1578 = arith.select %lt3A_1574, %add3A_1577, %xor3A_7 : vector<16xi1>, vector<16xi32>
      %broadcast_in_dim3A_1579 = vector.shape_cast %select_n3A_1578 : vector<16xi32> to vector<16x1xi32>
      %gather3A_1580 = vector.shape_cast %broadcast_in_dim3A_1579 : vector<16x1xi32> to vector<16xi32>
      %gather3A_1581 = tpu.dynamic_gather %add3A_1571[%gather3A_1580] in [0] : vector<16xf32>, vector<16xi32> -> vector<16xf32>
      %add3A_1582 = arith.addf %add3A_1571, %gather3A_1581 : vector<16xf32>
      %lt3A_1583 = arith.constant 0 : i32
      %lt3A_1584 = vector.broadcast %lt3A_1583 : i32 to vector<16xi32>
      %lt3A_1585 = arith.cmpi slt, %xor3A_10, %lt3A_1584 : vector<16xi32>
      %add3A_1586 = arith.constant 16 : i32
      %add3A_1587 = vector.broadcast %add3A_1586 : i32 to vector<16xi32>
      %add3A_1588 = arith.addi %xor3A_10, %add3A_1587 : vector<16xi32>
      %select_n3A_1589 = arith.select %lt3A_1585, %add3A_1588, %xor3A_10 : vector<16xi1>, vector<16xi32>
      %broadcast_in_dim3A_1590 = vector.shape_cast %select_n3A_1589 : vector<16xi32> to vector<16x1xi32>
      %gather3A_1591 = vector.shape_cast %broadcast_in_dim3A_1590 : vector<16x1xi32> to vector<16xi32>
      %gather3A_1592 = tpu.dynamic_gather %add3A_1582[%gather3A_1591] in [0] : vector<16xf32>, vector<16xi32> -> vector<16xf32>
      %add3A_1593 = arith.addf %add3A_1582, %gather3A_1592 : vector<16xf32>
      %lt3A_1594 = arith.constant 0 : i32
      %lt3A_1595 = vector.broadcast %lt3A_1594 : i32 to vector<16xi32>
      %lt3A_1596 = arith.cmpi slt, %xor3A_13, %lt3A_1595 : vector<16xi32>
      %add3A_1597 = arith.constant 16 : i32
      %add3A_1598 = vector.broadcast %add3A_1597 : i32 to vector<16xi32>
      %add3A_1599 = arith.addi %xor3A_13, %add3A_1598 : vector<16xi32>
      %select_n3A_1600 = arith.select %lt3A_1596, %add3A_1599, %xor3A_13 : vector<16xi1>, vector<16xi32>
      %broadcast_in_dim3A_1601 = vector.shape_cast %select_n3A_1600 : vector<16xi32> to vector<16x1xi32>
      %gather3A_1602 = vector.shape_cast %broadcast_in_dim3A_1601 : vector<16x1xi32> to vector<16xi32>
      %gather3A_1603 = tpu.dynamic_gather %add3A_1593[%gather3A_1602] in [0] : vector<16xf32>, vector<16xi32> -> vector<16xf32>
      %add3A_1604 = arith.addf %add3A_1593, %gather3A_1603 : vector<16xf32>
      %bitcast_convert_type3A_1605 = tpu.bitcast %add3A_1604 : vector<16xf32> -> vector<16xi32>
      %shift_right_logical3A_1606 = arith.constant 1 : i32
      %shift_right_logical3A_1607 = vector.broadcast %shift_right_logical3A_1606 : i32 to vector<16xi32>
      %shift_right_logical3A_1608 = arith.shrui %bitcast_convert_type3A_1605, %shift_right_logical3A_1607 : vector<16xi32>
      %sub3A_1609 = arith.constant 1597463007 : i32
      %sub3A_1610 = vector.broadcast %sub3A_1609 : i32 to vector<16xi32>
      %sub3A_1611 = arith.subi %sub3A_1610, %shift_right_logical3A_1608 : vector<16xi32>
      %bitcast_convert_type3A_1612 = tpu.bitcast %sub3A_1611 : vector<16xi32> -> vector<16xf32>
      %mul3A_1613 = arith.constant 5.000000e-01 : f32
      %mul3A_1614 = vector.broadcast %mul3A_1613 : f32 to vector<16xf32>
      %mul3A_1615 = arith.mulf %add3A_1604, %mul3A_1614 : vector<16xf32>
      %mul3A_1616 = arith.mulf %mul3A_1615, %bitcast_convert_type3A_1612 : vector<16xf32>
      %mul3A_1617 = arith.mulf %mul3A_1616, %bitcast_convert_type3A_1612 : vector<16xf32>
      %sub3A_1618 = arith.constant 1.500000e+00 : f32
      %sub3A_1619 = vector.broadcast %sub3A_1618 : f32 to vector<16xf32>
      %sub3A_1620 = arith.subf %sub3A_1619, %mul3A_1617 : vector<16xf32>
      %mul3A_1621 = arith.mulf %bitcast_convert_type3A_1612, %sub3A_1620 : vector<16xf32>
      %mul3A_1622 = arith.mulf %mul3A_1615, %mul3A_1621 : vector<16xf32>
      %mul3A_1623 = arith.mulf %mul3A_1622, %mul3A_1621 : vector<16xf32>
      %sub3A_1624 = arith.constant 1.500000e+00 : f32
      %sub3A_1625 = vector.broadcast %sub3A_1624 : f32 to vector<16xf32>
      %sub3A_1626 = arith.subf %sub3A_1625, %mul3A_1623 : vector<16xf32>
      %mul3A_1627 = arith.mulf %mul3A_1621, %sub3A_1626 : vector<16xf32>
      %mul3A_1628 = arith.mulf %mul3A_1615, %mul3A_1627 : vector<16xf32>
      %mul3A_1629 = arith.mulf %mul3A_1628, %mul3A_1627 : vector<16xf32>
      %sub3A_1630 = arith.constant 1.500000e+00 : f32
      %sub3A_1631 = vector.broadcast %sub3A_1630 : f32 to vector<16xf32>
      %sub3A_1632 = arith.subf %sub3A_1631, %mul3A_1629 : vector<16xf32>
      %mul3A_1633 = arith.mulf %mul3A_1627, %sub3A_1632 : vector<16xf32>
      %add3A_1634 = arith.constant 0 : i32
      %add3A_1635 = vector.broadcast %add3A_1634 : i32 to vector<16xi32>
      %add3A_1636 = arith.addi %iota3A, %add3A_1635 : vector<16xi32>
      %gather3A_1637 = arith.constant 4 : i32
      %gather3A_1638 = arith.constant 0 : i32
      %gather3A_1639 = arith.constant 0 : i32
      %gather3A_1640 = tpu.memref_slice %arg7[%gather3A_1637, %gather3A_1638, %gather3A_1639] : memref<8x64x128xf32, #tpu.memory_space<vmem>> -> memref<1x64x128xf32, #tpu.memory_space<vmem>>
      %gather3A_1641 = tpu.memref_squeeze %gather3A_1640 : memref<1x64x128xf32, #tpu.memory_space<vmem>> -> memref<64x128xf32, #tpu.memory_space<vmem>>
      %gather3A_1642 = tpu.vector_load_idx %gather3A_1641[%add3A_1636, %broadcast_in_dim3A_1534] : memref<64x128xf32, #tpu.memory_space<vmem>>[vector<16xi32>, vector<16xi32>], vector<16xf32>,
      %mul3A_1643 = arith.mulf %gather3A_1541, %mul3A_1633 : vector<16xf32>
      %add3A_1644 = arith.addf %gather3A_1642, %mul3A_1643 : vector<16xf32>
      tpu.vector_store_idx %arg8[%add3A_1636, %broadcast_in_dim3A_1537], %add3A_1644 : memref<64x256xf32, #tpu.memory_space<vmem>>[vector<16xi32>, vector<16xi32>], vector<16xf32>,
      %add3A_1645 = arith.constant 16 : i32
      %add3A_1646 = vector.broadcast %add3A_1645 : i32 to vector<16xi32>
      %add3A_1647 = arith.addi %iota3A, %add3A_1646 : vector<16xi32>
      %gather3A_1648 = arith.constant 4 : i32
      %gather3A_1649 = arith.constant 0 : i32
      %gather3A_1650 = arith.constant 0 : i32
      %gather3A_1651 = tpu.memref_slice %arg7[%gather3A_1648, %gather3A_1649, %gather3A_1650] : memref<8x64x128xf32, #tpu.memory_space<vmem>> -> memref<1x64x128xf32, #tpu.memory_space<vmem>>
      %gather3A_1652 = tpu.memref_squeeze %gather3A_1651 : memref<1x64x128xf32, #tpu.memory_space<vmem>> -> memref<64x128xf32, #tpu.memory_space<vmem>>
      %gather3A_1653 = tpu.vector_load_idx %gather3A_1652[%add3A_1647, %broadcast_in_dim3A_1534] : memref<64x128xf32, #tpu.memory_space<vmem>>[vector<16xi32>, vector<16xi32>], vector<16xf32>,
      %mul3A_1654 = arith.mulf %gather3A_1545, %mul3A_1633 : vector<16xf32>
      %add3A_1655 = arith.addf %gather3A_1653, %mul3A_1654 : vector<16xf32>
      tpu.vector_store_idx %arg8[%add3A_1647, %broadcast_in_dim3A_1537], %add3A_1655 : memref<64x256xf32, #tpu.memory_space<vmem>>[vector<16xi32>, vector<16xi32>], vector<16xf32>,
      %add3A_1656 = arith.constant 32 : i32
      %add3A_1657 = vector.broadcast %add3A_1656 : i32 to vector<16xi32>
      %add3A_1658 = arith.addi %iota3A, %add3A_1657 : vector<16xi32>
      %gather3A_1659 = arith.constant 4 : i32
      %gather3A_1660 = arith.constant 0 : i32
      %gather3A_1661 = arith.constant 0 : i32
      %gather3A_1662 = tpu.memref_slice %arg7[%gather3A_1659, %gather3A_1660, %gather3A_1661] : memref<8x64x128xf32, #tpu.memory_space<vmem>> -> memref<1x64x128xf32, #tpu.memory_space<vmem>>
      %gather3A_1663 = tpu.memref_squeeze %gather3A_1662 : memref<1x64x128xf32, #tpu.memory_space<vmem>> -> memref<64x128xf32, #tpu.memory_space<vmem>>
      %gather3A_1664 = tpu.vector_load_idx %gather3A_1663[%add3A_1658, %broadcast_in_dim3A_1534] : memref<64x128xf32, #tpu.memory_space<vmem>>[vector<16xi32>, vector<16xi32>], vector<16xf32>,
      %mul3A_1665 = arith.mulf %gather3A_1549, %mul3A_1633 : vector<16xf32>
      %add3A_1666 = arith.addf %gather3A_1664, %mul3A_1665 : vector<16xf32>
      tpu.vector_store_idx %arg8[%add3A_1658, %broadcast_in_dim3A_1537], %add3A_1666 : memref<64x256xf32, #tpu.memory_space<vmem>>[vector<16xi32>, vector<16xi32>], vector<16xf32>,
      %add3A_1667 = arith.constant 48 : i32
      %add3A_1668 = vector.broadcast %add3A_1667 : i32 to vector<16xi32>
      %add3A_1669 = arith.addi %iota3A, %add3A_1668 : vector<16xi32>
      %gather3A_1670 = arith.constant 4 : i32
      %gather3A_1671 = arith.constant 0 : i32
      %gather3A_1672 = arith.constant 0 : i32
      %gather3A_1673 = tpu.memref_slice %arg7[%gather3A_1670, %gather3A_1671, %gather3A_1672] : memref<8x64x128xf32, #tpu.memory_space<vmem>> -> memref<1x64x128xf32, #tpu.memory_space<vmem>>
      %gather3A_1674 = tpu.memref_squeeze %gather3A_1673 : memref<1x64x128xf32, #tpu.memory_space<vmem>> -> memref<64x128xf32, #tpu.memory_space<vmem>>
      %gather3A_1675 = tpu.vector_load_idx %gather3A_1674[%add3A_1669, %broadcast_in_dim3A_1534] : memref<64x128xf32, #tpu.memory_space<vmem>>[vector<16xi32>, vector<16xi32>], vector<16xf32>,
      %mul3A_1676 = arith.mulf %gather3A_1553, %mul3A_1633 : vector<16xf32>
      %add3A_1677 = arith.addf %gather3A_1675, %mul3A_1676 : vector<16xf32>
      tpu.vector_store_idx %arg8[%add3A_1669, %broadcast_in_dim3A_1537], %add3A_1677 : memref<64x256xf32, #tpu.memory_space<vmem>>[vector<16xi32>, vector<16xi32>], vector<16xf32>,
      %add3A_1678 = arith.constant 5 : i32
      %add3A_1679 = arith.addi %add3A_687, %add3A_1678 : i32
      %add3A_1680 = arith.constant 8 : i32
      %add3A_1681 = arith.addi %add3A_1679, %add3A_1680 : i32
      %sub3A_1682 = arith.constant 1 : i32
      %sub3A_1683 = arith.subi %add3A_1681, %sub3A_1682 : i32
      %lt3A_1684 = arith.constant 512 : i32
      %lt3A_1685 = arith.cmpi slt, %sub3A_1683, %lt3A_1684 : i32
      %convert_element_type3A_1686 = arith.extui %lt3A_1685 : i1 to i32
      %cond3A_1687 = arith.constant 0 : i32
      %cond3A_1688 = arith.cmpi ne, %convert_element_type3A_1686, %cond3A_1687 : i32
      scf.if %cond3A_1688 {
        %add3A_2275 = arith.constant 8 : i32
        %add3A_2276 = arith.addi %add3A_1679, %add3A_2275 : i32
        %sub3A_2277 = arith.constant 1 : i32
        %sub3A_2278 = arith.subi %add3A_2276, %sub3A_2277 : i32
        %shift_right_logical3A_2279 = arith.constant 4 : i32
        %shift_right_logical3A_2280 = arith.shrui %sub3A_2278, %shift_right_logical3A_2279 : i32
        %shift_right_logical3A_2281 = arith.constant 3 : i32
        %shift_right_logical3A_2282 = arith.shrui %shift_right_logical3A_2280, %shift_right_logical3A_2281 : i32
        %and3A_2283 = arith.constant 7 : i32
        %and3A_2284 = arith.andi %shift_right_logical3A_2280, %and3A_2283 : i32
        %mul3A_2285 = arith.constant 16 : i32
        %mul3A_2286 = arith.muli %and3A_2284, %mul3A_2285 : i32
        %multiple_of3A_2287 = tpu.assume_multiple %mul3A_2286, 16 : i32
        %get3A_2288 = arith.index_cast %shift_right_logical3A_2282 : i32 to index
        %get3A_2289 = arith.index_cast %multiple_of3A_2287 : i32 to index
        %get3A_2290 = tpu.vector_load %arg6[%get3A_2288, %get3A_2289] {strides = array<i32>} : memref<4x128xi32, #tpu.memory_space<vmem>>, vector<16xi32>,
        %and3A_2291 = arith.constant 15 : i32
        %and3A_2292 = arith.andi %sub3A_2278, %and3A_2291 : i32
        %broadcast_in_dim3A_2293 = vector.broadcast %and3A_2292 : i32 to vector<16xi32>
        %lt3A_2294 = arith.constant 0 : i32
        %lt3A_2295 = vector.broadcast %lt3A_2294 : i32 to vector<16xi32>
        %lt3A_2296 = arith.cmpi slt, %broadcast_in_dim3A_2293, %lt3A_2295 : vector<16xi32>
        %add3A_2297 = arith.constant 16 : i32
        %add3A_2298 = vector.broadcast %add3A_2297 : i32 to vector<16xi32>
        %add3A_2299 = arith.addi %broadcast_in_dim3A_2293, %add3A_2298 : vector<16xi32>
        %select_n3A_2300 = arith.select %lt3A_2296, %add3A_2299, %broadcast_in_dim3A_2293 : vector<16xi1>, vector<16xi32>
        %broadcast_in_dim3A_2301 = vector.shape_cast %select_n3A_2300 : vector<16xi32> to vector<16x1xi32>
        %gather3A_2302 = vector.shape_cast %broadcast_in_dim3A_2301 : vector<16x1xi32> to vector<16xi32>
        %gather3A_2303 = tpu.dynamic_gather %get3A_2290[%gather3A_2302] in [0] : vector<16xi32>, vector<16xi32> -> vector<16xi32>
        %slice3A_2304 = vector.extract_strided_slice %gather3A_2303 {offsets = [0], sizes = [1], strides = [1]} : vector<16xi32> to vector<1xi32>
        %squeeze3A_2305 = vector.extract %slice3A_2304[0] : i32 from vector<1xi32>
        %not3A_2306 = arith.constant 127 : i32
        %not3A_2307 = arith.constant -1 : i32
        %not3A_2308 = arith.xori %not3A_2306, %not3A_2307 : i32
        %and3A_2309 = arith.andi %squeeze3A_2305, %not3A_2308 : i32
        %multiple_of3A_2310 = tpu.assume_multiple %and3A_2309, 128 : i32
        %dma_start3A_2311 = arith.constant 4 : i32
        %dma_start3A_2312 = arith.constant 0 : i32
        %dma_start3A_2313 = arith.constant 0 : i32
        %dma_start3A_2314 = tpu.memref_slice %arg7[%dma_start3A_2311, %dma_start3A_2312, %dma_start3A_2313] : memref<8x64x128xf32, #tpu.memory_space<vmem>> -> memref<1x64x128xf32, #tpu.memory_space<vmem>>
        %dma_start3A_2315 = tpu.memref_squeeze %dma_start3A_2314 : memref<1x64x128xf32, #tpu.memory_space<vmem>> -> memref<64x128xf32, #tpu.memory_space<vmem>>
        %dma_start3A_2316 = arith.constant 0 : i32
        %dma_start3A_2317 = tpu.memref_slice %arg3[%dma_start3A_2316, %multiple_of3A_2310] : memref<64x1000000xf32, #tpu.memory_space<hbm>> -> memref<64x128xf32, #tpu.memory_space<hbm>>
        %dma_start3A_2318 = arith.constant 0 : i32
        %dma_start3A_2319 = arith.constant 0 : i32
        %dma_start3A_2320 = tpu.memref_slice %arg7[%dma_start3A_2311, %dma_start3A_2318, %dma_start3A_2319] : memref<8x64x128xf32, #tpu.memory_space<vmem>> -> memref<1x64x128xf32, #tpu.memory_space<vmem>>
        %dma_start3A_2321 = tpu.memref_squeeze %dma_start3A_2320 : memref<1x64x128xf32, #tpu.memory_space<vmem>> -> memref<64x128xf32, #tpu.memory_space<vmem>>
        %dma_start3A_2322 = arith.constant 0 : i32
        %dma_start3A_2323 = tpu.memref_slice %arg3[%dma_start3A_2322, %multiple_of3A_2310] : memref<64x1000000xf32, #tpu.memory_space<hbm>> -> memref<64x128xf32, #tpu.memory_space<hbm>>
        tpu.enqueue_dma source(%dma_start3A_2323 : memref<64x128xf32, #tpu.memory_space<hbm>>) target(%dma_start3A_2321 : memref<64x128xf32, #tpu.memory_space<vmem>>) target_semaphore(%arg14 : memref<!tpu.dma_semaphore, #tpu.memory_space<semaphore_mem>>)
      } else {
      }
      %dma_wait3A_1689 = arith.constant 5 : i32
      %dma_wait3A_1690 = arith.constant 0 : i32
      %dma_wait3A_1691 = arith.constant 0 : i32
      %dma_wait3A_1692 = tpu.memref_slice %arg7[%dma_wait3A_1689, %dma_wait3A_1690, %dma_wait3A_1691] : memref<8x64x128xf32, #tpu.memory_space<vmem>> -> memref<1x64x128xf32, #tpu.memory_space<vmem>>
      %dma_wait3A_1693 = tpu.memref_squeeze %dma_wait3A_1692 : memref<1x64x128xf32, #tpu.memory_space<vmem>> -> memref<64x128xf32, #tpu.memory_space<vmem>>
      %dma_wait3A_1694 = arith.constant 0 : i32
      %dma_wait3A_1695 = arith.constant 0 : i32
      %dma_wait3A_1696 = tpu.memref_slice %arg3[%dma_wait3A_1694, %dma_wait3A_1695] : memref<64x1000000xf32, #tpu.memory_space<hbm>> -> memref<64x128xf32, #tpu.memory_space<hbm>>
      %dma_wait3A_1697 = arith.constant 0 : i32
      %dma_wait3A_1698 = arith.constant 0 : i32
      %dma_wait3A_1699 = tpu.memref_slice %arg7[%dma_wait3A_1689, %dma_wait3A_1697, %dma_wait3A_1698] : memref<8x64x128xf32, #tpu.memory_space<vmem>> -> memref<1x64x128xf32, #tpu.memory_space<vmem>>
      %dma_wait3A_1700 = tpu.memref_squeeze %dma_wait3A_1699 : memref<1x64x128xf32, #tpu.memory_space<vmem>> -> memref<64x128xf32, #tpu.memory_space<vmem>>
      %dma_wait3A_1701 = arith.constant 0 : i32
      %dma_wait3A_1702 = arith.constant 0 : i32
      %dma_wait3A_1703 = tpu.memref_slice %arg3[%dma_wait3A_1701, %dma_wait3A_1702] : memref<64x1000000xf32, #tpu.memory_space<hbm>> -> memref<64x128xf32, #tpu.memory_space<hbm>>
      tpu.wait_dma2 semaphore(%arg15 : memref<!tpu.dma_semaphore, #tpu.memory_space<semaphore_mem>>) src(%dma_wait3A_1703 : memref<64x128xf32, #tpu.memory_space<hbm>>) dst(%dma_wait3A_1700 : memref<64x128xf32, #tpu.memory_space<vmem>>)
      %shift_right_logical3A_1704 = arith.constant 4 : i32
      %shift_right_logical3A_1705 = arith.shrui %add3A_1679, %shift_right_logical3A_1704 : i32
      %shift_right_logical3A_1706 = arith.constant 3 : i32
      %shift_right_logical3A_1707 = arith.shrui %shift_right_logical3A_1705, %shift_right_logical3A_1706 : i32
      %and3A_1708 = arith.constant 7 : i32
      %and3A_1709 = arith.andi %shift_right_logical3A_1705, %and3A_1708 : i32
      %mul3A_1710 = arith.constant 16 : i32
      %mul3A_1711 = arith.muli %and3A_1709, %mul3A_1710 : i32
      %multiple_of3A_1712 = tpu.assume_multiple %mul3A_1711, 16 : i32
      %get3A_1713 = arith.index_cast %shift_right_logical3A_1707 : i32 to index
      %get3A_1714 = arith.index_cast %multiple_of3A_1712 : i32 to index
      %get3A_1715 = tpu.vector_load %arg6[%get3A_1713, %get3A_1714] {strides = array<i32>} : memref<4x128xi32, #tpu.memory_space<vmem>>, vector<16xi32>,
      %and3A_1716 = arith.constant 15 : i32
      %and3A_1717 = arith.andi %add3A_1679, %and3A_1716 : i32
      %broadcast_in_dim3A_1718 = vector.broadcast %and3A_1717 : i32 to vector<16xi32>
      %lt3A_1719 = arith.constant 0 : i32
      %lt3A_1720 = vector.broadcast %lt3A_1719 : i32 to vector<16xi32>
      %lt3A_1721 = arith.cmpi slt, %broadcast_in_dim3A_1718, %lt3A_1720 : vector<16xi32>
      %add3A_1722 = arith.constant 16 : i32
      %add3A_1723 = vector.broadcast %add3A_1722 : i32 to vector<16xi32>
      %add3A_1724 = arith.addi %broadcast_in_dim3A_1718, %add3A_1723 : vector<16xi32>
      %select_n3A_1725 = arith.select %lt3A_1721, %add3A_1724, %broadcast_in_dim3A_1718 : vector<16xi1>, vector<16xi32>
      %broadcast_in_dim3A_1726 = vector.shape_cast %select_n3A_1725 : vector<16xi32> to vector<16x1xi32>
      %gather3A_1727 = vector.shape_cast %broadcast_in_dim3A_1726 : vector<16x1xi32> to vector<16xi32>
      %gather3A_1728 = tpu.dynamic_gather %get3A_1715[%gather3A_1727] in [0] : vector<16xi32>, vector<16xi32> -> vector<16xi32>
      %slice3A_1729 = vector.extract_strided_slice %gather3A_1728 {offsets = [0], sizes = [1], strides = [1]} : vector<16xi32> to vector<1xi32>
      %squeeze3A_1730 = vector.extract %slice3A_1729[0] : i32 from vector<1xi32>
      %and3A_1731 = arith.constant 127 : i32
      %and3A_1732 = arith.andi %squeeze3A_1730, %and3A_1731 : i32
      %broadcast_in_dim3A_1733 = vector.broadcast %and3A_1732 : i32 to vector<16xi32>
      %and3A_1734 = arith.constant 255 : i32
      %and3A_1735 = arith.andi %add3A_1679, %and3A_1734 : i32
      %broadcast_in_dim3A_1736 = vector.broadcast %and3A_1735 : i32 to vector<16xi32>
      %add3A_1737 = arith.constant 0 : i32
      %add3A_1738 = vector.broadcast %add3A_1737 : i32 to vector<16xi32>
      %add3A_1739 = arith.addi %iota3A, %add3A_1738 : vector<16xi32>
      %gather3A_1740 = tpu.vector_load_idx %arg9[%add3A_1739, %broadcast_in_dim3A_1736] : memref<64x256xf32, #tpu.memory_space<vmem>>[vector<16xi32>, vector<16xi32>], vector<16xf32>,
      %add3A_1741 = arith.constant 16 : i32
      %add3A_1742 = vector.broadcast %add3A_1741 : i32 to vector<16xi32>
      %add3A_1743 = arith.addi %iota3A, %add3A_1742 : vector<16xi32>
      %gather3A_1744 = tpu.vector_load_idx %arg9[%add3A_1743, %broadcast_in_dim3A_1736] : memref<64x256xf32, #tpu.memory_space<vmem>>[vector<16xi32>, vector<16xi32>], vector<16xf32>,
      %add3A_1745 = arith.constant 32 : i32
      %add3A_1746 = vector.broadcast %add3A_1745 : i32 to vector<16xi32>
      %add3A_1747 = arith.addi %iota3A, %add3A_1746 : vector<16xi32>
      %gather3A_1748 = tpu.vector_load_idx %arg9[%add3A_1747, %broadcast_in_dim3A_1736] : memref<64x256xf32, #tpu.memory_space<vmem>>[vector<16xi32>, vector<16xi32>], vector<16xf32>,
      %add3A_1749 = arith.constant 48 : i32
      %add3A_1750 = vector.broadcast %add3A_1749 : i32 to vector<16xi32>
      %add3A_1751 = arith.addi %iota3A, %add3A_1750 : vector<16xi32>
      %gather3A_1752 = tpu.vector_load_idx %arg9[%add3A_1751, %broadcast_in_dim3A_1736] : memref<64x256xf32, #tpu.memory_space<vmem>>[vector<16xi32>, vector<16xi32>], vector<16xf32>,
      %mul3A_1753 = arith.mulf %gather3A_1740, %gather3A_1740 : vector<16xf32>
      %mul3A_1754 = arith.mulf %gather3A_1744, %gather3A_1744 : vector<16xf32>
      %add3A_1755 = arith.addf %mul3A_1753, %mul3A_1754 : vector<16xf32>
      %mul3A_1756 = arith.mulf %gather3A_1748, %gather3A_1748 : vector<16xf32>
      %add3A_1757 = arith.addf %add3A_1755, %mul3A_1756 : vector<16xf32>
      %mul3A_1758 = arith.mulf %gather3A_1752, %gather3A_1752 : vector<16xf32>
      %add3A_1759 = arith.addf %add3A_1757, %mul3A_1758 : vector<16xf32>
      %lt3A_1760 = arith.constant 0 : i32
      %lt3A_1761 = vector.broadcast %lt3A_1760 : i32 to vector<16xi32>
      %lt3A_1762 = arith.cmpi slt, %xor3A_4, %lt3A_1761 : vector<16xi32>
      %add3A_1763 = arith.constant 16 : i32
      %add3A_1764 = vector.broadcast %add3A_1763 : i32 to vector<16xi32>
      %add3A_1765 = arith.addi %xor3A_4, %add3A_1764 : vector<16xi32>
      %select_n3A_1766 = arith.select %lt3A_1762, %add3A_1765, %xor3A_4 : vector<16xi1>, vector<16xi32>
      %broadcast_in_dim3A_1767 = vector.shape_cast %select_n3A_1766 : vector<16xi32> to vector<16x1xi32>
      %gather3A_1768 = vector.shape_cast %broadcast_in_dim3A_1767 : vector<16x1xi32> to vector<16xi32>
      %gather3A_1769 = tpu.dynamic_gather %add3A_1759[%gather3A_1768] in [0] : vector<16xf32>, vector<16xi32> -> vector<16xf32>
      %add3A_1770 = arith.addf %add3A_1759, %gather3A_1769 : vector<16xf32>
      %lt3A_1771 = arith.constant 0 : i32
      %lt3A_1772 = vector.broadcast %lt3A_1771 : i32 to vector<16xi32>
      %lt3A_1773 = arith.cmpi slt, %xor3A_7, %lt3A_1772 : vector<16xi32>
      %add3A_1774 = arith.constant 16 : i32
      %add3A_1775 = vector.broadcast %add3A_1774 : i32 to vector<16xi32>
      %add3A_1776 = arith.addi %xor3A_7, %add3A_1775 : vector<16xi32>
      %select_n3A_1777 = arith.select %lt3A_1773, %add3A_1776, %xor3A_7 : vector<16xi1>, vector<16xi32>
      %broadcast_in_dim3A_1778 = vector.shape_cast %select_n3A_1777 : vector<16xi32> to vector<16x1xi32>
      %gather3A_1779 = vector.shape_cast %broadcast_in_dim3A_1778 : vector<16x1xi32> to vector<16xi32>
      %gather3A_1780 = tpu.dynamic_gather %add3A_1770[%gather3A_1779] in [0] : vector<16xf32>, vector<16xi32> -> vector<16xf32>
      %add3A_1781 = arith.addf %add3A_1770, %gather3A_1780 : vector<16xf32>
      %lt3A_1782 = arith.constant 0 : i32
      %lt3A_1783 = vector.broadcast %lt3A_1782 : i32 to vector<16xi32>
      %lt3A_1784 = arith.cmpi slt, %xor3A_10, %lt3A_1783 : vector<16xi32>
      %add3A_1785 = arith.constant 16 : i32
      %add3A_1786 = vector.broadcast %add3A_1785 : i32 to vector<16xi32>
      %add3A_1787 = arith.addi %xor3A_10, %add3A_1786 : vector<16xi32>
      %select_n3A_1788 = arith.select %lt3A_1784, %add3A_1787, %xor3A_10 : vector<16xi1>, vector<16xi32>
      %broadcast_in_dim3A_1789 = vector.shape_cast %select_n3A_1788 : vector<16xi32> to vector<16x1xi32>
      %gather3A_1790 = vector.shape_cast %broadcast_in_dim3A_1789 : vector<16x1xi32> to vector<16xi32>
      %gather3A_1791 = tpu.dynamic_gather %add3A_1781[%gather3A_1790] in [0] : vector<16xf32>, vector<16xi32> -> vector<16xf32>
      %add3A_1792 = arith.addf %add3A_1781, %gather3A_1791 : vector<16xf32>
      %lt3A_1793 = arith.constant 0 : i32
      %lt3A_1794 = vector.broadcast %lt3A_1793 : i32 to vector<16xi32>
      %lt3A_1795 = arith.cmpi slt, %xor3A_13, %lt3A_1794 : vector<16xi32>
      %add3A_1796 = arith.constant 16 : i32
      %add3A_1797 = vector.broadcast %add3A_1796 : i32 to vector<16xi32>
      %add3A_1798 = arith.addi %xor3A_13, %add3A_1797 : vector<16xi32>
      %select_n3A_1799 = arith.select %lt3A_1795, %add3A_1798, %xor3A_13 : vector<16xi1>, vector<16xi32>
      %broadcast_in_dim3A_1800 = vector.shape_cast %select_n3A_1799 : vector<16xi32> to vector<16x1xi32>
      %gather3A_1801 = vector.shape_cast %broadcast_in_dim3A_1800 : vector<16x1xi32> to vector<16xi32>
      %gather3A_1802 = tpu.dynamic_gather %add3A_1792[%gather3A_1801] in [0] : vector<16xf32>, vector<16xi32> -> vector<16xf32>
      %add3A_1803 = arith.addf %add3A_1792, %gather3A_1802 : vector<16xf32>
      %bitcast_convert_type3A_1804 = tpu.bitcast %add3A_1803 : vector<16xf32> -> vector<16xi32>
      %shift_right_logical3A_1805 = arith.constant 1 : i32
      %shift_right_logical3A_1806 = vector.broadcast %shift_right_logical3A_1805 : i32 to vector<16xi32>
      %shift_right_logical3A_1807 = arith.shrui %bitcast_convert_type3A_1804, %shift_right_logical3A_1806 : vector<16xi32>
      %sub3A_1808 = arith.constant 1597463007 : i32
      %sub3A_1809 = vector.broadcast %sub3A_1808 : i32 to vector<16xi32>
      %sub3A_1810 = arith.subi %sub3A_1809, %shift_right_logical3A_1807 : vector<16xi32>
      %bitcast_convert_type3A_1811 = tpu.bitcast %sub3A_1810 : vector<16xi32> -> vector<16xf32>
      %mul3A_1812 = arith.constant 5.000000e-01 : f32
      %mul3A_1813 = vector.broadcast %mul3A_1812 : f32 to vector<16xf32>
      %mul3A_1814 = arith.mulf %add3A_1803, %mul3A_1813 : vector<16xf32>
      %mul3A_1815 = arith.mulf %mul3A_1814, %bitcast_convert_type3A_1811 : vector<16xf32>
      %mul3A_1816 = arith.mulf %mul3A_1815, %bitcast_convert_type3A_1811 : vector<16xf32>
      %sub3A_1817 = arith.constant 1.500000e+00 : f32
      %sub3A_1818 = vector.broadcast %sub3A_1817 : f32 to vector<16xf32>
      %sub3A_1819 = arith.subf %sub3A_1818, %mul3A_1816 : vector<16xf32>
      %mul3A_1820 = arith.mulf %bitcast_convert_type3A_1811, %sub3A_1819 : vector<16xf32>
      %mul3A_1821 = arith.mulf %mul3A_1814, %mul3A_1820 : vector<16xf32>
      %mul3A_1822 = arith.mulf %mul3A_1821, %mul3A_1820 : vector<16xf32>
      %sub3A_1823 = arith.constant 1.500000e+00 : f32
      %sub3A_1824 = vector.broadcast %sub3A_1823 : f32 to vector<16xf32>
      %sub3A_1825 = arith.subf %sub3A_1824, %mul3A_1822 : vector<16xf32>
      %mul3A_1826 = arith.mulf %mul3A_1820, %sub3A_1825 : vector<16xf32>
      %mul3A_1827 = arith.mulf %mul3A_1814, %mul3A_1826 : vector<16xf32>
      %mul3A_1828 = arith.mulf %mul3A_1827, %mul3A_1826 : vector<16xf32>
      %sub3A_1829 = arith.constant 1.500000e+00 : f32
      %sub3A_1830 = vector.broadcast %sub3A_1829 : f32 to vector<16xf32>
      %sub3A_1831 = arith.subf %sub3A_1830, %mul3A_1828 : vector<16xf32>
      %mul3A_1832 = arith.mulf %mul3A_1826, %sub3A_1831 : vector<16xf32>
      %add3A_1833 = arith.constant 0 : i32
      %add3A_1834 = vector.broadcast %add3A_1833 : i32 to vector<16xi32>
      %add3A_1835 = arith.addi %iota3A, %add3A_1834 : vector<16xi32>
      %gather3A_1836 = arith.constant 5 : i32
      %gather3A_1837 = arith.constant 0 : i32
      %gather3A_1838 = arith.constant 0 : i32
      %gather3A_1839 = tpu.memref_slice %arg7[%gather3A_1836, %gather3A_1837, %gather3A_1838] : memref<8x64x128xf32, #tpu.memory_space<vmem>> -> memref<1x64x128xf32, #tpu.memory_space<vmem>>
      %gather3A_1840 = tpu.memref_squeeze %gather3A_1839 : memref<1x64x128xf32, #tpu.memory_space<vmem>> -> memref<64x128xf32, #tpu.memory_space<vmem>>
      %gather3A_1841 = tpu.vector_load_idx %gather3A_1840[%add3A_1835, %broadcast_in_dim3A_1733] : memref<64x128xf32, #tpu.memory_space<vmem>>[vector<16xi32>, vector<16xi32>], vector<16xf32>,
      %mul3A_1842 = arith.mulf %gather3A_1740, %mul3A_1832 : vector<16xf32>
      %add3A_1843 = arith.addf %gather3A_1841, %mul3A_1842 : vector<16xf32>
      tpu.vector_store_idx %arg8[%add3A_1835, %broadcast_in_dim3A_1736], %add3A_1843 : memref<64x256xf32, #tpu.memory_space<vmem>>[vector<16xi32>, vector<16xi32>], vector<16xf32>,
      %add3A_1844 = arith.constant 16 : i32
      %add3A_1845 = vector.broadcast %add3A_1844 : i32 to vector<16xi32>
      %add3A_1846 = arith.addi %iota3A, %add3A_1845 : vector<16xi32>
      %gather3A_1847 = arith.constant 5 : i32
      %gather3A_1848 = arith.constant 0 : i32
      %gather3A_1849 = arith.constant 0 : i32
      %gather3A_1850 = tpu.memref_slice %arg7[%gather3A_1847, %gather3A_1848, %gather3A_1849] : memref<8x64x128xf32, #tpu.memory_space<vmem>> -> memref<1x64x128xf32, #tpu.memory_space<vmem>>
      %gather3A_1851 = tpu.memref_squeeze %gather3A_1850 : memref<1x64x128xf32, #tpu.memory_space<vmem>> -> memref<64x128xf32, #tpu.memory_space<vmem>>
      %gather3A_1852 = tpu.vector_load_idx %gather3A_1851[%add3A_1846, %broadcast_in_dim3A_1733] : memref<64x128xf32, #tpu.memory_space<vmem>>[vector<16xi32>, vector<16xi32>], vector<16xf32>,
      %mul3A_1853 = arith.mulf %gather3A_1744, %mul3A_1832 : vector<16xf32>
      %add3A_1854 = arith.addf %gather3A_1852, %mul3A_1853 : vector<16xf32>
      tpu.vector_store_idx %arg8[%add3A_1846, %broadcast_in_dim3A_1736], %add3A_1854 : memref<64x256xf32, #tpu.memory_space<vmem>>[vector<16xi32>, vector<16xi32>], vector<16xf32>,
      %add3A_1855 = arith.constant 32 : i32
      %add3A_1856 = vector.broadcast %add3A_1855 : i32 to vector<16xi32>
      %add3A_1857 = arith.addi %iota3A, %add3A_1856 : vector<16xi32>
      %gather3A_1858 = arith.constant 5 : i32
      %gather3A_1859 = arith.constant 0 : i32
      %gather3A_1860 = arith.constant 0 : i32
      %gather3A_1861 = tpu.memref_slice %arg7[%gather3A_1858, %gather3A_1859, %gather3A_1860] : memref<8x64x128xf32, #tpu.memory_space<vmem>> -> memref<1x64x128xf32, #tpu.memory_space<vmem>>
      %gather3A_1862 = tpu.memref_squeeze %gather3A_1861 : memref<1x64x128xf32, #tpu.memory_space<vmem>> -> memref<64x128xf32, #tpu.memory_space<vmem>>
      %gather3A_1863 = tpu.vector_load_idx %gather3A_1862[%add3A_1857, %broadcast_in_dim3A_1733] : memref<64x128xf32, #tpu.memory_space<vmem>>[vector<16xi32>, vector<16xi32>], vector<16xf32>,
      %mul3A_1864 = arith.mulf %gather3A_1748, %mul3A_1832 : vector<16xf32>
      %add3A_1865 = arith.addf %gather3A_1863, %mul3A_1864 : vector<16xf32>
      tpu.vector_store_idx %arg8[%add3A_1857, %broadcast_in_dim3A_1736], %add3A_1865 : memref<64x256xf32, #tpu.memory_space<vmem>>[vector<16xi32>, vector<16xi32>], vector<16xf32>,
      %add3A_1866 = arith.constant 48 : i32
      %add3A_1867 = vector.broadcast %add3A_1866 : i32 to vector<16xi32>
      %add3A_1868 = arith.addi %iota3A, %add3A_1867 : vector<16xi32>
      %gather3A_1869 = arith.constant 5 : i32
      %gather3A_1870 = arith.constant 0 : i32
      %gather3A_1871 = arith.constant 0 : i32
      %gather3A_1872 = tpu.memref_slice %arg7[%gather3A_1869, %gather3A_1870, %gather3A_1871] : memref<8x64x128xf32, #tpu.memory_space<vmem>> -> memref<1x64x128xf32, #tpu.memory_space<vmem>>
      %gather3A_1873 = tpu.memref_squeeze %gather3A_1872 : memref<1x64x128xf32, #tpu.memory_space<vmem>> -> memref<64x128xf32, #tpu.memory_space<vmem>>
      %gather3A_1874 = tpu.vector_load_idx %gather3A_1873[%add3A_1868, %broadcast_in_dim3A_1733] : memref<64x128xf32, #tpu.memory_space<vmem>>[vector<16xi32>, vector<16xi32>], vector<16xf32>,
      %mul3A_1875 = arith.mulf %gather3A_1752, %mul3A_1832 : vector<16xf32>
      %add3A_1876 = arith.addf %gather3A_1874, %mul3A_1875 : vector<16xf32>
      tpu.vector_store_idx %arg8[%add3A_1868, %broadcast_in_dim3A_1736], %add3A_1876 : memref<64x256xf32, #tpu.memory_space<vmem>>[vector<16xi32>, vector<16xi32>], vector<16xf32>,
      %add3A_1877 = arith.constant 6 : i32
      %add3A_1878 = arith.addi %add3A_687, %add3A_1877 : i32
      %add3A_1879 = arith.constant 8 : i32
      %add3A_1880 = arith.addi %add3A_1878, %add3A_1879 : i32
      %sub3A_1881 = arith.constant 1 : i32
      %sub3A_1882 = arith.subi %add3A_1880, %sub3A_1881 : i32
      %lt3A_1883 = arith.constant 512 : i32
      %lt3A_1884 = arith.cmpi slt, %sub3A_1882, %lt3A_1883 : i32
      %convert_element_type3A_1885 = arith.extui %lt3A_1884 : i1 to i32
      %cond3A_1886 = arith.constant 0 : i32
      %cond3A_1887 = arith.cmpi ne, %convert_element_type3A_1885, %cond3A_1886 : i32
      scf.if %cond3A_1887 {
        %add3A_2275 = arith.constant 8 : i32
        %add3A_2276 = arith.addi %add3A_1878, %add3A_2275 : i32
        %sub3A_2277 = arith.constant 1 : i32
        %sub3A_2278 = arith.subi %add3A_2276, %sub3A_2277 : i32
        %shift_right_logical3A_2279 = arith.constant 4 : i32
        %shift_right_logical3A_2280 = arith.shrui %sub3A_2278, %shift_right_logical3A_2279 : i32
        %shift_right_logical3A_2281 = arith.constant 3 : i32
        %shift_right_logical3A_2282 = arith.shrui %shift_right_logical3A_2280, %shift_right_logical3A_2281 : i32
        %and3A_2283 = arith.constant 7 : i32
        %and3A_2284 = arith.andi %shift_right_logical3A_2280, %and3A_2283 : i32
        %mul3A_2285 = arith.constant 16 : i32
        %mul3A_2286 = arith.muli %and3A_2284, %mul3A_2285 : i32
        %multiple_of3A_2287 = tpu.assume_multiple %mul3A_2286, 16 : i32
        %get3A_2288 = arith.index_cast %shift_right_logical3A_2282 : i32 to index
        %get3A_2289 = arith.index_cast %multiple_of3A_2287 : i32 to index
        %get3A_2290 = tpu.vector_load %arg6[%get3A_2288, %get3A_2289] {strides = array<i32>} : memref<4x128xi32, #tpu.memory_space<vmem>>, vector<16xi32>,
        %and3A_2291 = arith.constant 15 : i32
        %and3A_2292 = arith.andi %sub3A_2278, %and3A_2291 : i32
        %broadcast_in_dim3A_2293 = vector.broadcast %and3A_2292 : i32 to vector<16xi32>
        %lt3A_2294 = arith.constant 0 : i32
        %lt3A_2295 = vector.broadcast %lt3A_2294 : i32 to vector<16xi32>
        %lt3A_2296 = arith.cmpi slt, %broadcast_in_dim3A_2293, %lt3A_2295 : vector<16xi32>
        %add3A_2297 = arith.constant 16 : i32
        %add3A_2298 = vector.broadcast %add3A_2297 : i32 to vector<16xi32>
        %add3A_2299 = arith.addi %broadcast_in_dim3A_2293, %add3A_2298 : vector<16xi32>
        %select_n3A_2300 = arith.select %lt3A_2296, %add3A_2299, %broadcast_in_dim3A_2293 : vector<16xi1>, vector<16xi32>
        %broadcast_in_dim3A_2301 = vector.shape_cast %select_n3A_2300 : vector<16xi32> to vector<16x1xi32>
        %gather3A_2302 = vector.shape_cast %broadcast_in_dim3A_2301 : vector<16x1xi32> to vector<16xi32>
        %gather3A_2303 = tpu.dynamic_gather %get3A_2290[%gather3A_2302] in [0] : vector<16xi32>, vector<16xi32> -> vector<16xi32>
        %slice3A_2304 = vector.extract_strided_slice %gather3A_2303 {offsets = [0], sizes = [1], strides = [1]} : vector<16xi32> to vector<1xi32>
        %squeeze3A_2305 = vector.extract %slice3A_2304[0] : i32 from vector<1xi32>
        %not3A_2306 = arith.constant 127 : i32
        %not3A_2307 = arith.constant -1 : i32
        %not3A_2308 = arith.xori %not3A_2306, %not3A_2307 : i32
        %and3A_2309 = arith.andi %squeeze3A_2305, %not3A_2308 : i32
        %multiple_of3A_2310 = tpu.assume_multiple %and3A_2309, 128 : i32
        %dma_start3A_2311 = arith.constant 5 : i32
        %dma_start3A_2312 = arith.constant 0 : i32
        %dma_start3A_2313 = arith.constant 0 : i32
        %dma_start3A_2314 = tpu.memref_slice %arg7[%dma_start3A_2311, %dma_start3A_2312, %dma_start3A_2313] : memref<8x64x128xf32, #tpu.memory_space<vmem>> -> memref<1x64x128xf32, #tpu.memory_space<vmem>>
        %dma_start3A_2315 = tpu.memref_squeeze %dma_start3A_2314 : memref<1x64x128xf32, #tpu.memory_space<vmem>> -> memref<64x128xf32, #tpu.memory_space<vmem>>
        %dma_start3A_2316 = arith.constant 0 : i32
        %dma_start3A_2317 = tpu.memref_slice %arg3[%dma_start3A_2316, %multiple_of3A_2310] : memref<64x1000000xf32, #tpu.memory_space<hbm>> -> memref<64x128xf32, #tpu.memory_space<hbm>>
        %dma_start3A_2318 = arith.constant 0 : i32
        %dma_start3A_2319 = arith.constant 0 : i32
        %dma_start3A_2320 = tpu.memref_slice %arg7[%dma_start3A_2311, %dma_start3A_2318, %dma_start3A_2319] : memref<8x64x128xf32, #tpu.memory_space<vmem>> -> memref<1x64x128xf32, #tpu.memory_space<vmem>>
        %dma_start3A_2321 = tpu.memref_squeeze %dma_start3A_2320 : memref<1x64x128xf32, #tpu.memory_space<vmem>> -> memref<64x128xf32, #tpu.memory_space<vmem>>
        %dma_start3A_2322 = arith.constant 0 : i32
        %dma_start3A_2323 = tpu.memref_slice %arg3[%dma_start3A_2322, %multiple_of3A_2310] : memref<64x1000000xf32, #tpu.memory_space<hbm>> -> memref<64x128xf32, #tpu.memory_space<hbm>>
        tpu.enqueue_dma source(%dma_start3A_2323 : memref<64x128xf32, #tpu.memory_space<hbm>>) target(%dma_start3A_2321 : memref<64x128xf32, #tpu.memory_space<vmem>>) target_semaphore(%arg15 : memref<!tpu.dma_semaphore, #tpu.memory_space<semaphore_mem>>)
      } else {
      }
      %dma_wait3A_1888 = arith.constant 6 : i32
      %dma_wait3A_1889 = arith.constant 0 : i32
      %dma_wait3A_1890 = arith.constant 0 : i32
      %dma_wait3A_1891 = tpu.memref_slice %arg7[%dma_wait3A_1888, %dma_wait3A_1889, %dma_wait3A_1890] : memref<8x64x128xf32, #tpu.memory_space<vmem>> -> memref<1x64x128xf32, #tpu.memory_space<vmem>>
      %dma_wait3A_1892 = tpu.memref_squeeze %dma_wait3A_1891 : memref<1x64x128xf32, #tpu.memory_space<vmem>> -> memref<64x128xf32, #tpu.memory_space<vmem>>
      %dma_wait3A_1893 = arith.constant 0 : i32
      %dma_wait3A_1894 = arith.constant 0 : i32
      %dma_wait3A_1895 = tpu.memref_slice %arg3[%dma_wait3A_1893, %dma_wait3A_1894] : memref<64x1000000xf32, #tpu.memory_space<hbm>> -> memref<64x128xf32, #tpu.memory_space<hbm>>
      %dma_wait3A_1896 = arith.constant 0 : i32
      %dma_wait3A_1897 = arith.constant 0 : i32
      %dma_wait3A_1898 = tpu.memref_slice %arg7[%dma_wait3A_1888, %dma_wait3A_1896, %dma_wait3A_1897] : memref<8x64x128xf32, #tpu.memory_space<vmem>> -> memref<1x64x128xf32, #tpu.memory_space<vmem>>
      %dma_wait3A_1899 = tpu.memref_squeeze %dma_wait3A_1898 : memref<1x64x128xf32, #tpu.memory_space<vmem>> -> memref<64x128xf32, #tpu.memory_space<vmem>>
      %dma_wait3A_1900 = arith.constant 0 : i32
      %dma_wait3A_1901 = arith.constant 0 : i32
      %dma_wait3A_1902 = tpu.memref_slice %arg3[%dma_wait3A_1900, %dma_wait3A_1901] : memref<64x1000000xf32, #tpu.memory_space<hbm>> -> memref<64x128xf32, #tpu.memory_space<hbm>>
      tpu.wait_dma2 semaphore(%arg16 : memref<!tpu.dma_semaphore, #tpu.memory_space<semaphore_mem>>) src(%dma_wait3A_1902 : memref<64x128xf32, #tpu.memory_space<hbm>>) dst(%dma_wait3A_1899 : memref<64x128xf32, #tpu.memory_space<vmem>>)
      %shift_right_logical3A_1903 = arith.constant 4 : i32
      %shift_right_logical3A_1904 = arith.shrui %add3A_1878, %shift_right_logical3A_1903 : i32
      %shift_right_logical3A_1905 = arith.constant 3 : i32
      %shift_right_logical3A_1906 = arith.shrui %shift_right_logical3A_1904, %shift_right_logical3A_1905 : i32
      %and3A_1907 = arith.constant 7 : i32
      %and3A_1908 = arith.andi %shift_right_logical3A_1904, %and3A_1907 : i32
      %mul3A_1909 = arith.constant 16 : i32
      %mul3A_1910 = arith.muli %and3A_1908, %mul3A_1909 : i32
      %multiple_of3A_1911 = tpu.assume_multiple %mul3A_1910, 16 : i32
      %get3A_1912 = arith.index_cast %shift_right_logical3A_1906 : i32 to index
      %get3A_1913 = arith.index_cast %multiple_of3A_1911 : i32 to index
      %get3A_1914 = tpu.vector_load %arg6[%get3A_1912, %get3A_1913] {strides = array<i32>} : memref<4x128xi32, #tpu.memory_space<vmem>>, vector<16xi32>,
      %and3A_1915 = arith.constant 15 : i32
      %and3A_1916 = arith.andi %add3A_1878, %and3A_1915 : i32
      %broadcast_in_dim3A_1917 = vector.broadcast %and3A_1916 : i32 to vector<16xi32>
      %lt3A_1918 = arith.constant 0 : i32
      %lt3A_1919 = vector.broadcast %lt3A_1918 : i32 to vector<16xi32>
      %lt3A_1920 = arith.cmpi slt, %broadcast_in_dim3A_1917, %lt3A_1919 : vector<16xi32>
      %add3A_1921 = arith.constant 16 : i32
      %add3A_1922 = vector.broadcast %add3A_1921 : i32 to vector<16xi32>
      %add3A_1923 = arith.addi %broadcast_in_dim3A_1917, %add3A_1922 : vector<16xi32>
      %select_n3A_1924 = arith.select %lt3A_1920, %add3A_1923, %broadcast_in_dim3A_1917 : vector<16xi1>, vector<16xi32>
      %broadcast_in_dim3A_1925 = vector.shape_cast %select_n3A_1924 : vector<16xi32> to vector<16x1xi32>
      %gather3A_1926 = vector.shape_cast %broadcast_in_dim3A_1925 : vector<16x1xi32> to vector<16xi32>
      %gather3A_1927 = tpu.dynamic_gather %get3A_1914[%gather3A_1926] in [0] : vector<16xi32>, vector<16xi32> -> vector<16xi32>
      %slice3A_1928 = vector.extract_strided_slice %gather3A_1927 {offsets = [0], sizes = [1], strides = [1]} : vector<16xi32> to vector<1xi32>
      %squeeze3A_1929 = vector.extract %slice3A_1928[0] : i32 from vector<1xi32>
      %and3A_1930 = arith.constant 127 : i32
      %and3A_1931 = arith.andi %squeeze3A_1929, %and3A_1930 : i32
      %broadcast_in_dim3A_1932 = vector.broadcast %and3A_1931 : i32 to vector<16xi32>
      %and3A_1933 = arith.constant 255 : i32
      %and3A_1934 = arith.andi %add3A_1878, %and3A_1933 : i32
      %broadcast_in_dim3A_1935 = vector.broadcast %and3A_1934 : i32 to vector<16xi32>
      %add3A_1936 = arith.constant 0 : i32
      %add3A_1937 = vector.broadcast %add3A_1936 : i32 to vector<16xi32>
      %add3A_1938 = arith.addi %iota3A, %add3A_1937 : vector<16xi32>
      %gather3A_1939 = tpu.vector_load_idx %arg9[%add3A_1938, %broadcast_in_dim3A_1935] : memref<64x256xf32, #tpu.memory_space<vmem>>[vector<16xi32>, vector<16xi32>], vector<16xf32>,
      %add3A_1940 = arith.constant 16 : i32
      %add3A_1941 = vector.broadcast %add3A_1940 : i32 to vector<16xi32>
      %add3A_1942 = arith.addi %iota3A, %add3A_1941 : vector<16xi32>
      %gather3A_1943 = tpu.vector_load_idx %arg9[%add3A_1942, %broadcast_in_dim3A_1935] : memref<64x256xf32, #tpu.memory_space<vmem>>[vector<16xi32>, vector<16xi32>], vector<16xf32>,
      %add3A_1944 = arith.constant 32 : i32
      %add3A_1945 = vector.broadcast %add3A_1944 : i32 to vector<16xi32>
      %add3A_1946 = arith.addi %iota3A, %add3A_1945 : vector<16xi32>
      %gather3A_1947 = tpu.vector_load_idx %arg9[%add3A_1946, %broadcast_in_dim3A_1935] : memref<64x256xf32, #tpu.memory_space<vmem>>[vector<16xi32>, vector<16xi32>], vector<16xf32>,
      %add3A_1948 = arith.constant 48 : i32
      %add3A_1949 = vector.broadcast %add3A_1948 : i32 to vector<16xi32>
      %add3A_1950 = arith.addi %iota3A, %add3A_1949 : vector<16xi32>
      %gather3A_1951 = tpu.vector_load_idx %arg9[%add3A_1950, %broadcast_in_dim3A_1935] : memref<64x256xf32, #tpu.memory_space<vmem>>[vector<16xi32>, vector<16xi32>], vector<16xf32>,
      %mul3A_1952 = arith.mulf %gather3A_1939, %gather3A_1939 : vector<16xf32>
      %mul3A_1953 = arith.mulf %gather3A_1943, %gather3A_1943 : vector<16xf32>
      %add3A_1954 = arith.addf %mul3A_1952, %mul3A_1953 : vector<16xf32>
      %mul3A_1955 = arith.mulf %gather3A_1947, %gather3A_1947 : vector<16xf32>
      %add3A_1956 = arith.addf %add3A_1954, %mul3A_1955 : vector<16xf32>
      %mul3A_1957 = arith.mulf %gather3A_1951, %gather3A_1951 : vector<16xf32>
      %add3A_1958 = arith.addf %add3A_1956, %mul3A_1957 : vector<16xf32>
      %lt3A_1959 = arith.constant 0 : i32
      %lt3A_1960 = vector.broadcast %lt3A_1959 : i32 to vector<16xi32>
      %lt3A_1961 = arith.cmpi slt, %xor3A_4, %lt3A_1960 : vector<16xi32>
      %add3A_1962 = arith.constant 16 : i32
      %add3A_1963 = vector.broadcast %add3A_1962 : i32 to vector<16xi32>
      %add3A_1964 = arith.addi %xor3A_4, %add3A_1963 : vector<16xi32>
      %select_n3A_1965 = arith.select %lt3A_1961, %add3A_1964, %xor3A_4 : vector<16xi1>, vector<16xi32>
      %broadcast_in_dim3A_1966 = vector.shape_cast %select_n3A_1965 : vector<16xi32> to vector<16x1xi32>
      %gather3A_1967 = vector.shape_cast %broadcast_in_dim3A_1966 : vector<16x1xi32> to vector<16xi32>
      %gather3A_1968 = tpu.dynamic_gather %add3A_1958[%gather3A_1967] in [0] : vector<16xf32>, vector<16xi32> -> vector<16xf32>
      %add3A_1969 = arith.addf %add3A_1958, %gather3A_1968 : vector<16xf32>
      %lt3A_1970 = arith.constant 0 : i32
      %lt3A_1971 = vector.broadcast %lt3A_1970 : i32 to vector<16xi32>
      %lt3A_1972 = arith.cmpi slt, %xor3A_7, %lt3A_1971 : vector<16xi32>
      %add3A_1973 = arith.constant 16 : i32
      %add3A_1974 = vector.broadcast %add3A_1973 : i32 to vector<16xi32>
      %add3A_1975 = arith.addi %xor3A_7, %add3A_1974 : vector<16xi32>
      %select_n3A_1976 = arith.select %lt3A_1972, %add3A_1975, %xor3A_7 : vector<16xi1>, vector<16xi32>
      %broadcast_in_dim3A_1977 = vector.shape_cast %select_n3A_1976 : vector<16xi32> to vector<16x1xi32>
      %gather3A_1978 = vector.shape_cast %broadcast_in_dim3A_1977 : vector<16x1xi32> to vector<16xi32>
      %gather3A_1979 = tpu.dynamic_gather %add3A_1969[%gather3A_1978] in [0] : vector<16xf32>, vector<16xi32> -> vector<16xf32>
      %add3A_1980 = arith.addf %add3A_1969, %gather3A_1979 : vector<16xf32>
      %lt3A_1981 = arith.constant 0 : i32
      %lt3A_1982 = vector.broadcast %lt3A_1981 : i32 to vector<16xi32>
      %lt3A_1983 = arith.cmpi slt, %xor3A_10, %lt3A_1982 : vector<16xi32>
      %add3A_1984 = arith.constant 16 : i32
      %add3A_1985 = vector.broadcast %add3A_1984 : i32 to vector<16xi32>
      %add3A_1986 = arith.addi %xor3A_10, %add3A_1985 : vector<16xi32>
      %select_n3A_1987 = arith.select %lt3A_1983, %add3A_1986, %xor3A_10 : vector<16xi1>, vector<16xi32>
      %broadcast_in_dim3A_1988 = vector.shape_cast %select_n3A_1987 : vector<16xi32> to vector<16x1xi32>
      %gather3A_1989 = vector.shape_cast %broadcast_in_dim3A_1988 : vector<16x1xi32> to vector<16xi32>
      %gather3A_1990 = tpu.dynamic_gather %add3A_1980[%gather3A_1989] in [0] : vector<16xf32>, vector<16xi32> -> vector<16xf32>
      %add3A_1991 = arith.addf %add3A_1980, %gather3A_1990 : vector<16xf32>
      %lt3A_1992 = arith.constant 0 : i32
      %lt3A_1993 = vector.broadcast %lt3A_1992 : i32 to vector<16xi32>
      %lt3A_1994 = arith.cmpi slt, %xor3A_13, %lt3A_1993 : vector<16xi32>
      %add3A_1995 = arith.constant 16 : i32
      %add3A_1996 = vector.broadcast %add3A_1995 : i32 to vector<16xi32>
      %add3A_1997 = arith.addi %xor3A_13, %add3A_1996 : vector<16xi32>
      %select_n3A_1998 = arith.select %lt3A_1994, %add3A_1997, %xor3A_13 : vector<16xi1>, vector<16xi32>
      %broadcast_in_dim3A_1999 = vector.shape_cast %select_n3A_1998 : vector<16xi32> to vector<16x1xi32>
      %gather3A_2000 = vector.shape_cast %broadcast_in_dim3A_1999 : vector<16x1xi32> to vector<16xi32>
      %gather3A_2001 = tpu.dynamic_gather %add3A_1991[%gather3A_2000] in [0] : vector<16xf32>, vector<16xi32> -> vector<16xf32>
      %add3A_2002 = arith.addf %add3A_1991, %gather3A_2001 : vector<16xf32>
      %bitcast_convert_type3A_2003 = tpu.bitcast %add3A_2002 : vector<16xf32> -> vector<16xi32>
      %shift_right_logical3A_2004 = arith.constant 1 : i32
      %shift_right_logical3A_2005 = vector.broadcast %shift_right_logical3A_2004 : i32 to vector<16xi32>
      %shift_right_logical3A_2006 = arith.shrui %bitcast_convert_type3A_2003, %shift_right_logical3A_2005 : vector<16xi32>
      %sub3A_2007 = arith.constant 1597463007 : i32
      %sub3A_2008 = vector.broadcast %sub3A_2007 : i32 to vector<16xi32>
      %sub3A_2009 = arith.subi %sub3A_2008, %shift_right_logical3A_2006 : vector<16xi32>
      %bitcast_convert_type3A_2010 = tpu.bitcast %sub3A_2009 : vector<16xi32> -> vector<16xf32>
      %mul3A_2011 = arith.constant 5.000000e-01 : f32
      %mul3A_2012 = vector.broadcast %mul3A_2011 : f32 to vector<16xf32>
      %mul3A_2013 = arith.mulf %add3A_2002, %mul3A_2012 : vector<16xf32>
      %mul3A_2014 = arith.mulf %mul3A_2013, %bitcast_convert_type3A_2010 : vector<16xf32>
      %mul3A_2015 = arith.mulf %mul3A_2014, %bitcast_convert_type3A_2010 : vector<16xf32>
      %sub3A_2016 = arith.constant 1.500000e+00 : f32
      %sub3A_2017 = vector.broadcast %sub3A_2016 : f32 to vector<16xf32>
      %sub3A_2018 = arith.subf %sub3A_2017, %mul3A_2015 : vector<16xf32>
      %mul3A_2019 = arith.mulf %bitcast_convert_type3A_2010, %sub3A_2018 : vector<16xf32>
      %mul3A_2020 = arith.mulf %mul3A_2013, %mul3A_2019 : vector<16xf32>
      %mul3A_2021 = arith.mulf %mul3A_2020, %mul3A_2019 : vector<16xf32>
      %sub3A_2022 = arith.constant 1.500000e+00 : f32
      %sub3A_2023 = vector.broadcast %sub3A_2022 : f32 to vector<16xf32>
      %sub3A_2024 = arith.subf %sub3A_2023, %mul3A_2021 : vector<16xf32>
      %mul3A_2025 = arith.mulf %mul3A_2019, %sub3A_2024 : vector<16xf32>
      %mul3A_2026 = arith.mulf %mul3A_2013, %mul3A_2025 : vector<16xf32>
      %mul3A_2027 = arith.mulf %mul3A_2026, %mul3A_2025 : vector<16xf32>
      %sub3A_2028 = arith.constant 1.500000e+00 : f32
      %sub3A_2029 = vector.broadcast %sub3A_2028 : f32 to vector<16xf32>
      %sub3A_2030 = arith.subf %sub3A_2029, %mul3A_2027 : vector<16xf32>
      %mul3A_2031 = arith.mulf %mul3A_2025, %sub3A_2030 : vector<16xf32>
      %add3A_2032 = arith.constant 0 : i32
      %add3A_2033 = vector.broadcast %add3A_2032 : i32 to vector<16xi32>
      %add3A_2034 = arith.addi %iota3A, %add3A_2033 : vector<16xi32>
      %gather3A_2035 = arith.constant 6 : i32
      %gather3A_2036 = arith.constant 0 : i32
      %gather3A_2037 = arith.constant 0 : i32
      %gather3A_2038 = tpu.memref_slice %arg7[%gather3A_2035, %gather3A_2036, %gather3A_2037] : memref<8x64x128xf32, #tpu.memory_space<vmem>> -> memref<1x64x128xf32, #tpu.memory_space<vmem>>
      %gather3A_2039 = tpu.memref_squeeze %gather3A_2038 : memref<1x64x128xf32, #tpu.memory_space<vmem>> -> memref<64x128xf32, #tpu.memory_space<vmem>>
      %gather3A_2040 = tpu.vector_load_idx %gather3A_2039[%add3A_2034, %broadcast_in_dim3A_1932] : memref<64x128xf32, #tpu.memory_space<vmem>>[vector<16xi32>, vector<16xi32>], vector<16xf32>,
      %mul3A_2041 = arith.mulf %gather3A_1939, %mul3A_2031 : vector<16xf32>
      %add3A_2042 = arith.addf %gather3A_2040, %mul3A_2041 : vector<16xf32>
      tpu.vector_store_idx %arg8[%add3A_2034, %broadcast_in_dim3A_1935], %add3A_2042 : memref<64x256xf32, #tpu.memory_space<vmem>>[vector<16xi32>, vector<16xi32>], vector<16xf32>,
      %add3A_2043 = arith.constant 16 : i32
      %add3A_2044 = vector.broadcast %add3A_2043 : i32 to vector<16xi32>
      %add3A_2045 = arith.addi %iota3A, %add3A_2044 : vector<16xi32>
      %gather3A_2046 = arith.constant 6 : i32
      %gather3A_2047 = arith.constant 0 : i32
      %gather3A_2048 = arith.constant 0 : i32
      %gather3A_2049 = tpu.memref_slice %arg7[%gather3A_2046, %gather3A_2047, %gather3A_2048] : memref<8x64x128xf32, #tpu.memory_space<vmem>> -> memref<1x64x128xf32, #tpu.memory_space<vmem>>
      %gather3A_2050 = tpu.memref_squeeze %gather3A_2049 : memref<1x64x128xf32, #tpu.memory_space<vmem>> -> memref<64x128xf32, #tpu.memory_space<vmem>>
      %gather3A_2051 = tpu.vector_load_idx %gather3A_2050[%add3A_2045, %broadcast_in_dim3A_1932] : memref<64x128xf32, #tpu.memory_space<vmem>>[vector<16xi32>, vector<16xi32>], vector<16xf32>,
      %mul3A_2052 = arith.mulf %gather3A_1943, %mul3A_2031 : vector<16xf32>
      %add3A_2053 = arith.addf %gather3A_2051, %mul3A_2052 : vector<16xf32>
      tpu.vector_store_idx %arg8[%add3A_2045, %broadcast_in_dim3A_1935], %add3A_2053 : memref<64x256xf32, #tpu.memory_space<vmem>>[vector<16xi32>, vector<16xi32>], vector<16xf32>,
      %add3A_2054 = arith.constant 32 : i32
      %add3A_2055 = vector.broadcast %add3A_2054 : i32 to vector<16xi32>
      %add3A_2056 = arith.addi %iota3A, %add3A_2055 : vector<16xi32>
      %gather3A_2057 = arith.constant 6 : i32
      %gather3A_2058 = arith.constant 0 : i32
      %gather3A_2059 = arith.constant 0 : i32
      %gather3A_2060 = tpu.memref_slice %arg7[%gather3A_2057, %gather3A_2058, %gather3A_2059] : memref<8x64x128xf32, #tpu.memory_space<vmem>> -> memref<1x64x128xf32, #tpu.memory_space<vmem>>
      %gather3A_2061 = tpu.memref_squeeze %gather3A_2060 : memref<1x64x128xf32, #tpu.memory_space<vmem>> -> memref<64x128xf32, #tpu.memory_space<vmem>>
      %gather3A_2062 = tpu.vector_load_idx %gather3A_2061[%add3A_2056, %broadcast_in_dim3A_1932] : memref<64x128xf32, #tpu.memory_space<vmem>>[vector<16xi32>, vector<16xi32>], vector<16xf32>,
      %mul3A_2063 = arith.mulf %gather3A_1947, %mul3A_2031 : vector<16xf32>
      %add3A_2064 = arith.addf %gather3A_2062, %mul3A_2063 : vector<16xf32>
      tpu.vector_store_idx %arg8[%add3A_2056, %broadcast_in_dim3A_1935], %add3A_2064 : memref<64x256xf32, #tpu.memory_space<vmem>>[vector<16xi32>, vector<16xi32>], vector<16xf32>,
      %add3A_2065 = arith.constant 48 : i32
      %add3A_2066 = vector.broadcast %add3A_2065 : i32 to vector<16xi32>
      %add3A_2067 = arith.addi %iota3A, %add3A_2066 : vector<16xi32>
      %gather3A_2068 = arith.constant 6 : i32
      %gather3A_2069 = arith.constant 0 : i32
      %gather3A_2070 = arith.constant 0 : i32
      %gather3A_2071 = tpu.memref_slice %arg7[%gather3A_2068, %gather3A_2069, %gather3A_2070] : memref<8x64x128xf32, #tpu.memory_space<vmem>> -> memref<1x64x128xf32, #tpu.memory_space<vmem>>
      %gather3A_2072 = tpu.memref_squeeze %gather3A_2071 : memref<1x64x128xf32, #tpu.memory_space<vmem>> -> memref<64x128xf32, #tpu.memory_space<vmem>>
      %gather3A_2073 = tpu.vector_load_idx %gather3A_2072[%add3A_2067, %broadcast_in_dim3A_1932] : memref<64x128xf32, #tpu.memory_space<vmem>>[vector<16xi32>, vector<16xi32>], vector<16xf32>,
      %mul3A_2074 = arith.mulf %gather3A_1951, %mul3A_2031 : vector<16xf32>
      %add3A_2075 = arith.addf %gather3A_2073, %mul3A_2074 : vector<16xf32>
      tpu.vector_store_idx %arg8[%add3A_2067, %broadcast_in_dim3A_1935], %add3A_2075 : memref<64x256xf32, #tpu.memory_space<vmem>>[vector<16xi32>, vector<16xi32>], vector<16xf32>,
      %add3A_2076 = arith.constant 7 : i32
      %add3A_2077 = arith.addi %add3A_687, %add3A_2076 : i32
      %add3A_2078 = arith.constant 8 : i32
      %add3A_2079 = arith.addi %add3A_2077, %add3A_2078 : i32
      %sub3A_2080 = arith.constant 1 : i32
      %sub3A_2081 = arith.subi %add3A_2079, %sub3A_2080 : i32
      %lt3A_2082 = arith.constant 512 : i32
      %lt3A_2083 = arith.cmpi slt, %sub3A_2081, %lt3A_2082 : i32
      %convert_element_type3A_2084 = arith.extui %lt3A_2083 : i1 to i32
      %cond3A_2085 = arith.constant 0 : i32
      %cond3A_2086 = arith.cmpi ne, %convert_element_type3A_2084, %cond3A_2085 : i32
      scf.if %cond3A_2086 {
        %add3A_2275 = arith.constant 8 : i32
        %add3A_2276 = arith.addi %add3A_2077, %add3A_2275 : i32
        %sub3A_2277 = arith.constant 1 : i32
        %sub3A_2278 = arith.subi %add3A_2276, %sub3A_2277 : i32
        %shift_right_logical3A_2279 = arith.constant 4 : i32
        %shift_right_logical3A_2280 = arith.shrui %sub3A_2278, %shift_right_logical3A_2279 : i32
        %shift_right_logical3A_2281 = arith.constant 3 : i32
        %shift_right_logical3A_2282 = arith.shrui %shift_right_logical3A_2280, %shift_right_logical3A_2281 : i32
        %and3A_2283 = arith.constant 7 : i32
        %and3A_2284 = arith.andi %shift_right_logical3A_2280, %and3A_2283 : i32
        %mul3A_2285 = arith.constant 16 : i32
        %mul3A_2286 = arith.muli %and3A_2284, %mul3A_2285 : i32
        %multiple_of3A_2287 = tpu.assume_multiple %mul3A_2286, 16 : i32
        %get3A_2288 = arith.index_cast %shift_right_logical3A_2282 : i32 to index
        %get3A_2289 = arith.index_cast %multiple_of3A_2287 : i32 to index
        %get3A_2290 = tpu.vector_load %arg6[%get3A_2288, %get3A_2289] {strides = array<i32>} : memref<4x128xi32, #tpu.memory_space<vmem>>, vector<16xi32>,
        %and3A_2291 = arith.constant 15 : i32
        %and3A_2292 = arith.andi %sub3A_2278, %and3A_2291 : i32
        %broadcast_in_dim3A_2293 = vector.broadcast %and3A_2292 : i32 to vector<16xi32>
        %lt3A_2294 = arith.constant 0 : i32
        %lt3A_2295 = vector.broadcast %lt3A_2294 : i32 to vector<16xi32>
        %lt3A_2296 = arith.cmpi slt, %broadcast_in_dim3A_2293, %lt3A_2295 : vector<16xi32>
        %add3A_2297 = arith.constant 16 : i32
        %add3A_2298 = vector.broadcast %add3A_2297 : i32 to vector<16xi32>
        %add3A_2299 = arith.addi %broadcast_in_dim3A_2293, %add3A_2298 : vector<16xi32>
        %select_n3A_2300 = arith.select %lt3A_2296, %add3A_2299, %broadcast_in_dim3A_2293 : vector<16xi1>, vector<16xi32>
        %broadcast_in_dim3A_2301 = vector.shape_cast %select_n3A_2300 : vector<16xi32> to vector<16x1xi32>
        %gather3A_2302 = vector.shape_cast %broadcast_in_dim3A_2301 : vector<16x1xi32> to vector<16xi32>
        %gather3A_2303 = tpu.dynamic_gather %get3A_2290[%gather3A_2302] in [0] : vector<16xi32>, vector<16xi32> -> vector<16xi32>
        %slice3A_2304 = vector.extract_strided_slice %gather3A_2303 {offsets = [0], sizes = [1], strides = [1]} : vector<16xi32> to vector<1xi32>
        %squeeze3A_2305 = vector.extract %slice3A_2304[0] : i32 from vector<1xi32>
        %not3A_2306 = arith.constant 127 : i32
        %not3A_2307 = arith.constant -1 : i32
        %not3A_2308 = arith.xori %not3A_2306, %not3A_2307 : i32
        %and3A_2309 = arith.andi %squeeze3A_2305, %not3A_2308 : i32
        %multiple_of3A_2310 = tpu.assume_multiple %and3A_2309, 128 : i32
        %dma_start3A_2311 = arith.constant 6 : i32
        %dma_start3A_2312 = arith.constant 0 : i32
        %dma_start3A_2313 = arith.constant 0 : i32
        %dma_start3A_2314 = tpu.memref_slice %arg7[%dma_start3A_2311, %dma_start3A_2312, %dma_start3A_2313] : memref<8x64x128xf32, #tpu.memory_space<vmem>> -> memref<1x64x128xf32, #tpu.memory_space<vmem>>
        %dma_start3A_2315 = tpu.memref_squeeze %dma_start3A_2314 : memref<1x64x128xf32, #tpu.memory_space<vmem>> -> memref<64x128xf32, #tpu.memory_space<vmem>>
        %dma_start3A_2316 = arith.constant 0 : i32
        %dma_start3A_2317 = tpu.memref_slice %arg3[%dma_start3A_2316, %multiple_of3A_2310] : memref<64x1000000xf32, #tpu.memory_space<hbm>> -> memref<64x128xf32, #tpu.memory_space<hbm>>
        %dma_start3A_2318 = arith.constant 0 : i32
        %dma_start3A_2319 = arith.constant 0 : i32
        %dma_start3A_2320 = tpu.memref_slice %arg7[%dma_start3A_2311, %dma_start3A_2318, %dma_start3A_2319] : memref<8x64x128xf32, #tpu.memory_space<vmem>> -> memref<1x64x128xf32, #tpu.memory_space<vmem>>
        %dma_start3A_2321 = tpu.memref_squeeze %dma_start3A_2320 : memref<1x64x128xf32, #tpu.memory_space<vmem>> -> memref<64x128xf32, #tpu.memory_space<vmem>>
        %dma_start3A_2322 = arith.constant 0 : i32
        %dma_start3A_2323 = tpu.memref_slice %arg3[%dma_start3A_2322, %multiple_of3A_2310] : memref<64x1000000xf32, #tpu.memory_space<hbm>> -> memref<64x128xf32, #tpu.memory_space<hbm>>
        tpu.enqueue_dma source(%dma_start3A_2323 : memref<64x128xf32, #tpu.memory_space<hbm>>) target(%dma_start3A_2321 : memref<64x128xf32, #tpu.memory_space<vmem>>) target_semaphore(%arg16 : memref<!tpu.dma_semaphore, #tpu.memory_space<semaphore_mem>>)
      } else {
      }
      %dma_wait3A_2087 = arith.constant 7 : i32
      %dma_wait3A_2088 = arith.constant 0 : i32
      %dma_wait3A_2089 = arith.constant 0 : i32
      %dma_wait3A_2090 = tpu.memref_slice %arg7[%dma_wait3A_2087, %dma_wait3A_2088, %dma_wait3A_2089] : memref<8x64x128xf32, #tpu.memory_space<vmem>> -> memref<1x64x128xf32, #tpu.memory_space<vmem>>
      %dma_wait3A_2091 = tpu.memref_squeeze %dma_wait3A_2090 : memref<1x64x128xf32, #tpu.memory_space<vmem>> -> memref<64x128xf32, #tpu.memory_space<vmem>>
      %dma_wait3A_2092 = arith.constant 0 : i32
      %dma_wait3A_2093 = arith.constant 0 : i32
      %dma_wait3A_2094 = tpu.memref_slice %arg3[%dma_wait3A_2092, %dma_wait3A_2093] : memref<64x1000000xf32, #tpu.memory_space<hbm>> -> memref<64x128xf32, #tpu.memory_space<hbm>>
      %dma_wait3A_2095 = arith.constant 0 : i32
      %dma_wait3A_2096 = arith.constant 0 : i32
      %dma_wait3A_2097 = tpu.memref_slice %arg7[%dma_wait3A_2087, %dma_wait3A_2095, %dma_wait3A_2096] : memref<8x64x128xf32, #tpu.memory_space<vmem>> -> memref<1x64x128xf32, #tpu.memory_space<vmem>>
      %dma_wait3A_2098 = tpu.memref_squeeze %dma_wait3A_2097 : memref<1x64x128xf32, #tpu.memory_space<vmem>> -> memref<64x128xf32, #tpu.memory_space<vmem>>
      %dma_wait3A_2099 = arith.constant 0 : i32
      %dma_wait3A_2100 = arith.constant 0 : i32
      %dma_wait3A_2101 = tpu.memref_slice %arg3[%dma_wait3A_2099, %dma_wait3A_2100] : memref<64x1000000xf32, #tpu.memory_space<hbm>> -> memref<64x128xf32, #tpu.memory_space<hbm>>
      tpu.wait_dma2 semaphore(%arg17 : memref<!tpu.dma_semaphore, #tpu.memory_space<semaphore_mem>>) src(%dma_wait3A_2101 : memref<64x128xf32, #tpu.memory_space<hbm>>) dst(%dma_wait3A_2098 : memref<64x128xf32, #tpu.memory_space<vmem>>)
      %shift_right_logical3A_2102 = arith.constant 4 : i32
      %shift_right_logical3A_2103 = arith.shrui %add3A_2077, %shift_right_logical3A_2102 : i32
      %shift_right_logical3A_2104 = arith.constant 3 : i32
      %shift_right_logical3A_2105 = arith.shrui %shift_right_logical3A_2103, %shift_right_logical3A_2104 : i32
      %and3A_2106 = arith.constant 7 : i32
      %and3A_2107 = arith.andi %shift_right_logical3A_2103, %and3A_2106 : i32
      %mul3A_2108 = arith.constant 16 : i32
      %mul3A_2109 = arith.muli %and3A_2107, %mul3A_2108 : i32
      %multiple_of3A_2110 = tpu.assume_multiple %mul3A_2109, 16 : i32
      %get3A_2111 = arith.index_cast %shift_right_logical3A_2105 : i32 to index
      %get3A_2112 = arith.index_cast %multiple_of3A_2110 : i32 to index
      %get3A_2113 = tpu.vector_load %arg6[%get3A_2111, %get3A_2112] {strides = array<i32>} : memref<4x128xi32, #tpu.memory_space<vmem>>, vector<16xi32>,
      %and3A_2114 = arith.constant 15 : i32
      %and3A_2115 = arith.andi %add3A_2077, %and3A_2114 : i32
      %broadcast_in_dim3A_2116 = vector.broadcast %and3A_2115 : i32 to vector<16xi32>
      %lt3A_2117 = arith.constant 0 : i32
      %lt3A_2118 = vector.broadcast %lt3A_2117 : i32 to vector<16xi32>
      %lt3A_2119 = arith.cmpi slt, %broadcast_in_dim3A_2116, %lt3A_2118 : vector<16xi32>
      %add3A_2120 = arith.constant 16 : i32
      %add3A_2121 = vector.broadcast %add3A_2120 : i32 to vector<16xi32>
      %add3A_2122 = arith.addi %broadcast_in_dim3A_2116, %add3A_2121 : vector<16xi32>
      %select_n3A_2123 = arith.select %lt3A_2119, %add3A_2122, %broadcast_in_dim3A_2116 : vector<16xi1>, vector<16xi32>
      %broadcast_in_dim3A_2124 = vector.shape_cast %select_n3A_2123 : vector<16xi32> to vector<16x1xi32>
      %gather3A_2125 = vector.shape_cast %broadcast_in_dim3A_2124 : vector<16x1xi32> to vector<16xi32>
      %gather3A_2126 = tpu.dynamic_gather %get3A_2113[%gather3A_2125] in [0] : vector<16xi32>, vector<16xi32> -> vector<16xi32>
      %slice3A_2127 = vector.extract_strided_slice %gather3A_2126 {offsets = [0], sizes = [1], strides = [1]} : vector<16xi32> to vector<1xi32>
      %squeeze3A_2128 = vector.extract %slice3A_2127[0] : i32 from vector<1xi32>
      %and3A_2129 = arith.constant 127 : i32
      %and3A_2130 = arith.andi %squeeze3A_2128, %and3A_2129 : i32
      %broadcast_in_dim3A_2131 = vector.broadcast %and3A_2130 : i32 to vector<16xi32>
      %and3A_2132 = arith.constant 255 : i32
      %and3A_2133 = arith.andi %add3A_2077, %and3A_2132 : i32
      %broadcast_in_dim3A_2134 = vector.broadcast %and3A_2133 : i32 to vector<16xi32>
      %add3A_2135 = arith.constant 0 : i32
      %add3A_2136 = vector.broadcast %add3A_2135 : i32 to vector<16xi32>
      %add3A_2137 = arith.addi %iota3A, %add3A_2136 : vector<16xi32>
      %gather3A_2138 = tpu.vector_load_idx %arg9[%add3A_2137, %broadcast_in_dim3A_2134] : memref<64x256xf32, #tpu.memory_space<vmem>>[vector<16xi32>, vector<16xi32>], vector<16xf32>,
      %add3A_2139 = arith.constant 16 : i32
      %add3A_2140 = vector.broadcast %add3A_2139 : i32 to vector<16xi32>
      %add3A_2141 = arith.addi %iota3A, %add3A_2140 : vector<16xi32>
      %gather3A_2142 = tpu.vector_load_idx %arg9[%add3A_2141, %broadcast_in_dim3A_2134] : memref<64x256xf32, #tpu.memory_space<vmem>>[vector<16xi32>, vector<16xi32>], vector<16xf32>,
      %add3A_2143 = arith.constant 32 : i32
      %add3A_2144 = vector.broadcast %add3A_2143 : i32 to vector<16xi32>
      %add3A_2145 = arith.addi %iota3A, %add3A_2144 : vector<16xi32>
      %gather3A_2146 = tpu.vector_load_idx %arg9[%add3A_2145, %broadcast_in_dim3A_2134] : memref<64x256xf32, #tpu.memory_space<vmem>>[vector<16xi32>, vector<16xi32>], vector<16xf32>,
      %add3A_2147 = arith.constant 48 : i32
      %add3A_2148 = vector.broadcast %add3A_2147 : i32 to vector<16xi32>
      %add3A_2149 = arith.addi %iota3A, %add3A_2148 : vector<16xi32>
      %gather3A_2150 = tpu.vector_load_idx %arg9[%add3A_2149, %broadcast_in_dim3A_2134] : memref<64x256xf32, #tpu.memory_space<vmem>>[vector<16xi32>, vector<16xi32>], vector<16xf32>,
      %mul3A_2151 = arith.mulf %gather3A_2138, %gather3A_2138 : vector<16xf32>
      %mul3A_2152 = arith.mulf %gather3A_2142, %gather3A_2142 : vector<16xf32>
      %add3A_2153 = arith.addf %mul3A_2151, %mul3A_2152 : vector<16xf32>
      %mul3A_2154 = arith.mulf %gather3A_2146, %gather3A_2146 : vector<16xf32>
      %add3A_2155 = arith.addf %add3A_2153, %mul3A_2154 : vector<16xf32>
      %mul3A_2156 = arith.mulf %gather3A_2150, %gather3A_2150 : vector<16xf32>
      %add3A_2157 = arith.addf %add3A_2155, %mul3A_2156 : vector<16xf32>
      %lt3A_2158 = arith.constant 0 : i32
      %lt3A_2159 = vector.broadcast %lt3A_2158 : i32 to vector<16xi32>
      %lt3A_2160 = arith.cmpi slt, %xor3A_4, %lt3A_2159 : vector<16xi32>
      %add3A_2161 = arith.constant 16 : i32
      %add3A_2162 = vector.broadcast %add3A_2161 : i32 to vector<16xi32>
      %add3A_2163 = arith.addi %xor3A_4, %add3A_2162 : vector<16xi32>
      %select_n3A_2164 = arith.select %lt3A_2160, %add3A_2163, %xor3A_4 : vector<16xi1>, vector<16xi32>
      %broadcast_in_dim3A_2165 = vector.shape_cast %select_n3A_2164 : vector<16xi32> to vector<16x1xi32>
      %gather3A_2166 = vector.shape_cast %broadcast_in_dim3A_2165 : vector<16x1xi32> to vector<16xi32>
      %gather3A_2167 = tpu.dynamic_gather %add3A_2157[%gather3A_2166] in [0] : vector<16xf32>, vector<16xi32> -> vector<16xf32>
      %add3A_2168 = arith.addf %add3A_2157, %gather3A_2167 : vector<16xf32>
      %lt3A_2169 = arith.constant 0 : i32
      %lt3A_2170 = vector.broadcast %lt3A_2169 : i32 to vector<16xi32>
      %lt3A_2171 = arith.cmpi slt, %xor3A_7, %lt3A_2170 : vector<16xi32>
      %add3A_2172 = arith.constant 16 : i32
      %add3A_2173 = vector.broadcast %add3A_2172 : i32 to vector<16xi32>
      %add3A_2174 = arith.addi %xor3A_7, %add3A_2173 : vector<16xi32>
      %select_n3A_2175 = arith.select %lt3A_2171, %add3A_2174, %xor3A_7 : vector<16xi1>, vector<16xi32>
      %broadcast_in_dim3A_2176 = vector.shape_cast %select_n3A_2175 : vector<16xi32> to vector<16x1xi32>
      %gather3A_2177 = vector.shape_cast %broadcast_in_dim3A_2176 : vector<16x1xi32> to vector<16xi32>
      %gather3A_2178 = tpu.dynamic_gather %add3A_2168[%gather3A_2177] in [0] : vector<16xf32>, vector<16xi32> -> vector<16xf32>
      %add3A_2179 = arith.addf %add3A_2168, %gather3A_2178 : vector<16xf32>
      %lt3A_2180 = arith.constant 0 : i32
      %lt3A_2181 = vector.broadcast %lt3A_2180 : i32 to vector<16xi32>
      %lt3A_2182 = arith.cmpi slt, %xor3A_10, %lt3A_2181 : vector<16xi32>
      %add3A_2183 = arith.constant 16 : i32
      %add3A_2184 = vector.broadcast %add3A_2183 : i32 to vector<16xi32>
      %add3A_2185 = arith.addi %xor3A_10, %add3A_2184 : vector<16xi32>
      %select_n3A_2186 = arith.select %lt3A_2182, %add3A_2185, %xor3A_10 : vector<16xi1>, vector<16xi32>
      %broadcast_in_dim3A_2187 = vector.shape_cast %select_n3A_2186 : vector<16xi32> to vector<16x1xi32>
      %gather3A_2188 = vector.shape_cast %broadcast_in_dim3A_2187 : vector<16x1xi32> to vector<16xi32>
      %gather3A_2189 = tpu.dynamic_gather %add3A_2179[%gather3A_2188] in [0] : vector<16xf32>, vector<16xi32> -> vector<16xf32>
      %add3A_2190 = arith.addf %add3A_2179, %gather3A_2189 : vector<16xf32>
      %lt3A_2191 = arith.constant 0 : i32
      %lt3A_2192 = vector.broadcast %lt3A_2191 : i32 to vector<16xi32>
      %lt3A_2193 = arith.cmpi slt, %xor3A_13, %lt3A_2192 : vector<16xi32>
      %add3A_2194 = arith.constant 16 : i32
      %add3A_2195 = vector.broadcast %add3A_2194 : i32 to vector<16xi32>
      %add3A_2196 = arith.addi %xor3A_13, %add3A_2195 : vector<16xi32>
      %select_n3A_2197 = arith.select %lt3A_2193, %add3A_2196, %xor3A_13 : vector<16xi1>, vector<16xi32>
      %broadcast_in_dim3A_2198 = vector.shape_cast %select_n3A_2197 : vector<16xi32> to vector<16x1xi32>
      %gather3A_2199 = vector.shape_cast %broadcast_in_dim3A_2198 : vector<16x1xi32> to vector<16xi32>
      %gather3A_2200 = tpu.dynamic_gather %add3A_2190[%gather3A_2199] in [0] : vector<16xf32>, vector<16xi32> -> vector<16xf32>
      %add3A_2201 = arith.addf %add3A_2190, %gather3A_2200 : vector<16xf32>
      %bitcast_convert_type3A_2202 = tpu.bitcast %add3A_2201 : vector<16xf32> -> vector<16xi32>
      %shift_right_logical3A_2203 = arith.constant 1 : i32
      %shift_right_logical3A_2204 = vector.broadcast %shift_right_logical3A_2203 : i32 to vector<16xi32>
      %shift_right_logical3A_2205 = arith.shrui %bitcast_convert_type3A_2202, %shift_right_logical3A_2204 : vector<16xi32>
      %sub3A_2206 = arith.constant 1597463007 : i32
      %sub3A_2207 = vector.broadcast %sub3A_2206 : i32 to vector<16xi32>
      %sub3A_2208 = arith.subi %sub3A_2207, %shift_right_logical3A_2205 : vector<16xi32>
      %bitcast_convert_type3A_2209 = tpu.bitcast %sub3A_2208 : vector<16xi32> -> vector<16xf32>
      %mul3A_2210 = arith.constant 5.000000e-01 : f32
      %mul3A_2211 = vector.broadcast %mul3A_2210 : f32 to vector<16xf32>
      %mul3A_2212 = arith.mulf %add3A_2201, %mul3A_2211 : vector<16xf32>
      %mul3A_2213 = arith.mulf %mul3A_2212, %bitcast_convert_type3A_2209 : vector<16xf32>
      %mul3A_2214 = arith.mulf %mul3A_2213, %bitcast_convert_type3A_2209 : vector<16xf32>
      %sub3A_2215 = arith.constant 1.500000e+00 : f32
      %sub3A_2216 = vector.broadcast %sub3A_2215 : f32 to vector<16xf32>
      %sub3A_2217 = arith.subf %sub3A_2216, %mul3A_2214 : vector<16xf32>
      %mul3A_2218 = arith.mulf %bitcast_convert_type3A_2209, %sub3A_2217 : vector<16xf32>
      %mul3A_2219 = arith.mulf %mul3A_2212, %mul3A_2218 : vector<16xf32>
      %mul3A_2220 = arith.mulf %mul3A_2219, %mul3A_2218 : vector<16xf32>
      %sub3A_2221 = arith.constant 1.500000e+00 : f32
      %sub3A_2222 = vector.broadcast %sub3A_2221 : f32 to vector<16xf32>
      %sub3A_2223 = arith.subf %sub3A_2222, %mul3A_2220 : vector<16xf32>
      %mul3A_2224 = arith.mulf %mul3A_2218, %sub3A_2223 : vector<16xf32>
      %mul3A_2225 = arith.mulf %mul3A_2212, %mul3A_2224 : vector<16xf32>
      %mul3A_2226 = arith.mulf %mul3A_2225, %mul3A_2224 : vector<16xf32>
      %sub3A_2227 = arith.constant 1.500000e+00 : f32
      %sub3A_2228 = vector.broadcast %sub3A_2227 : f32 to vector<16xf32>
      %sub3A_2229 = arith.subf %sub3A_2228, %mul3A_2226 : vector<16xf32>
      %mul3A_2230 = arith.mulf %mul3A_2224, %sub3A_2229 : vector<16xf32>
      %add3A_2231 = arith.constant 0 : i32
      %add3A_2232 = vector.broadcast %add3A_2231 : i32 to vector<16xi32>
      %add3A_2233 = arith.addi %iota3A, %add3A_2232 : vector<16xi32>
      %gather3A_2234 = arith.constant 7 : i32
      %gather3A_2235 = arith.constant 0 : i32
      %gather3A_2236 = arith.constant 0 : i32
      %gather3A_2237 = tpu.memref_slice %arg7[%gather3A_2234, %gather3A_2235, %gather3A_2236] : memref<8x64x128xf32, #tpu.memory_space<vmem>> -> memref<1x64x128xf32, #tpu.memory_space<vmem>>
      %gather3A_2238 = tpu.memref_squeeze %gather3A_2237 : memref<1x64x128xf32, #tpu.memory_space<vmem>> -> memref<64x128xf32, #tpu.memory_space<vmem>>
      %gather3A_2239 = tpu.vector_load_idx %gather3A_2238[%add3A_2233, %broadcast_in_dim3A_2131] : memref<64x128xf32, #tpu.memory_space<vmem>>[vector<16xi32>, vector<16xi32>], vector<16xf32>,
      %mul3A_2240 = arith.mulf %gather3A_2138, %mul3A_2230 : vector<16xf32>
      %add3A_2241 = arith.addf %gather3A_2239, %mul3A_2240 : vector<16xf32>
      tpu.vector_store_idx %arg8[%add3A_2233, %broadcast_in_dim3A_2134], %add3A_2241 : memref<64x256xf32, #tpu.memory_space<vmem>>[vector<16xi32>, vector<16xi32>], vector<16xf32>,
      %add3A_2242 = arith.constant 16 : i32
      %add3A_2243 = vector.broadcast %add3A_2242 : i32 to vector<16xi32>
      %add3A_2244 = arith.addi %iota3A, %add3A_2243 : vector<16xi32>
      %gather3A_2245 = arith.constant 7 : i32
      %gather3A_2246 = arith.constant 0 : i32
      %gather3A_2247 = arith.constant 0 : i32
      %gather3A_2248 = tpu.memref_slice %arg7[%gather3A_2245, %gather3A_2246, %gather3A_2247] : memref<8x64x128xf32, #tpu.memory_space<vmem>> -> memref<1x64x128xf32, #tpu.memory_space<vmem>>
      %gather3A_2249 = tpu.memref_squeeze %gather3A_2248 : memref<1x64x128xf32, #tpu.memory_space<vmem>> -> memref<64x128xf32, #tpu.memory_space<vmem>>
      %gather3A_2250 = tpu.vector_load_idx %gather3A_2249[%add3A_2244, %broadcast_in_dim3A_2131] : memref<64x128xf32, #tpu.memory_space<vmem>>[vector<16xi32>, vector<16xi32>], vector<16xf32>,
      %mul3A_2251 = arith.mulf %gather3A_2142, %mul3A_2230 : vector<16xf32>
      %add3A_2252 = arith.addf %gather3A_2250, %mul3A_2251 : vector<16xf32>
      tpu.vector_store_idx %arg8[%add3A_2244, %broadcast_in_dim3A_2134], %add3A_2252 : memref<64x256xf32, #tpu.memory_space<vmem>>[vector<16xi32>, vector<16xi32>], vector<16xf32>,
      %add3A_2253 = arith.constant 32 : i32
      %add3A_2254 = vector.broadcast %add3A_2253 : i32 to vector<16xi32>
      %add3A_2255 = arith.addi %iota3A, %add3A_2254 : vector<16xi32>
      %gather3A_2256 = arith.constant 7 : i32
      %gather3A_2257 = arith.constant 0 : i32
      %gather3A_2258 = arith.constant 0 : i32
      %gather3A_2259 = tpu.memref_slice %arg7[%gather3A_2256, %gather3A_2257, %gather3A_2258] : memref<8x64x128xf32, #tpu.memory_space<vmem>> -> memref<1x64x128xf32, #tpu.memory_space<vmem>>
      %gather3A_2260 = tpu.memref_squeeze %gather3A_2259 : memref<1x64x128xf32, #tpu.memory_space<vmem>> -> memref<64x128xf32, #tpu.memory_space<vmem>>
      %gather3A_2261 = tpu.vector_load_idx %gather3A_2260[%add3A_2255, %broadcast_in_dim3A_2131] : memref<64x128xf32, #tpu.memory_space<vmem>>[vector<16xi32>, vector<16xi32>], vector<16xf32>,
      %mul3A_2262 = arith.mulf %gather3A_2146, %mul3A_2230 : vector<16xf32>
      %add3A_2263 = arith.addf %gather3A_2261, %mul3A_2262 : vector<16xf32>
      tpu.vector_store_idx %arg8[%add3A_2255, %broadcast_in_dim3A_2134], %add3A_2263 : memref<64x256xf32, #tpu.memory_space<vmem>>[vector<16xi32>, vector<16xi32>], vector<16xf32>,
      %add3A_2264 = arith.constant 48 : i32
      %add3A_2265 = vector.broadcast %add3A_2264 : i32 to vector<16xi32>
      %add3A_2266 = arith.addi %iota3A, %add3A_2265 : vector<16xi32>
      %gather3A_2267 = arith.constant 7 : i32
      %gather3A_2268 = arith.constant 0 : i32
      %gather3A_2269 = arith.constant 0 : i32
      %gather3A_2270 = tpu.memref_slice %arg7[%gather3A_2267, %gather3A_2268, %gather3A_2269] : memref<8x64x128xf32, #tpu.memory_space<vmem>> -> memref<1x64x128xf32, #tpu.memory_space<vmem>>
      %gather3A_2271 = tpu.memref_squeeze %gather3A_2270 : memref<1x64x128xf32, #tpu.memory_space<vmem>> -> memref<64x128xf32, #tpu.memory_space<vmem>>
      %gather3A_2272 = tpu.vector_load_idx %gather3A_2271[%add3A_2266, %broadcast_in_dim3A_2131] : memref<64x128xf32, #tpu.memory_space<vmem>>[vector<16xi32>, vector<16xi32>], vector<16xf32>,
      %mul3A_2273 = arith.mulf %gather3A_2150, %mul3A_2230 : vector<16xf32>
      %add3A_2274 = arith.addf %gather3A_2272, %mul3A_2273 : vector<16xf32>
      tpu.vector_store_idx %arg8[%add3A_2266, %broadcast_in_dim3A_2134], %add3A_2274 : memref<64x256xf32, #tpu.memory_space<vmem>>[vector<16xi32>, vector<16xi32>], vector<16xf32>,
    }
    %scan3A_679 = arith.constant 32 : i32
    %add3A_680 = arith.constant 256 : i32
    %add3A_681 = arith.addi %mul3A_2, %add3A_680 : i32
    %multiple_of3A_682 = tpu.assume_multiple %add3A_681, 256 : i32
    "tpu.region"() ({
      %run_scoped3A = tpu.sem_alloc : memref<!tpu.dma_semaphore, #tpu.memory_space<semaphore_mem>>
      %dma_start3A_683 = arith.constant 0 : i32
      %dma_start3A_684 = tpu.memref_slice %arg5[%dma_start3A_683, %multiple_of3A_682] : memref<64x16384xf32, #tpu.memory_space<hbm>> -> memref<64x256xf32, #tpu.memory_space<hbm>>
      %dma_start3A_685 = arith.constant 0 : i32
      %dma_start3A_686 = tpu.memref_slice %arg5[%dma_start3A_685, %multiple_of3A_682] : memref<64x16384xf32, #tpu.memory_space<hbm>> -> memref<64x256xf32, #tpu.memory_space<hbm>>
      tpu.enqueue_dma source(%arg8 : memref<64x256xf32, #tpu.memory_space<vmem>>) target(%dma_start3A_686 : memref<64x256xf32, #tpu.memory_space<hbm>>) target_semaphore(%run_scoped3A : memref<!tpu.dma_semaphore, #tpu.memory_space<semaphore_mem>>)
      %dma_wait3A = arith.constant 0 : i32
      %dma_wait3A_687 = tpu.memref_slice %arg5[%dma_wait3A, %multiple_of3A_682] : memref<64x16384xf32, #tpu.memory_space<hbm>> -> memref<64x256xf32, #tpu.memory_space<hbm>>
      %dma_wait3A_688 = arith.constant 0 : i32
      %dma_wait3A_689 = tpu.memref_slice %arg5[%dma_wait3A_688, %multiple_of3A_682] : memref<64x16384xf32, #tpu.memory_space<hbm>> -> memref<64x256xf32, #tpu.memory_space<hbm>>
      tpu.wait_dma2 semaphore(%run_scoped3A : memref<!tpu.dma_semaphore, #tpu.memory_space<semaphore_mem>>) src(%arg8 : memref<64x256xf32, #tpu.memory_space<vmem>>) dst(%dma_wait3A_689 : memref<64x256xf32, #tpu.memory_space<hbm>>)
      tpu.yield
    }) : () -> ()
    return
  }
}

</mosaic_0001>

<sc_bundles>
// kernel: kernel.3.cloned.1.call-start
scs
__scs_entry_jumppad:
0x0: {  	(pc) =	sbr.rel $0x88, $3  }
0x1: {  	(tag) =	ssettag $0x0;
	lr =	simm.s32 $0x1  }
0x2: {  	[smem:$0x3F9E] =	sst lr;
	_ =	strace $0xD0000000  }
0x3: {  	_ = 	snop  }
0x4: {  	_ = 	snop  }
0x5: {  	_ = 	snop  }
0x6: {  	_ = 	snop  }
0x7: {  	_ = 	snop  }
__scs_overlays_trampoline_lowered:
0x8: {  	[smem:$0x3FAD] =	sst s0  }
0x9: {  	[smem:$0x3FAE] =	sst s1  }
0xa: {  	[smem:$0x3FAF] =	sst s2  }
0xb: {  	[smem:$0x3FB0] =	sst s3  }
0xc: {  	[smem:$0x3FB1] =	sst s4  }
0xd: {  	[smem:$0x3FB2] =	sst s5  }
0xe: {  	[smem:$0x3FB3] =	sst s6  }
0xf: {  	[smem:$0x3FB4] =	sst s7  }
0x10: {  	[smem:$0x3FB5] =	sst s8  }
0x11: {  	[smem:$0x3FB6] =	sst s9;
	s0 =	simm.s32 @!p0 $0x0  }
0x12: {  	s1 =	sld [smem:$0x3F9C];
	s0 =	simm.s32 @p0 $0x1  }
0x13: {  	[smem:$0x3FB7] =	sst s0;
	s0 =	simm.s32 @!p1 $0x0  }
0x14: {  	s2 =	sld [smem:$0x3F9B];
	s0 =	simm.s32 @p1 $0x1  }
0x15: {  	[smem:$0x3FB8] =	sst s0;
	s0 =	simm.s32 @!p2 $0x0  }
0x16: {  	s3 =	sld [smem:$0x3FDB];
	s0 =	simm.s32 @p2 $0x1  }
0x17: {  	s4 =	simm.s32 $0x1BF5;
	[smem:$0x3FBA] =	sst s0  }
0x18: {  	s0 =	sld [smem:$0x3F9D];
	_ =	swait.ge [sflag:s4], $0x0  }
0x19: {  	s7 =	sld [smem:$0x3F9E]  }
0x1a: {  	s8 =	sadd.s32 $0xFFFFE003, lr  }
0x1b: {  	s9 =	sadd.s32 $0xFFFFFEF7, lr;
	s5 =	simm.s32 $0xFFFFFFFF;
	p2 =	slt.u32 s8, $0xFFFFF086  }
0x1c: {  	p1 =	slt.u32 s9, $0xF7A;
	s5 =	simm.s32 @!p2 $0x0  }
0x1d: {  	s5 =	simm.s32 @p1 $0x1;
	p0 =	seq.s32 s7, s2  }
0x1e: {  	s7 =	smul.u32 @!p0 $0xF7A, s2;
	p2 =	seq.s32 @!p0 s5, $0x0  }
0x1f: {  	s9 =	smul.u32 $0xF7A, s1;
	s8 =	simm.s32 @!p0 $0x1BF5;
	p2 =	por !p2, p0  }
0x20: {  	[sflag:s8] =	ssyncset.s32 @!p0 $0xFFFFF086;
	s6 =	sadd.s32 @!p0 s3, s7;
	s7 =	simm.s32 @!p0 $0x108  }
0x21: {  	s3 =	sadd.s32 s3, s9;
	s6 =	sadd.s32 @!p0 $0x88, s6;
	s7 =	simm.s32 @p2 $0x1082  }
0x22: {  	[simem:s7], [sflag:s8] =	dma.local @!p0 [hbm:s6], $0xF7A  }
0x23: {  	s9 =	sor.u32 $0xD0000000, s2;
	s6 =	simm.s32 $0x108;
	_ =	swait.ge @!p0 [sflag:s8], $0x0  }
0x24: {  	s3 =	sadd.s32 $0x88, s3;
	s6 =	simm.s32 @!p1 $0x1082;
	[sflag:s4] =	ssyncset.s32 $0xFFFFF086  }
0x25: {  	[simem:s6], [sflag:s4] =	dma.local [hbm:s3], $0xF7A  }
0x26: {  	[smem:$0x3F9E] =	sst s1;
	(tag) =	ssettag s2;
	_ =	strace s9  }
0x27: {  	s1 =	sld [smem:$0x3FAE]  }
0x28: {  	s2 =	sld [smem:$0x3FAF]  }
0x29: {  	s4 =	sld [smem:$0x3FB1]  }
0x2a: {  	p0 =	seq.s32 s5, $0x0;
	s5 =	sld [smem:$0x3FB2]  }
0x2b: {  	s6 =	sld [smem:$0x3FB3]  }
0x2c: {  	s7 =	sld [smem:$0x3FB4]  }
0x2d: {  	s3 =	simm.s32 $0x108;
	s8 =	sld [smem:$0x3FB5]  }
0x2e: {  	s3 =	simm.s32 @!p0 $0x1082;
	s9 =	sld [smem:$0x3FB6]  }
0x2f: {  	lr =	sadd.s32 s0, s3;
	s0 =	sld [smem:$0x3FAD]  }
0x30: {  	s3 =	sld [smem:$0x3FB0]  }
0x31: {  	[smem:$0x3FB9] =	sst s10  }
0x32: {  	s10 =	sld [smem:$0x3FB7];
	_ =	sdelay $0x3  }
0x33: {  	p0 =	seq.s32 s10, $0x1;
	s10 =	sld [smem:$0x3FB9];
	_ =	sdelay $0x3  }
0x34: {  	[smem:$0x3FB9] =	sst s10  }
0x35: {  	s10 =	sld [smem:$0x3FB8];
	_ =	sdelay $0x3  }
0x36: {  	p1 =	seq.s32 s10, $0x1;
	s10 =	sld [smem:$0x3FB9];
	_ =	sdelay $0x3  }
0x37: {  	[smem:$0x3FB9] =	sst s10  }
0x38: {  	s10 =	sld [smem:$0x3FBA]  }
0x39: {  	_ = 	snop;
	(pc) =	sbr.ind lr, $3  }
0x3a: {  	_ = 	snop  }
0x3b: {  	_ = 	snop  }
0x3c: {  	p2 =	seq.s32 s10, $0x1;
	s10 =	sld [smem:$0x3FB9]  }
0x3d: {  	_ =	shalt  }
0x3e: {  	_ =	shalt  }
0x3f: {  	_ =	shalt  }
0x40: {  	_ =	shalt  }
0x41: {  	_ =	shalt  }
0x42: {  	_ =	shalt  }
0x43: {  	_ =	shalt  }
0x44: {  	_ =	shalt  }
0x45: {  	_ =	shalt  }
0x46: {  	_ =	shalt  }
0x47: {  	_ =	shalt  }
0x48: {  	_ =	shalt  }
0x49: {  	_ =	shalt  }
0x4a: {  	_ =	shalt  }
0x4b: {  	_ =	shalt  }
0x4c: {  	_ =	shalt  }
0x4d: {  	_ =	shalt  }
0x4e: {  	_ =	shalt  }
0x4f: {  	_ =	shalt  }
0x50: {  	_ =	shalt  }
0x51: {  	_ =	shalt  }
0x52: {  	_ =	shalt  }
0x53: {  	_ =	shalt  }
0x54: {  	_ =	shalt  }
0x55: {  	_ =	shalt  }
0x56: {  	_ =	shalt  }
0x57: {  	_ =	shalt  }
0x58: {  	_ =	shalt  }
0x59: {  	_ =	shalt  }
0x5a: {  	_ =	shalt  }
0x5b: {  	_ =	shalt  }
0x5c: {  	_ =	shalt  }
0x5d: {  	_ =	shalt  }
0x5e: {  	_ =	shalt  }
0x5f: {  	_ =	shalt  }
0x60: {  	_ =	shalt  }
0x61: {  	_ =	shalt  }
0x62: {  	_ =	shalt  }
0x63: {  	_ =	shalt  }
0x64: {  	_ =	shalt  }
0x65: {  	_ =	shalt  }
0x66: {  	_ =	shalt  }
0x67: {  	_ =	shalt  }
0x68: {  	_ =	shalt  }
0x69: {  	_ =	shalt  }
0x6a: {  	_ =	shalt  }
0x6b: {  	_ =	shalt  }
0x6c: {  	_ =	shalt  }
0x6d: {  	_ =	shalt  }
0x6e: {  	_ =	shalt  }
0x6f: {  	_ =	shalt  }
0x70: {  	_ =	shalt  }
0x71: {  	_ =	shalt  }
0x72: {  	_ =	shalt  }
0x73: {  	_ =	shalt  }
0x74: {  	_ =	shalt  }
0x75: {  	_ =	shalt  }
0x76: {  	_ =	shalt  }
0x77: {  	_ =	shalt  }
0x78: {  	_ =	shalt  }
0x79: {  	_ =	shalt  }
0x7a: {  	_ =	shalt  }
0x7b: {  	_ =	shalt  }
0x7c: {  	_ =	shalt  }
0x7d: {  	_ =	shalt  }
0x7e: {  	_ =	shalt  }
0x7f: {  	_ =	shalt  }
0x80: {  	_ =	shalt  }
0x81: {  	_ =	shalt  }
0x82: {  	_ =	shalt  }
0x83: {  	_ =	shalt  }
0x84: {  	_ =	shalt  }
0x85: {  	_ =	shalt  }
0x86: {  	_ =	shalt  }
0x87: {  	_ =	shalt  }
.Lfunc_end0:
.L_simem_size_0:
called_computation_lowered:
.L_overlay_start_0:
0x88: {  	s2 =	sld [smem:$0x3FD9]  }
0x89: {  	s3 =	sld [smem:$0x3FFE];
	_ =	sdelay $0x1  }
0x8a: {  	s1 =	srdreg.scid  }
0x8b: {  	s0 =	sand.u32 $0x1, s1  }
0x8c: {  	s18 =	sshll.u32 s0, $0xA;
	s2 =	sadd.s32 s3, s2  }
0x8d: {  	s2 =	sadd.s32 s2, s18  }
0x8e: {  	[smem:$0x3FC5] =	sst s2  }
0x8f: {  	_ = 	snop  }
0x90: {  	s2 =	sld [smem:$0x3FC9]  }
0x91: {  	s19 =	sld [smem:$0x3FC8]  }
0x92: {  	s4 =	sld [smem:$0x3FC7]  }
0x93: {  	s5 =	sld [smem:$0x3FD0];
	(tm) =	ssettm $0x1  }
0x94: {  	s6 =	sld [smem:$0x3FFB];
	_ =	sdelay $0x3  }
0x95: {  	_ =	strace s6  }
0x96: {  	s6 =	sld [smem:$0x3FFC];
	_ =	sdelay $0x3  }
0x97: {  	_ =	strace s6  }
0x98: {  	s6 =	sld [smem:$0x3FFD];
	_ =	sdelay $0x3  }
0x99: {  	_ =	strace s6  }
0x9a: {  	_ =	strace $0x8FFFFFFF  }
0x9b: {  	s20 =	sld [smem:$0x3FDB];
	_ =	sdelay $0x1  }
0x9c: {  	s7 =	simm.s32 $_scs_section_size  }
0x9d: {  	s8 =	simm.s32 $_size__tile_overlayer_lowered;
	s9 =	simm.s32 $_tile_overlayer_lowered  }
0x9e: {  	s23 =	simm.s32 $0x1BFF;
	s22 =	sshll.u32 s9, $0x1;
	s6 =	sadd.s32 s7, s20  }
0x9f: {  	s10 =	simm.s32 $0x0;
	s21 =	sshll.u32 s8, $0x1;
	s8 =	sadd.s32 s22, s6  }
0xa0: {  	[timem:s10], [sflag:s23] =	dma.local [hbm:s8], s21  }
0xa1: {  	_ =	swait.ge [sflag:s23], s21  }
0xa2: {  	s7 =	ssub.s32 $0x0, s21;
	[sflag:s23] =	ssyncset.done $0x0  }
0xa3: {  	[sflag:s23] =	ssyncadd.s32 s7;
	_ =	sdelay $0x1  }
0xa4: {  	s24 =	simm.s32 $0x1B8B  }
0xa5: {  	_ =	swait.ge [sflag:s24], $0x1  }
0xa6: {  	[sflag:s24] =	ssyncset.done $0x0  }
0xa7: {  	s25 =	simm.s32 $0x1B8E;
	[sflag:s24] =	ssyncadd.s32 $0xFFFFFFFF  }
0xa8: {  	s26 =	simm.s32 $execute0_lowered;
	[smem:$0x3FD2] =	sst s25  }
0xa9: {  	s7 =	sshll.u32 s26, $0x1;
	_ =	strace $0x80000046;
	[dreg:$0x1] =	wrdreg $0xFFFFFFFF  }
0xaa: {  	s28 =	simm.s32 $_size_execute0_lowered;
	s6 =	sadd.s32 s6, s7;
	[dreg:$0x0] =	wrdreg $0x0  }
0xab: {  	s7 =	sshll.u32 s28, $0x1;
	[dreg:$0x2] =	wrdreg s6  }
0xac: {  	[dreg:$0x3] =	wrdreg s7  }
0xad: {  	[dreg:$0x4] =	wrdreg $0xC0  }
0xae: {  	_ =	task [dreg:s10], $0x5FFFF  }
0xaf: {  	[dreg:$0x1] =	wrdreg $0xFFFFFFFF  }
0xb0: {  	[dreg:$0x0] =	wrdreg $0x60  }
0xb1: {  	[dreg:$0x2] =	wrdreg s19  }
0xb2: {  	[dreg:$0x3] =	wrdreg s4  }
0xb3: {  	[dreg:$0x4] =	wrdreg s2  }
0xb4: {  	[dreg:$0x5] =	wrdreg s5  }
0xb5: {  	[dreg:$0x6] =	wrdreg $0x9  }
0xb6: {  	_ =	task.clear_ibuf [dreg:s10], $0x7FFFF;
	_ =	strace $0x90000046  }
0xb7: {  	s29 =	simm.s32 $0x9;
	_ =	strace $0x80000048  }
0xb8: {  	_ =	swait.ge [sflag:s29], $0x1  }
0xb9: {  	[sflag:s29] =	ssyncadd.s32 $0xFFFFFFFF  }
0xba: {  	_ =	strace $0x90000048  }
0xbb: {  	_ =	sfence  }
0xbc: {  	s30 =	sld [smem:$0x0];
	_ =	sdelay $0x2  }
0xbd: {  	s31 =	sshll.u32 s1, $0xD;
	s1 =	sshrl.u32 s1, $0x2  }
0xbe: {  	s3 =	sand.u32 $0x4000, s31;
	s1 =	sadd.s32 s1, s30  }
0xbf: {  	s0 =	sor.u32 s3, s0;
	s1 =	sshll.u32 s1, $0x11  }
0xc0: {  	s0 =	sor.u32 s1, s0  }
0xc1: {  	s0 =	sadd.s32 $0x8F2B, s0  }
0xc2: {  	[sflag:s0] =	ssyncadd.remote.s32 $0x1  }
0xc3: {  	_ =	sfence.sel $0xFFFF  }
0xc4: {  	[dreg:$0x0] =	wrdreg $0xFFFFFFFF;
	(pc) =	sbr.abs _section_cstart, $3  }
0xc5: {  	[dreg:$0x1] =	wrdreg $0xFFFFFFFF  }
0xc6: {  	_ =	task.clear_ibuf [dreg:s10], $0x2FFFF;
	_ =	strace $0x9FFFFFFF  }
0xc7: {  	(tm) =	ssettm $0x7FFFFFFF  }
tec
execute0_lowered:
.L_overlay_start_1:
0x0: {  	(tag) =	ssettag $0x1  }
0x1: {  	v0 =	vimm.s32 $0xB80;
	vm14 =	vcmask $0x300;
	vm13 =	vcmask $0x704  }
0x2: {  	vm11 =	vcmask $0xB08;
	vm12 =	vcmask $0xF0C;
	vm10 =	vcmask $0x1310  }
0x3: {  	vm9 =	vcmask $0x1714;
	vm8 =	vcmask $0x1B18;
	vm7 =	vcmask $0x1F1C  }
0x4: {  	vm6 =	vcmask $0x2320;
	vm5 =	vcmask $0x2724;
	v7 =	vimm.s32 $0x1B80  }
0x5: {  	vm4 =	vcmask $0x2B28;
	vm3 =	vcmask $0x2F2C;
	v0 =	vsel vm14, $0x0, v0  }
0x6: {  	vm2 =	vcmask $0x3330;
	vm0 =	vcmask $0x3734;
	v1 =	vsel vm13, $0x80, v0  }
0x7: {  	v9 =	vimm.s32 $0x2B80;
	vm1 =	vcmask $0x3B38;
	v2 =	vsel vm11, $0x100, v1  }
0x8: {  	v11 =	vimm.s32 $0xFEDCBA98;
	v12 =	vimm.s32 $0x76543210;
	v3 =	vsel vm12, $0x180, v2  }
0x9: {  	v14 =	vimm.s32 $0xDCFE98BA;
	v15 =	vimm.s32 $0x54761032;
	v4 =	vsel vm10, $0x200, v3  }
0xa: {  	v16 =	vimm.s32 $0xEFCDAB89;
	v17 =	vimm.s32 $0x67452301;
	v5 =	vsel vm9, $0x280, v4  }
0xb: {  	v18 =	vlaneseq.u32;
	v7 =	vsel vm14, $0x1000, v7;
	v6 =	vsel vm8, $0x300, v5  }
0xc: {  	v9 =	vsel vm14, $0x2000, v9;
	v11 =	vunpack.c.l.s4.s8 v11;
	v6 =	vsel vm7, $0x380, v6  }
0xd: {  	v12 =	vunpack.c.l.s4.s8 v12;
	v7 =	vsel vm13, $0x1080, v7;
	v6 =	vsel vm6, $0x800, v6  }
0xe: {  	v14 =	vunpack.c.l.s4.s8 v14;
	v7 =	vsel vm11, $0x1100, v7;
	v6 =	vsel vm5, $0x880, v6  }
0xf: {  	v15 =	vunpack.c.l.s4.s8 v15;
	v7 =	vsel vm12, $0x1180, v7;
	v6 =	vsel vm4, $0x900, v6  }
0x10: {  	v16 =	vunpack.c.l.s4.s8 v16;
	v7 =	vsel vm10, $0x1200, v7;
	v8 =	vsel vm3, $0x980, v6  }
0x11: {  	v17 =	vunpack.c.l.s4.s8 v17;
	v7 =	vsel vm9, $0x1280, v7;
	v8 =	vsel vm2, $0xA00, v8  }
0x12: {  	v0 =	vimm.s32 $0x0;
	v10 =	vsel vm8, $0x1300, v7;
	v8 =	vsel vm0, $0xA80, v8  }
0x13: {  	v7 =	vsel vm1, $0xB00, v8;
	v8 =	vsel vm7, $0x1380, v10;
	v10 =	vimm.s32 $0x3B80  }
0x14: {  	v9 =	vsel vm13, $0x2080, v9;
	v1 =	vimm.s32 $0x1;
	v10 =	vsel vm14, $0x3000, v10  }
0x15: {  	s1 =	rddreg [dreg:$0x0];
	v9 =	vsel vm11, $0x2100, v9;
	v11 =	vunpack.c.0.s8.s32 v11;
	v10 =	vsel vm13, $0x3080, v10  }
0x16: {  	s0 =	rddreg [dreg:$0x1];
	v12 =	vunpack.c.0.s8.s32 v12;
	v14 =	vunpack.c.0.s8.s32 v14;
	v10 =	vsel vm11, $0x3100, v10  }
0x17: {  	s2 =	rddreg [dreg:$0x2];
	s3 =	srdreg.scid;
	v15 =	vunpack.c.0.s8.s32 v15;
	v16 =	vunpack.c.0.s8.s32 v16;
	v10 =	vsel vm12, $0x3180, v10  }
0x18: {  	s4 =	rddreg [dreg:$0x3];
	s5 =	stileid.u32;
	v17 =	vunpack.c.0.s8.s32 v17;
	v9 =	vsel vm12, $0x2180, v9;
	v10 =	vsel vm10, $0x3200, v10  }
0x19: {  	s7 =	simm.s32 $0x0;
	s8 =	simm.s32 $0x9;
	s13 =	simm.s32 $0x800;
	v2 =	vimm.s32 $0x2;
	v9 =	vsel vm10, $0x2200, v9;
	v10 =	vsel vm9, $0x3280, v10  }
0x1a: {  	s14 =	simm.s32 $0x20000;
	s11 =	simm.s32 $0x14200;
	s15 =	simm.s32 $0x7A1400;
	v3 =	vimm.s32 $0x3;
	v9 =	vsel vm9, $0x2280, v9;
	v10 =	vsel vm8, $0x3300, v10  }
0x1b: {  	s12 =	simm.s32 $0x400;
	s16 =	simm.s32 $0x200;
	s17 =	simm.s32 $0x2200;
	v11 =	vand.u32 $0xF, v11;
	v9 =	vsel vm8, $0x2300, v9;
	v10 =	vsel vm7, $0x3380, v10  }
0x1c: {  	s18 =	simm.s32 $0x4200;
	s19 =	simm.s32 $0x6200;
	s20 =	simm.s32 $0x8200;
	v14 =	vcombine.low v15, v14;
	v9 =	vsel vm7, $0x2380, v9;
	v10 =	vsel vm6, $0x3800, v10  }
0x1d: {  	s28 =	simm.s32 $0x3;
	s29 =	simm.s32 $0x4;
	s30 =	simm.s32 $0x5;
	v15 =	vcombine.low v17, v16;
	v9 =	vsel vm6, $0x2800, v9;
	v10 =	vsel vm5, $0x3880, v10  }
0x1e: {  	s31 =	simm.s32 $0x6;
	s3 =	sand.u32 $0x1, s3;
	s5 =	sshll.u32 s5, $0xA;
	v4 =	vimm.s32 $0x4;
	v9 =	vsel vm5, $0x2880, v9;
	v10 =	vsel vm4, $0x3900, v10  }
0x1f: {  	[smem:$0x7FF] =	sst s7;
	s6 =	sshll.u32 s3, $0x9;
	s3 =	ssub.s32 $0x2, s3;
	v9 =	vsel vm4, $0x2900, v9;
	v8 =	vsel vm6, $0x1800, v8;
	v10 =	vsel vm3, $0x3980, v10  }
0x20: {  	_ =	strace $0x80000047;
	s5 =	sor.u32 s6, s5;
	s21 =	sshrl.u32 s3, $0x1;
	v9 =	vsel vm3, $0x2980, v9;
	v8 =	vsel vm5, $0x1880, v8;
	v13 =	vsel vm2, $0x3A00, v10  }
0x21: {  	s22 =	sshrl.u32 s5, $0x3;
	s3 =	ssub.s32 s3, s21;
	s23 =	sadd.s32 s2, s5;
	v10 =	vcombine.low v11, v12;
	v11 =	vimm.s32 $0xBA98FEDC;
	v12 =	vimm.s32 $0x32107654  }
0x22: {  	s24 =	sadd.s32 s4, s5;
	s25 =	sor.u32 $0x100, s5;
	[dreg:$0x6] =	wrdreg s23;
	v8 =	vsel vm4, $0x1900, v8;
	v11 =	vunpack.c.l.s4.s8 v11;
	v12 =	vunpack.c.l.s4.s8 v12  }
0x23: {  	s21 =	simm.s32 $0xA200;
	s1 =	sadd.s32 s1, s22;
	[dreg:$0x7] =	wrdreg s24;
	v5 =	vimm.s32 $0x5;
	v9 =	vsel vm2, $0x2A00, v9;
	v8 =	vsel vm3, $0x1980, v8  }
0x24: {  	s2 =	sadd.s32 s2, s25;
	s26 =	smax.u32 s3, $0x1;
	s22 =	simm.s32 $0xC200;
	v8 =	vsel vm2, $0x1A00, v8;
	v11 =	vunpack.c.0.s8.s32 v11;
	v12 =	vunpack.c.0.s8.s32 v12  }
0x25: {  	s23 =	simm.s32 $0xE200;
	s24 =	simm.s32 $0x1;
	[dreg:$0x5] =	wrdreg s1;
	v6 =	vimm.s32 $0x6;
	v9 =	vsel vm0, $0x2A80, v9;
	v8 =	vsel vm0, $0x1A80, v8  }
0x26: {  	s3 =	simm.s32 $0x0;
	[dreg:$0x8] =	wrdreg s2;
	s1 =	sadd.s32 s4, s25;
	v13 =	vsel vm0, $0x3A80, v13;
	v11 =	vcombine.low v12, v11;
	v12 =	vmul.u32 $0x80, v18  }
0x27: {  	[dreg:$0xa] =	wrdreg s26;
	s25 =	simm.s32 $0x10200;
	s26 =	simm.s32 $0x2;
	v9 =	vsel vm1, $0x2B00, v9;
	v8 =	vsel vm1, $0x1B00, v8;
	v13 =	vsel vm1, $0x3B00, v13  }
0x28: {  	s2 =	simm.s32 $0x7;
	[dreg:$0x9] =	wrdreg s1;
	s1 =	simm.s32 $0x8;
	v16 =	vor.u32 $0x800, v12;
	v17 =	vor.u32 $0x1000, v12;
	v18 =	vor.u32 $0x1800, v12  }
.LBB2_1:
0x29: {  	s4 =	simm.s32 $0x0;
	s5 =	rddreg [dreg:$0x5]  }
0x2a: {  	[tilespmem:s4], [sflag:$0x9] =	stream.linear.gather [hbm4b:s5+s4], $0x200, $0x38;
	[tilespmem:$0x18200] =	vst v63  }
0x2b: {  	_ =	swait.ge [sflag:s8], $0x200  }
0x2c: {  	[sflag:s8] =	ssyncset.done $0x0  }
0x2d: {  	s10 =	rddreg [dreg:$0x6];
	[sflag:s8] =	ssyncadd.s32 $0xFFFFFE00  }
0x2e: {  	[tilespmem:s11], [sflag:$0x9] =	stream.strided.gather [hbm4b:s10+s13], $0x4000, s14, s13, $0x38;
	[tilespmem:$0x18200] =	vst v63  }
0x2f: {  	_ =	swait.ge [sflag:s8], $0x4000  }
0x30: {  	[sflag:s8] =	ssyncset.done $0x0  }
0x31: {  	[sflag:s8] =	ssyncadd.s32 $0xFFFFC000  }
0x32: {  	v19 =	vld [tilespmem:$0x0];
	_ =	sdelay $0x4  }
0x33: {  	v19 =	vperm.xlane v19, v0;
	_ =	sdelay $0x1  }
0x34: {  	(v2sf) =	vpush v19, $0x0;
	_ =	sdelay $0xe  }
0x35: {  	s5 =	spop (v2sf)  }
0x36: {  	s4 =	sand.u32 $0xFFFFF80, s5  }
0x37: {  	s4 =	sadd.s32 s0, s4  }
0x38: {  	[tilespmem:s16], [sflag:$0x1] =	stream.strided.gather [hbm4b:s4+s12], $0x2000, s15, s12, $0x38;
	[tilespmem:$0x18200] =	vst v63  }
0x39: {  	v19 =	vld [tilespmem:$0x0];
	_ =	sdelay $0x4  }
0x3a: {  	v19 =	vperm.xlane v19, v1;
	_ =	sdelay $0x1  }
0x3b: {  	(v2sf) =	vpush v19, $0x0;
	_ =	sdelay $0xe  }
0x3c: {  	s6 =	spop (v2sf)  }
0x3d: {  	s4 =	sand.u32 $0xFFFFF80, s6  }
0x3e: {  	s4 =	sadd.s32 s0, s4  }
0x3f: {  	[tilespmem:s17], [sflag:$0x2] =	stream.strided.gather [hbm4b:s4+s12], $0x2000, s15, s12, $0x38;
	[tilespmem:$0x18200] =	vst v63  }
0x40: {  	v19 =	vld [tilespmem:$0x0];
	_ =	sdelay $0x4  }
0x41: {  	v19 =	vperm.xlane v19, v2;
	_ =	sdelay $0x1  }
0x42: {  	(v2sf) =	vpush v19, $0x0;
	_ =	sdelay $0xe  }
0x43: {  	s7 =	spop (v2sf)  }
0x44: {  	s4 =	sand.u32 $0xFFFFF80, s7  }
0x45: {  	s4 =	sadd.s32 s0, s4  }
0x46: {  	[tilespmem:s18], [sflag:$0x3] =	stream.strided.gather [hbm4b:s4+s12], $0x2000, s15, s12, $0x38;
	[tilespmem:$0x18200] =	vst v63  }
0x47: {  	v19 =	vld [tilespmem:$0x0];
	_ =	sdelay $0x4  }
0x48: {  	v19 =	vperm.xlane v19, v3;
	_ =	sdelay $0x1  }
0x49: {  	(v2sf) =	vpush v19, $0x0;
	_ =	sdelay $0xe  }
0x4a: {  	s9 =	spop (v2sf)  }
0x4b: {  	s4 =	sand.u32 $0xFFFFF80, s9  }
0x4c: {  	s4 =	sadd.s32 s0, s4  }
0x4d: {  	[tilespmem:s19], [sflag:$0x4] =	stream.strided.gather [hbm4b:s4+s12], $0x2000, s15, s12, $0x38;
	[tilespmem:$0x18200] =	vst v63  }
0x4e: {  	v19 =	vld [tilespmem:$0x0];
	_ =	sdelay $0x4  }
0x4f: {  	v19 =	vperm.xlane v19, v4;
	_ =	sdelay $0x1  }
0x50: {  	(v2sf) =	vpush v19, $0x0;
	_ =	sdelay $0xe  }
0x51: {  	s10 =	spop (v2sf)  }
0x52: {  	s4 =	sand.u32 $0xFFFFF80, s10  }
0x53: {  	s4 =	sadd.s32 s0, s4  }
0x54: {  	[tilespmem:s20], [sflag:$0x5] =	stream.strided.gather [hbm4b:s4+s12], $0x2000, s15, s12, $0x38;
	[tilespmem:$0x18200] =	vst v63  }
0x55: {  	v19 =	vld [tilespmem:$0x0];
	_ =	sdelay $0x4  }
0x56: {  	v19 =	vperm.xlane v19, v5;
	_ =	sdelay $0x1  }
0x57: {  	(v2sf) =	vpush v19, $0x0;
	_ =	sdelay $0xe  }
0x58: {  	s13 =	spop (v2sf)  }
0x59: {  	s4 =	sand.u32 $0xFFFFF80, s13  }
0x5a: {  	s4 =	sadd.s32 s0, s4  }
0x5b: {  	[tilespmem:s21], [sflag:$0x6] =	stream.strided.gather [hbm4b:s4+s12], $0x2000, s15, s12, $0x38;
	[tilespmem:$0x18200] =	vst v63  }
0x5c: {  	v19 =	vld [tilespmem:$0x0];
	_ =	sdelay $0x4  }
0x5d: {  	v19 =	vperm.xlane v19, v6;
	_ =	sdelay $0x1  }
0x5e: {  	(v2sf) =	vpush v19, $0x0;
	_ =	sdelay $0xe  }
0x5f: {  	s14 =	spop (v2sf)  }
0x60: {  	s4 =	sand.u32 $0xFFFFF80, s14  }
0x61: {  	s4 =	sadd.s32 s0, s4  }
0x62: {  	[tilespmem:s22], [sflag:$0x7] =	stream.strided.gather [hbm4b:s4+s12], $0x2000, s15, s12, $0x38;
	[tilespmem:$0x18200] =	vst v63  }
0x63: {  	s4 =	simm.s32 $0x0  }
.LBB2_2:
0x64: {  	s5 =	sand.u32 $0xF0, s4  }
0x65: {  	v20 =	vld [tilespmem:s5+$0x0];
	_ =	sdelay $0x1  }
0x66: {  	s6 =	sadd.s32 $0x7, s4  }
0x67: {  	s7 =	sand.u32 $0xF, s6  }
0x68: {  	v19 =	vmov s7  }
0x69: {  	v20 =	vperm.xlane v20, v19;
	_ =	sdelay $0x1  }
0x6a: {  	(v2sf) =	vpush v20, $0x0;
	_ =	sdelay $0xc  }
0x6b: {  	v20 =	vmov s4  }
0x6c: {  	v21 =	vshll.u32 v20, $0x3  }
0x6d: {  	v20 =	vand.u32 $0x78, v20;
	v21 =	vand.u32 $0x400, v21;
	s13 =	spop (v2sf)  }
0x6e: {  	v20 =	vor.u32 v20, v21;
	s7 =	sand.u32 $0xFFFFF80, s13  }
0x6f: {  	v21 =	vor.u32 v7, v20;
	s7 =	sadd.s32 s0, s7  }
0x70: {  	v22 =	vor.u32 v8, v20;
	[tilespmem:s23], [sflag:$0x8] =	stream.strided.gather [hbm4b:s7+s12], $0x2000, s15, s12, $0x38;
	[tilespmem:$0x18200] =	vst v63  }
0x71: {  	_ =	swait.ge [sflag:s24], $0x2000  }
0x72: {  	v23 =	vor.u32 v9, v20;
	[sflag:s24] =	ssyncset.done $0x0  }
0x73: {  	[sflag:s24] =	ssyncadd.s32 $0xFFFFE000  }
0x74: {  	v20 =	vor.u32 v13, v20;
	v24 =	vld.idx.msk [tilespmem:v21+s11+$0x0], $0xffff  }
0x75: {  	v25 =	vld.idx.msk [tilespmem:v22+s11+$0x0], $0xffff;
	_ =	sdelay $0x1  }
0x76: {  	v26 =	vld.idx.msk [tilespmem:v23+s11+$0x0], $0xffff;
	_ =	sdelay $0x1  }
0x77: {  	v27 =	vld.idx.msk [tilespmem:v20+s11+$0x0], $0xffff  }
0x78: {  	v28 =	vmul.f32 v24, v24;
	v29 =	vmul.f32 v25, v25;
	_ =	sdelay $0x1  }
0x79: {  	v35 =	vmul.f32 v26, v26;
	v28 =	vadd.f32 v29, v28;
	_ =	sdelay $0x1  }
0x7a: {  	v36 =	vmul.f32 v27, v27;
	v28 =	vadd.f32 v35, v28;
	_ =	sdelay $0x1  }
0x7b: {  	v28 =	vadd.f32 v36, v28;
	_ =	sdelay $0x1  }
0x7c: {  	v29 =	vperm.xlane v28, v10;
	_ =	sdelay $0x1  }
0x7d: {  	v28 =	vadd.f32 v28, v29;
	_ =	sdelay $0x1  }
0x7e: {  	v29 =	vperm.xlane v28, v11;
	_ =	sdelay $0x1  }
0x7f: {  	v28 =	vadd.f32 v28, v29;
	_ =	sdelay $0x1  }
0x80: {  	v29 =	vperm.xlane v28, v14;
	_ =	sdelay $0x1  }
0x81: {  	v30 =	vld [tilespmem:s5+$0x0];
	v28 =	vadd.f32 v28, v29;
	_ =	sdelay $0x1  }
0x82: {  	v29 =	vperm.xlane v28, v15  }
0x83: {  	s14 =	sand.u32 $0x8, s4  }
0x84: {  	v37 =	vmov s14;
	v28 =	vadd.f32 v28, v29  }
0x85: {  	v29 =	vperm.xlane v30, v37  }
0x86: {  	v38 =	vshrl.u32 v28, $0x1;
	v28 =	vmul.f32 $5.000000000e-01, v28  }
0x87: {  	(v2sf) =	vpush v29, $0x0;
	v39 =	vsub.s32 $0x5F3759DF, v38  }
0x88: {  	v30 =	vmul.f32 v39, v28;
	_ =	sdelay $0x1  }
0x89: {  	v30 =	vmul.f32 v39, v30;
	_ =	sdelay $0x1  }
0x8a: {  	v30 =	vsub.f32 $1.500000000e+00, v30;
	_ =	sdelay $0x1  }
0x8b: {  	v29 =	vmul.f32 v39, v30;
	_ =	sdelay $0x1  }
0x8c: {  	v30 =	vmul.f32 v29, v28;
	_ =	sdelay $0x1  }
0x8d: {  	v30 =	vmul.f32 v30, v29;
	_ =	sdelay $0x1  }
0x8e: {  	v30 =	vsub.f32 $1.500000000e+00, v30;
	_ =	sdelay $0x1  }
0x8f: {  	s9 =	spop (v2sf);
	v29 =	vmul.f32 v30, v29  }
0x90: {  	s7 =	sand.u32 $0x7F, s9  }
0x91: {  	v40 =	vor.u32 s7, v12;
	v28 =	vmul.f32 v29, v28;
	_ =	sdelay $0x1  }
0x92: {  	v28 =	vmul.f32 v28, v29;
	_ =	sdelay $0x1  }
0x93: {  	v28 =	vsub.f32 $1.500000000e+00, v28  }
0x94: {  	v30 =	vld.idx.msk [tilespmem:v40+s16+$0x0], $0xffff  }
0x95: {  	v28 =	vmul.f32 v28, v29;
	_ =	sdelay $0x1  }
0x96: {  	v41 =	vor.u32 s7, v16;
	v24 =	vmul.f32 v28, v24;
	_ =	sdelay $0x1  }
0x97: {  	v24 =	vadd.f32 v24, v30;
	_ =	sdelay $0x1  }
0x98: {  	[tilespmem:v21+s25+$0x0] =	vst.idx.msk $0xffff, v24  }
0x99: {  	v21 =	vld.idx.msk [tilespmem:v41+s16+$0x0], $0xffff;
	_ =	sdelay $0x2  }
0x9a: {  	v43 =	vor.u32 s7, v17;
	v42 =	vmul.f32 v28, v25;
	_ =	sdelay $0x1  }
0x9b: {  	v21 =	vadd.f32 v42, v21;
	_ =	sdelay $0x1  }
0x9c: {  	[tilespmem:v22+s25+$0x0] =	vst.idx.msk $0xffff, v21  }
0x9d: {  	v21 =	vld.idx.msk [tilespmem:v43+s16+$0x0], $0xffff;
	_ =	sdelay $0x2  }
0x9e: {  	v45 =	vor.u32 s7, v18;
	v44 =	vmul.f32 v28, v26;
	_ =	sdelay $0x1  }
0x9f: {  	v21 =	vadd.f32 v44, v21;
	_ =	sdelay $0x1  }
0xa0: {  	[tilespmem:v23+s25+$0x0] =	vst.idx.msk $0xffff, v21  }
0xa1: {  	v21 =	vld.idx.msk [tilespmem:v45+s16+$0x0], $0xffff;
	_ =	sdelay $0x2  }
0xa2: {  	v46 =	vmul.f32 v28, v27;
	_ =	sdelay $0x1  }
0xa3: {  	p0 =	seq.s32 s4, $0xF8;
	v21 =	vadd.f32 v46, v21  }
0xa4: {  	s7 =	sadd.s32 @!p0 $0x8, s4  }
0xa5: {  	s13 =	sand.u32 @!p0 $0x1F0, s7;
	[tilespmem:v20+s25+$0x0] =	vst.idx.msk $0xffff, v21  }
0xa6: {  	v20 =	vld @!p0 [tilespmem:s13+$0x0];
	_ =	sdelay $0x2  }
0xa7: {  	s7 =	sand.u32 @!p0 $0x8, s7  }
0xa8: {  	v21 =	vmov @!p0 s7  }
0xa9: {  	v20 =	vperm.xlane @!p0 v20, v21;
	_ =	sdelay $0x1  }
0xaa: {  	(v2sf) =	vpush @!p0 v20, $0x0;
	_ =	sdelay $0xb  }
0xab: {  	s14 =	sadd.s32 $0x1, s4  }
0xac: {  	v20 =	vmov s14  }
0xad: {  	v47 =	vshll.u32 v20, $0x3  }
0xae: {  	v20 =	vand.u32 $0x79, v20;
	v21 =	vand.u32 $0x400, v47;
	s7 =	spop @!p0 (v2sf)  }
0xaf: {  	s10 =	simm.s32 @!p0 $0x200;
	v20 =	vor.u32 v20, v21;
	s7 =	sand.u32 @!p0 $0xFFFFF80, s7  }
0xb0: {  	s13 =	simm.s32 @!p0 $0x7A1400;
	v21 =	vor.u32 v7, v20;
	s9 =	sadd.s32 @!p0 s0, s7;
	s7 =	simm.s32 @!p0 $0x400  }
0xb1: {  	v48 =	vor.u32 v8, v20;
	[tilespmem:s10], [sflag:$0x1] =	stream.strided.gather @!p0 [hbm4b:s9+s7], $0x2000, s13, s7, $0x38;
	[tilespmem:$0x18200] =	vst v63  }
0xb2: {  	_ =	swait.ge [sflag:s26], $0x2000  }
0xb3: {  	v49 =	vor.u32 v9, v20;
	[sflag:s26] =	ssyncset.done $0x0  }
0xb4: {  	[sflag:s26] =	ssyncadd.s32 $0xFFFFE000  }
0xb5: {  	v20 =	vor.u32 v13, v20;
	v50 =	vld.idx.msk [tilespmem:v21+s11+$0x0], $0xffff  }
0xb6: {  	v51 =	vld.idx.msk [tilespmem:v48+s11+$0x0], $0xffff;
	_ =	sdelay $0x1  }
0xb7: {  	v52 =	vld.idx.msk [tilespmem:v49+s11+$0x0], $0xffff;
	_ =	sdelay $0x1  }
0xb8: {  	v53 =	vld.idx.msk [tilespmem:v20+s11+$0x0], $0xffff  }
0xb9: {  	v54 =	vmul.f32 v50, v50;
	v55 =	vmul.f32 v51, v51;
	_ =	sdelay $0x1  }
0xba: {  	v56 =	vmul.f32 v52, v52;
	v28 =	vadd.f32 v55, v54;
	_ =	sdelay $0x1  }
0xbb: {  	v57 =	vmul.f32 v53, v53;
	v28 =	vadd.f32 v56, v28;
	_ =	sdelay $0x1  }
0xbc: {  	v28 =	vadd.f32 v57, v28;
	_ =	sdelay $0x1  }
0xbd: {  	v29 =	vperm.xlane v28, v10;
	_ =	sdelay $0x1  }
0xbe: {  	v28 =	vadd.f32 v28, v29;
	_ =	sdelay $0x1  }
0xbf: {  	v29 =	vperm.xlane v28, v11;
	_ =	sdelay $0x1  }
0xc0: {  	v28 =	vadd.f32 v28, v29;
	_ =	sdelay $0x1  }
0xc1: {  	v29 =	vperm.xlane v28, v14;
	_ =	sdelay $0x1  }
0xc2: {  	v58 =	vld [tilespmem:s5+$0x0];
	v28 =	vadd.f32 v28, v29;
	_ =	sdelay $0x1  }
0xc3: {  	v29 =	vperm.xlane v28, v15  }
0xc4: {  	s10 =	sand.u32 $0x9, s14  }
0xc5: {  	v59 =	vmov s10;
	v28 =	vadd.f32 v28, v29  }
0xc6: {  	v29 =	vperm.xlane v58, v59  }
0xc7: {  	v60 =	vshrl.u32 v28, $0x1;
	v28 =	vmul.f32 $5.000000000e-01, v28  }
0xc8: {  	(v2sf) =	vpush v29, $0x0;
	v61 =	vsub.s32 $0x5F3759DF, v60  }
0xc9: {  	v30 =	vmul.f32 v61, v28;
	_ =	sdelay $0x1  }
0xca: {  	v30 =	vmul.f32 v61, v30;
	_ =	sdelay $0x1  }
0xcb: {  	v30 =	vsub.f32 $1.500000000e+00, v30;
	_ =	sdelay $0x1  }
0xcc: {  	v29 =	vmul.f32 v61, v30;
	_ =	sdelay $0x1  }
0xcd: {  	v30 =	vmul.f32 v29, v28;
	_ =	sdelay $0x1  }
0xce: {  	v30 =	vmul.f32 v30, v29;
	_ =	sdelay $0x1  }
0xcf: {  	v30 =	vsub.f32 $1.500000000e+00, v30;
	_ =	sdelay $0x1  }
0xd0: {  	s14 =	spop (v2sf);
	v29 =	vmul.f32 v30, v29  }
0xd1: {  	s9 =	sand.u32 $0x7F, s14  }
0xd2: {  	v62 =	vor.u32 s9, v12;
	v28 =	vmul.f32 v29, v28;
	_ =	sdelay $0x1  }
0xd3: {  	v28 =	vmul.f32 v28, v29;
	_ =	sdelay $0x1  }
0xd4: {  	v28 =	vsub.f32 $1.500000000e+00, v28  }
0xd5: {  	v30 =	vld.idx.msk [tilespmem:v62+s17+$0x0], $0xffff  }
0xd6: {  	v28 =	vmul.f32 v28, v29;
	_ =	sdelay $0x1  }
0xd7: {  	v63 =	vor.u32 s9, v16;
	v24 =	vmul.f32 v28, v50;
	_ =	sdelay $0x1  }
0xd8: {  	v24 =	vadd.f32 v24, v30;
	_ =	sdelay $0x1  }
0xd9: {  	[tilespmem:v21+s25+$0x0] =	vst.idx.msk $0xffff, v24  }
0xda: {  	v21 =	vld.idx.msk [tilespmem:v63+s17+$0x0], $0xffff;
	_ =	sdelay $0x2  }
0xdb: {  	v31 =	vor.u32 s9, v17;
	v30 =	vmul.f32 v28, v51;
	_ =	sdelay $0x1  }
0xdc: {  	v21 =	vadd.f32 v30, v21;
	_ =	sdelay $0x1  }
0xdd: {  	[tilespmem:v48+s25+$0x0] =	vst.idx.msk $0xffff, v21  }
0xde: {  	v21 =	vld.idx.msk [tilespmem:v31+s17+$0x0], $0xffff;
	_ =	sdelay $0x2  }
0xdf: {  	v33 =	vor.u32 s9, v18;
	v32 =	vmul.f32 v28, v52;
	_ =	sdelay $0x1  }
0xe0: {  	v21 =	vadd.f32 v32, v21;
	_ =	sdelay $0x1  }
0xe1: {  	[tilespmem:v49+s25+$0x0] =	vst.idx.msk $0xffff, v21  }
0xe2: {  	v21 =	vld.idx.msk [tilespmem:v33+s17+$0x0], $0xffff;
	_ =	sdelay $0x2  }
0xe3: {  	v34 =	vmul.f32 v28, v53;
	_ =	sdelay $0x1  }
0xe4: {  	v21 =	vadd.f32 v34, v21  }
0xe5: {  	s9 =	sadd.s32 @!p0 $0x9, s4  }
0xe6: {  	s10 =	sand.u32 @!p0 $0x1F0, s9;
	[tilespmem:v20+s25+$0x0] =	vst.idx.msk $0xffff, v21  }
0xe7: {  	v20 =	vld @!p0 [tilespmem:s10+$0x0];
	_ =	sdelay $0x2  }
0xe8: {  	s9 =	sand.u32 @!p0 $0x9, s9  }
0xe9: {  	v21 =	vmov @!p0 s9  }
0xea: {  	v20 =	vperm.xlane @!p0 v20, v21;
	_ =	sdelay $0x1  }
0xeb: {  	(v2sf) =	vpush @!p0 v20, $0x0;
	_ =	sdelay $0xb  }
0xec: {  	s9 =	sadd.s32 $0x2, s4  }
0xed: {  	v20 =	vmov s9  }
0xee: {  	v35 =	vshll.u32 v20, $0x3  }
0xef: {  	v20 =	vand.u32 $0x7A, v20;
	v21 =	vand.u32 $0x400, v35;
	s10 =	spop @!p0 (v2sf)  }
0xf0: {  	v20 =	vor.u32 v20, v21;
	s10 =	sand.u32 @!p0 $0xFFFFF80, s10  }
0xf1: {  	s14 =	simm.s32 @!p0 $0x2200;
	v21 =	vor.u32 v7, v20;
	s10 =	sadd.s32 @!p0 s0, s10  }
0xf2: {  	v36 =	vor.u32 v8, v20;
	[tilespmem:s14], [sflag:$0x2] =	stream.strided.gather @!p0 [hbm4b:s10+s7], $0x2000, s13, s7, $0x38;
	[tilespmem:$0x18200] =	vst v63  }
0xf3: {  	_ =	swait.ge [sflag:s28], $0x2000  }
0xf4: {  	v37 =	vor.u32 v9, v20;
	[sflag:s28] =	ssyncset.done $0x0  }
0xf5: {  	[sflag:s28] =	ssyncadd.s32 $0xFFFFE000  }
0xf6: {  	v20 =	vor.u32 v13, v20;
	v38 =	vld.idx.msk [tilespmem:v21+s11+$0x0], $0xffff  }
0xf7: {  	v39 =	vld.idx.msk [tilespmem:v36+s11+$0x0], $0xffff;
	_ =	sdelay $0x1  }
0xf8: {  	v40 =	vld.idx.msk [tilespmem:v37+s11+$0x0], $0xffff;
	_ =	sdelay $0x1  }
0xf9: {  	v41 =	vld.idx.msk [tilespmem:v20+s11+$0x0], $0xffff  }
0xfa: {  	v42 =	vmul.f32 v38, v38;
	v43 =	vmul.f32 v39, v39;
	_ =	sdelay $0x1  }
0xfb: {  	v44 =	vmul.f32 v40, v40;
	v28 =	vadd.f32 v43, v42;
	_ =	sdelay $0x1  }
0xfc: {  	v45 =	vmul.f32 v41, v41;
	v28 =	vadd.f32 v44, v28;
	_ =	sdelay $0x1  }
0xfd: {  	v28 =	vadd.f32 v45, v28;
	_ =	sdelay $0x1  }
0xfe: {  	v29 =	vperm.xlane v28, v10;
	_ =	sdelay $0x1  }
0xff: {  	v28 =	vadd.f32 v28, v29;
	_ =	sdelay $0x1  }
0x100: {  	v29 =	vperm.xlane v28, v11;
	_ =	sdelay $0x1  }
0x101: {  	v28 =	vadd.f32 v28, v29;
	_ =	sdelay $0x1  }
0x102: {  	v29 =	vperm.xlane v28, v14;
	_ =	sdelay $0x1  }
0x103: {  	v46 =	vld [tilespmem:s5+$0x0];
	v28 =	vadd.f32 v28, v29;
	_ =	sdelay $0x1  }
0x104: {  	v29 =	vperm.xlane v28, v15  }
0x105: {  	s9 =	sand.u32 $0xA, s9  }
0x106: {  	v47 =	vmov s9;
	v28 =	vadd.f32 v28, v29  }
0x107: {  	v29 =	vperm.xlane v46, v47  }
0x108: {  	v48 =	vshrl.u32 v28, $0x1;
	v28 =	vmul.f32 $5.000000000e-01, v28  }
0x109: {  	(v2sf) =	vpush v29, $0x0;
	v49 =	vsub.s32 $0x5F3759DF, v48  }
0x10a: {  	v30 =	vmul.f32 v49, v28;
	_ =	sdelay $0x1  }
0x10b: {  	v30 =	vmul.f32 v49, v30;
	_ =	sdelay $0x1  }
0x10c: {  	v30 =	vsub.f32 $1.500000000e+00, v30;
	_ =	sdelay $0x1  }
0x10d: {  	v29 =	vmul.f32 v49, v30;
	_ =	sdelay $0x1  }
0x10e: {  	v30 =	vmul.f32 v29, v28;
	_ =	sdelay $0x1  }
0x10f: {  	v30 =	vmul.f32 v30, v29;
	_ =	sdelay $0x1  }
0x110: {  	v30 =	vsub.f32 $1.500000000e+00, v30;
	_ =	sdelay $0x1  }
0x111: {  	s10 =	spop (v2sf);
	v29 =	vmul.f32 v30, v29  }
0x112: {  	s9 =	sand.u32 $0x7F, s10  }
0x113: {  	v50 =	vor.u32 s9, v12;
	v28 =	vmul.f32 v29, v28;
	_ =	sdelay $0x1  }
0x114: {  	v28 =	vmul.f32 v28, v29;
	_ =	sdelay $0x1  }
0x115: {  	v28 =	vsub.f32 $1.500000000e+00, v28  }
0x116: {  	v30 =	vld.idx.msk [tilespmem:v50+s18+$0x0], $0xffff  }
0x117: {  	v28 =	vmul.f32 v28, v29;
	_ =	sdelay $0x1  }
0x118: {  	v51 =	vor.u32 s9, v16;
	v24 =	vmul.f32 v28, v38;
	_ =	sdelay $0x1  }
0x119: {  	v24 =	vadd.f32 v24, v30;
	_ =	sdelay $0x1  }
0x11a: {  	[tilespmem:v21+s25+$0x0] =	vst.idx.msk $0xffff, v24  }
0x11b: {  	v21 =	vld.idx.msk [tilespmem:v51+s18+$0x0], $0xffff;
	_ =	sdelay $0x2  }
0x11c: {  	v53 =	vor.u32 s9, v17;
	v52 =	vmul.f32 v28, v39;
	_ =	sdelay $0x1  }
0x11d: {  	v21 =	vadd.f32 v52, v21;
	_ =	sdelay $0x1  }
0x11e: {  	[tilespmem:v36+s25+$0x0] =	vst.idx.msk $0xffff, v21  }
0x11f: {  	v21 =	vld.idx.msk [tilespmem:v53+s18+$0x0], $0xffff;
	_ =	sdelay $0x2  }
0x120: {  	v55 =	vor.u32 s9, v18;
	v54 =	vmul.f32 v28, v40;
	_ =	sdelay $0x1  }
0x121: {  	v21 =	vadd.f32 v54, v21;
	_ =	sdelay $0x1  }
0x122: {  	[tilespmem:v37+s25+$0x0] =	vst.idx.msk $0xffff, v21  }
0x123: {  	v21 =	vld.idx.msk [tilespmem:v55+s18+$0x0], $0xffff;
	_ =	sdelay $0x2  }
0x124: {  	v56 =	vmul.f32 v28, v41;
	_ =	sdelay $0x1  }
0x125: {  	v21 =	vadd.f32 v56, v21  }
0x126: {  	s9 =	sadd.s32 @!p0 $0xA, s4  }
0x127: {  	s10 =	sand.u32 @!p0 $0x1F0, s9;
	[tilespmem:v20+s25+$0x0] =	vst.idx.msk $0xffff, v21  }
0x128: {  	v20 =	vld @!p0 [tilespmem:s10+$0x0];
	_ =	sdelay $0x2  }
0x129: {  	s9 =	sand.u32 @!p0 $0xA, s9  }
0x12a: {  	v21 =	vmov @!p0 s9  }
0x12b: {  	v20 =	vperm.xlane @!p0 v20, v21;
	_ =	sdelay $0x1  }
0x12c: {  	(v2sf) =	vpush @!p0 v20, $0x0;
	_ =	sdelay $0xb  }
0x12d: {  	s9 =	sadd.s32 $0x3, s4  }
0x12e: {  	v20 =	vmov s9  }
0x12f: {  	v57 =	vshll.u32 v20, $0x3  }
0x130: {  	v20 =	vand.u32 $0x7B, v20;
	v21 =	vand.u32 $0x400, v57;
	s10 =	spop @!p0 (v2sf)  }
0x131: {  	v20 =	vor.u32 v20, v21;
	s10 =	sand.u32 @!p0 $0xFFFFF80, s10  }
0x132: {  	s14 =	simm.s32 @!p0 $0x4200;
	v21 =	vor.u32 v7, v20;
	s10 =	sadd.s32 @!p0 s0, s10  }
0x133: {  	v58 =	vor.u32 v8, v20;
	[tilespmem:s14], [sflag:$0x3] =	stream.strided.gather @!p0 [hbm4b:s10+s7], $0x2000, s13, s7, $0x38;
	[tilespmem:$0x18200] =	vst v63  }
0x134: {  	_ =	swait.ge [sflag:s29], $0x2000  }
0x135: {  	v59 =	vor.u32 v9, v20;
	[sflag:s29] =	ssyncset.done $0x0  }
0x136: {  	[sflag:s29] =	ssyncadd.s32 $0xFFFFE000  }
0x137: {  	v20 =	vor.u32 v13, v20;
	v60 =	vld.idx.msk [tilespmem:v21+s11+$0x0], $0xffff  }
0x138: {  	v61 =	vld.idx.msk [tilespmem:v58+s11+$0x0], $0xffff;
	_ =	sdelay $0x1  }
0x139: {  	v62 =	vld.idx.msk [tilespmem:v59+s11+$0x0], $0xffff;
	_ =	sdelay $0x1  }
0x13a: {  	v63 =	vld.idx.msk [tilespmem:v20+s11+$0x0], $0xffff  }
0x13b: {  	v32 =	vmul.f32 v60, v60;
	v33 =	vmul.f32 v61, v61;
	_ =	sdelay $0x1  }
0x13c: {  	v34 =	vmul.f32 v62, v62;
	v28 =	vadd.f32 v33, v32;
	_ =	sdelay $0x1  }
0x13d: {  	v35 =	vmul.f32 v63, v63;
	v28 =	vadd.f32 v34, v28;
	_ =	sdelay $0x1  }
0x13e: {  	v28 =	vadd.f32 v35, v28;
	_ =	sdelay $0x1  }
0x13f: {  	v29 =	vperm.xlane v28, v10;
	_ =	sdelay $0x1  }
0x140: {  	v28 =	vadd.f32 v28, v29;
	_ =	sdelay $0x1  }
0x141: {  	v29 =	vperm.xlane v28, v11;
	_ =	sdelay $0x1  }
0x142: {  	v28 =	vadd.f32 v28, v29;
	_ =	sdelay $0x1  }
0x143: {  	v29 =	vperm.xlane v28, v14;
	_ =	sdelay $0x1  }
0x144: {  	v36 =	vld [tilespmem:s5+$0x0];
	v28 =	vadd.f32 v28, v29;
	_ =	sdelay $0x1  }
0x145: {  	v29 =	vperm.xlane v28, v15  }
0x146: {  	s9 =	sand.u32 $0xB, s9  }
0x147: {  	v37 =	vmov s9;
	v28 =	vadd.f32 v28, v29  }
0x148: {  	v29 =	vperm.xlane v36, v37  }
0x149: {  	v38 =	vshrl.u32 v28, $0x1;
	v28 =	vmul.f32 $5.000000000e-01, v28  }
0x14a: {  	(v2sf) =	vpush v29, $0x0;
	v39 =	vsub.s32 $0x5F3759DF, v38  }
0x14b: {  	v30 =	vmul.f32 v39, v28;
	_ =	sdelay $0x1  }
0x14c: {  	v30 =	vmul.f32 v39, v30;
	_ =	sdelay $0x1  }
0x14d: {  	v30 =	vsub.f32 $1.500000000e+00, v30;
	_ =	sdelay $0x1  }
0x14e: {  	v29 =	vmul.f32 v39, v30;
	_ =	sdelay $0x1  }
0x14f: {  	v30 =	vmul.f32 v29, v28;
	_ =	sdelay $0x1  }
0x150: {  	v30 =	vmul.f32 v30, v29;
	_ =	sdelay $0x1  }
0x151: {  	v30 =	vsub.f32 $1.500000000e+00, v30;
	_ =	sdelay $0x1  }
0x152: {  	s14 =	spop (v2sf);
	v29 =	vmul.f32 v30, v29  }
0x153: {  	s9 =	sand.u32 $0x7F, s14  }
0x154: {  	v40 =	vor.u32 s9, v12;
	v28 =	vmul.f32 v29, v28;
	_ =	sdelay $0x1  }
0x155: {  	v28 =	vmul.f32 v28, v29;
	_ =	sdelay $0x1  }
0x156: {  	v28 =	vsub.f32 $1.500000000e+00, v28  }
0x157: {  	v30 =	vld.idx.msk [tilespmem:v40+s19+$0x0], $0xffff  }
0x158: {  	v28 =	vmul.f32 v28, v29;
	_ =	sdelay $0x1  }
0x159: {  	v41 =	vor.u32 s9, v16;
	v24 =	vmul.f32 v28, v60;
	_ =	sdelay $0x1  }
0x15a: {  	v24 =	vadd.f32 v24, v30;
	_ =	sdelay $0x1  }
0x15b: {  	[tilespmem:v21+s25+$0x0] =	vst.idx.msk $0xffff, v24  }
0x15c: {  	v21 =	vld.idx.msk [tilespmem:v41+s19+$0x0], $0xffff;
	_ =	sdelay $0x2  }
0x15d: {  	v43 =	vor.u32 s9, v17;
	v42 =	vmul.f32 v28, v61;
	_ =	sdelay $0x1  }
0x15e: {  	v21 =	vadd.f32 v42, v21;
	_ =	sdelay $0x1  }
0x15f: {  	[tilespmem:v58+s25+$0x0] =	vst.idx.msk $0xffff, v21  }
0x160: {  	v21 =	vld.idx.msk [tilespmem:v43+s19+$0x0], $0xffff;
	_ =	sdelay $0x2  }
0x161: {  	v45 =	vor.u32 s9, v18;
	v44 =	vmul.f32 v28, v62;
	_ =	sdelay $0x1  }
0x162: {  	v21 =	vadd.f32 v44, v21;
	_ =	sdelay $0x1  }
0x163: {  	[tilespmem:v59+s25+$0x0] =	vst.idx.msk $0xffff, v21  }
0x164: {  	v21 =	vld.idx.msk [tilespmem:v45+s19+$0x0], $0xffff;
	_ =	sdelay $0x2  }
0x165: {  	v46 =	vmul.f32 v28, v63;
	_ =	sdelay $0x1  }
0x166: {  	v21 =	vadd.f32 v46, v21  }
0x167: {  	s9 =	sadd.s32 @!p0 $0xB, s4  }
0x168: {  	s10 =	sand.u32 @!p0 $0x1F0, s9;
	[tilespmem:v20+s25+$0x0] =	vst.idx.msk $0xffff, v21  }
0x169: {  	v20 =	vld @!p0 [tilespmem:s10+$0x0];
	_ =	sdelay $0x2  }
0x16a: {  	s9 =	sand.u32 @!p0 $0xB, s9  }
0x16b: {  	v21 =	vmov @!p0 s9  }
0x16c: {  	v20 =	vperm.xlane @!p0 v20, v21;
	_ =	sdelay $0x1  }
0x16d: {  	(v2sf) =	vpush @!p0 v20, $0x0;
	_ =	sdelay $0xb  }
0x16e: {  	s9 =	sadd.s32 $0x4, s4  }
0x16f: {  	v20 =	vmov s9  }
0x170: {  	v47 =	vshll.u32 v20, $0x3  }
0x171: {  	v20 =	vand.u32 $0x7C, v20;
	v21 =	vand.u32 $0x400, v47;
	s10 =	spop @!p0 (v2sf)  }
0x172: {  	v20 =	vor.u32 v20, v21;
	s10 =	sand.u32 @!p0 $0xFFFFF80, s10  }
0x173: {  	s14 =	simm.s32 @!p0 $0x6200;
	v21 =	vor.u32 v7, v20;
	s10 =	sadd.s32 @!p0 s0, s10  }
0x174: {  	v48 =	vor.u32 v8, v20;
	[tilespmem:s14], [sflag:$0x4] =	stream.strided.gather @!p0 [hbm4b:s10+s7], $0x2000, s13, s7, $0x38;
	[tilespmem:$0x18200] =	vst v63  }
0x175: {  	_ =	swait.ge [sflag:s30], $0x2000  }
0x176: {  	v49 =	vor.u32 v9, v20;
	[sflag:s30] =	ssyncset.done $0x0  }
0x177: {  	[sflag:s30] =	ssyncadd.s32 $0xFFFFE000  }
0x178: {  	v20 =	vor.u32 v13, v20;
	v50 =	vld.idx.msk [tilespmem:v21+s11+$0x0], $0xffff  }
0x179: {  	v51 =	vld.idx.msk [tilespmem:v48+s11+$0x0], $0xffff;
	_ =	sdelay $0x1  }
0x17a: {  	v52 =	vld.idx.msk [tilespmem:v49+s11+$0x0], $0xffff;
	_ =	sdelay $0x1  }
0x17b: {  	v53 =	vld.idx.msk [tilespmem:v20+s11+$0x0], $0xffff  }
0x17c: {  	v54 =	vmul.f32 v50, v50;
	v55 =	vmul.f32 v51, v51;
	_ =	sdelay $0x1  }
0x17d: {  	v56 =	vmul.f32 v52, v52;
	v28 =	vadd.f32 v55, v54;
	_ =	sdelay $0x1  }
0x17e: {  	v57 =	vmul.f32 v53, v53;
	v28 =	vadd.f32 v56, v28;
	_ =	sdelay $0x1  }
0x17f: {  	v28 =	vadd.f32 v57, v28;
	_ =	sdelay $0x1  }
0x180: {  	v29 =	vperm.xlane v28, v10;
	_ =	sdelay $0x1  }
0x181: {  	v28 =	vadd.f32 v28, v29;
	_ =	sdelay $0x1  }
0x182: {  	v29 =	vperm.xlane v28, v11;
	_ =	sdelay $0x1  }
0x183: {  	v28 =	vadd.f32 v28, v29;
	_ =	sdelay $0x1  }
0x184: {  	v29 =	vperm.xlane v28, v14;
	_ =	sdelay $0x1  }
0x185: {  	v58 =	vld [tilespmem:s5+$0x0];
	v28 =	vadd.f32 v28, v29;
	_ =	sdelay $0x1  }
0x186: {  	v29 =	vperm.xlane v28, v15  }
0x187: {  	s9 =	sand.u32 $0xC, s9  }
0x188: {  	v59 =	vmov s9;
	v28 =	vadd.f32 v28, v29  }
0x189: {  	v29 =	vperm.xlane v58, v59  }
0x18a: {  	v60 =	vshrl.u32 v28, $0x1;
	v28 =	vmul.f32 $5.000000000e-01, v28  }
0x18b: {  	(v2sf) =	vpush v29, $0x0;
	v61 =	vsub.s32 $0x5F3759DF, v60  }
0x18c: {  	v30 =	vmul.f32 v61, v28;
	_ =	sdelay $0x1  }
0x18d: {  	v30 =	vmul.f32 v61, v30;
	_ =	sdelay $0x1  }
0x18e: {  	v30 =	vsub.f32 $1.500000000e+00, v30;
	_ =	sdelay $0x1  }
0x18f: {  	v29 =	vmul.f32 v61, v30;
	_ =	sdelay $0x1  }
0x190: {  	v30 =	vmul.f32 v29, v28;
	_ =	sdelay $0x1  }
0x191: {  	v30 =	vmul.f32 v30, v29;
	_ =	sdelay $0x1  }
0x192: {  	v30 =	vsub.f32 $1.500000000e+00, v30;
	_ =	sdelay $0x1  }
0x193: {  	s10 =	spop (v2sf);
	v29 =	vmul.f32 v30, v29  }
0x194: {  	s9 =	sand.u32 $0x7F, s10  }
0x195: {  	v62 =	vor.u32 s9, v12;
	v28 =	vmul.f32 v29, v28;
	_ =	sdelay $0x1  }
0x196: {  	v28 =	vmul.f32 v28, v29;
	_ =	sdelay $0x1  }
0x197: {  	v28 =	vsub.f32 $1.500000000e+00, v28  }
0x198: {  	v30 =	vld.idx.msk [tilespmem:v62+s20+$0x0], $0xffff  }
0x199: {  	v28 =	vmul.f32 v28, v29;
	_ =	sdelay $0x1  }
0x19a: {  	v63 =	vor.u32 s9, v16;
	v24 =	vmul.f32 v28, v50;
	_ =	sdelay $0x1  }
0x19b: {  	v24 =	vadd.f32 v24, v30;
	_ =	sdelay $0x1  }
0x19c: {  	[tilespmem:v21+s25+$0x0] =	vst.idx.msk $0xffff, v24  }
0x19d: {  	v21 =	vld.idx.msk [tilespmem:v63+s20+$0x0], $0xffff;
	_ =	sdelay $0x2  }
0x19e: {  	v29 =	vmul.f32 v28, v51;
	v30 =	vor.u32 s9, v17;
	_ =	sdelay $0x1  }
0x19f: {  	v21 =	vadd.f32 v29, v21;
	_ =	sdelay $0x1  }
0x1a0: {  	[tilespmem:v48+s25+$0x0] =	vst.idx.msk $0xffff, v21  }
0x1a1: {  	v21 =	vld.idx.msk [tilespmem:v30+s20+$0x0], $0xffff;
	_ =	sdelay $0x2  }
0x1a2: {  	v32 =	vor.u32 s9, v18;
	v31 =	vmul.f32 v28, v52;
	_ =	sdelay $0x1  }
0x1a3: {  	v21 =	vadd.f32 v31, v21;
	_ =	sdelay $0x1  }
0x1a4: {  	[tilespmem:v49+s25+$0x0] =	vst.idx.msk $0xffff, v21  }
0x1a5: {  	v21 =	vld.idx.msk [tilespmem:v32+s20+$0x0], $0xffff;
	_ =	sdelay $0x2  }
0x1a6: {  	v33 =	vmul.f32 v28, v53;
	_ =	sdelay $0x1  }
0x1a7: {  	v21 =	vadd.f32 v33, v21  }
0x1a8: {  	s9 =	sadd.s32 @!p0 $0xC, s4  }
0x1a9: {  	s10 =	sand.u32 @!p0 $0x1F0, s9;
	[tilespmem:v20+s25+$0x0] =	vst.idx.msk $0xffff, v21  }
0x1aa: {  	v20 =	vld @!p0 [tilespmem:s10+$0x0];
	_ =	sdelay $0x2  }
0x1ab: {  	s9 =	sand.u32 @!p0 $0xC, s9  }
0x1ac: {  	v21 =	vmov @!p0 s9  }
0x1ad: {  	v20 =	vperm.xlane @!p0 v20, v21;
	_ =	sdelay $0x1  }
0x1ae: {  	(v2sf) =	vpush @!p0 v20, $0x0;
	_ =	sdelay $0xb  }
0x1af: {  	s9 =	sadd.s32 $0x5, s4  }
0x1b0: {  	v20 =	vmov s9  }
0x1b1: {  	v34 =	vshll.u32 v20, $0x3  }
0x1b2: {  	v20 =	vand.u32 $0x7D, v20;
	v21 =	vand.u32 $0x400, v34;
	s10 =	spop @!p0 (v2sf)  }
0x1b3: {  	v20 =	vor.u32 v20, v21;
	s10 =	sand.u32 @!p0 $0xFFFFF80, s10  }
0x1b4: {  	s14 =	simm.s32 @!p0 $0x8200;
	v21 =	vor.u32 v7, v20;
	s10 =	sadd.s32 @!p0 s0, s10  }
0x1b5: {  	v35 =	vor.u32 v8, v20;
	[tilespmem:s14], [sflag:$0x5] =	stream.strided.gather @!p0 [hbm4b:s10+s7], $0x2000, s13, s7, $0x38;
	[tilespmem:$0x18200] =	vst v63  }
0x1b6: {  	_ =	swait.ge [sflag:s31], $0x2000  }
0x1b7: {  	v36 =	vor.u32 v9, v20;
	[sflag:s31] =	ssyncset.done $0x0  }
0x1b8: {  	[sflag:s31] =	ssyncadd.s32 $0xFFFFE000  }
0x1b9: {  	v20 =	vor.u32 v13, v20;
	v37 =	vld.idx.msk [tilespmem:v21+s11+$0x0], $0xffff  }
0x1ba: {  	v38 =	vld.idx.msk [tilespmem:v35+s11+$0x0], $0xffff;
	_ =	sdelay $0x1  }
0x1bb: {  	v39 =	vld.idx.msk [tilespmem:v36+s11+$0x0], $0xffff;
	_ =	sdelay $0x1  }
0x1bc: {  	v40 =	vld.idx.msk [tilespmem:v20+s11+$0x0], $0xffff  }
0x1bd: {  	v41 =	vmul.f32 v37, v37;
	v42 =	vmul.f32 v38, v38;
	_ =	sdelay $0x1  }
0x1be: {  	v43 =	vmul.f32 v39, v39;
	v28 =	vadd.f32 v42, v41;
	_ =	sdelay $0x1  }
0x1bf: {  	v44 =	vmul.f32 v40, v40;
	v28 =	vadd.f32 v43, v28;
	_ =	sdelay $0x1  }
0x1c0: {  	v28 =	vadd.f32 v44, v28;
	_ =	sdelay $0x1  }
0x1c1: {  	v29 =	vperm.xlane v28, v10;
	_ =	sdelay $0x1  }
0x1c2: {  	v28 =	vadd.f32 v28, v29;
	_ =	sdelay $0x1  }
0x1c3: {  	v29 =	vperm.xlane v28, v11;
	_ =	sdelay $0x1  }
0x1c4: {  	v28 =	vadd.f32 v28, v29;
	_ =	sdelay $0x1  }
0x1c5: {  	v29 =	vperm.xlane v28, v14;
	_ =	sdelay $0x1  }
0x1c6: {  	v45 =	vld [tilespmem:s5+$0x0];
	v28 =	vadd.f32 v28, v29;
	_ =	sdelay $0x1  }
0x1c7: {  	v29 =	vperm.xlane v28, v15  }
0x1c8: {  	s9 =	sand.u32 $0xD, s9  }
0x1c9: {  	v46 =	vmov s9;
	v28 =	vadd.f32 v28, v29  }
0x1ca: {  	v29 =	vperm.xlane v45, v46  }
0x1cb: {  	v47 =	vshrl.u32 v28, $0x1;
	v28 =	vmul.f32 $5.000000000e-01, v28  }
0x1cc: {  	(v2sf) =	vpush v29, $0x0;
	v48 =	vsub.s32 $0x5F3759DF, v47  }
0x1cd: {  	v30 =	vmul.f32 v48, v28;
	_ =	sdelay $0x1  }
0x1ce: {  	v30 =	vmul.f32 v48, v30;
	_ =	sdelay $0x1  }
0x1cf: {  	v30 =	vsub.f32 $1.500000000e+00, v30;
	_ =	sdelay $0x1  }
0x1d0: {  	v29 =	vmul.f32 v48, v30;
	_ =	sdelay $0x1  }
0x1d1: {  	v30 =	vmul.f32 v29, v28;
	_ =	sdelay $0x1  }
0x1d2: {  	v30 =	vmul.f32 v30, v29;
	_ =	sdelay $0x1  }
0x1d3: {  	v30 =	vsub.f32 $1.500000000e+00, v30;
	_ =	sdelay $0x1  }
0x1d4: {  	s14 =	spop (v2sf);
	v29 =	vmul.f32 v30, v29  }
0x1d5: {  	s9 =	sand.u32 $0x7F, s14  }
0x1d6: {  	v49 =	vor.u32 s9, v12;
	v28 =	vmul.f32 v29, v28;
	_ =	sdelay $0x1  }
0x1d7: {  	v28 =	vmul.f32 v28, v29;
	_ =	sdelay $0x1  }
0x1d8: {  	v28 =	vsub.f32 $1.500000000e+00, v28  }
0x1d9: {  	v30 =	vld.idx.msk [tilespmem:v49+s21+$0x0], $0xffff  }
0x1da: {  	v28 =	vmul.f32 v28, v29;
	_ =	sdelay $0x1  }
0x1db: {  	v50 =	vor.u32 s9, v16;
	v24 =	vmul.f32 v28, v37;
	_ =	sdelay $0x1  }
0x1dc: {  	v24 =	vadd.f32 v24, v30;
	_ =	sdelay $0x1  }
0x1dd: {  	[tilespmem:v21+s25+$0x0] =	vst.idx.msk $0xffff, v24  }
0x1de: {  	v21 =	vld.idx.msk [tilespmem:v50+s21+$0x0], $0xffff;
	_ =	sdelay $0x2  }
0x1df: {  	v52 =	vor.u32 s9, v17;
	v51 =	vmul.f32 v28, v38;
	_ =	sdelay $0x1  }
0x1e0: {  	v21 =	vadd.f32 v51, v21;
	_ =	sdelay $0x1  }
0x1e1: {  	[tilespmem:v35+s25+$0x0] =	vst.idx.msk $0xffff, v21  }
0x1e2: {  	v21 =	vld.idx.msk [tilespmem:v52+s21+$0x0], $0xffff;
	_ =	sdelay $0x2  }
0x1e3: {  	v54 =	vor.u32 s9, v18;
	v53 =	vmul.f32 v28, v39;
	_ =	sdelay $0x1  }
0x1e4: {  	v21 =	vadd.f32 v53, v21;
	_ =	sdelay $0x1  }
0x1e5: {  	[tilespmem:v36+s25+$0x0] =	vst.idx.msk $0xffff, v21  }
0x1e6: {  	v21 =	vld.idx.msk [tilespmem:v54+s21+$0x0], $0xffff;
	_ =	sdelay $0x2  }
0x1e7: {  	v55 =	vmul.f32 v28, v40;
	_ =	sdelay $0x1  }
0x1e8: {  	v21 =	vadd.f32 v55, v21  }
0x1e9: {  	s9 =	sadd.s32 @!p0 $0xD, s4  }
0x1ea: {  	s10 =	sand.u32 @!p0 $0x1F0, s9;
	[tilespmem:v20+s25+$0x0] =	vst.idx.msk $0xffff, v21  }
0x1eb: {  	v20 =	vld @!p0 [tilespmem:s10+$0x0];
	_ =	sdelay $0x2  }
0x1ec: {  	s9 =	sand.u32 @!p0 $0xD, s9  }
0x1ed: {  	v21 =	vmov @!p0 s9  }
0x1ee: {  	v20 =	vperm.xlane @!p0 v20, v21;
	_ =	sdelay $0x1  }
0x1ef: {  	(v2sf) =	vpush @!p0 v20, $0x0;
	_ =	sdelay $0xb  }
0x1f0: {  	s9 =	sadd.s32 $0x6, s4  }
0x1f1: {  	v20 =	vmov s9  }
0x1f2: {  	v56 =	vshll.u32 v20, $0x3  }
0x1f3: {  	v20 =	vand.u32 $0x7E, v20;
	v21 =	vand.u32 $0x400, v56;
	s10 =	spop @!p0 (v2sf)  }
0x1f4: {  	v20 =	vor.u32 v20, v21;
	s10 =	sand.u32 @!p0 $0xFFFFF80, s10  }
0x1f5: {  	s14 =	simm.s32 @!p0 $0xA200;
	v21 =	vor.u32 v7, v20;
	s10 =	sadd.s32 @!p0 s0, s10  }
0x1f6: {  	v57 =	vor.u32 v8, v20;
	[tilespmem:s14], [sflag:$0x6] =	stream.strided.gather @!p0 [hbm4b:s10+s7], $0x2000, s13, s7, $0x38;
	[tilespmem:$0x18200] =	vst v63  }
0x1f7: {  	_ =	swait.ge [sflag:s2], $0x2000  }
0x1f8: {  	v58 =	vor.u32 v9, v20;
	[sflag:s2] =	ssyncset.done $0x0  }
0x1f9: {  	[sflag:s2] =	ssyncadd.s32 $0xFFFFE000  }
0x1fa: {  	v20 =	vor.u32 v13, v20;
	v59 =	vld.idx.msk [tilespmem:v21+s11+$0x0], $0xffff  }
0x1fb: {  	v60 =	vld.idx.msk [tilespmem:v57+s11+$0x0], $0xffff;
	_ =	sdelay $0x1  }
0x1fc: {  	v61 =	vld.idx.msk [tilespmem:v58+s11+$0x0], $0xffff;
	_ =	sdelay $0x1  }
0x1fd: {  	v62 =	vld.idx.msk [tilespmem:v20+s11+$0x0], $0xffff  }
0x1fe: {  	v63 =	vmul.f32 v59, v59;
	v32 =	vmul.f32 v60, v60;
	_ =	sdelay $0x1  }
0x1ff: {  	v33 =	vmul.f32 v61, v61;
	v28 =	vadd.f32 v32, v63;
	_ =	sdelay $0x1  }
0x200: {  	v34 =	vmul.f32 v62, v62;
	v28 =	vadd.f32 v33, v28;
	_ =	sdelay $0x1  }
0x201: {  	v28 =	vadd.f32 v34, v28;
	_ =	sdelay $0x1  }
0x202: {  	v29 =	vperm.xlane v28, v10;
	_ =	sdelay $0x1  }
0x203: {  	v28 =	vadd.f32 v28, v29;
	_ =	sdelay $0x1  }
0x204: {  	v29 =	vperm.xlane v28, v11;
	_ =	sdelay $0x1  }
0x205: {  	v28 =	vadd.f32 v28, v29;
	_ =	sdelay $0x1  }
0x206: {  	v29 =	vperm.xlane v28, v14;
	_ =	sdelay $0x1  }
0x207: {  	v35 =	vld [tilespmem:s5+$0x0];
	v28 =	vadd.f32 v28, v29;
	_ =	sdelay $0x1  }
0x208: {  	v29 =	vperm.xlane v28, v15  }
0x209: {  	s9 =	sand.u32 $0xE, s9  }
0x20a: {  	v36 =	vmov s9;
	v28 =	vadd.f32 v28, v29  }
0x20b: {  	v29 =	vperm.xlane v35, v36  }
0x20c: {  	v37 =	vshrl.u32 v28, $0x1;
	v28 =	vmul.f32 $5.000000000e-01, v28  }
0x20d: {  	(v2sf) =	vpush v29, $0x0;
	v38 =	vsub.s32 $0x5F3759DF, v37  }
0x20e: {  	v30 =	vmul.f32 v38, v28;
	_ =	sdelay $0x1  }
0x20f: {  	v30 =	vmul.f32 v38, v30;
	_ =	sdelay $0x1  }
0x210: {  	v30 =	vsub.f32 $1.500000000e+00, v30;
	_ =	sdelay $0x1  }
0x211: {  	v29 =	vmul.f32 v38, v30;
	_ =	sdelay $0x1  }
0x212: {  	v30 =	vmul.f32 v29, v28;
	_ =	sdelay $0x1  }
0x213: {  	v30 =	vmul.f32 v30, v29;
	_ =	sdelay $0x1  }
0x214: {  	v30 =	vsub.f32 $1.500000000e+00, v30;
	_ =	sdelay $0x1  }
0x215: {  	s10 =	spop (v2sf);
	v29 =	vmul.f32 v30, v29  }
0x216: {  	s9 =	sand.u32 $0x7F, s10  }
0x217: {  	v39 =	vor.u32 s9, v12;
	v28 =	vmul.f32 v29, v28;
	_ =	sdelay $0x1  }
0x218: {  	v28 =	vmul.f32 v28, v29;
	_ =	sdelay $0x1  }
0x219: {  	v28 =	vsub.f32 $1.500000000e+00, v28  }
0x21a: {  	v30 =	vld.idx.msk [tilespmem:v39+s22+$0x0], $0xffff  }
0x21b: {  	v28 =	vmul.f32 v28, v29;
	_ =	sdelay $0x1  }
0x21c: {  	v40 =	vor.u32 s9, v16;
	v24 =	vmul.f32 v28, v59;
	_ =	sdelay $0x1  }
0x21d: {  	v24 =	vadd.f32 v24, v30;
	_ =	sdelay $0x1  }
0x21e: {  	[tilespmem:v21+s25+$0x0] =	vst.idx.msk $0xffff, v24  }
0x21f: {  	v21 =	vld.idx.msk [tilespmem:v40+s22+$0x0], $0xffff;
	_ =	sdelay $0x2  }
0x220: {  	v42 =	vor.u32 s9, v17;
	v41 =	vmul.f32 v28, v60;
	_ =	sdelay $0x1  }
0x221: {  	v21 =	vadd.f32 v41, v21;
	_ =	sdelay $0x1  }
0x222: {  	[tilespmem:v57+s25+$0x0] =	vst.idx.msk $0xffff, v21  }
0x223: {  	v21 =	vld.idx.msk [tilespmem:v42+s22+$0x0], $0xffff;
	_ =	sdelay $0x2  }
0x224: {  	v44 =	vor.u32 s9, v18;
	v43 =	vmul.f32 v28, v61;
	_ =	sdelay $0x1  }
0x225: {  	v21 =	vadd.f32 v43, v21;
	_ =	sdelay $0x1  }
0x226: {  	[tilespmem:v58+s25+$0x0] =	vst.idx.msk $0xffff, v21  }
0x227: {  	v21 =	vld.idx.msk [tilespmem:v44+s22+$0x0], $0xffff;
	_ =	sdelay $0x2  }
0x228: {  	v45 =	vmul.f32 v28, v62;
	_ =	sdelay $0x1  }
0x229: {  	v21 =	vadd.f32 v45, v21  }
0x22a: {  	s9 =	sadd.s32 @!p0 $0xE, s4  }
0x22b: {  	s10 =	sand.u32 @!p0 $0x1F0, s9;
	[tilespmem:v20+s25+$0x0] =	vst.idx.msk $0xffff, v21  }
0x22c: {  	v20 =	vld @!p0 [tilespmem:s10+$0x0];
	_ =	sdelay $0x2  }
0x22d: {  	s9 =	sand.u32 @!p0 $0xE, s9  }
0x22e: {  	v21 =	vmov @!p0 s9  }
0x22f: {  	v20 =	vperm.xlane @!p0 v20, v21;
	_ =	sdelay $0x1  }
0x230: {  	(v2sf) =	vpush @!p0 v20, $0x0;
	_ =	sdelay $0xc  }
0x231: {  	v20 =	vmov s6  }
0x232: {  	v46 =	vshll.u32 v20, $0x3  }
0x233: {  	v20 =	vand.u32 $0x7F, v20;
	v21 =	vand.u32 $0x400, v46;
	s6 =	spop @!p0 (v2sf)  }
0x234: {  	v20 =	vor.u32 v20, v21;
	s6 =	sand.u32 @!p0 $0xFFFFF80, s6  }
0x235: {  	s9 =	simm.s32 @!p0 $0xC200;
	v21 =	vor.u32 v7, v20;
	s6 =	sadd.s32 @!p0 s0, s6  }
0x236: {  	v47 =	vor.u32 v8, v20;
	[tilespmem:s9], [sflag:$0x7] =	stream.strided.gather @!p0 [hbm4b:s6+s7], $0x2000, s13, s7, $0x38;
	[tilespmem:$0x18200] =	vst v63  }
0x237: {  	_ =	swait.ge [sflag:s1], $0x2000  }
0x238: {  	v48 =	vor.u32 v9, v20;
	[sflag:s1] =	ssyncset.done $0x0  }
0x239: {  	[sflag:s1] =	ssyncadd.s32 $0xFFFFE000  }
0x23a: {  	v20 =	vor.u32 v13, v20;
	v49 =	vld.idx.msk [tilespmem:v21+s11+$0x0], $0xffff  }
0x23b: {  	v50 =	vld.idx.msk [tilespmem:v47+s11+$0x0], $0xffff;
	_ =	sdelay $0x1  }
0x23c: {  	v51 =	vld.idx.msk [tilespmem:v48+s11+$0x0], $0xffff;
	_ =	sdelay $0x1  }
0x23d: {  	v52 =	vld.idx.msk [tilespmem:v20+s11+$0x0], $0xffff  }
0x23e: {  	v53 =	vmul.f32 v49, v49;
	v54 =	vmul.f32 v50, v50;
	_ =	sdelay $0x1  }
0x23f: {  	v55 =	vmul.f32 v51, v51;
	v28 =	vadd.f32 v54, v53;
	_ =	sdelay $0x1  }
0x240: {  	v56 =	vmul.f32 v52, v52;
	v28 =	vadd.f32 v55, v28;
	_ =	sdelay $0x1  }
0x241: {  	v28 =	vadd.f32 v56, v28;
	_ =	sdelay $0x1  }
0x242: {  	v29 =	vperm.xlane v28, v10;
	_ =	sdelay $0x1  }
0x243: {  	v28 =	vadd.f32 v28, v29;
	_ =	sdelay $0x1  }
0x244: {  	v29 =	vperm.xlane v28, v11;
	_ =	sdelay $0x1  }
0x245: {  	v28 =	vadd.f32 v28, v29;
	_ =	sdelay $0x1  }
0x246: {  	v29 =	vperm.xlane v28, v14;
	_ =	sdelay $0x1  }
0x247: {  	v57 =	vld [tilespmem:s5+$0x0];
	v28 =	vadd.f32 v28, v29;
	_ =	sdelay $0x1  }
0x248: {  	v29 =	vperm.xlane v28, v15;
	_ =	sdelay $0x1  }
0x249: {  	v28 =	vadd.f32 v28, v29  }
0x24a: {  	v19 =	vperm.xlane v57, v19  }
0x24b: {  	v29 =	vshrl.u32 v28, $0x1;
	v28 =	vmul.f32 $5.000000000e-01, v28  }
0x24c: {  	(v2sf) =	vpush v19, $0x0;
	v19 =	vsub.s32 $0x5F3759DF, v29  }
0x24d: {  	v29 =	vmul.f32 v19, v28;
	_ =	sdelay $0x1  }
0x24e: {  	v29 =	vmul.f32 v19, v29;
	_ =	sdelay $0x1  }
0x24f: {  	v29 =	vsub.f32 $1.500000000e+00, v29;
	_ =	sdelay $0x1  }
0x250: {  	v19 =	vmul.f32 v19, v29;
	_ =	sdelay $0x1  }
0x251: {  	v29 =	vmul.f32 v19, v28;
	_ =	sdelay $0x1  }
0x252: {  	v29 =	vmul.f32 v29, v19;
	_ =	sdelay $0x1  }
0x253: {  	v29 =	vsub.f32 $1.500000000e+00, v29;
	_ =	sdelay $0x1  }
0x254: {  	s14 =	spop (v2sf);
	v19 =	vmul.f32 v29, v19  }
0x255: {  	s5 =	sand.u32 $0x7F, s14  }
0x256: {  	v58 =	vor.u32 s5, v12;
	v28 =	vmul.f32 v19, v28;
	_ =	sdelay $0x1  }
0x257: {  	v28 =	vmul.f32 v28, v19;
	_ =	sdelay $0x1  }
0x258: {  	v28 =	vsub.f32 $1.500000000e+00, v28  }
0x259: {  	v29 =	vld.idx.msk [tilespmem:v58+s23+$0x0], $0xffff  }
0x25a: {  	v19 =	vmul.f32 v28, v19;
	_ =	sdelay $0x1  }
0x25b: {  	v59 =	vor.u32 s5, v16;
	v24 =	vmul.f32 v19, v49;
	_ =	sdelay $0x1  }
0x25c: {  	v24 =	vadd.f32 v24, v29;
	_ =	sdelay $0x1  }
0x25d: {  	[tilespmem:v21+s25+$0x0] =	vst.idx.msk $0xffff, v24  }
0x25e: {  	v21 =	vld.idx.msk [tilespmem:v59+s23+$0x0], $0xffff;
	_ =	sdelay $0x2  }
0x25f: {  	v61 =	vor.u32 s5, v17;
	v60 =	vmul.f32 v19, v50;
	_ =	sdelay $0x1  }
0x260: {  	v21 =	vadd.f32 v60, v21;
	_ =	sdelay $0x1  }
0x261: {  	[tilespmem:v47+s25+$0x0] =	vst.idx.msk $0xffff, v21  }
0x262: {  	v21 =	vld.idx.msk [tilespmem:v61+s23+$0x0], $0xffff;
	_ =	sdelay $0x2  }
0x263: {  	v62 =	vor.u32 s5, v18;
	v63 =	vmul.f32 v19, v51;
	_ =	sdelay $0x1  }
0x264: {  	v21 =	vadd.f32 v63, v21;
	_ =	sdelay $0x1  }
0x265: {  	[tilespmem:v48+s25+$0x0] =	vst.idx.msk $0xffff, v21  }
0x266: {  	v21 =	vld.idx.msk [tilespmem:v62+s23+$0x0], $0xffff  }
0x267: {  	s4 =	sadd.s32 $0x8, s4  }
0x268: {  	p0 =	sne.s32 s4, $0x100  }
.Ltmp0:
0x269: {  	v19 =	vmul.f32 v19, v52;
	(pc) =	sbr.rel @p0 .LBB2_2-.Ltmp0, $3  }
0x26a: {  	_ = 	snop  }
0x26b: {  	v19 =	vadd.f32 v19, v21;
	_ =	sdelay $0x1  }
0x26c: {  	[tilespmem:v20+s25+$0x0] =	vst.idx.msk $0xffff, v19  }
0x26d: {  	s4 =	rddreg [dreg:$0x7];
	s13 =	simm.s32 $0x800;
	s14 =	simm.s32 $0x20000  }
0x26e: {  	[hbm4b:s4+s13] =	stream.strided.scatter [tilespmem:s25], [sflag:$0x9], $0x4000, s14, s13, $0x38;
	[tilespmem:$0x18200] =	vst v63  }
0x26f: {  	_ =	swait.ge [sflag:s8], $0x4000  }
0x270: {  	[sflag:s8] =	ssyncset.done $0x0  }
0x271: {  	s7 =	rddreg [dreg:$0x8];
	[sflag:s8] =	ssyncadd.s32 $0xFFFFC000  }
0x272: {  	[tilespmem:s11], [sflag:$0x9] =	stream.strided.gather [hbm4b:s7+s13], $0x4000, s14, s13, $0x38;
	[tilespmem:$0x18200] =	vst v63  }
0x273: {  	_ =	swait.ge [sflag:s8], $0x4000  }
0x274: {  	[sflag:s8] =	ssyncset.done $0x0  }
0x275: {  	[sflag:s8] =	ssyncadd.s32 $0xFFFFC000  }
0x276: {  	v19 =	vld [tilespmem:$0x100];
	_ =	sdelay $0x4  }
0x277: {  	v19 =	vperm.xlane v19, v0;
	_ =	sdelay $0x1  }
0x278: {  	(v2sf) =	vpush v19, $0x0;
	_ =	sdelay $0xe  }
0x279: {  	s9 =	spop (v2sf)  }
0x27a: {  	s4 =	sand.u32 $0xFFFFF80, s9  }
0x27b: {  	s4 =	sadd.s32 s0, s4  }
0x27c: {  	[tilespmem:s16], [sflag:$0x1] =	stream.strided.gather [hbm4b:s4+s12], $0x2000, s15, s12, $0x38;
	[tilespmem:$0x18200] =	vst v63  }
0x27d: {  	v19 =	vld [tilespmem:$0x100];
	_ =	sdelay $0x4  }
0x27e: {  	v19 =	vperm.xlane v19, v1;
	_ =	sdelay $0x1  }
0x27f: {  	(v2sf) =	vpush v19, $0x0;
	_ =	sdelay $0xe  }
0x280: {  	s10 =	spop (v2sf)  }
0x281: {  	s4 =	sand.u32 $0xFFFFF80, s10  }
0x282: {  	s4 =	sadd.s32 s0, s4  }
0x283: {  	[tilespmem:s17], [sflag:$0x2] =	stream.strided.gather [hbm4b:s4+s12], $0x2000, s15, s12, $0x38;
	[tilespmem:$0x18200] =	vst v63  }
0x284: {  	v19 =	vld [tilespmem:$0x100];
	_ =	sdelay $0x4  }
0x285: {  	v19 =	vperm.xlane v19, v2;
	_ =	sdelay $0x1  }
0x286: {  	(v2sf) =	vpush v19, $0x0;
	_ =	sdelay $0xe  }
0x287: {  	s5 =	spop (v2sf)  }
0x288: {  	s4 =	sand.u32 $0xFFFFF80, s5  }
0x289: {  	s4 =	sadd.s32 s0, s4  }
0x28a: {  	[tilespmem:s18], [sflag:$0x3] =	stream.strided.gather [hbm4b:s4+s12], $0x2000, s15, s12, $0x38;
	[tilespmem:$0x18200] =	vst v63  }
0x28b: {  	v19 =	vld [tilespmem:$0x100];
	_ =	sdelay $0x4  }
0x28c: {  	v19 =	vperm.xlane v19, v3;
	_ =	sdelay $0x1  }
0x28d: {  	(v2sf) =	vpush v19, $0x0;
	_ =	sdelay $0xe  }
0x28e: {  	s6 =	spop (v2sf)  }
0x28f: {  	s4 =	sand.u32 $0xFFFFF80, s6  }
0x290: {  	s4 =	sadd.s32 s0, s4  }
0x291: {  	[tilespmem:s19], [sflag:$0x4] =	stream.strided.gather [hbm4b:s4+s12], $0x2000, s15, s12, $0x38;
	[tilespmem:$0x18200] =	vst v63  }
0x292: {  	v19 =	vld [tilespmem:$0x100];
	_ =	sdelay $0x4  }
0x293: {  	v19 =	vperm.xlane v19, v4;
	_ =	sdelay $0x1  }
0x294: {  	(v2sf) =	vpush v19, $0x0;
	_ =	sdelay $0xe  }
0x295: {  	s7 =	spop (v2sf)  }
0x296: {  	s4 =	sand.u32 $0xFFFFF80, s7  }
0x297: {  	s4 =	sadd.s32 s0, s4  }
0x298: {  	[tilespmem:s20], [sflag:$0x5] =	stream.strided.gather [hbm4b:s4+s12], $0x2000, s15, s12, $0x38;
	[tilespmem:$0x18200] =	vst v63  }
0x299: {  	v19 =	vld [tilespmem:$0x100];
	_ =	sdelay $0x4  }
0x29a: {  	v19 =	vperm.xlane v19, v5;
	_ =	sdelay $0x1  }
0x29b: {  	(v2sf) =	vpush v19, $0x0;
	_ =	sdelay $0xe  }
0x29c: {  	s9 =	spop (v2sf)  }
0x29d: {  	s4 =	sand.u32 $0xFFFFF80, s9  }
0x29e: {  	s4 =	sadd.s32 s0, s4  }
0x29f: {  	[tilespmem:s21], [sflag:$0x6] =	stream.strided.gather [hbm4b:s4+s12], $0x2000, s15, s12, $0x38;
	[tilespmem:$0x18200] =	vst v63  }
0x2a0: {  	v19 =	vld [tilespmem:$0x100];
	_ =	sdelay $0x4  }
0x2a1: {  	v19 =	vperm.xlane v19, v6;
	_ =	sdelay $0x1  }
0x2a2: {  	(v2sf) =	vpush v19, $0x0;
	_ =	sdelay $0xe  }
0x2a3: {  	s10 =	spop (v2sf)  }
0x2a4: {  	s4 =	sand.u32 $0xFFFFF80, s10  }
0x2a5: {  	s4 =	sadd.s32 s0, s4  }
0x2a6: {  	[tilespmem:s22], [sflag:$0x7] =	stream.strided.gather [hbm4b:s4+s12], $0x2000, s15, s12, $0x38;
	[tilespmem:$0x18200] =	vst v63  }
0x2a7: {  	s4 =	simm.s32 $0x0  }
.LBB2_4:
0x2a8: {  	s6 =	sadd.s32 $0x107, s4  }
0x2a9: {  	s5 =	sand.u32 $0x1F0, s6  }
0x2aa: {  	v20 =	vld [tilespmem:s5+$0x0];
	_ =	sdelay $0x2  }
0x2ab: {  	s6 =	sand.u32 $0xF, s6  }
0x2ac: {  	v19 =	vmov s6  }
0x2ad: {  	v20 =	vperm.xlane v20, v19;
	_ =	sdelay $0x1  }
0x2ae: {  	(v2sf) =	vpush v20, $0x0;
	_ =	sdelay $0xc  }
0x2af: {  	v20 =	vmov s4  }
0x2b0: {  	v21 =	vshll.u32 v20, $0x3  }
0x2b1: {  	v20 =	vand.u32 $0x78, v20;
	v21 =	vand.u32 $0x400, v21;
	s7 =	spop (v2sf)  }
0x2b2: {  	v20 =	vor.u32 v20, v21;
	s6 =	sand.u32 $0xFFFFF80, s7  }
0x2b3: {  	v21 =	vor.u32 v7, v20;
	s6 =	sadd.s32 s0, s6  }
0x2b4: {  	v22 =	vor.u32 v8, v20;
	[tilespmem:s23], [sflag:$0x8] =	stream.strided.gather [hbm4b:s6+s12], $0x2000, s15, s12, $0x38;
	[tilespmem:$0x18200] =	vst v63  }
0x2b5: {  	_ =	swait.ge [sflag:s24], $0x2000  }
0x2b6: {  	v23 =	vor.u32 v9, v20;
	[sflag:s24] =	ssyncset.done $0x0  }
0x2b7: {  	[sflag:s24] =	ssyncadd.s32 $0xFFFFE000  }
0x2b8: {  	v20 =	vor.u32 v13, v20;
	v24 =	vld.idx.msk [tilespmem:v21+s11+$0x0], $0xffff  }
0x2b9: {  	v25 =	vld.idx.msk [tilespmem:v22+s11+$0x0], $0xffff;
	_ =	sdelay $0x1  }
0x2ba: {  	v26 =	vld.idx.msk [tilespmem:v23+s11+$0x0], $0xffff;
	_ =	sdelay $0x1  }
0x2bb: {  	v27 =	vld.idx.msk [tilespmem:v20+s11+$0x0], $0xffff  }
0x2bc: {  	v28 =	vmul.f32 v24, v24;
	v29 =	vmul.f32 v25, v25;
	_ =	sdelay $0x1  }
0x2bd: {  	v35 =	vmul.f32 v26, v26;
	v28 =	vadd.f32 v29, v28;
	_ =	sdelay $0x1  }
0x2be: {  	v36 =	vmul.f32 v27, v27;
	v28 =	vadd.f32 v35, v28;
	_ =	sdelay $0x1  }
0x2bf: {  	v28 =	vadd.f32 v36, v28;
	_ =	sdelay $0x1  }
0x2c0: {  	v29 =	vperm.xlane v28, v10;
	_ =	sdelay $0x1  }
0x2c1: {  	v28 =	vadd.f32 v28, v29;
	_ =	sdelay $0x1  }
0x2c2: {  	v29 =	vperm.xlane v28, v11;
	_ =	sdelay $0x1  }
0x2c3: {  	v28 =	vadd.f32 v28, v29;
	_ =	sdelay $0x1  }
0x2c4: {  	v29 =	vperm.xlane v28, v14  }
0x2c5: {  	s9 =	sand.u32 $0xF0, s4  }
0x2c6: {  	v30 =	vld [tilespmem:s9+$0x100];
	v28 =	vadd.f32 v28, v29;
	_ =	sdelay $0x1  }
0x2c7: {  	v29 =	vperm.xlane v28, v15  }
0x2c8: {  	s10 =	sand.u32 $0x8, s4  }
0x2c9: {  	v37 =	vmov s10;
	v28 =	vadd.f32 v28, v29  }
0x2ca: {  	v29 =	vperm.xlane v30, v37  }
0x2cb: {  	v38 =	vshrl.u32 v28, $0x1;
	v28 =	vmul.f32 $5.000000000e-01, v28  }
0x2cc: {  	(v2sf) =	vpush v29, $0x0;
	v39 =	vsub.s32 $0x5F3759DF, v38  }
0x2cd: {  	v30 =	vmul.f32 v39, v28;
	_ =	sdelay $0x1  }
0x2ce: {  	v30 =	vmul.f32 v39, v30;
	_ =	sdelay $0x1  }
0x2cf: {  	v30 =	vsub.f32 $1.500000000e+00, v30;
	_ =	sdelay $0x1  }
0x2d0: {  	v29 =	vmul.f32 v39, v30;
	_ =	sdelay $0x1  }
0x2d1: {  	v30 =	vmul.f32 v29, v28;
	_ =	sdelay $0x1  }
0x2d2: {  	v30 =	vmul.f32 v30, v29;
	_ =	sdelay $0x1  }
0x2d3: {  	v30 =	vsub.f32 $1.500000000e+00, v30;
	_ =	sdelay $0x1  }
0x2d4: {  	s7 =	spop (v2sf);
	v29 =	vmul.f32 v30, v29  }
0x2d5: {  	s6 =	sand.u32 $0x7F, s7  }
0x2d6: {  	v40 =	vor.u32 s6, v12;
	v28 =	vmul.f32 v29, v28;
	_ =	sdelay $0x1  }
0x2d7: {  	v28 =	vmul.f32 v28, v29;
	_ =	sdelay $0x1  }
0x2d8: {  	v28 =	vsub.f32 $1.500000000e+00, v28  }
0x2d9: {  	v30 =	vld.idx.msk [tilespmem:v40+s16+$0x0], $0xffff  }
0x2da: {  	v28 =	vmul.f32 v28, v29;
	_ =	sdelay $0x1  }
0x2db: {  	v41 =	vor.u32 s6, v16;
	v24 =	vmul.f32 v28, v24;
	_ =	sdelay $0x1  }
0x2dc: {  	v24 =	vadd.f32 v24, v30;
	_ =	sdelay $0x1  }
0x2dd: {  	[tilespmem:v21+s25+$0x0] =	vst.idx.msk $0xffff, v24  }
0x2de: {  	v21 =	vld.idx.msk [tilespmem:v41+s16+$0x0], $0xffff;
	_ =	sdelay $0x2  }
0x2df: {  	v43 =	vor.u32 s6, v17;
	v42 =	vmul.f32 v28, v25;
	_ =	sdelay $0x1  }
0x2e0: {  	v21 =	vadd.f32 v42, v21;
	_ =	sdelay $0x1  }
0x2e1: {  	[tilespmem:v22+s25+$0x0] =	vst.idx.msk $0xffff, v21  }
0x2e2: {  	v21 =	vld.idx.msk [tilespmem:v43+s16+$0x0], $0xffff;
	_ =	sdelay $0x2  }
0x2e3: {  	v45 =	vor.u32 s6, v18;
	v44 =	vmul.f32 v28, v26;
	_ =	sdelay $0x1  }
0x2e4: {  	v21 =	vadd.f32 v44, v21;
	_ =	sdelay $0x1  }
0x2e5: {  	[tilespmem:v23+s25+$0x0] =	vst.idx.msk $0xffff, v21  }
0x2e6: {  	v21 =	vld.idx.msk [tilespmem:v45+s16+$0x0], $0xffff;
	_ =	sdelay $0x2  }
0x2e7: {  	v46 =	vmul.f32 v28, v27;
	_ =	sdelay $0x1  }
0x2e8: {  	p0 =	seq.s32 s4, $0xF8;
	v21 =	vadd.f32 v46, v21  }
0x2e9: {  	s6 =	sadd.s32 @!p0 $0x108, s4  }
0x2ea: {  	s7 =	sand.u32 @!p0 $0x3F0, s6;
	[tilespmem:v20+s25+$0x0] =	vst.idx.msk $0xffff, v21  }
0x2eb: {  	v20 =	vld @!p0 [tilespmem:s7+$0x0];
	_ =	sdelay $0x2  }
0x2ec: {  	s6 =	sand.u32 @!p0 $0x8, s6  }
0x2ed: {  	v21 =	vmov @!p0 s6  }
0x2ee: {  	v20 =	vperm.xlane @!p0 v20, v21;
	_ =	sdelay $0x1  }
0x2ef: {  	(v2sf) =	vpush @!p0 v20, $0x0;
	_ =	sdelay $0xb  }
0x2f0: {  	s9 =	sadd.s32 $0x1, s4  }
0x2f1: {  	v20 =	vmov s9  }
0x2f2: {  	v47 =	vshll.u32 v20, $0x3  }
0x2f3: {  	v20 =	vand.u32 $0x79, v20;
	v21 =	vand.u32 $0x400, v47;
	s6 =	spop @!p0 (v2sf)  }
0x2f4: {  	s10 =	simm.s32 @!p0 $0x200;
	v20 =	vor.u32 v20, v21;
	s6 =	sand.u32 @!p0 $0xFFFFF80, s6  }
0x2f5: {  	s7 =	simm.s32 @!p0 $0x7A1400;
	v21 =	vor.u32 v7, v20;
	s9 =	sadd.s32 @!p0 s0, s6;
	s6 =	simm.s32 @!p0 $0x400  }
0x2f6: {  	v48 =	vor.u32 v8, v20;
	[tilespmem:s10], [sflag:$0x1] =	stream.strided.gather @!p0 [hbm4b:s9+s6], $0x2000, s7, s6, $0x38;
	[tilespmem:$0x18200] =	vst v63  }
0x2f7: {  	_ =	swait.ge [sflag:s26], $0x2000  }
0x2f8: {  	v49 =	vor.u32 v9, v20;
	[sflag:s26] =	ssyncset.done $0x0  }
0x2f9: {  	[sflag:s26] =	ssyncadd.s32 $0xFFFFE000  }
0x2fa: {  	v20 =	vor.u32 v13, v20;
	v50 =	vld.idx.msk [tilespmem:v21+s11+$0x0], $0xffff  }
0x2fb: {  	v51 =	vld.idx.msk [tilespmem:v48+s11+$0x0], $0xffff;
	_ =	sdelay $0x1  }
0x2fc: {  	v52 =	vld.idx.msk [tilespmem:v49+s11+$0x0], $0xffff;
	_ =	sdelay $0x1  }
0x2fd: {  	v53 =	vld.idx.msk [tilespmem:v20+s11+$0x0], $0xffff  }
0x2fe: {  	v54 =	vmul.f32 v50, v50;
	v55 =	vmul.f32 v51, v51;
	_ =	sdelay $0x1  }
0x2ff: {  	v56 =	vmul.f32 v52, v52;
	v28 =	vadd.f32 v55, v54;
	_ =	sdelay $0x1  }
0x300: {  	v57 =	vmul.f32 v53, v53;
	v28 =	vadd.f32 v56, v28;
	_ =	sdelay $0x1  }
0x301: {  	v28 =	vadd.f32 v57, v28;
	_ =	sdelay $0x1  }
0x302: {  	v29 =	vperm.xlane v28, v10;
	_ =	sdelay $0x1  }
0x303: {  	v28 =	vadd.f32 v28, v29;
	_ =	sdelay $0x1  }
0x304: {  	v29 =	vperm.xlane v28, v11;
	_ =	sdelay $0x1  }
0x305: {  	v28 =	vadd.f32 v28, v29;
	_ =	sdelay $0x1  }
0x306: {  	s9 =	sadd.s32 $0x101, s4;
	v29 =	vperm.xlane v28, v14  }
0x307: {  	s10 =	sand.u32 $0x1F0, s9  }
0x308: {  	v58 =	vld [tilespmem:s10+$0x0];
	v28 =	vadd.f32 v28, v29;
	_ =	sdelay $0x1  }
0x309: {  	v29 =	vperm.xlane v28, v15  }
0x30a: {  	s9 =	sand.u32 $0x9, s9  }
0x30b: {  	v59 =	vmov s9;
	v28 =	vadd.f32 v28, v29  }
0x30c: {  	v29 =	vperm.xlane v58, v59  }
0x30d: {  	v60 =	vshrl.u32 v28, $0x1;
	v28 =	vmul.f32 $5.000000000e-01, v28  }
0x30e: {  	(v2sf) =	vpush v29, $0x0;
	v61 =	vsub.s32 $0x5F3759DF, v60  }
0x30f: {  	v30 =	vmul.f32 v61, v28;
	_ =	sdelay $0x1  }
0x310: {  	v30 =	vmul.f32 v61, v30;
	_ =	sdelay $0x1  }
0x311: {  	v30 =	vsub.f32 $1.500000000e+00, v30;
	_ =	sdelay $0x1  }
0x312: {  	v29 =	vmul.f32 v61, v30;
	_ =	sdelay $0x1  }
0x313: {  	v30 =	vmul.f32 v29, v28;
	_ =	sdelay $0x1  }
0x314: {  	v30 =	vmul.f32 v30, v29;
	_ =	sdelay $0x1  }
0x315: {  	v30 =	vsub.f32 $1.500000000e+00, v30;
	_ =	sdelay $0x1  }
0x316: {  	s10 =	spop (v2sf);
	v29 =	vmul.f32 v30, v29  }
0x317: {  	s9 =	sand.u32 $0x7F, s10  }
0x318: {  	v62 =	vor.u32 s9, v12;
	v28 =	vmul.f32 v29, v28;
	_ =	sdelay $0x1  }
0x319: {  	v28 =	vmul.f32 v28, v29;
	_ =	sdelay $0x1  }
0x31a: {  	v28 =	vsub.f32 $1.500000000e+00, v28  }
0x31b: {  	v30 =	vld.idx.msk [tilespmem:v62+s17+$0x0], $0xffff  }
0x31c: {  	v28 =	vmul.f32 v28, v29;
	_ =	sdelay $0x1  }
0x31d: {  	v63 =	vor.u32 s9, v16;
	v24 =	vmul.f32 v28, v50;
	_ =	sdelay $0x1  }
0x31e: {  	v24 =	vadd.f32 v24, v30;
	_ =	sdelay $0x1  }
0x31f: {  	[tilespmem:v21+s25+$0x0] =	vst.idx.msk $0xffff, v24  }
0x320: {  	v21 =	vld.idx.msk [tilespmem:v63+s17+$0x0], $0xffff;
	_ =	sdelay $0x2  }
0x321: {  	v31 =	vor.u32 s9, v17;
	v30 =	vmul.f32 v28, v51;
	_ =	sdelay $0x1  }
0x322: {  	v21 =	vadd.f32 v30, v21;
	_ =	sdelay $0x1  }
0x323: {  	[tilespmem:v48+s25+$0x0] =	vst.idx.msk $0xffff, v21  }
0x324: {  	v21 =	vld.idx.msk [tilespmem:v31+s17+$0x0], $0xffff;
	_ =	sdelay $0x2  }
0x325: {  	v33 =	vor.u32 s9, v18;
	v32 =	vmul.f32 v28, v52;
	_ =	sdelay $0x1  }
0x326: {  	v21 =	vadd.f32 v32, v21;
	_ =	sdelay $0x1  }
0x327: {  	[tilespmem:v49+s25+$0x0] =	vst.idx.msk $0xffff, v21  }
0x328: {  	v21 =	vld.idx.msk [tilespmem:v33+s17+$0x0], $0xffff;
	_ =	sdelay $0x2  }
0x329: {  	v34 =	vmul.f32 v28, v53;
	_ =	sdelay $0x1  }
0x32a: {  	v21 =	vadd.f32 v34, v21  }
0x32b: {  	s9 =	sadd.s32 @!p0 $0x109, s4  }
0x32c: {  	s10 =	sand.u32 @!p0 $0x3F0, s9;
	[tilespmem:v20+s25+$0x0] =	vst.idx.msk $0xffff, v21  }
0x32d: {  	v20 =	vld @!p0 [tilespmem:s10+$0x0];
	_ =	sdelay $0x2  }
0x32e: {  	s9 =	sand.u32 @!p0 $0x9, s9  }
0x32f: {  	v21 =	vmov @!p0 s9  }
0x330: {  	v20 =	vperm.xlane @!p0 v20, v21;
	_ =	sdelay $0x1  }
0x331: {  	(v2sf) =	vpush @!p0 v20, $0x0;
	_ =	sdelay $0xb  }
0x332: {  	s10 =	sadd.s32 $0x2, s4  }
0x333: {  	v20 =	vmov s10  }
0x334: {  	v35 =	vshll.u32 v20, $0x3  }
0x335: {  	v20 =	vand.u32 $0x7A, v20;
	v21 =	vand.u32 $0x400, v35;
	s9 =	spop @!p0 (v2sf)  }
0x336: {  	v20 =	vor.u32 v20, v21;
	s9 =	sand.u32 @!p0 $0xFFFFF80, s9  }
0x337: {  	s10 =	simm.s32 @!p0 $0x2200;
	v21 =	vor.u32 v7, v20;
	s9 =	sadd.s32 @!p0 s0, s9  }
0x338: {  	v36 =	vor.u32 v8, v20;
	[tilespmem:s10], [sflag:$0x2] =	stream.strided.gather @!p0 [hbm4b:s9+s6], $0x2000, s7, s6, $0x38;
	[tilespmem:$0x18200] =	vst v63  }
0x339: {  	_ =	swait.ge [sflag:s28], $0x2000  }
0x33a: {  	v37 =	vor.u32 v9, v20;
	[sflag:s28] =	ssyncset.done $0x0  }
0x33b: {  	[sflag:s28] =	ssyncadd.s32 $0xFFFFE000  }
0x33c: {  	v20 =	vor.u32 v13, v20;
	v38 =	vld.idx.msk [tilespmem:v21+s11+$0x0], $0xffff  }
0x33d: {  	v39 =	vld.idx.msk [tilespmem:v36+s11+$0x0], $0xffff;
	_ =	sdelay $0x1  }
0x33e: {  	v40 =	vld.idx.msk [tilespmem:v37+s11+$0x0], $0xffff;
	_ =	sdelay $0x1  }
0x33f: {  	v41 =	vld.idx.msk [tilespmem:v20+s11+$0x0], $0xffff  }
0x340: {  	v42 =	vmul.f32 v38, v38;
	v43 =	vmul.f32 v39, v39;
	_ =	sdelay $0x1  }
0x341: {  	v44 =	vmul.f32 v40, v40;
	v28 =	vadd.f32 v43, v42;
	_ =	sdelay $0x1  }
0x342: {  	v45 =	vmul.f32 v41, v41;
	v28 =	vadd.f32 v44, v28;
	_ =	sdelay $0x1  }
0x343: {  	v28 =	vadd.f32 v45, v28;
	_ =	sdelay $0x1  }
0x344: {  	v29 =	vperm.xlane v28, v10;
	_ =	sdelay $0x1  }
0x345: {  	v28 =	vadd.f32 v28, v29;
	_ =	sdelay $0x1  }
0x346: {  	v29 =	vperm.xlane v28, v11;
	_ =	sdelay $0x1  }
0x347: {  	v28 =	vadd.f32 v28, v29;
	_ =	sdelay $0x1  }
0x348: {  	s9 =	sadd.s32 $0x102, s4;
	v29 =	vperm.xlane v28, v14  }
0x349: {  	s10 =	sand.u32 $0x1F0, s9  }
0x34a: {  	v46 =	vld [tilespmem:s10+$0x0];
	v28 =	vadd.f32 v28, v29;
	_ =	sdelay $0x1  }
0x34b: {  	v29 =	vperm.xlane v28, v15  }
0x34c: {  	s9 =	sand.u32 $0xA, s9  }
0x34d: {  	v47 =	vmov s9;
	v28 =	vadd.f32 v28, v29  }
0x34e: {  	v29 =	vperm.xlane v46, v47  }
0x34f: {  	v48 =	vshrl.u32 v28, $0x1;
	v28 =	vmul.f32 $5.000000000e-01, v28  }
0x350: {  	(v2sf) =	vpush v29, $0x0;
	v49 =	vsub.s32 $0x5F3759DF, v48  }
0x351: {  	v30 =	vmul.f32 v49, v28;
	_ =	sdelay $0x1  }
0x352: {  	v30 =	vmul.f32 v49, v30;
	_ =	sdelay $0x1  }
0x353: {  	v30 =	vsub.f32 $1.500000000e+00, v30;
	_ =	sdelay $0x1  }
0x354: {  	v29 =	vmul.f32 v49, v30;
	_ =	sdelay $0x1  }
0x355: {  	v30 =	vmul.f32 v29, v28;
	_ =	sdelay $0x1  }
0x356: {  	v30 =	vmul.f32 v30, v29;
	_ =	sdelay $0x1  }
0x357: {  	v30 =	vsub.f32 $1.500000000e+00, v30;
	_ =	sdelay $0x1  }
0x358: {  	s10 =	spop (v2sf);
	v29 =	vmul.f32 v30, v29  }
0x359: {  	s9 =	sand.u32 $0x7F, s10  }
0x35a: {  	v50 =	vor.u32 s9, v12;
	v28 =	vmul.f32 v29, v28;
	_ =	sdelay $0x1  }
0x35b: {  	v28 =	vmul.f32 v28, v29;
	_ =	sdelay $0x1  }
0x35c: {  	v28 =	vsub.f32 $1.500000000e+00, v28  }
0x35d: {  	v30 =	vld.idx.msk [tilespmem:v50+s18+$0x0], $0xffff  }
0x35e: {  	v28 =	vmul.f32 v28, v29;
	_ =	sdelay $0x1  }
0x35f: {  	v51 =	vor.u32 s9, v16;
	v24 =	vmul.f32 v28, v38;
	_ =	sdelay $0x1  }
0x360: {  	v24 =	vadd.f32 v24, v30;
	_ =	sdelay $0x1  }
0x361: {  	[tilespmem:v21+s25+$0x0] =	vst.idx.msk $0xffff, v24  }
0x362: {  	v21 =	vld.idx.msk [tilespmem:v51+s18+$0x0], $0xffff;
	_ =	sdelay $0x2  }
0x363: {  	v53 =	vor.u32 s9, v17;
	v52 =	vmul.f32 v28, v39;
	_ =	sdelay $0x1  }
0x364: {  	v21 =	vadd.f32 v52, v21;
	_ =	sdelay $0x1  }
0x365: {  	[tilespmem:v36+s25+$0x0] =	vst.idx.msk $0xffff, v21  }
0x366: {  	v21 =	vld.idx.msk [tilespmem:v53+s18+$0x0], $0xffff;
	_ =	sdelay $0x2  }
0x367: {  	v55 =	vor.u32 s9, v18;
	v54 =	vmul.f32 v28, v40;
	_ =	sdelay $0x1  }
0x368: {  	v21 =	vadd.f32 v54, v21;
	_ =	sdelay $0x1  }
0x369: {  	[tilespmem:v37+s25+$0x0] =	vst.idx.msk $0xffff, v21  }
0x36a: {  	v21 =	vld.idx.msk [tilespmem:v55+s18+$0x0], $0xffff;
	_ =	sdelay $0x2  }
0x36b: {  	v56 =	vmul.f32 v28, v41;
	_ =	sdelay $0x1  }
0x36c: {  	v21 =	vadd.f32 v56, v21  }
0x36d: {  	s9 =	sadd.s32 @!p0 $0x10A, s4  }
0x36e: {  	s10 =	sand.u32 @!p0 $0x3F0, s9;
	[tilespmem:v20+s25+$0x0] =	vst.idx.msk $0xffff, v21  }
0x36f: {  	v20 =	vld @!p0 [tilespmem:s10+$0x0];
	_ =	sdelay $0x2  }
0x370: {  	s9 =	sand.u32 @!p0 $0xA, s9  }
0x371: {  	v21 =	vmov @!p0 s9  }
0x372: {  	v20 =	vperm.xlane @!p0 v20, v21;
	_ =	sdelay $0x1  }
0x373: {  	(v2sf) =	vpush @!p0 v20, $0x0;
	_ =	sdelay $0xb  }
0x374: {  	s10 =	sadd.s32 $0x3, s4  }
0x375: {  	v20 =	vmov s10  }
0x376: {  	v57 =	vshll.u32 v20, $0x3  }
0x377: {  	v20 =	vand.u32 $0x7B, v20;
	v21 =	vand.u32 $0x400, v57;
	s9 =	spop @!p0 (v2sf)  }
0x378: {  	v20 =	vor.u32 v20, v21;
	s9 =	sand.u32 @!p0 $0xFFFFF80, s9  }
0x379: {  	s10 =	simm.s32 @!p0 $0x4200;
	v21 =	vor.u32 v7, v20;
	s9 =	sadd.s32 @!p0 s0, s9  }
0x37a: {  	v58 =	vor.u32 v8, v20;
	[tilespmem:s10], [sflag:$0x3] =	stream.strided.gather @!p0 [hbm4b:s9+s6], $0x2000, s7, s6, $0x38;
	[tilespmem:$0x18200] =	vst v63  }
0x37b: {  	_ =	swait.ge [sflag:s29], $0x2000  }
0x37c: {  	v59 =	vor.u32 v9, v20;
	[sflag:s29] =	ssyncset.done $0x0  }
0x37d: {  	[sflag:s29] =	ssyncadd.s32 $0xFFFFE000  }
0x37e: {  	v20 =	vor.u32 v13, v20;
	v60 =	vld.idx.msk [tilespmem:v21+s11+$0x0], $0xffff  }
0x37f: {  	v61 =	vld.idx.msk [tilespmem:v58+s11+$0x0], $0xffff;
	_ =	sdelay $0x1  }
0x380: {  	v62 =	vld.idx.msk [tilespmem:v59+s11+$0x0], $0xffff;
	_ =	sdelay $0x1  }
0x381: {  	v63 =	vld.idx.msk [tilespmem:v20+s11+$0x0], $0xffff  }
0x382: {  	v32 =	vmul.f32 v60, v60;
	v33 =	vmul.f32 v61, v61;
	_ =	sdelay $0x1  }
0x383: {  	v34 =	vmul.f32 v62, v62;
	v28 =	vadd.f32 v33, v32;
	_ =	sdelay $0x1  }
0x384: {  	v35 =	vmul.f32 v63, v63;
	v28 =	vadd.f32 v34, v28;
	_ =	sdelay $0x1  }
0x385: {  	v28 =	vadd.f32 v35, v28;
	_ =	sdelay $0x1  }
0x386: {  	v29 =	vperm.xlane v28, v10;
	_ =	sdelay $0x1  }
0x387: {  	v28 =	vadd.f32 v28, v29;
	_ =	sdelay $0x1  }
0x388: {  	v29 =	vperm.xlane v28, v11;
	_ =	sdelay $0x1  }
0x389: {  	v28 =	vadd.f32 v28, v29;
	_ =	sdelay $0x1  }
0x38a: {  	s9 =	sadd.s32 $0x103, s4;
	v29 =	vperm.xlane v28, v14  }
0x38b: {  	s10 =	sand.u32 $0x1F0, s9  }
0x38c: {  	v36 =	vld [tilespmem:s10+$0x0];
	v28 =	vadd.f32 v28, v29;
	_ =	sdelay $0x1  }
0x38d: {  	v29 =	vperm.xlane v28, v15  }
0x38e: {  	s9 =	sand.u32 $0xB, s9  }
0x38f: {  	v37 =	vmov s9;
	v28 =	vadd.f32 v28, v29  }
0x390: {  	v29 =	vperm.xlane v36, v37  }
0x391: {  	v38 =	vshrl.u32 v28, $0x1;
	v28 =	vmul.f32 $5.000000000e-01, v28  }
0x392: {  	(v2sf) =	vpush v29, $0x0;
	v39 =	vsub.s32 $0x5F3759DF, v38  }
0x393: {  	v30 =	vmul.f32 v39, v28;
	_ =	sdelay $0x1  }
0x394: {  	v30 =	vmul.f32 v39, v30;
	_ =	sdelay $0x1  }
0x395: {  	v30 =	vsub.f32 $1.500000000e+00, v30;
	_ =	sdelay $0x1  }
0x396: {  	v29 =	vmul.f32 v39, v30;
	_ =	sdelay $0x1  }
0x397: {  	v30 =	vmul.f32 v29, v28;
	_ =	sdelay $0x1  }
0x398: {  	v30 =	vmul.f32 v30, v29;
	_ =	sdelay $0x1  }
0x399: {  	v30 =	vsub.f32 $1.500000000e+00, v30;
	_ =	sdelay $0x1  }
0x39a: {  	s10 =	spop (v2sf);
	v29 =	vmul.f32 v30, v29  }
0x39b: {  	s9 =	sand.u32 $0x7F, s10  }
0x39c: {  	v40 =	vor.u32 s9, v12;
	v28 =	vmul.f32 v29, v28;
	_ =	sdelay $0x1  }
0x39d: {  	v28 =	vmul.f32 v28, v29;
	_ =	sdelay $0x1  }
0x39e: {  	v28 =	vsub.f32 $1.500000000e+00, v28  }
0x39f: {  	v30 =	vld.idx.msk [tilespmem:v40+s19+$0x0], $0xffff  }
0x3a0: {  	v28 =	vmul.f32 v28, v29;
	_ =	sdelay $0x1  }
0x3a1: {  	v41 =	vor.u32 s9, v16;
	v24 =	vmul.f32 v28, v60;
	_ =	sdelay $0x1  }
0x3a2: {  	v24 =	vadd.f32 v24, v30;
	_ =	sdelay $0x1  }
0x3a3: {  	[tilespmem:v21+s25+$0x0] =	vst.idx.msk $0xffff, v24  }
0x3a4: {  	v21 =	vld.idx.msk [tilespmem:v41+s19+$0x0], $0xffff;
	_ =	sdelay $0x2  }
0x3a5: {  	v43 =	vor.u32 s9, v17;
	v42 =	vmul.f32 v28, v61;
	_ =	sdelay $0x1  }
0x3a6: {  	v21 =	vadd.f32 v42, v21;
	_ =	sdelay $0x1  }
0x3a7: {  	[tilespmem:v58+s25+$0x0] =	vst.idx.msk $0xffff, v21  }
0x3a8: {  	v21 =	vld.idx.msk [tilespmem:v43+s19+$0x0], $0xffff;
	_ =	sdelay $0x2  }
0x3a9: {  	v45 =	vor.u32 s9, v18;
	v44 =	vmul.f32 v28, v62;
	_ =	sdelay $0x1  }
0x3aa: {  	v21 =	vadd.f32 v44, v21;
	_ =	sdelay $0x1  }
0x3ab: {  	[tilespmem:v59+s25+$0x0] =	vst.idx.msk $0xffff, v21  }
0x3ac: {  	v21 =	vld.idx.msk [tilespmem:v45+s19+$0x0], $0xffff;
	_ =	sdelay $0x2  }
0x3ad: {  	v46 =	vmul.f32 v28, v63;
	_ =	sdelay $0x1  }
0x3ae: {  	v21 =	vadd.f32 v46, v21  }
0x3af: {  	s9 =	sadd.s32 @!p0 $0x10B, s4  }
0x3b0: {  	s10 =	sand.u32 @!p0 $0x3F0, s9;
	[tilespmem:v20+s25+$0x0] =	vst.idx.msk $0xffff, v21  }
0x3b1: {  	v20 =	vld @!p0 [tilespmem:s10+$0x0];
	_ =	sdelay $0x2  }
0x3b2: {  	s9 =	sand.u32 @!p0 $0xB, s9  }
0x3b3: {  	v21 =	vmov @!p0 s9  }
0x3b4: {  	v20 =	vperm.xlane @!p0 v20, v21;
	_ =	sdelay $0x1  }
0x3b5: {  	(v2sf) =	vpush @!p0 v20, $0x0;
	_ =	sdelay $0xb  }
0x3b6: {  	s10 =	sadd.s32 $0x4, s4  }
0x3b7: {  	v20 =	vmov s10  }
0x3b8: {  	v47 =	vshll.u32 v20, $0x3  }
0x3b9: {  	v20 =	vand.u32 $0x7C, v20;
	v21 =	vand.u32 $0x400, v47;
	s9 =	spop @!p0 (v2sf)  }
0x3ba: {  	v20 =	vor.u32 v20, v21;
	s9 =	sand.u32 @!p0 $0xFFFFF80, s9  }
0x3bb: {  	s10 =	simm.s32 @!p0 $0x6200;
	v21 =	vor.u32 v7, v20;
	s9 =	sadd.s32 @!p0 s0, s9  }
0x3bc: {  	v48 =	vor.u32 v8, v20;
	[tilespmem:s10], [sflag:$0x4] =	stream.strided.gather @!p0 [hbm4b:s9+s6], $0x2000, s7, s6, $0x38;
	[tilespmem:$0x18200] =	vst v63  }
0x3bd: {  	_ =	swait.ge [sflag:s30], $0x2000  }
0x3be: {  	v49 =	vor.u32 v9, v20;
	[sflag:s30] =	ssyncset.done $0x0  }
0x3bf: {  	[sflag:s30] =	ssyncadd.s32 $0xFFFFE000  }
0x3c0: {  	v20 =	vor.u32 v13, v20;
	v50 =	vld.idx.msk [tilespmem:v21+s11+$0x0], $0xffff  }
0x3c1: {  	v51 =	vld.idx.msk [tilespmem:v48+s11+$0x0], $0xffff;
	_ =	sdelay $0x1  }
0x3c2: {  	v52 =	vld.idx.msk [tilespmem:v49+s11+$0x0], $0xffff;
	_ =	sdelay $0x1  }
0x3c3: {  	v53 =	vld.idx.msk [tilespmem:v20+s11+$0x0], $0xffff  }
0x3c4: {  	v54 =	vmul.f32 v50, v50;
	v55 =	vmul.f32 v51, v51;
	_ =	sdelay $0x1  }
0x3c5: {  	v56 =	vmul.f32 v52, v52;
	v28 =	vadd.f32 v55, v54;
	_ =	sdelay $0x1  }
0x3c6: {  	v57 =	vmul.f32 v53, v53;
	v28 =	vadd.f32 v56, v28;
	_ =	sdelay $0x1  }
0x3c7: {  	v28 =	vadd.f32 v57, v28;
	_ =	sdelay $0x1  }
0x3c8: {  	v29 =	vperm.xlane v28, v10;
	_ =	sdelay $0x1  }
0x3c9: {  	v28 =	vadd.f32 v28, v29;
	_ =	sdelay $0x1  }
0x3ca: {  	v29 =	vperm.xlane v28, v11;
	_ =	sdelay $0x1  }
0x3cb: {  	v28 =	vadd.f32 v28, v29;
	_ =	sdelay $0x1  }
0x3cc: {  	s9 =	sadd.s32 $0x104, s4;
	v29 =	vperm.xlane v28, v14  }
0x3cd: {  	s10 =	sand.u32 $0x1F0, s9  }
0x3ce: {  	v58 =	vld [tilespmem:s10+$0x0];
	v28 =	vadd.f32 v28, v29;
	_ =	sdelay $0x1  }
0x3cf: {  	v29 =	vperm.xlane v28, v15  }
0x3d0: {  	s9 =	sand.u32 $0xC, s9  }
0x3d1: {  	v59 =	vmov s9;
	v28 =	vadd.f32 v28, v29  }
0x3d2: {  	v29 =	vperm.xlane v58, v59  }
0x3d3: {  	v60 =	vshrl.u32 v28, $0x1;
	v28 =	vmul.f32 $5.000000000e-01, v28  }
0x3d4: {  	(v2sf) =	vpush v29, $0x0;
	v61 =	vsub.s32 $0x5F3759DF, v60  }
0x3d5: {  	v30 =	vmul.f32 v61, v28;
	_ =	sdelay $0x1  }
0x3d6: {  	v30 =	vmul.f32 v61, v30;
	_ =	sdelay $0x1  }
0x3d7: {  	v30 =	vsub.f32 $1.500000000e+00, v30;
	_ =	sdelay $0x1  }
0x3d8: {  	v29 =	vmul.f32 v61, v30;
	_ =	sdelay $0x1  }
0x3d9: {  	v30 =	vmul.f32 v29, v28;
	_ =	sdelay $0x1  }
0x3da: {  	v30 =	vmul.f32 v30, v29;
	_ =	sdelay $0x1  }
0x3db: {  	v30 =	vsub.f32 $1.500000000e+00, v30;
	_ =	sdelay $0x1  }
0x3dc: {  	s10 =	spop (v2sf);
	v29 =	vmul.f32 v30, v29  }
0x3dd: {  	s9 =	sand.u32 $0x7F, s10  }
0x3de: {  	v62 =	vor.u32 s9, v12;
	v28 =	vmul.f32 v29, v28;
	_ =	sdelay $0x1  }
0x3df: {  	v28 =	vmul.f32 v28, v29;
	_ =	sdelay $0x1  }
0x3e0: {  	v28 =	vsub.f32 $1.500000000e+00, v28  }
0x3e1: {  	v30 =	vld.idx.msk [tilespmem:v62+s20+$0x0], $0xffff  }
0x3e2: {  	v28 =	vmul.f32 v28, v29;
	_ =	sdelay $0x1  }
0x3e3: {  	v63 =	vor.u32 s9, v16;
	v24 =	vmul.f32 v28, v50;
	_ =	sdelay $0x1  }
0x3e4: {  	v24 =	vadd.f32 v24, v30;
	_ =	sdelay $0x1  }
0x3e5: {  	[tilespmem:v21+s25+$0x0] =	vst.idx.msk $0xffff, v24  }
0x3e6: {  	v21 =	vld.idx.msk [tilespmem:v63+s20+$0x0], $0xffff;
	_ =	sdelay $0x2  }
0x3e7: {  	v29 =	vmul.f32 v28, v51;
	v30 =	vor.u32 s9, v17;
	_ =	sdelay $0x1  }
0x3e8: {  	v21 =	vadd.f32 v29, v21;
	_ =	sdelay $0x1  }
0x3e9: {  	[tilespmem:v48+s25+$0x0] =	vst.idx.msk $0xffff, v21  }
0x3ea: {  	v21 =	vld.idx.msk [tilespmem:v30+s20+$0x0], $0xffff;
	_ =	sdelay $0x2  }
0x3eb: {  	v32 =	vor.u32 s9, v18;
	v31 =	vmul.f32 v28, v52;
	_ =	sdelay $0x1  }
0x3ec: {  	v21 =	vadd.f32 v31, v21;
	_ =	sdelay $0x1  }
0x3ed: {  	[tilespmem:v49+s25+$0x0] =	vst.idx.msk $0xffff, v21  }
0x3ee: {  	v21 =	vld.idx.msk [tilespmem:v32+s20+$0x0], $0xffff;
	_ =	sdelay $0x2  }
0x3ef: {  	v33 =	vmul.f32 v28, v53;
	_ =	sdelay $0x1  }
0x3f0: {  	v21 =	vadd.f32 v33, v21  }
0x3f1: {  	s9 =	sadd.s32 @!p0 $0x10C, s4  }
0x3f2: {  	s10 =	sand.u32 @!p0 $0x3F0, s9;
	[tilespmem:v20+s25+$0x0] =	vst.idx.msk $0xffff, v21  }
0x3f3: {  	v20 =	vld @!p0 [tilespmem:s10+$0x0];
	_ =	sdelay $0x2  }
0x3f4: {  	s9 =	sand.u32 @!p0 $0xC, s9  }
0x3f5: {  	v21 =	vmov @!p0 s9  }
0x3f6: {  	v20 =	vperm.xlane @!p0 v20, v21;
	_ =	sdelay $0x1  }
0x3f7: {  	(v2sf) =	vpush @!p0 v20, $0x0;
	_ =	sdelay $0xb  }
0x3f8: {  	s10 =	sadd.s32 $0x5, s4  }
0x3f9: {  	v20 =	vmov s10  }
0x3fa: {  	v34 =	vshll.u32 v20, $0x3  }
0x3fb: {  	v20 =	vand.u32 $0x7D, v20;
	v21 =	vand.u32 $0x400, v34;
	s9 =	spop @!p0 (v2sf)  }
0x3fc: {  	v20 =	vor.u32 v20, v21;
	s9 =	sand.u32 @!p0 $0xFFFFF80, s9  }
0x3fd: {  	s10 =	simm.s32 @!p0 $0x8200;
	v21 =	vor.u32 v7, v20;
	s9 =	sadd.s32 @!p0 s0, s9  }
0x3fe: {  	v35 =	vor.u32 v8, v20;
	[tilespmem:s10], [sflag:$0x5] =	stream.strided.gather @!p0 [hbm4b:s9+s6], $0x2000, s7, s6, $0x38;
	[tilespmem:$0x18200] =	vst v63  }
0x3ff: {  	_ =	swait.ge [sflag:s31], $0x2000  }
0x400: {  	v36 =	vor.u32 v9, v20;
	[sflag:s31] =	ssyncset.done $0x0  }
0x401: {  	[sflag:s31] =	ssyncadd.s32 $0xFFFFE000  }
0x402: {  	v20 =	vor.u32 v13, v20;
	v37 =	vld.idx.msk [tilespmem:v21+s11+$0x0], $0xffff  }
0x403: {  	v38 =	vld.idx.msk [tilespmem:v35+s11+$0x0], $0xffff;
	_ =	sdelay $0x1  }
0x404: {  	v39 =	vld.idx.msk [tilespmem:v36+s11+$0x0], $0xffff;
	_ =	sdelay $0x1  }
0x405: {  	v40 =	vld.idx.msk [tilespmem:v20+s11+$0x0], $0xffff  }
0x406: {  	v41 =	vmul.f32 v37, v37;
	v42 =	vmul.f32 v38, v38;
	_ =	sdelay $0x1  }
0x407: {  	v43 =	vmul.f32 v39, v39;
	v28 =	vadd.f32 v42, v41;
	_ =	sdelay $0x1  }
0x408: {  	v44 =	vmul.f32 v40, v40;
	v28 =	vadd.f32 v43, v28;
	_ =	sdelay $0x1  }
0x409: {  	v28 =	vadd.f32 v44, v28;
	_ =	sdelay $0x1  }
0x40a: {  	v29 =	vperm.xlane v28, v10;
	_ =	sdelay $0x1  }
0x40b: {  	v28 =	vadd.f32 v28, v29;
	_ =	sdelay $0x1  }
0x40c: {  	v29 =	vperm.xlane v28, v11;
	_ =	sdelay $0x1  }
0x40d: {  	v28 =	vadd.f32 v28, v29;
	_ =	sdelay $0x1  }
0x40e: {  	s9 =	sadd.s32 $0x105, s4;
	v29 =	vperm.xlane v28, v14  }
0x40f: {  	s10 =	sand.u32 $0x1F0, s9  }
0x410: {  	v45 =	vld [tilespmem:s10+$0x0];
	v28 =	vadd.f32 v28, v29;
	_ =	sdelay $0x1  }
0x411: {  	v29 =	vperm.xlane v28, v15  }
0x412: {  	s9 =	sand.u32 $0xD, s9  }
0x413: {  	v46 =	vmov s9;
	v28 =	vadd.f32 v28, v29  }
0x414: {  	v29 =	vperm.xlane v45, v46  }
0x415: {  	v47 =	vshrl.u32 v28, $0x1;
	v28 =	vmul.f32 $5.000000000e-01, v28  }
0x416: {  	(v2sf) =	vpush v29, $0x0;
	v48 =	vsub.s32 $0x5F3759DF, v47  }
0x417: {  	v30 =	vmul.f32 v48, v28;
	_ =	sdelay $0x1  }
0x418: {  	v30 =	vmul.f32 v48, v30;
	_ =	sdelay $0x1  }
0x419: {  	v30 =	vsub.f32 $1.500000000e+00, v30;
	_ =	sdelay $0x1  }
0x41a: {  	v29 =	vmul.f32 v48, v30;
	_ =	sdelay $0x1  }
0x41b: {  	v30 =	vmul.f32 v29, v28;
	_ =	sdelay $0x1  }
0x41c: {  	v30 =	vmul.f32 v30, v29;
	_ =	sdelay $0x1  }
0x41d: {  	v30 =	vsub.f32 $1.500000000e+00, v30;
	_ =	sdelay $0x1  }
0x41e: {  	s10 =	spop (v2sf);
	v29 =	vmul.f32 v30, v29  }
0x41f: {  	s9 =	sand.u32 $0x7F, s10  }
0x420: {  	v49 =	vor.u32 s9, v12;
	v28 =	vmul.f32 v29, v28;
	_ =	sdelay $0x1  }
0x421: {  	v28 =	vmul.f32 v28, v29;
	_ =	sdelay $0x1  }
0x422: {  	v28 =	vsub.f32 $1.500000000e+00, v28  }
0x423: {  	v30 =	vld.idx.msk [tilespmem:v49+s21+$0x0], $0xffff  }
0x424: {  	v28 =	vmul.f32 v28, v29;
	_ =	sdelay $0x1  }
0x425: {  	v50 =	vor.u32 s9, v16;
	v24 =	vmul.f32 v28, v37;
	_ =	sdelay $0x1  }
0x426: {  	v24 =	vadd.f32 v24, v30;
	_ =	sdelay $0x1  }
0x427: {  	[tilespmem:v21+s25+$0x0] =	vst.idx.msk $0xffff, v24  }
0x428: {  	v21 =	vld.idx.msk [tilespmem:v50+s21+$0x0], $0xffff;
	_ =	sdelay $0x2  }
0x429: {  	v52 =	vor.u32 s9, v17;
	v51 =	vmul.f32 v28, v38;
	_ =	sdelay $0x1  }
0x42a: {  	v21 =	vadd.f32 v51, v21;
	_ =	sdelay $0x1  }
0x42b: {  	[tilespmem:v35+s25+$0x0] =	vst.idx.msk $0xffff, v21  }
0x42c: {  	v21 =	vld.idx.msk [tilespmem:v52+s21+$0x0], $0xffff;
	_ =	sdelay $0x2  }
0x42d: {  	v54 =	vor.u32 s9, v18;
	v53 =	vmul.f32 v28, v39;
	_ =	sdelay $0x1  }
0x42e: {  	v21 =	vadd.f32 v53, v21;
	_ =	sdelay $0x1  }
0x42f: {  	[tilespmem:v36+s25+$0x0] =	vst.idx.msk $0xffff, v21  }
0x430: {  	v21 =	vld.idx.msk [tilespmem:v54+s21+$0x0], $0xffff;
	_ =	sdelay $0x2  }
0x431: {  	v55 =	vmul.f32 v28, v40;
	_ =	sdelay $0x1  }
0x432: {  	v21 =	vadd.f32 v55, v21  }
0x433: {  	s9 =	sadd.s32 @!p0 $0x10D, s4  }
0x434: {  	s10 =	sand.u32 @!p0 $0x3F0, s9;
	[tilespmem:v20+s25+$0x0] =	vst.idx.msk $0xffff, v21  }
0x435: {  	v20 =	vld @!p0 [tilespmem:s10+$0x0];
	_ =	sdelay $0x2  }
0x436: {  	s9 =	sand.u32 @!p0 $0xD, s9  }
0x437: {  	v21 =	vmov @!p0 s9  }
0x438: {  	v20 =	vperm.xlane @!p0 v20, v21;
	_ =	sdelay $0x1  }
0x439: {  	(v2sf) =	vpush @!p0 v20, $0x0;
	_ =	sdelay $0xb  }
0x43a: {  	s10 =	sadd.s32 $0x6, s4  }
0x43b: {  	v20 =	vmov s10  }
0x43c: {  	v56 =	vshll.u32 v20, $0x3  }
0x43d: {  	v20 =	vand.u32 $0x7E, v20;
	v21 =	vand.u32 $0x400, v56;
	s9 =	spop @!p0 (v2sf)  }
0x43e: {  	v20 =	vor.u32 v20, v21;
	s9 =	sand.u32 @!p0 $0xFFFFF80, s9  }
0x43f: {  	s10 =	simm.s32 @!p0 $0xA200;
	v21 =	vor.u32 v7, v20;
	s9 =	sadd.s32 @!p0 s0, s9  }
0x440: {  	v57 =	vor.u32 v8, v20;
	[tilespmem:s10], [sflag:$0x6] =	stream.strided.gather @!p0 [hbm4b:s9+s6], $0x2000, s7, s6, $0x38;
	[tilespmem:$0x18200] =	vst v63  }
0x441: {  	_ =	swait.ge [sflag:s2], $0x2000  }
0x442: {  	v58 =	vor.u32 v9, v20;
	[sflag:s2] =	ssyncset.done $0x0  }
0x443: {  	[sflag:s2] =	ssyncadd.s32 $0xFFFFE000  }
0x444: {  	v20 =	vor.u32 v13, v20;
	v59 =	vld.idx.msk [tilespmem:v21+s11+$0x0], $0xffff  }
0x445: {  	v60 =	vld.idx.msk [tilespmem:v57+s11+$0x0], $0xffff;
	_ =	sdelay $0x1  }
0x446: {  	v61 =	vld.idx.msk [tilespmem:v58+s11+$0x0], $0xffff;
	_ =	sdelay $0x1  }
0x447: {  	v62 =	vld.idx.msk [tilespmem:v20+s11+$0x0], $0xffff  }
0x448: {  	v63 =	vmul.f32 v59, v59;
	v32 =	vmul.f32 v60, v60;
	_ =	sdelay $0x1  }
0x449: {  	v33 =	vmul.f32 v61, v61;
	v28 =	vadd.f32 v32, v63;
	_ =	sdelay $0x1  }
0x44a: {  	v34 =	vmul.f32 v62, v62;
	v28 =	vadd.f32 v33, v28;
	_ =	sdelay $0x1  }
0x44b: {  	v28 =	vadd.f32 v34, v28;
	_ =	sdelay $0x1  }
0x44c: {  	v29 =	vperm.xlane v28, v10;
	_ =	sdelay $0x1  }
0x44d: {  	v28 =	vadd.f32 v28, v29;
	_ =	sdelay $0x1  }
0x44e: {  	v29 =	vperm.xlane v28, v11;
	_ =	sdelay $0x1  }
0x44f: {  	v28 =	vadd.f32 v28, v29;
	_ =	sdelay $0x1  }
0x450: {  	s9 =	sadd.s32 $0x106, s4;
	v29 =	vperm.xlane v28, v14  }
0x451: {  	s10 =	sand.u32 $0x1F0, s9  }
0x452: {  	v35 =	vld [tilespmem:s10+$0x0];
	v28 =	vadd.f32 v28, v29;
	_ =	sdelay $0x1  }
0x453: {  	v29 =	vperm.xlane v28, v15  }
0x454: {  	s9 =	sand.u32 $0xE, s9  }
0x455: {  	v36 =	vmov s9;
	v28 =	vadd.f32 v28, v29  }
0x456: {  	v29 =	vperm.xlane v35, v36  }
0x457: {  	v37 =	vshrl.u32 v28, $0x1;
	v28 =	vmul.f32 $5.000000000e-01, v28  }
0x458: {  	(v2sf) =	vpush v29, $0x0;
	v38 =	vsub.s32 $0x5F3759DF, v37  }
0x459: {  	v30 =	vmul.f32 v38, v28;
	_ =	sdelay $0x1  }
0x45a: {  	v30 =	vmul.f32 v38, v30;
	_ =	sdelay $0x1  }
0x45b: {  	v30 =	vsub.f32 $1.500000000e+00, v30;
	_ =	sdelay $0x1  }
0x45c: {  	v29 =	vmul.f32 v38, v30;
	_ =	sdelay $0x1  }
0x45d: {  	v30 =	vmul.f32 v29, v28;
	_ =	sdelay $0x1  }
0x45e: {  	v30 =	vmul.f32 v30, v29;
	_ =	sdelay $0x1  }
0x45f: {  	v30 =	vsub.f32 $1.500000000e+00, v30;
	_ =	sdelay $0x1  }
0x460: {  	s10 =	spop (v2sf);
	v29 =	vmul.f32 v30, v29  }
0x461: {  	s9 =	sand.u32 $0x7F, s10  }
0x462: {  	v39 =	vor.u32 s9, v12;
	v28 =	vmul.f32 v29, v28;
	_ =	sdelay $0x1  }
0x463: {  	v28 =	vmul.f32 v28, v29;
	_ =	sdelay $0x1  }
0x464: {  	v28 =	vsub.f32 $1.500000000e+00, v28  }
0x465: {  	v30 =	vld.idx.msk [tilespmem:v39+s22+$0x0], $0xffff  }
0x466: {  	v28 =	vmul.f32 v28, v29;
	_ =	sdelay $0x1  }
0x467: {  	v40 =	vor.u32 s9, v16;
	v24 =	vmul.f32 v28, v59;
	_ =	sdelay $0x1  }
0x468: {  	v24 =	vadd.f32 v24, v30;
	_ =	sdelay $0x1  }
0x469: {  	[tilespmem:v21+s25+$0x0] =	vst.idx.msk $0xffff, v24  }
0x46a: {  	v21 =	vld.idx.msk [tilespmem:v40+s22+$0x0], $0xffff;
	_ =	sdelay $0x2  }
0x46b: {  	v42 =	vor.u32 s9, v17;
	v41 =	vmul.f32 v28, v60;
	_ =	sdelay $0x1  }
0x46c: {  	v21 =	vadd.f32 v41, v21;
	_ =	sdelay $0x1  }
0x46d: {  	[tilespmem:v57+s25+$0x0] =	vst.idx.msk $0xffff, v21  }
0x46e: {  	v21 =	vld.idx.msk [tilespmem:v42+s22+$0x0], $0xffff;
	_ =	sdelay $0x2  }
0x46f: {  	v44 =	vor.u32 s9, v18;
	v43 =	vmul.f32 v28, v61;
	_ =	sdelay $0x1  }
0x470: {  	v21 =	vadd.f32 v43, v21;
	_ =	sdelay $0x1  }
0x471: {  	[tilespmem:v58+s25+$0x0] =	vst.idx.msk $0xffff, v21  }
0x472: {  	v21 =	vld.idx.msk [tilespmem:v44+s22+$0x0], $0xffff;
	_ =	sdelay $0x2  }
0x473: {  	v45 =	vmul.f32 v28, v62;
	_ =	sdelay $0x1  }
0x474: {  	v21 =	vadd.f32 v45, v21  }
0x475: {  	s9 =	sadd.s32 @!p0 $0x10E, s4  }
0x476: {  	s10 =	sand.u32 @!p0 $0x3F0, s9;
	[tilespmem:v20+s25+$0x0] =	vst.idx.msk $0xffff, v21  }
0x477: {  	v20 =	vld @!p0 [tilespmem:s10+$0x0];
	_ =	sdelay $0x2  }
0x478: {  	s9 =	sand.u32 @!p0 $0xE, s9  }
0x479: {  	v21 =	vmov @!p0 s9  }
0x47a: {  	v20 =	vperm.xlane @!p0 v20, v21;
	_ =	sdelay $0x1  }
0x47b: {  	(v2sf) =	vpush @!p0 v20, $0x0;
	_ =	sdelay $0xb  }
0x47c: {  	s10 =	sadd.s32 $0x7, s4  }
0x47d: {  	v20 =	vmov s10  }
0x47e: {  	v46 =	vshll.u32 v20, $0x3  }
0x47f: {  	v20 =	vand.u32 $0x7F, v20;
	v21 =	vand.u32 $0x400, v46;
	s9 =	spop @!p0 (v2sf)  }
0x480: {  	v20 =	vor.u32 v20, v21;
	s9 =	sand.u32 @!p0 $0xFFFFF80, s9  }
0x481: {  	s10 =	simm.s32 @!p0 $0xC200;
	v21 =	vor.u32 v7, v20;
	s9 =	sadd.s32 @!p0 s0, s9  }
0x482: {  	v47 =	vor.u32 v8, v20;
	[tilespmem:s10], [sflag:$0x7] =	stream.strided.gather @!p0 [hbm4b:s9+s6], $0x2000, s7, s6, $0x38;
	[tilespmem:$0x18200] =	vst v63  }
0x483: {  	_ =	swait.ge [sflag:s1], $0x2000  }
0x484: {  	v48 =	vor.u32 v9, v20;
	[sflag:s1] =	ssyncset.done $0x0  }
0x485: {  	[sflag:s1] =	ssyncadd.s32 $0xFFFFE000  }
0x486: {  	v20 =	vor.u32 v13, v20;
	v49 =	vld.idx.msk [tilespmem:v21+s11+$0x0], $0xffff  }
0x487: {  	v50 =	vld.idx.msk [tilespmem:v47+s11+$0x0], $0xffff;
	_ =	sdelay $0x1  }
0x488: {  	v51 =	vld.idx.msk [tilespmem:v48+s11+$0x0], $0xffff;
	_ =	sdelay $0x1  }
0x489: {  	v52 =	vld.idx.msk [tilespmem:v20+s11+$0x0], $0xffff  }
0x48a: {  	v53 =	vmul.f32 v49, v49;
	v54 =	vmul.f32 v50, v50;
	_ =	sdelay $0x1  }
0x48b: {  	v55 =	vmul.f32 v51, v51;
	v28 =	vadd.f32 v54, v53;
	_ =	sdelay $0x1  }
0x48c: {  	v56 =	vmul.f32 v52, v52;
	v28 =	vadd.f32 v55, v28;
	_ =	sdelay $0x1  }
0x48d: {  	v28 =	vadd.f32 v56, v28;
	_ =	sdelay $0x1  }
0x48e: {  	v29 =	vperm.xlane v28, v10;
	_ =	sdelay $0x1  }
0x48f: {  	v28 =	vadd.f32 v28, v29;
	_ =	sdelay $0x1  }
0x490: {  	v29 =	vperm.xlane v28, v11;
	_ =	sdelay $0x1  }
0x491: {  	v28 =	vadd.f32 v28, v29;
	_ =	sdelay $0x1  }
0x492: {  	v29 =	vperm.xlane v28, v14;
	_ =	sdelay $0x1  }
0x493: {  	v57 =	vld [tilespmem:s5+$0x0];
	v28 =	vadd.f32 v28, v29;
	_ =	sdelay $0x1  }
0x494: {  	v29 =	vperm.xlane v28, v15;
	_ =	sdelay $0x1  }
0x495: {  	v28 =	vadd.f32 v28, v29  }
0x496: {  	v19 =	vperm.xlane v57, v19  }
0x497: {  	v29 =	vshrl.u32 v28, $0x1;
	v28 =	vmul.f32 $5.000000000e-01, v28  }
0x498: {  	(v2sf) =	vpush v19, $0x0;
	v19 =	vsub.s32 $0x5F3759DF, v29  }
0x499: {  	v29 =	vmul.f32 v19, v28;
	_ =	sdelay $0x1  }
0x49a: {  	v29 =	vmul.f32 v19, v29;
	_ =	sdelay $0x1  }
0x49b: {  	v29 =	vsub.f32 $1.500000000e+00, v29;
	_ =	sdelay $0x1  }
0x49c: {  	v19 =	vmul.f32 v19, v29;
	_ =	sdelay $0x1  }
0x49d: {  	v29 =	vmul.f32 v19, v28;
	_ =	sdelay $0x1  }
0x49e: {  	v29 =	vmul.f32 v29, v19;
	_ =	sdelay $0x1  }
0x49f: {  	v29 =	vsub.f32 $1.500000000e+00, v29;
	_ =	sdelay $0x1  }
0x4a0: {  	s10 =	spop (v2sf);
	v19 =	vmul.f32 v29, v19  }
0x4a1: {  	s5 =	sand.u32 $0x7F, s10  }
0x4a2: {  	v58 =	vor.u32 s5, v12;
	v28 =	vmul.f32 v19, v28;
	_ =	sdelay $0x1  }
0x4a3: {  	v28 =	vmul.f32 v28, v19;
	_ =	sdelay $0x1  }
0x4a4: {  	v28 =	vsub.f32 $1.500000000e+00, v28  }
0x4a5: {  	v29 =	vld.idx.msk [tilespmem:v58+s23+$0x0], $0xffff  }
0x4a6: {  	v19 =	vmul.f32 v28, v19;
	_ =	sdelay $0x1  }
0x4a7: {  	v59 =	vor.u32 s5, v16;
	v24 =	vmul.f32 v19, v49;
	_ =	sdelay $0x1  }
0x4a8: {  	v24 =	vadd.f32 v24, v29;
	_ =	sdelay $0x1  }
0x4a9: {  	[tilespmem:v21+s25+$0x0] =	vst.idx.msk $0xffff, v24  }
0x4aa: {  	v21 =	vld.idx.msk [tilespmem:v59+s23+$0x0], $0xffff;
	_ =	sdelay $0x2  }
0x4ab: {  	v61 =	vor.u32 s5, v17;
	v60 =	vmul.f32 v19, v50;
	_ =	sdelay $0x1  }
0x4ac: {  	v21 =	vadd.f32 v60, v21;
	_ =	sdelay $0x1  }
0x4ad: {  	[tilespmem:v47+s25+$0x0] =	vst.idx.msk $0xffff, v21  }
0x4ae: {  	v21 =	vld.idx.msk [tilespmem:v61+s23+$0x0], $0xffff;
	_ =	sdelay $0x2  }
0x4af: {  	v62 =	vor.u32 s5, v18;
	v63 =	vmul.f32 v19, v51;
	_ =	sdelay $0x1  }
0x4b0: {  	v21 =	vadd.f32 v63, v21;
	_ =	sdelay $0x1  }
0x4b1: {  	[tilespmem:v48+s25+$0x0] =	vst.idx.msk $0xffff, v21  }
0x4b2: {  	v21 =	vld.idx.msk [tilespmem:v62+s23+$0x0], $0xffff  }
0x4b3: {  	s4 =	sadd.s32 $0x8, s4  }
0x4b4: {  	p0 =	sne.s32 s4, $0x100  }
.Ltmp1:
0x4b5: {  	v19 =	vmul.f32 v19, v52;
	(pc) =	sbr.rel @p0 .LBB2_4-.Ltmp1, $3  }
0x4b6: {  	_ = 	snop  }
0x4b7: {  	v19 =	vadd.f32 v19, v21;
	_ =	sdelay $0x1  }
0x4b8: {  	[tilespmem:v20+s25+$0x0] =	vst.idx.msk $0xffff, v19  }
0x4b9: {  	s4 =	rddreg [dreg:$0x9]  }
0x4ba: {  	[hbm4b:s4+s13] =	stream.strided.scatter [tilespmem:s25], [sflag:$0x9], $0x4000, s14, s13, $0x38;
	[tilespmem:$0x18200] =	vst v63  }
0x4bb: {  	_ =	swait.ge [sflag:s8], $0x4000  }
0x4bc: {  	s3 =	sadd.s32 $0x1, s3;
	s10 =	rddreg [dreg:$0xa]  }
0x4bd: {  	p0 =	sne.s32 s3, s10  }
.Ltmp2:
0x4be: {  	_ = 	snop;
	(pc) =	sbr.rel @p0 .LBB2_1-.Ltmp2, $3  }
0x4bf: {  	_ =	sdelay $0x1  }
0x4c0: {  	[sflag:s8] =	ssyncset.done $0x0  }
0x4c1: {  	[sflag:s8] =	ssyncadd.s32 $0xFFFFC000  }
0x4c2: {  	_ =	sfence.sel $0x180000  }
0x4c3: {  	[bflag:$0x0] =	sbarrier.arrive $0xFFFF  }
0x4c4: {  	_ =	strace $0x90000047  }
0x4c5: {  	s0 =	stileid.u32;
	[bflag:$0x2] =	sbarrier.arrive $0xFFFF  }
0x4c6: {  	p0 =	sne.s32 s0, $0x0;
	s0 =	rddreg [dreg:$0x4]  }
0x4c7: {  	s0 =	sadd.s32 @!p0 $0x100000, s0  }
0x4c8: {  	[sflag:s0] =	ssyncadd.tile.s32 @!p0 $0x1;
	_ =	shalt  }
.Lfunc_end2:
_tile_overlayer_lowered:
.L_overlay_start_2:
0x4c9: {  	(tag) =	ssettag $0x2  }
0x4ca: {  	s0 =	rddreg [dreg:$0x0];
	s2 =	stileid.u32  }
0x4cb: {  	s1 =	rddreg [dreg:$0x1];
	p0 =	sne.s32 s2, $0x0  }
0x4cc: {  	s3 =	rddreg [dreg:$0x2];
	[bflag:$0x3] =	sbarrier.arrive $0xFFFF;
	s2 =	simm.s32 @!p0 $0x1C09  }
0x4cd: {  	[timem:s3], [sflag:s2] =	dma.local @!p0 [hbm:s0], s1  }
0x4ce: {  	s0 =	simm.s32 @!p0 $0x9  }
0x4cf: {  	_ =	swait.ge @!p0 [sflag:s0], s1  }
0x4d0: {  	s1 =	ssub.s32 @!p0 $0x0, s1;
	[sflag:s0] =	ssyncset.done @!p0 $0x0  }
0x4d1: {  	[sflag:s0] =	ssyncadd.s32 @!p0 s1  }
0x4d2: {  	[bflag:$0x3] =	sbarrier.arrive $0xFFFF  }
0x4d3: {  	_ =	shalt  }

</sc_bundles>
